<compile_context>
chip_gen: v7x
topology: tpu7x:2x2x1
jax: 0.10.2.dev20260603
libtpu: 0.0.44.dev20260713+nightly
codegen_flags: <defaults>
</compile_context>

<pallas_src>
import functools

import jax
import jax.numpy as jnp
from jax import lax
from jax.experimental import pallas as pl
from jax.experimental.pallas import tpu as pltpu
from jax.experimental.pallas import tpu_sc as plsc

_B = 4096
_BINS = 10000
_D = 64
_LW = 10
_LD = 20
_NC = 2
_NS = 16
_NW = _NC * _NS
_RPT = _B // _NW


_CH = 5


def _sc_body(w1T, w2T, d1T, d2T, table, wv_hbm, deep_o, wide_o,
             wv, w1i, w2i, d1i, d2i, acc, ws, semA, semB, *bufs):
    wid = lax.axis_index("s") * _NC + lax.axis_index("c")
    base = wid * _RPT

    pltpu.sync_copy(d1T.at[:, pl.ds(base, _RPT)], d1i)
    pltpu.sync_copy(d2T.at[:, pl.ds(base, _RPT)], d2i)

    chunks = ([(d1i, 0, j0) for j0 in range(0, _LD, _CH)]
              + [(d2i, _D, j0) for j0 in range(0, _LD, _CH)])
    sems = (semA, semB)

    def _fire(k):
        iref, _, j0 = chunks[k]
        bank = (k % 2) * _CH
        return [pltpu.async_copy(table.at[iref.at[j0 + jj]], bufs[bank + jj],
                                 sems[k % 2])
                for jj in range(_CH)]

    pending = [None, None]
    pending[0] = _fire(0)
    pending[1] = _fire(1)

    pltpu.sync_copy(w1T.at[:, pl.ds(base, _RPT)], w1i)
    pltpu.sync_copy(w2T.at[:, pl.ds(base, _RPT)], w2i)
    pltpu.sync_copy(wv_hbm, wv)

    for k in range(len(chunks)):
        for d in pending[k % 2]:
            d.wait()
        _, coff, j0 = chunks[k]
        bank = (k % 2) * _CH
        first = j0 == 0

        def _acc_row(r, carry, bank=bank, coff=coff, first=first):
            for c in range(_D // 16):
                s = bufs[bank][r, pl.ds(16 * c, 16)]
                for jj in range(1, _CH):
                    s = s + bufs[bank + jj][r, pl.ds(16 * c, 16)]
                if first:
                    acc[r, pl.ds(coff + 16 * c, 16)] = s
                else:
                    acc[r, pl.ds(coff + 16 * c, 16)] = acc[r, pl.ds(coff + 16 * c, 16)] + s
            return carry

        lax.fori_loop(0, _RPT, _acc_row, 0)
        if k + 2 < len(chunks):
            pending[k % 2] = _fire(k + 2)

    def _wide_grp(g, carry):
        tot = None
        for iref, off in ((w1i, 0), (w2i, _BINS)):
            ivs = []
            tot_f = None
            for j in range(_LW):
                iv = iref[j, pl.ds(g * 16, 16)]
                if off:
                    iv = iv + off
                v = plsc.load_gather(wv, [iv])
                if j == 0:
                    tot_f = v
                else:
                    keep = iv != ivs[0]
                    for p in ivs[1:]:
                        keep = jnp.logical_and(keep, iv != p)
                    tot_f = tot_f + jnp.where(keep, v, 0.0)
                ivs.append(iv)
            tot = tot_f if tot is None else tot + tot_f
        ws[pl.ds(g * 16, 16)] = tot
        return carry

    lax.fori_loop(0, _RPT // 16, _wide_grp, 0)

    pltpu.sync_copy(acc, deep_o.at[pl.ds(base, _RPT), :])
    pltpu.sync_copy(ws, wide_o.at[pl.ds(base, _RPT)])


@functools.partial(
    pl.kernel,
    out_type=(jax.ShapeDtypeStruct((_B, 2 * _D), jnp.float32),
              jax.ShapeDtypeStruct((_B,), jnp.float32)),
    mesh=plsc.VectorSubcoreMesh(core_axis_name="c", subcore_axis_name="s"),
    compiler_params=pltpu.CompilerParams(
        needs_layout_passes=False, use_tc_tiling_on_sc=False),
    scratch_types=(
        pltpu.VMEM((2 * _BINS,), jnp.float32),
        pltpu.VMEM((_LW, _RPT), jnp.int32),
        pltpu.VMEM((_LW, _RPT), jnp.int32),
        pltpu.VMEM((_LD, _RPT), jnp.int32),
        pltpu.VMEM((_LD, _RPT), jnp.int32),
        pltpu.VMEM((_RPT, 2 * _D), jnp.float32),
        pltpu.VMEM((_RPT,), jnp.float32),
        pltpu.SemaphoreType.DMA,
        pltpu.SemaphoreType.DMA,
    ) + tuple(pltpu.VMEM((_RPT, _D), jnp.float32) for _ in range(2 * _CH)),
)
def _sc_sparse(*args):
    _sc_body(*args)


def _mlp_body(x_ref, wide_ref, W1_ref, b1_ref, W2_ref, b2_ref, W3_ref, bc_ref, o_ref):
    x = x_ref[...]
    W1s = W1_ref[...] * (1.0 / _LD)
    h = jnp.maximum(jnp.dot(x, W1s, preferred_element_type=jnp.float32) + b1_ref[...], 0.0)
    h = jnp.maximum(jnp.dot(h, W2_ref[...], preferred_element_type=jnp.float32) + b2_ref[...], 0.0)
    deep = jnp.dot(h, W3_ref[...], preferred_element_type=jnp.float32)
    z = 0.5 * (deep + wide_ref[...] + bc_ref[...])
    o_ref[...] = 1.0 / (1.0 + jnp.exp(-z))


def kernel(wide_fea1_idx, wide_fea2_idx, deep_fea1_idx, deep_fea2_idx,
           emb_table, W_wide, b_wide, W1, b1, W2, b2, W3, b3):
    w1T = wide_fea1_idx.astype(jnp.int32).T
    w2T = wide_fea2_idx.astype(jnp.int32).T
    d1T = deep_fea1_idx.astype(jnp.int32).T
    d2T = deep_fea2_idx.astype(jnp.int32).T
    wv = W_wide[:, 0]

    deep_sum, wide_sum = _sc_sparse(w1T, w2T, d1T, d2T, emb_table, wv)

    bc = (b3 + b_wide).reshape(1, 1)
    out = pl.pallas_call(
        _mlp_body,
        out_shape=jax.ShapeDtypeStruct((_B, 1), jnp.float32),
    )(deep_sum, wide_sum.reshape(_B, 1), W1, b1.reshape(1, -1),
      W2, b2.reshape(1, -1), W3, bc)
    return out

# --- scband reference (transcript-rebuilt; emitter-appended) ---
"""Pipeline reference for scband-wdl-82643760709932 (READ-ONLY COPY).

The authoritative reference and input builder live on the scoring server;
editing this copy changes nothing except your own understanding.
"""

import jax, jax.numpy as jnp
import numpy as np

B = 4096
BINS = 10000
EMB_D = 64
LW = 10
LD = 20
HIDDEN = [128, 64]


def setup_inputs(seed: int = 0) -> dict:
    key = jax.random.key(seed)
    ks = jax.random.split(key, 16)
    inp = {}
    inp['wide_fea1_idx'] = jax.random.randint(ks[0], (B, LW), 0, BINS)
    inp['wide_fea2_idx'] = jax.random.randint(ks[1], (B, LW), 0, BINS)
    inp['deep_fea1_idx'] = jax.random.randint(ks[2], (B, LD), 0, BINS)
    inp['deep_fea2_idx'] = jax.random.randint(ks[3], (B, LD), 0, BINS)
    # learned parameters
    inp['emb_table'] = jax.random.normal(ks[4], (BINS, EMB_D), dtype=jnp.float32) * 0.05
    inp['W_wide'] = jax.random.normal(ks[5], (2 * BINS, 1), dtype=jnp.float32) * 0.01
    inp['b_wide'] = jnp.zeros((1,), jnp.float32)
    deep_in = 2 * EMB_D
    inp['W1'] = jax.random.normal(ks[6], (deep_in, HIDDEN[0]), dtype=jnp.float32) * (1.0 / np.sqrt(deep_in))
    inp['b1'] = jnp.zeros((HIDDEN[0],), jnp.float32)
    inp['W2'] = jax.random.normal(ks[7], (HIDDEN[0], HIDDEN[1]), dtype=jnp.float32) * (1.0 / np.sqrt(HIDDEN[0]))
    inp['b2'] = jnp.zeros((HIDDEN[1],), jnp.float32)
    inp['W3'] = jax.random.normal(ks[8], (HIDDEN[1], 1), dtype=jnp.float32) * (1.0 / np.sqrt(HIDDEN[1]))
    inp['b3'] = jnp.zeros((1,), jnp.float32)
    return inp


def _multi_hot(idx, bins):
    b = idx.shape[0]
    rows = jnp.arange(b)[:, None]
    return jnp.zeros((b, bins), jnp.float32).at[rows, idx].set(1.0)


def reference(wide_fea1_idx, wide_fea2_idx, deep_fea1_idx, deep_fea2_idx,
              emb_table, W_wide, b_wide, W1, b1, W2, b2, W3, b3):
    # wide path: multi-hot (CategoryEncoding multi_hot over hashed bins) -> linear
    mh1 = _multi_hot(wide_fea1_idx, BINS)
    mh2 = _multi_hot(wide_fea2_idx, BINS)
    wide_input = jnp.concatenate([mh1, mh2], axis=-1)
    wide_out = wide_input @ W_wide + b_wide
    # deep path: shared embedding lookup + mean pool over the list dimension
    d1 = jnp.take(emb_table, deep_fea1_idx, axis=0).mean(axis=1)
    d2 = jnp.take(emb_table, deep_fea2_idx, axis=0).mean(axis=1)
    deep_input = jnp.concatenate([d1, d2], axis=-1)
    # MLP (dropout is identity at inference)
    h = jax.nn.relu(deep_input @ W1 + b1)
    h = jax.nn.relu(h @ W2 + b2)
    deep_out = h @ W3 + b3
    return jax.nn.sigmoid(0.5 * wide_out + 0.5 * deep_out)

if __name__ == "__main__":
    import jax
    _d = setup_inputs()
    print(jax.jit(kernel)(*tuple(_d.values())))

</pallas_src>

<mosaic_0001>
#map = affine_map<(d0, d1) -> (0, 0)>
#map1 = affine_map<(d0, d1) -> (0)>
module attributes {stable_mosaic.version = 14 : i64} {
  func.func @_sc_sparse(%arg0: i32, %arg1: i32, %arg2: memref<10x4096xi32, #tpu.memory_space<hbm>>, %arg3: memref<10x4096xi32, #tpu.memory_space<hbm>>, %arg4: memref<20x4096xi32, #tpu.memory_space<hbm>>, %arg5: memref<20x4096xi32, #tpu.memory_space<hbm>>, %arg6: memref<10000x64xf32, #tpu.memory_space<hbm>>, %arg7: memref<20000xf32, #tpu.memory_space<hbm>>, %arg8: memref<4096x128xf32, #tpu.memory_space<hbm>>, %arg9: memref<4096xf32, #tpu.memory_space<hbm>>, %arg10: memref<20000xf32, #tpu.memory_space<vmem>>, %arg11: memref<10x128xi32, #tpu.memory_space<vmem>>, %arg12: memref<10x128xi32, #tpu.memory_space<vmem>>, %arg13: memref<20x128xi32, #tpu.memory_space<vmem>>, %arg14: memref<20x128xi32, #tpu.memory_space<vmem>>, %arg15: memref<128x128xf32, #tpu.memory_space<vmem>>, %arg16: memref<128xf32, #tpu.memory_space<vmem>>, %arg17: memref<!tpu.dma_semaphore, #tpu.memory_space<semaphore_mem>>, %arg18: memref<!tpu.dma_semaphore, #tpu.memory_space<semaphore_mem>>, %arg19: memref<128x64xf32, #tpu.memory_space<vmem>>, %arg20: memref<128x64xf32, #tpu.memory_space<vmem>>, %arg21: memref<128x64xf32, #tpu.memory_space<vmem>>, %arg22: memref<128x64xf32, #tpu.memory_space<vmem>>, %arg23: memref<128x64xf32, #tpu.memory_space<vmem>>, %arg24: memref<128x64xf32, #tpu.memory_space<vmem>>, %arg25: memref<128x64xf32, #tpu.memory_space<vmem>>, %arg26: memref<128x64xf32, #tpu.memory_space<vmem>>, %arg27: memref<128x64xf32, #tpu.memory_space<vmem>>, %arg28: memref<128x64xf32, #tpu.memory_space<vmem>>) attributes {dimension_semantics = [#tpu.dimension_semantics<core_parallel>, #tpu.dimension_semantics<subcore_parallel>], iteration_bounds = array<i64: 2, 16>, scalar_prefetch = 0 : i64, scratch_operands = 19 : i64, tpu.core_type = #tpu.core_type<sc_vector_subcore>, window_params = [{transform_indices = #map}, {transform_indices = #map}, {transform_indices = #map}, {transform_indices = #map}, {transform_indices = #map}, {transform_indices = #map1}, {transform_indices = #map}, {transform_indices = #map1}]} {
    %mul3A = arith.constant 2 : i32
    %mul3A_0 = arith.muli %arg1, %mul3A : i32
    %add3A = arith.addi %mul3A_0, %arg0 : i32
    %mul3A_1 = arith.constant 128 : i32
    %mul3A_2 = arith.muli %add3A, %mul3A_1 : i32
    "tpu.region"() ({
      %run_scoped3A = tpu.sem_alloc : memref<!tpu.dma_semaphore, #tpu.memory_space<semaphore_mem>>
      %dma_start3A_614 = arith.constant 0 : i32
      %dma_start3A_615 = tpu.memref_slice %arg4[%dma_start3A_614, %mul3A_2] : memref<20x4096xi32, #tpu.memory_space<hbm>> -> memref<20x128xi32, #tpu.memory_space<hbm>>
      %dma_start3A_616 = arith.constant 0 : i32
      %dma_start3A_617 = tpu.memref_slice %arg4[%dma_start3A_616, %mul3A_2] : memref<20x4096xi32, #tpu.memory_space<hbm>> -> memref<20x128xi32, #tpu.memory_space<hbm>>
      tpu.enqueue_dma source(%dma_start3A_617 : memref<20x128xi32, #tpu.memory_space<hbm>>) target(%arg13 : memref<20x128xi32, #tpu.memory_space<vmem>>) target_semaphore(%run_scoped3A : memref<!tpu.dma_semaphore, #tpu.memory_space<semaphore_mem>>)
      %dma_wait3A_618 = arith.constant 0 : i32
      %dma_wait3A_619 = tpu.memref_slice %arg4[%dma_wait3A_618, %mul3A_2] : memref<20x4096xi32, #tpu.memory_space<hbm>> -> memref<20x128xi32, #tpu.memory_space<hbm>>
      %dma_wait3A_620 = arith.constant 0 : i32
      %dma_wait3A_621 = tpu.memref_slice %arg4[%dma_wait3A_620, %mul3A_2] : memref<20x4096xi32, #tpu.memory_space<hbm>> -> memref<20x128xi32, #tpu.memory_space<hbm>>
      tpu.wait_dma2 semaphore(%run_scoped3A : memref<!tpu.dma_semaphore, #tpu.memory_space<semaphore_mem>>) src(%dma_wait3A_621 : memref<20x128xi32, #tpu.memory_space<hbm>>) dst(%arg13 : memref<20x128xi32, #tpu.memory_space<vmem>>)
      tpu.yield
    }) : () -> ()
    "tpu.region"() ({
      %run_scoped3A = tpu.sem_alloc : memref<!tpu.dma_semaphore, #tpu.memory_space<semaphore_mem>>
      %dma_start3A_614 = arith.constant 0 : i32
      %dma_start3A_615 = tpu.memref_slice %arg5[%dma_start3A_614, %mul3A_2] : memref<20x4096xi32, #tpu.memory_space<hbm>> -> memref<20x128xi32, #tpu.memory_space<hbm>>
      %dma_start3A_616 = arith.constant 0 : i32
      %dma_start3A_617 = tpu.memref_slice %arg5[%dma_start3A_616, %mul3A_2] : memref<20x4096xi32, #tpu.memory_space<hbm>> -> memref<20x128xi32, #tpu.memory_space<hbm>>
      tpu.enqueue_dma source(%dma_start3A_617 : memref<20x128xi32, #tpu.memory_space<hbm>>) target(%arg14 : memref<20x128xi32, #tpu.memory_space<vmem>>) target_semaphore(%run_scoped3A : memref<!tpu.dma_semaphore, #tpu.memory_space<semaphore_mem>>)
      %dma_wait3A_618 = arith.constant 0 : i32
      %dma_wait3A_619 = tpu.memref_slice %arg5[%dma_wait3A_618, %mul3A_2] : memref<20x4096xi32, #tpu.memory_space<hbm>> -> memref<20x128xi32, #tpu.memory_space<hbm>>
      %dma_wait3A_620 = arith.constant 0 : i32
      %dma_wait3A_621 = tpu.memref_slice %arg5[%dma_wait3A_620, %mul3A_2] : memref<20x4096xi32, #tpu.memory_space<hbm>> -> memref<20x128xi32, #tpu.memory_space<hbm>>
      tpu.wait_dma2 semaphore(%run_scoped3A : memref<!tpu.dma_semaphore, #tpu.memory_space<semaphore_mem>>) src(%dma_wait3A_621 : memref<20x128xi32, #tpu.memory_space<hbm>>) dst(%arg14 : memref<20x128xi32, #tpu.memory_space<vmem>>)
      tpu.yield
    }) : () -> ()
    %dma_start3A = arith.constant 0 : i32
    %dma_start3A_3 = arith.constant 0 : i32
    %dma_start3A_4 = tpu.memref_slice %arg13[%dma_start3A, %dma_start3A_3] : memref<20x128xi32, #tpu.memory_space<vmem>> -> memref<1x128xi32, #tpu.memory_space<vmem>>
    %dma_start3A_5 = tpu.memref_squeeze %dma_start3A_4 : memref<1x128xi32, #tpu.memory_space<vmem>> -> memref<128xi32, #tpu.memory_space<vmem>>
    %dma_start3A_6 = arith.constant 0 : i32
    %dma_start3A_7 = arith.constant 0 : i32
    %dma_start3A_8 = tpu.memref_slice %arg6[%dma_start3A_6, %dma_start3A_7] : memref<10000x64xf32, #tpu.memory_space<hbm>> -> memref<10000x64xf32, #tpu.memory_space<hbm>>
    tpu.enqueue_indirect_dma source(%dma_start3A_8 : memref<10000x64xf32, #tpu.memory_space<hbm>>) target(%arg19 : memref<128x64xf32, #tpu.memory_space<vmem>>) offsets(%dma_start3A_5 : memref<128xi32, #tpu.memory_space<vmem>>) semaphore(%arg17 : memref<!tpu.dma_semaphore, #tpu.memory_space<semaphore_mem>>)
    %dma_start3A_9 = arith.constant 1 : i32
    %dma_start3A_10 = arith.constant 0 : i32
    %dma_start3A_11 = tpu.memref_slice %arg13[%dma_start3A_9, %dma_start3A_10] : memref<20x128xi32, #tpu.memory_space<vmem>> -> memref<1x128xi32, #tpu.memory_space<vmem>>
    %dma_start3A_12 = tpu.memref_squeeze %dma_start3A_11 : memref<1x128xi32, #tpu.memory_space<vmem>> -> memref<128xi32, #tpu.memory_space<vmem>>
    %dma_start3A_13 = arith.constant 0 : i32
    %dma_start3A_14 = arith.constant 0 : i32
    %dma_start3A_15 = tpu.memref_slice %arg6[%dma_start3A_13, %dma_start3A_14] : memref<10000x64xf32, #tpu.memory_space<hbm>> -> memref<10000x64xf32, #tpu.memory_space<hbm>>
    tpu.enqueue_indirect_dma source(%dma_start3A_15 : memref<10000x64xf32, #tpu.memory_space<hbm>>) target(%arg20 : memref<128x64xf32, #tpu.memory_space<vmem>>) offsets(%dma_start3A_12 : memref<128xi32, #tpu.memory_space<vmem>>) semaphore(%arg17 : memref<!tpu.dma_semaphore, #tpu.memory_space<semaphore_mem>>)
    %dma_start3A_16 = arith.constant 2 : i32
    %dma_start3A_17 = arith.constant 0 : i32
    %dma_start3A_18 = tpu.memref_slice %arg13[%dma_start3A_16, %dma_start3A_17] : memref<20x128xi32, #tpu.memory_space<vmem>> -> memref<1x128xi32, #tpu.memory_space<vmem>>
    %dma_start3A_19 = tpu.memref_squeeze %dma_start3A_18 : memref<1x128xi32, #tpu.memory_space<vmem>> -> memref<128xi32, #tpu.memory_space<vmem>>
    %dma_start3A_20 = arith.constant 0 : i32
    %dma_start3A_21 = arith.constant 0 : i32
    %dma_start3A_22 = tpu.memref_slice %arg6[%dma_start3A_20, %dma_start3A_21] : memref<10000x64xf32, #tpu.memory_space<hbm>> -> memref<10000x64xf32, #tpu.memory_space<hbm>>
    tpu.enqueue_indirect_dma source(%dma_start3A_22 : memref<10000x64xf32, #tpu.memory_space<hbm>>) target(%arg21 : memref<128x64xf32, #tpu.memory_space<vmem>>) offsets(%dma_start3A_19 : memref<128xi32, #tpu.memory_space<vmem>>) semaphore(%arg17 : memref<!tpu.dma_semaphore, #tpu.memory_space<semaphore_mem>>)
    %dma_start3A_23 = arith.constant 3 : i32
    %dma_start3A_24 = arith.constant 0 : i32
    %dma_start3A_25 = tpu.memref_slice %arg13[%dma_start3A_23, %dma_start3A_24] : memref<20x128xi32, #tpu.memory_space<vmem>> -> memref<1x128xi32, #tpu.memory_space<vmem>>
    %dma_start3A_26 = tpu.memref_squeeze %dma_start3A_25 : memref<1x128xi32, #tpu.memory_space<vmem>> -> memref<128xi32, #tpu.memory_space<vmem>>
    %dma_start3A_27 = arith.constant 0 : i32
    %dma_start3A_28 = arith.constant 0 : i32
    %dma_start3A_29 = tpu.memref_slice %arg6[%dma_start3A_27, %dma_start3A_28] : memref<10000x64xf32, #tpu.memory_space<hbm>> -> memref<10000x64xf32, #tpu.memory_space<hbm>>
    tpu.enqueue_indirect_dma source(%dma_start3A_29 : memref<10000x64xf32, #tpu.memory_space<hbm>>) target(%arg22 : memref<128x64xf32, #tpu.memory_space<vmem>>) offsets(%dma_start3A_26 : memref<128xi32, #tpu.memory_space<vmem>>) semaphore(%arg17 : memref<!tpu.dma_semaphore, #tpu.memory_space<semaphore_mem>>)
    %dma_start3A_30 = arith.constant 4 : i32
    %dma_start3A_31 = arith.constant 0 : i32
    %dma_start3A_32 = tpu.memref_slice %arg13[%dma_start3A_30, %dma_start3A_31] : memref<20x128xi32, #tpu.memory_space<vmem>> -> memref<1x128xi32, #tpu.memory_space<vmem>>
    %dma_start3A_33 = tpu.memref_squeeze %dma_start3A_32 : memref<1x128xi32, #tpu.memory_space<vmem>> -> memref<128xi32, #tpu.memory_space<vmem>>
    %dma_start3A_34 = arith.constant 0 : i32
    %dma_start3A_35 = arith.constant 0 : i32
    %dma_start3A_36 = tpu.memref_slice %arg6[%dma_start3A_34, %dma_start3A_35] : memref<10000x64xf32, #tpu.memory_space<hbm>> -> memref<10000x64xf32, #tpu.memory_space<hbm>>
    tpu.enqueue_indirect_dma source(%dma_start3A_36 : memref<10000x64xf32, #tpu.memory_space<hbm>>) target(%arg23 : memref<128x64xf32, #tpu.memory_space<vmem>>) offsets(%dma_start3A_33 : memref<128xi32, #tpu.memory_space<vmem>>) semaphore(%arg17 : memref<!tpu.dma_semaphore, #tpu.memory_space<semaphore_mem>>)
    %dma_start3A_37 = arith.constant 5 : i32
    %dma_start3A_38 = arith.constant 0 : i32
    %dma_start3A_39 = tpu.memref_slice %arg13[%dma_start3A_37, %dma_start3A_38] : memref<20x128xi32, #tpu.memory_space<vmem>> -> memref<1x128xi32, #tpu.memory_space<vmem>>
    %dma_start3A_40 = tpu.memref_squeeze %dma_start3A_39 : memref<1x128xi32, #tpu.memory_space<vmem>> -> memref<128xi32, #tpu.memory_space<vmem>>
    %dma_start3A_41 = arith.constant 0 : i32
    %dma_start3A_42 = arith.constant 0 : i32
    %dma_start3A_43 = tpu.memref_slice %arg6[%dma_start3A_41, %dma_start3A_42] : memref<10000x64xf32, #tpu.memory_space<hbm>> -> memref<10000x64xf32, #tpu.memory_space<hbm>>
    tpu.enqueue_indirect_dma source(%dma_start3A_43 : memref<10000x64xf32, #tpu.memory_space<hbm>>) target(%arg24 : memref<128x64xf32, #tpu.memory_space<vmem>>) offsets(%dma_start3A_40 : memref<128xi32, #tpu.memory_space<vmem>>) semaphore(%arg18 : memref<!tpu.dma_semaphore, #tpu.memory_space<semaphore_mem>>)
    %dma_start3A_44 = arith.constant 6 : i32
    %dma_start3A_45 = arith.constant 0 : i32
    %dma_start3A_46 = tpu.memref_slice %arg13[%dma_start3A_44, %dma_start3A_45] : memref<20x128xi32, #tpu.memory_space<vmem>> -> memref<1x128xi32, #tpu.memory_space<vmem>>
    %dma_start3A_47 = tpu.memref_squeeze %dma_start3A_46 : memref<1x128xi32, #tpu.memory_space<vmem>> -> memref<128xi32, #tpu.memory_space<vmem>>
    %dma_start3A_48 = arith.constant 0 : i32
    %dma_start3A_49 = arith.constant 0 : i32
    %dma_start3A_50 = tpu.memref_slice %arg6[%dma_start3A_48, %dma_start3A_49] : memref<10000x64xf32, #tpu.memory_space<hbm>> -> memref<10000x64xf32, #tpu.memory_space<hbm>>
    tpu.enqueue_indirect_dma source(%dma_start3A_50 : memref<10000x64xf32, #tpu.memory_space<hbm>>) target(%arg25 : memref<128x64xf32, #tpu.memory_space<vmem>>) offsets(%dma_start3A_47 : memref<128xi32, #tpu.memory_space<vmem>>) semaphore(%arg18 : memref<!tpu.dma_semaphore, #tpu.memory_space<semaphore_mem>>)
    %dma_start3A_51 = arith.constant 7 : i32
    %dma_start3A_52 = arith.constant 0 : i32
    %dma_start3A_53 = tpu.memref_slice %arg13[%dma_start3A_51, %dma_start3A_52] : memref<20x128xi32, #tpu.memory_space<vmem>> -> memref<1x128xi32, #tpu.memory_space<vmem>>
    %dma_start3A_54 = tpu.memref_squeeze %dma_start3A_53 : memref<1x128xi32, #tpu.memory_space<vmem>> -> memref<128xi32, #tpu.memory_space<vmem>>
    %dma_start3A_55 = arith.constant 0 : i32
    %dma_start3A_56 = arith.constant 0 : i32
    %dma_start3A_57 = tpu.memref_slice %arg6[%dma_start3A_55, %dma_start3A_56] : memref<10000x64xf32, #tpu.memory_space<hbm>> -> memref<10000x64xf32, #tpu.memory_space<hbm>>
    tpu.enqueue_indirect_dma source(%dma_start3A_57 : memref<10000x64xf32, #tpu.memory_space<hbm>>) target(%arg26 : memref<128x64xf32, #tpu.memory_space<vmem>>) offsets(%dma_start3A_54 : memref<128xi32, #tpu.memory_space<vmem>>) semaphore(%arg18 : memref<!tpu.dma_semaphore, #tpu.memory_space<semaphore_mem>>)
    %dma_start3A_58 = arith.constant 8 : i32
    %dma_start3A_59 = arith.constant 0 : i32
    %dma_start3A_60 = tpu.memref_slice %arg13[%dma_start3A_58, %dma_start3A_59] : memref<20x128xi32, #tpu.memory_space<vmem>> -> memref<1x128xi32, #tpu.memory_space<vmem>>
    %dma_start3A_61 = tpu.memref_squeeze %dma_start3A_60 : memref<1x128xi32, #tpu.memory_space<vmem>> -> memref<128xi32, #tpu.memory_space<vmem>>
    %dma_start3A_62 = arith.constant 0 : i32
    %dma_start3A_63 = arith.constant 0 : i32
    %dma_start3A_64 = tpu.memref_slice %arg6[%dma_start3A_62, %dma_start3A_63] : memref<10000x64xf32, #tpu.memory_space<hbm>> -> memref<10000x64xf32, #tpu.memory_space<hbm>>
    tpu.enqueue_indirect_dma source(%dma_start3A_64 : memref<10000x64xf32, #tpu.memory_space<hbm>>) target(%arg27 : memref<128x64xf32, #tpu.memory_space<vmem>>) offsets(%dma_start3A_61 : memref<128xi32, #tpu.memory_space<vmem>>) semaphore(%arg18 : memref<!tpu.dma_semaphore, #tpu.memory_space<semaphore_mem>>)
    %dma_start3A_65 = arith.constant 9 : i32
    %dma_start3A_66 = arith.constant 0 : i32
    %dma_start3A_67 = tpu.memref_slice %arg13[%dma_start3A_65, %dma_start3A_66] : memref<20x128xi32, #tpu.memory_space<vmem>> -> memref<1x128xi32, #tpu.memory_space<vmem>>
    %dma_start3A_68 = tpu.memref_squeeze %dma_start3A_67 : memref<1x128xi32, #tpu.memory_space<vmem>> -> memref<128xi32, #tpu.memory_space<vmem>>
    %dma_start3A_69 = arith.constant 0 : i32
    %dma_start3A_70 = arith.constant 0 : i32
    %dma_start3A_71 = tpu.memref_slice %arg6[%dma_start3A_69, %dma_start3A_70] : memref<10000x64xf32, #tpu.memory_space<hbm>> -> memref<10000x64xf32, #tpu.memory_space<hbm>>
    tpu.enqueue_indirect_dma source(%dma_start3A_71 : memref<10000x64xf32, #tpu.memory_space<hbm>>) target(%arg28 : memref<128x64xf32, #tpu.memory_space<vmem>>) offsets(%dma_start3A_68 : memref<128xi32, #tpu.memory_space<vmem>>) semaphore(%arg18 : memref<!tpu.dma_semaphore, #tpu.memory_space<semaphore_mem>>)
    "tpu.region"() ({
      %run_scoped3A = tpu.sem_alloc : memref<!tpu.dma_semaphore, #tpu.memory_space<semaphore_mem>>
      %dma_start3A_614 = arith.constant 0 : i32
      %dma_start3A_615 = tpu.memref_slice %arg2[%dma_start3A_614, %mul3A_2] : memref<10x4096xi32, #tpu.memory_space<hbm>> -> memref<10x128xi32, #tpu.memory_space<hbm>>
      %dma_start3A_616 = arith.constant 0 : i32
      %dma_start3A_617 = tpu.memref_slice %arg2[%dma_start3A_616, %mul3A_2] : memref<10x4096xi32, #tpu.memory_space<hbm>> -> memref<10x128xi32, #tpu.memory_space<hbm>>
      tpu.enqueue_dma source(%dma_start3A_617 : memref<10x128xi32, #tpu.memory_space<hbm>>) target(%arg11 : memref<10x128xi32, #tpu.memory_space<vmem>>) target_semaphore(%run_scoped3A : memref<!tpu.dma_semaphore, #tpu.memory_space<semaphore_mem>>)
      %dma_wait3A_618 = arith.constant 0 : i32
      %dma_wait3A_619 = tpu.memref_slice %arg2[%dma_wait3A_618, %mul3A_2] : memref<10x4096xi32, #tpu.memory_space<hbm>> -> memref<10x128xi32, #tpu.memory_space<hbm>>
      %dma_wait3A_620 = arith.constant 0 : i32
      %dma_wait3A_621 = tpu.memref_slice %arg2[%dma_wait3A_620, %mul3A_2] : memref<10x4096xi32, #tpu.memory_space<hbm>> -> memref<10x128xi32, #tpu.memory_space<hbm>>
      tpu.wait_dma2 semaphore(%run_scoped3A : memref<!tpu.dma_semaphore, #tpu.memory_space<semaphore_mem>>) src(%dma_wait3A_621 : memref<10x128xi32, #tpu.memory_space<hbm>>) dst(%arg11 : memref<10x128xi32, #tpu.memory_space<vmem>>)
      tpu.yield
    }) : () -> ()
    "tpu.region"() ({
      %run_scoped3A = tpu.sem_alloc : memref<!tpu.dma_semaphore, #tpu.memory_space<semaphore_mem>>
      %dma_start3A_614 = arith.constant 0 : i32
      %dma_start3A_615 = tpu.memref_slice %arg3[%dma_start3A_614, %mul3A_2] : memref<10x4096xi32, #tpu.memory_space<hbm>> -> memref<10x128xi32, #tpu.memory_space<hbm>>
      %dma_start3A_616 = arith.constant 0 : i32
      %dma_start3A_617 = tpu.memref_slice %arg3[%dma_start3A_616, %mul3A_2] : memref<10x4096xi32, #tpu.memory_space<hbm>> -> memref<10x128xi32, #tpu.memory_space<hbm>>
      tpu.enqueue_dma source(%dma_start3A_617 : memref<10x128xi32, #tpu.memory_space<hbm>>) target(%arg12 : memref<10x128xi32, #tpu.memory_space<vmem>>) target_semaphore(%run_scoped3A : memref<!tpu.dma_semaphore, #tpu.memory_space<semaphore_mem>>)
      %dma_wait3A_618 = arith.constant 0 : i32
      %dma_wait3A_619 = tpu.memref_slice %arg3[%dma_wait3A_618, %mul3A_2] : memref<10x4096xi32, #tpu.memory_space<hbm>> -> memref<10x128xi32, #tpu.memory_space<hbm>>
      %dma_wait3A_620 = arith.constant 0 : i32
      %dma_wait3A_621 = tpu.memref_slice %arg3[%dma_wait3A_620, %mul3A_2] : memref<10x4096xi32, #tpu.memory_space<hbm>> -> memref<10x128xi32, #tpu.memory_space<hbm>>
      tpu.wait_dma2 semaphore(%run_scoped3A : memref<!tpu.dma_semaphore, #tpu.memory_space<semaphore_mem>>) src(%dma_wait3A_621 : memref<10x128xi32, #tpu.memory_space<hbm>>) dst(%arg12 : memref<10x128xi32, #tpu.memory_space<vmem>>)
      tpu.yield
    }) : () -> ()
    "tpu.region"() ({
      %run_scoped3A = tpu.sem_alloc : memref<!tpu.dma_semaphore, #tpu.memory_space<semaphore_mem>>
      tpu.enqueue_dma source(%arg7 : memref<20000xf32, #tpu.memory_space<hbm>>) target(%arg10 : memref<20000xf32, #tpu.memory_space<vmem>>) target_semaphore(%run_scoped3A : memref<!tpu.dma_semaphore, #tpu.memory_space<semaphore_mem>>)
      tpu.wait_dma2 semaphore(%run_scoped3A : memref<!tpu.dma_semaphore, #tpu.memory_space<semaphore_mem>>) src(%arg7 : memref<20000xf32, #tpu.memory_space<hbm>>) dst(%arg10 : memref<20000xf32, #tpu.memory_space<vmem>>)
      tpu.yield
    }) : () -> ()
    %dma_wait3A = arith.constant 0 : i32
    %dma_wait3A_72 = arith.constant 0 : i32
    %dma_wait3A_73 = tpu.memref_slice %arg13[%dma_wait3A, %dma_wait3A_72] : memref<20x128xi32, #tpu.memory_space<vmem>> -> memref<1x128xi32, #tpu.memory_space<vmem>>
    %dma_wait3A_74 = tpu.memref_squeeze %dma_wait3A_73 : memref<1x128xi32, #tpu.memory_space<vmem>> -> memref<128xi32, #tpu.memory_space<vmem>>
    %dma_wait3A_75 = arith.constant 0 : i32
    %dma_wait3A_76 = arith.constant 0 : i32
    %dma_wait3A_77 = tpu.memref_slice %arg6[%dma_wait3A_75, %dma_wait3A_76] : memref<10000x64xf32, #tpu.memory_space<hbm>> -> memref<10000x64xf32, #tpu.memory_space<hbm>>
    tpu.wait_indirect_dma semaphore(%arg17 : memref<!tpu.dma_semaphore, #tpu.memory_space<semaphore_mem>>) src(%dma_wait3A_77 : memref<10000x64xf32, #tpu.memory_space<hbm>>) dst(%arg19 : memref<128x64xf32, #tpu.memory_space<vmem>>)
    %dma_wait3A_78 = arith.constant 1 : i32
    %dma_wait3A_79 = arith.constant 0 : i32
    %dma_wait3A_80 = tpu.memref_slice %arg13[%dma_wait3A_78, %dma_wait3A_79] : memref<20x128xi32, #tpu.memory_space<vmem>> -> memref<1x128xi32, #tpu.memory_space<vmem>>
    %dma_wait3A_81 = tpu.memref_squeeze %dma_wait3A_80 : memref<1x128xi32, #tpu.memory_space<vmem>> -> memref<128xi32, #tpu.memory_space<vmem>>
    %dma_wait3A_82 = arith.constant 0 : i32
    %dma_wait3A_83 = arith.constant 0 : i32
    %dma_wait3A_84 = tpu.memref_slice %arg6[%dma_wait3A_82, %dma_wait3A_83] : memref<10000x64xf32, #tpu.memory_space<hbm>> -> memref<10000x64xf32, #tpu.memory_space<hbm>>
    tpu.wait_indirect_dma semaphore(%arg17 : memref<!tpu.dma_semaphore, #tpu.memory_space<semaphore_mem>>) src(%dma_wait3A_84 : memref<10000x64xf32, #tpu.memory_space<hbm>>) dst(%arg20 : memref<128x64xf32, #tpu.memory_space<vmem>>)
    %dma_wait3A_85 = arith.constant 2 : i32
    %dma_wait3A_86 = arith.constant 0 : i32
    %dma_wait3A_87 = tpu.memref_slice %arg13[%dma_wait3A_85, %dma_wait3A_86] : memref<20x128xi32, #tpu.memory_space<vmem>> -> memref<1x128xi32, #tpu.memory_space<vmem>>
    %dma_wait3A_88 = tpu.memref_squeeze %dma_wait3A_87 : memref<1x128xi32, #tpu.memory_space<vmem>> -> memref<128xi32, #tpu.memory_space<vmem>>
    %dma_wait3A_89 = arith.constant 0 : i32
    %dma_wait3A_90 = arith.constant 0 : i32
    %dma_wait3A_91 = tpu.memref_slice %arg6[%dma_wait3A_89, %dma_wait3A_90] : memref<10000x64xf32, #tpu.memory_space<hbm>> -> memref<10000x64xf32, #tpu.memory_space<hbm>>
    tpu.wait_indirect_dma semaphore(%arg17 : memref<!tpu.dma_semaphore, #tpu.memory_space<semaphore_mem>>) src(%dma_wait3A_91 : memref<10000x64xf32, #tpu.memory_space<hbm>>) dst(%arg21 : memref<128x64xf32, #tpu.memory_space<vmem>>)
    %dma_wait3A_92 = arith.constant 3 : i32
    %dma_wait3A_93 = arith.constant 0 : i32
    %dma_wait3A_94 = tpu.memref_slice %arg13[%dma_wait3A_92, %dma_wait3A_93] : memref<20x128xi32, #tpu.memory_space<vmem>> -> memref<1x128xi32, #tpu.memory_space<vmem>>
    %dma_wait3A_95 = tpu.memref_squeeze %dma_wait3A_94 : memref<1x128xi32, #tpu.memory_space<vmem>> -> memref<128xi32, #tpu.memory_space<vmem>>
    %dma_wait3A_96 = arith.constant 0 : i32
    %dma_wait3A_97 = arith.constant 0 : i32
    %dma_wait3A_98 = tpu.memref_slice %arg6[%dma_wait3A_96, %dma_wait3A_97] : memref<10000x64xf32, #tpu.memory_space<hbm>> -> memref<10000x64xf32, #tpu.memory_space<hbm>>
    tpu.wait_indirect_dma semaphore(%arg17 : memref<!tpu.dma_semaphore, #tpu.memory_space<semaphore_mem>>) src(%dma_wait3A_98 : memref<10000x64xf32, #tpu.memory_space<hbm>>) dst(%arg22 : memref<128x64xf32, #tpu.memory_space<vmem>>)
    %dma_wait3A_99 = arith.constant 4 : i32
    %dma_wait3A_100 = arith.constant 0 : i32
    %dma_wait3A_101 = tpu.memref_slice %arg13[%dma_wait3A_99, %dma_wait3A_100] : memref<20x128xi32, #tpu.memory_space<vmem>> -> memref<1x128xi32, #tpu.memory_space<vmem>>
    %dma_wait3A_102 = tpu.memref_squeeze %dma_wait3A_101 : memref<1x128xi32, #tpu.memory_space<vmem>> -> memref<128xi32, #tpu.memory_space<vmem>>
    %dma_wait3A_103 = arith.constant 0 : i32
    %dma_wait3A_104 = arith.constant 0 : i32
    %dma_wait3A_105 = tpu.memref_slice %arg6[%dma_wait3A_103, %dma_wait3A_104] : memref<10000x64xf32, #tpu.memory_space<hbm>> -> memref<10000x64xf32, #tpu.memory_space<hbm>>
    tpu.wait_indirect_dma semaphore(%arg17 : memref<!tpu.dma_semaphore, #tpu.memory_space<semaphore_mem>>) src(%dma_wait3A_105 : memref<10000x64xf32, #tpu.memory_space<hbm>>) dst(%arg23 : memref<128x64xf32, #tpu.memory_space<vmem>>)
    %scan3A = arith.constant 0 : i32
    %scan3A_106 = arith.constant 0 : i32
    %scan3A_107 = arith.constant 128 : i32
    %scan3A_108 = arith.addi %scan3A_106, %scan3A_107 : i32
    %scan3A_109 = arith.constant 1 : i32
    scf.for %scan3A_614 = %scan3A_106 to %scan3A_108 step %scan3A_109  : i32 {
      %get3A = arith.index_cast %scan3A_614 : i32 to index
      %get3A_615 = arith.constant 0 : index
      %get3A_616 = tpu.vector_load %arg19[%get3A, %get3A_615] {strides = array<i32>} : memref<128x64xf32, #tpu.memory_space<vmem>>, vector<16xf32>,
      %get3A_617 = arith.index_cast %scan3A_614 : i32 to index
      %get3A_618 = arith.constant 0 : index
      %get3A_619 = tpu.vector_load %arg20[%get3A_617, %get3A_618] {strides = array<i32>} : memref<128x64xf32, #tpu.memory_space<vmem>>, vector<16xf32>,
      %add3A_620 = arith.addf %get3A_616, %get3A_619 : vector<16xf32>
      %get3A_621 = arith.index_cast %scan3A_614 : i32 to index
      %get3A_622 = arith.constant 0 : index
      %get3A_623 = tpu.vector_load %arg21[%get3A_621, %get3A_622] {strides = array<i32>} : memref<128x64xf32, #tpu.memory_space<vmem>>, vector<16xf32>,
      %add3A_624 = arith.addf %add3A_620, %get3A_623 : vector<16xf32>
      %get3A_625 = arith.index_cast %scan3A_614 : i32 to index
      %get3A_626 = arith.constant 0 : index
      %get3A_627 = tpu.vector_load %arg22[%get3A_625, %get3A_626] {strides = array<i32>} : memref<128x64xf32, #tpu.memory_space<vmem>>, vector<16xf32>,
      %add3A_628 = arith.addf %add3A_624, %get3A_627 : vector<16xf32>
      %get3A_629 = arith.index_cast %scan3A_614 : i32 to index
      %get3A_630 = arith.constant 0 : index
      %get3A_631 = tpu.vector_load %arg23[%get3A_629, %get3A_630] {strides = array<i32>} : memref<128x64xf32, #tpu.memory_space<vmem>>, vector<16xf32>,
      %add3A_632 = arith.addf %add3A_628, %get3A_631 : vector<16xf32>
      %swap3A = arith.index_cast %scan3A_614 : i32 to index
      %swap3A_633 = arith.constant 0 : index
      %swap3A_634 = tpu.vector_load %arg15[%swap3A, %swap3A_633] {strides = array<i32>} : memref<128x128xf32, #tpu.memory_space<vmem>>, vector<16xf32>,
      tpu.vector_store %arg15[%swap3A, %swap3A_633], %add3A_632 {strides = array<i32>} : memref<128x128xf32, #tpu.memory_space<vmem>>, vector<16xf32>,
      %get3A_635 = arith.index_cast %scan3A_614 : i32 to index
      %get3A_636 = arith.constant 16 : index
      %get3A_637 = tpu.vector_load %arg19[%get3A_635, %get3A_636] {strides = array<i32>} : memref<128x64xf32, #tpu.memory_space<vmem>>, vector<16xf32>,
      %get3A_638 = arith.index_cast %scan3A_614 : i32 to index
      %get3A_639 = arith.constant 16 : index
      %get3A_640 = tpu.vector_load %arg20[%get3A_638, %get3A_639] {strides = array<i32>} : memref<128x64xf32, #tpu.memory_space<vmem>>, vector<16xf32>,
      %add3A_641 = arith.addf %get3A_637, %get3A_640 : vector<16xf32>
      %get3A_642 = arith.index_cast %scan3A_614 : i32 to index
      %get3A_643 = arith.constant 16 : index
      %get3A_644 = tpu.vector_load %arg21[%get3A_642, %get3A_643] {strides = array<i32>} : memref<128x64xf32, #tpu.memory_space<vmem>>, vector<16xf32>,
      %add3A_645 = arith.addf %add3A_641, %get3A_644 : vector<16xf32>
      %get3A_646 = arith.index_cast %scan3A_614 : i32 to index
      %get3A_647 = arith.constant 16 : index
      %get3A_648 = tpu.vector_load %arg22[%get3A_646, %get3A_647] {strides = array<i32>} : memref<128x64xf32, #tpu.memory_space<vmem>>, vector<16xf32>,
      %add3A_649 = arith.addf %add3A_645, %get3A_648 : vector<16xf32>
      %get3A_650 = arith.index_cast %scan3A_614 : i32 to index
      %get3A_651 = arith.constant 16 : index
      %get3A_652 = tpu.vector_load %arg23[%get3A_650, %get3A_651] {strides = array<i32>} : memref<128x64xf32, #tpu.memory_space<vmem>>, vector<16xf32>,
      %add3A_653 = arith.addf %add3A_649, %get3A_652 : vector<16xf32>
      %swap3A_654 = arith.index_cast %scan3A_614 : i32 to index
      %swap3A_655 = arith.constant 16 : index
      %swap3A_656 = tpu.vector_load %arg15[%swap3A_654, %swap3A_655] {strides = array<i32>} : memref<128x128xf32, #tpu.memory_space<vmem>>, vector<16xf32>,
      tpu.vector_store %arg15[%swap3A_654, %swap3A_655], %add3A_653 {strides = array<i32>} : memref<128x128xf32, #tpu.memory_space<vmem>>, vector<16xf32>,
      %get3A_657 = arith.index_cast %scan3A_614 : i32 to index
      %get3A_658 = arith.constant 32 : index
      %get3A_659 = tpu.vector_load %arg19[%get3A_657, %get3A_658] {strides = array<i32>} : memref<128x64xf32, #tpu.memory_space<vmem>>, vector<16xf32>,
      %get3A_660 = arith.index_cast %scan3A_614 : i32 to index
      %get3A_661 = arith.constant 32 : index
      %get3A_662 = tpu.vector_load %arg20[%get3A_660, %get3A_661] {strides = array<i32>} : memref<128x64xf32, #tpu.memory_space<vmem>>, vector<16xf32>,
      %add3A_663 = arith.addf %get3A_659, %get3A_662 : vector<16xf32>
      %get3A_664 = arith.index_cast %scan3A_614 : i32 to index
      %get3A_665 = arith.constant 32 : index
      %get3A_666 = tpu.vector_load %arg21[%get3A_664, %get3A_665] {strides = array<i32>} : memref<128x64xf32, #tpu.memory_space<vmem>>, vector<16xf32>,
      %add3A_667 = arith.addf %add3A_663, %get3A_666 : vector<16xf32>
      %get3A_668 = arith.index_cast %scan3A_614 : i32 to index
      %get3A_669 = arith.constant 32 : index
      %get3A_670 = tpu.vector_load %arg22[%get3A_668, %get3A_669] {strides = array<i32>} : memref<128x64xf32, #tpu.memory_space<vmem>>, vector<16xf32>,
      %add3A_671 = arith.addf %add3A_667, %get3A_670 : vector<16xf32>
      %get3A_672 = arith.index_cast %scan3A_614 : i32 to index
      %get3A_673 = arith.constant 32 : index
      %get3A_674 = tpu.vector_load %arg23[%get3A_672, %get3A_673] {strides = array<i32>} : memref<128x64xf32, #tpu.memory_space<vmem>>, vector<16xf32>,
      %add3A_675 = arith.addf %add3A_671, %get3A_674 : vector<16xf32>
      %swap3A_676 = arith.index_cast %scan3A_614 : i32 to index
      %swap3A_677 = arith.constant 32 : index
      %swap3A_678 = tpu.vector_load %arg15[%swap3A_676, %swap3A_677] {strides = array<i32>} : memref<128x128xf32, #tpu.memory_space<vmem>>, vector<16xf32>,
      tpu.vector_store %arg15[%swap3A_676, %swap3A_677], %add3A_675 {strides = array<i32>} : memref<128x128xf32, #tpu.memory_space<vmem>>, vector<16xf32>,
      %get3A_679 = arith.index_cast %scan3A_614 : i32 to index
      %get3A_680 = arith.constant 48 : index
      %get3A_681 = tpu.vector_load %arg19[%get3A_679, %get3A_680] {strides = array<i32>} : memref<128x64xf32, #tpu.memory_space<vmem>>, vector<16xf32>,
      %get3A_682 = arith.index_cast %scan3A_614 : i32 to index
      %get3A_683 = arith.constant 48 : index
      %get3A_684 = tpu.vector_load %arg20[%get3A_682, %get3A_683] {strides = array<i32>} : memref<128x64xf32, #tpu.memory_space<vmem>>, vector<16xf32>,
      %add3A_685 = arith.addf %get3A_681, %get3A_684 : vector<16xf32>
      %get3A_686 = arith.index_cast %scan3A_614 : i32 to index
      %get3A_687 = arith.constant 48 : index
      %get3A_688 = tpu.vector_load %arg21[%get3A_686, %get3A_687] {strides = array<i32>} : memref<128x64xf32, #tpu.memory_space<vmem>>, vector<16xf32>,
      %add3A_689 = arith.addf %add3A_685, %get3A_688 : vector<16xf32>
      %get3A_690 = arith.index_cast %scan3A_614 : i32 to index
      %get3A_691 = arith.constant 48 : index
      %get3A_692 = tpu.vector_load %arg22[%get3A_690, %get3A_691] {strides = array<i32>} : memref<128x64xf32, #tpu.memory_space<vmem>>, vector<16xf32>,
      %add3A_693 = arith.addf %add3A_689, %get3A_692 : vector<16xf32>
      %get3A_694 = arith.index_cast %scan3A_614 : i32 to index
      %get3A_695 = arith.constant 48 : index
      %get3A_696 = tpu.vector_load %arg23[%get3A_694, %get3A_695] {strides = array<i32>} : memref<128x64xf32, #tpu.memory_space<vmem>>, vector<16xf32>,
      %add3A_697 = arith.addf %add3A_693, %get3A_696 : vector<16xf32>
      %swap3A_698 = arith.index_cast %scan3A_614 : i32 to index
      %swap3A_699 = arith.constant 48 : index
      %swap3A_700 = tpu.vector_load %arg15[%swap3A_698, %swap3A_699] {strides = array<i32>} : memref<128x128xf32, #tpu.memory_space<vmem>>, vector<16xf32>,
      tpu.vector_store %arg15[%swap3A_698, %swap3A_699], %add3A_697 {strides = array<i32>} : memref<128x128xf32, #tpu.memory_space<vmem>>, vector<16xf32>,
    }
    %scan3A_110 = arith.constant 128 : i32
    %dma_start3A_111 = arith.constant 10 : i32
    %dma_start3A_112 = arith.constant 0 : i32
    %dma_start3A_113 = tpu.memref_slice %arg13[%dma_start3A_111, %dma_start3A_112] : memref<20x128xi32, #tpu.memory_space<vmem>> -> memref<1x128xi32, #tpu.memory_space<vmem>>
    %dma_start3A_114 = tpu.memref_squeeze %dma_start3A_113 : memref<1x128xi32, #tpu.memory_space<vmem>> -> memref<128xi32, #tpu.memory_space<vmem>>
    %dma_start3A_115 = arith.constant 0 : i32
    %dma_start3A_116 = arith.constant 0 : i32
    %dma_start3A_117 = tpu.memref_slice %arg6[%dma_start3A_115, %dma_start3A_116] : memref<10000x64xf32, #tpu.memory_space<hbm>> -> memref<10000x64xf32, #tpu.memory_space<hbm>>
    tpu.enqueue_indirect_dma source(%dma_start3A_117 : memref<10000x64xf32, #tpu.memory_space<hbm>>) target(%arg19 : memref<128x64xf32, #tpu.memory_space<vmem>>) offsets(%dma_start3A_114 : memref<128xi32, #tpu.memory_space<vmem>>) semaphore(%arg17 : memref<!tpu.dma_semaphore, #tpu.memory_space<semaphore_mem>>)
    %dma_start3A_118 = arith.constant 11 : i32
    %dma_start3A_119 = arith.constant 0 : i32
    %dma_start3A_120 = tpu.memref_slice %arg13[%dma_start3A_118, %dma_start3A_119] : memref<20x128xi32, #tpu.memory_space<vmem>> -> memref<1x128xi32, #tpu.memory_space<vmem>>
    %dma_start3A_121 = tpu.memref_squeeze %dma_start3A_120 : memref<1x128xi32, #tpu.memory_space<vmem>> -> memref<128xi32, #tpu.memory_space<vmem>>
    %dma_start3A_122 = arith.constant 0 : i32
    %dma_start3A_123 = arith.constant 0 : i32
    %dma_start3A_124 = tpu.memref_slice %arg6[%dma_start3A_122, %dma_start3A_123] : memref<10000x64xf32, #tpu.memory_space<hbm>> -> memref<10000x64xf32, #tpu.memory_space<hbm>>
    tpu.enqueue_indirect_dma source(%dma_start3A_124 : memref<10000x64xf32, #tpu.memory_space<hbm>>) target(%arg20 : memref<128x64xf32, #tpu.memory_space<vmem>>) offsets(%dma_start3A_121 : memref<128xi32, #tpu.memory_space<vmem>>) semaphore(%arg17 : memref<!tpu.dma_semaphore, #tpu.memory_space<semaphore_mem>>)
    %dma_start3A_125 = arith.constant 12 : i32
    %dma_start3A_126 = arith.constant 0 : i32
    %dma_start3A_127 = tpu.memref_slice %arg13[%dma_start3A_125, %dma_start3A_126] : memref<20x128xi32, #tpu.memory_space<vmem>> -> memref<1x128xi32, #tpu.memory_space<vmem>>
    %dma_start3A_128 = tpu.memref_squeeze %dma_start3A_127 : memref<1x128xi32, #tpu.memory_space<vmem>> -> memref<128xi32, #tpu.memory_space<vmem>>
    %dma_start3A_129 = arith.constant 0 : i32
    %dma_start3A_130 = arith.constant 0 : i32
    %dma_start3A_131 = tpu.memref_slice %arg6[%dma_start3A_129, %dma_start3A_130] : memref<10000x64xf32, #tpu.memory_space<hbm>> -> memref<10000x64xf32, #tpu.memory_space<hbm>>
    tpu.enqueue_indirect_dma source(%dma_start3A_131 : memref<10000x64xf32, #tpu.memory_space<hbm>>) target(%arg21 : memref<128x64xf32, #tpu.memory_space<vmem>>) offsets(%dma_start3A_128 : memref<128xi32, #tpu.memory_space<vmem>>) semaphore(%arg17 : memref<!tpu.dma_semaphore, #tpu.memory_space<semaphore_mem>>)
    %dma_start3A_132 = arith.constant 13 : i32
    %dma_start3A_133 = arith.constant 0 : i32
    %dma_start3A_134 = tpu.memref_slice %arg13[%dma_start3A_132, %dma_start3A_133] : memref<20x128xi32, #tpu.memory_space<vmem>> -> memref<1x128xi32, #tpu.memory_space<vmem>>
    %dma_start3A_135 = tpu.memref_squeeze %dma_start3A_134 : memref<1x128xi32, #tpu.memory_space<vmem>> -> memref<128xi32, #tpu.memory_space<vmem>>
    %dma_start3A_136 = arith.constant 0 : i32
    %dma_start3A_137 = arith.constant 0 : i32
    %dma_start3A_138 = tpu.memref_slice %arg6[%dma_start3A_136, %dma_start3A_137] : memref<10000x64xf32, #tpu.memory_space<hbm>> -> memref<10000x64xf32, #tpu.memory_space<hbm>>
    tpu.enqueue_indirect_dma source(%dma_start3A_138 : memref<10000x64xf32, #tpu.memory_space<hbm>>) target(%arg22 : memref<128x64xf32, #tpu.memory_space<vmem>>) offsets(%dma_start3A_135 : memref<128xi32, #tpu.memory_space<vmem>>) semaphore(%arg17 : memref<!tpu.dma_semaphore, #tpu.memory_space<semaphore_mem>>)
    %dma_start3A_139 = arith.constant 14 : i32
    %dma_start3A_140 = arith.constant 0 : i32
    %dma_start3A_141 = tpu.memref_slice %arg13[%dma_start3A_139, %dma_start3A_140] : memref<20x128xi32, #tpu.memory_space<vmem>> -> memref<1x128xi32, #tpu.memory_space<vmem>>
    %dma_start3A_142 = tpu.memref_squeeze %dma_start3A_141 : memref<1x128xi32, #tpu.memory_space<vmem>> -> memref<128xi32, #tpu.memory_space<vmem>>
    %dma_start3A_143 = arith.constant 0 : i32
    %dma_start3A_144 = arith.constant 0 : i32
    %dma_start3A_145 = tpu.memref_slice %arg6[%dma_start3A_143, %dma_start3A_144] : memref<10000x64xf32, #tpu.memory_space<hbm>> -> memref<10000x64xf32, #tpu.memory_space<hbm>>
    tpu.enqueue_indirect_dma source(%dma_start3A_145 : memref<10000x64xf32, #tpu.memory_space<hbm>>) target(%arg23 : memref<128x64xf32, #tpu.memory_space<vmem>>) offsets(%dma_start3A_142 : memref<128xi32, #tpu.memory_space<vmem>>) semaphore(%arg17 : memref<!tpu.dma_semaphore, #tpu.memory_space<semaphore_mem>>)
    %dma_wait3A_146 = arith.constant 5 : i32
    %dma_wait3A_147 = arith.constant 0 : i32
    %dma_wait3A_148 = tpu.memref_slice %arg13[%dma_wait3A_146, %dma_wait3A_147] : memref<20x128xi32, #tpu.memory_space<vmem>> -> memref<1x128xi32, #tpu.memory_space<vmem>>
    %dma_wait3A_149 = tpu.memref_squeeze %dma_wait3A_148 : memref<1x128xi32, #tpu.memory_space<vmem>> -> memref<128xi32, #tpu.memory_space<vmem>>
    %dma_wait3A_150 = arith.constant 0 : i32
    %dma_wait3A_151 = arith.constant 0 : i32
    %dma_wait3A_152 = tpu.memref_slice %arg6[%dma_wait3A_150, %dma_wait3A_151] : memref<10000x64xf32, #tpu.memory_space<hbm>> -> memref<10000x64xf32, #tpu.memory_space<hbm>>
    tpu.wait_indirect_dma semaphore(%arg18 : memref<!tpu.dma_semaphore, #tpu.memory_space<semaphore_mem>>) src(%dma_wait3A_152 : memref<10000x64xf32, #tpu.memory_space<hbm>>) dst(%arg24 : memref<128x64xf32, #tpu.memory_space<vmem>>)
    %dma_wait3A_153 = arith.constant 6 : i32
    %dma_wait3A_154 = arith.constant 0 : i32
    %dma_wait3A_155 = tpu.memref_slice %arg13[%dma_wait3A_153, %dma_wait3A_154] : memref<20x128xi32, #tpu.memory_space<vmem>> -> memref<1x128xi32, #tpu.memory_space<vmem>>
    %dma_wait3A_156 = tpu.memref_squeeze %dma_wait3A_155 : memref<1x128xi32, #tpu.memory_space<vmem>> -> memref<128xi32, #tpu.memory_space<vmem>>
    %dma_wait3A_157 = arith.constant 0 : i32
    %dma_wait3A_158 = arith.constant 0 : i32
    %dma_wait3A_159 = tpu.memref_slice %arg6[%dma_wait3A_157, %dma_wait3A_158] : memref<10000x64xf32, #tpu.memory_space<hbm>> -> memref<10000x64xf32, #tpu.memory_space<hbm>>
    tpu.wait_indirect_dma semaphore(%arg18 : memref<!tpu.dma_semaphore, #tpu.memory_space<semaphore_mem>>) src(%dma_wait3A_159 : memref<10000x64xf32, #tpu.memory_space<hbm>>) dst(%arg25 : memref<128x64xf32, #tpu.memory_space<vmem>>)
    %dma_wait3A_160 = arith.constant 7 : i32
    %dma_wait3A_161 = arith.constant 0 : i32
    %dma_wait3A_162 = tpu.memref_slice %arg13[%dma_wait3A_160, %dma_wait3A_161] : memref<20x128xi32, #tpu.memory_space<vmem>> -> memref<1x128xi32, #tpu.memory_space<vmem>>
    %dma_wait3A_163 = tpu.memref_squeeze %dma_wait3A_162 : memref<1x128xi32, #tpu.memory_space<vmem>> -> memref<128xi32, #tpu.memory_space<vmem>>
    %dma_wait3A_164 = arith.constant 0 : i32
    %dma_wait3A_165 = arith.constant 0 : i32
    %dma_wait3A_166 = tpu.memref_slice %arg6[%dma_wait3A_164, %dma_wait3A_165] : memref<10000x64xf32, #tpu.memory_space<hbm>> -> memref<10000x64xf32, #tpu.memory_space<hbm>>
    tpu.wait_indirect_dma semaphore(%arg18 : memref<!tpu.dma_semaphore, #tpu.memory_space<semaphore_mem>>) src(%dma_wait3A_166 : memref<10000x64xf32, #tpu.memory_space<hbm>>) dst(%arg26 : memref<128x64xf32, #tpu.memory_space<vmem>>)
    %dma_wait3A_167 = arith.constant 8 : i32
    %dma_wait3A_168 = arith.constant 0 : i32
    %dma_wait3A_169 = tpu.memref_slice %arg13[%dma_wait3A_167, %dma_wait3A_168] : memref<20x128xi32, #tpu.memory_space<vmem>> -> memref<1x128xi32, #tpu.memory_space<vmem>>
    %dma_wait3A_170 = tpu.memref_squeeze %dma_wait3A_169 : memref<1x128xi32, #tpu.memory_space<vmem>> -> memref<128xi32, #tpu.memory_space<vmem>>
    %dma_wait3A_171 = arith.constant 0 : i32
    %dma_wait3A_172 = arith.constant 0 : i32
    %dma_wait3A_173 = tpu.memref_slice %arg6[%dma_wait3A_171, %dma_wait3A_172] : memref<10000x64xf32, #tpu.memory_space<hbm>> -> memref<10000x64xf32, #tpu.memory_space<hbm>>
    tpu.wait_indirect_dma semaphore(%arg18 : memref<!tpu.dma_semaphore, #tpu.memory_space<semaphore_mem>>) src(%dma_wait3A_173 : memref<10000x64xf32, #tpu.memory_space<hbm>>) dst(%arg27 : memref<128x64xf32, #tpu.memory_space<vmem>>)
    %dma_wait3A_174 = arith.constant 9 : i32
    %dma_wait3A_175 = arith.constant 0 : i32
    %dma_wait3A_176 = tpu.memref_slice %arg13[%dma_wait3A_174, %dma_wait3A_175] : memref<20x128xi32, #tpu.memory_space<vmem>> -> memref<1x128xi32, #tpu.memory_space<vmem>>
    %dma_wait3A_177 = tpu.memref_squeeze %dma_wait3A_176 : memref<1x128xi32, #tpu.memory_space<vmem>> -> memref<128xi32, #tpu.memory_space<vmem>>
    %dma_wait3A_178 = arith.constant 0 : i32
    %dma_wait3A_179 = arith.constant 0 : i32
    %dma_wait3A_180 = tpu.memref_slice %arg6[%dma_wait3A_178, %dma_wait3A_179] : memref<10000x64xf32, #tpu.memory_space<hbm>> -> memref<10000x64xf32, #tpu.memory_space<hbm>>
    tpu.wait_indirect_dma semaphore(%arg18 : memref<!tpu.dma_semaphore, #tpu.memory_space<semaphore_mem>>) src(%dma_wait3A_180 : memref<10000x64xf32, #tpu.memory_space<hbm>>) dst(%arg28 : memref<128x64xf32, #tpu.memory_space<vmem>>)
    %scan3A_181 = arith.constant 0 : i32
    %scan3A_182 = arith.constant 0 : i32
    %scan3A_183 = arith.constant 128 : i32
    %scan3A_184 = arith.addi %scan3A_182, %scan3A_183 : i32
    %scan3A_185 = arith.constant 1 : i32
    scf.for %scan3A_614 = %scan3A_182 to %scan3A_184 step %scan3A_185  : i32 {
      %get3A = arith.index_cast %scan3A_614 : i32 to index
      %get3A_615 = arith.constant 0 : index
      %get3A_616 = tpu.vector_load %arg24[%get3A, %get3A_615] {strides = array<i32>} : memref<128x64xf32, #tpu.memory_space<vmem>>, vector<16xf32>,
      %get3A_617 = arith.index_cast %scan3A_614 : i32 to index
      %get3A_618 = arith.constant 0 : index
      %get3A_619 = tpu.vector_load %arg25[%get3A_617, %get3A_618] {strides = array<i32>} : memref<128x64xf32, #tpu.memory_space<vmem>>, vector<16xf32>,
      %add3A_620 = arith.addf %get3A_616, %get3A_619 : vector<16xf32>
      %get3A_621 = arith.index_cast %scan3A_614 : i32 to index
      %get3A_622 = arith.constant 0 : index
      %get3A_623 = tpu.vector_load %arg26[%get3A_621, %get3A_622] {strides = array<i32>} : memref<128x64xf32, #tpu.memory_space<vmem>>, vector<16xf32>,
      %add3A_624 = arith.addf %add3A_620, %get3A_623 : vector<16xf32>
      %get3A_625 = arith.index_cast %scan3A_614 : i32 to index
      %get3A_626 = arith.constant 0 : index
      %get3A_627 = tpu.vector_load %arg27[%get3A_625, %get3A_626] {strides = array<i32>} : memref<128x64xf32, #tpu.memory_space<vmem>>, vector<16xf32>,
      %add3A_628 = arith.addf %add3A_624, %get3A_627 : vector<16xf32>
      %get3A_629 = arith.index_cast %scan3A_614 : i32 to index
      %get3A_630 = arith.constant 0 : index
      %get3A_631 = tpu.vector_load %arg28[%get3A_629, %get3A_630] {strides = array<i32>} : memref<128x64xf32, #tpu.memory_space<vmem>>, vector<16xf32>,
      %add3A_632 = arith.addf %add3A_628, %get3A_631 : vector<16xf32>
      %get3A_633 = arith.index_cast %scan3A_614 : i32 to index
      %get3A_634 = arith.constant 0 : index
      %get3A_635 = tpu.vector_load %arg15[%get3A_633, %get3A_634] {strides = array<i32>} : memref<128x128xf32, #tpu.memory_space<vmem>>, vector<16xf32>,
      %add3A_636 = arith.addf %get3A_635, %add3A_632 : vector<16xf32>
      %swap3A = arith.index_cast %scan3A_614 : i32 to index
      %swap3A_637 = arith.constant 0 : index
      %swap3A_638 = tpu.vector_load %arg15[%swap3A, %swap3A_637] {strides = array<i32>} : memref<128x128xf32, #tpu.memory_space<vmem>>, vector<16xf32>,
      tpu.vector_store %arg15[%swap3A, %swap3A_637], %add3A_636 {strides = array<i32>} : memref<128x128xf32, #tpu.memory_space<vmem>>, vector<16xf32>,
      %get3A_639 = arith.index_cast %scan3A_614 : i32 to index
      %get3A_640 = arith.constant 16 : index
      %get3A_641 = tpu.vector_load %arg24[%get3A_639, %get3A_640] {strides = array<i32>} : memref<128x64xf32, #tpu.memory_space<vmem>>, vector<16xf32>,
      %get3A_642 = arith.index_cast %scan3A_614 : i32 to index
      %get3A_643 = arith.constant 16 : index
      %get3A_644 = tpu.vector_load %arg25[%get3A_642, %get3A_643] {strides = array<i32>} : memref<128x64xf32, #tpu.memory_space<vmem>>, vector<16xf32>,
      %add3A_645 = arith.addf %get3A_641, %get3A_644 : vector<16xf32>
      %get3A_646 = arith.index_cast %scan3A_614 : i32 to index
      %get3A_647 = arith.constant 16 : index
      %get3A_648 = tpu.vector_load %arg26[%get3A_646, %get3A_647] {strides = array<i32>} : memref<128x64xf32, #tpu.memory_space<vmem>>, vector<16xf32>,
      %add3A_649 = arith.addf %add3A_645, %get3A_648 : vector<16xf32>
      %get3A_650 = arith.index_cast %scan3A_614 : i32 to index
      %get3A_651 = arith.constant 16 : index
      %get3A_652 = tpu.vector_load %arg27[%get3A_650, %get3A_651] {strides = array<i32>} : memref<128x64xf32, #tpu.memory_space<vmem>>, vector<16xf32>,
      %add3A_653 = arith.addf %add3A_649, %get3A_652 : vector<16xf32>
      %get3A_654 = arith.index_cast %scan3A_614 : i32 to index
      %get3A_655 = arith.constant 16 : index
      %get3A_656 = tpu.vector_load %arg28[%get3A_654, %get3A_655] {strides = array<i32>} : memref<128x64xf32, #tpu.memory_space<vmem>>, vector<16xf32>,
      %add3A_657 = arith.addf %add3A_653, %get3A_656 : vector<16xf32>
      %get3A_658 = arith.index_cast %scan3A_614 : i32 to index
      %get3A_659 = arith.constant 16 : index
      %get3A_660 = tpu.vector_load %arg15[%get3A_658, %get3A_659] {strides = array<i32>} : memref<128x128xf32, #tpu.memory_space<vmem>>, vector<16xf32>,
      %add3A_661 = arith.addf %get3A_660, %add3A_657 : vector<16xf32>
      %swap3A_662 = arith.index_cast %scan3A_614 : i32 to index
      %swap3A_663 = arith.constant 16 : index
      %swap3A_664 = tpu.vector_load %arg15[%swap3A_662, %swap3A_663] {strides = array<i32>} : memref<128x128xf32, #tpu.memory_space<vmem>>, vector<16xf32>,
      tpu.vector_store %arg15[%swap3A_662, %swap3A_663], %add3A_661 {strides = array<i32>} : memref<128x128xf32, #tpu.memory_space<vmem>>, vector<16xf32>,
      %get3A_665 = arith.index_cast %scan3A_614 : i32 to index
      %get3A_666 = arith.constant 32 : index
      %get3A_667 = tpu.vector_load %arg24[%get3A_665, %get3A_666] {strides = array<i32>} : memref<128x64xf32, #tpu.memory_space<vmem>>, vector<16xf32>,
      %get3A_668 = arith.index_cast %scan3A_614 : i32 to index
      %get3A_669 = arith.constant 32 : index
      %get3A_670 = tpu.vector_load %arg25[%get3A_668, %get3A_669] {strides = array<i32>} : memref<128x64xf32, #tpu.memory_space<vmem>>, vector<16xf32>,
      %add3A_671 = arith.addf %get3A_667, %get3A_670 : vector<16xf32>
      %get3A_672 = arith.index_cast %scan3A_614 : i32 to index
      %get3A_673 = arith.constant 32 : index
      %get3A_674 = tpu.vector_load %arg26[%get3A_672, %get3A_673] {strides = array<i32>} : memref<128x64xf32, #tpu.memory_space<vmem>>, vector<16xf32>,
      %add3A_675 = arith.addf %add3A_671, %get3A_674 : vector<16xf32>
      %get3A_676 = arith.index_cast %scan3A_614 : i32 to index
      %get3A_677 = arith.constant 32 : index
      %get3A_678 = tpu.vector_load %arg27[%get3A_676, %get3A_677] {strides = array<i32>} : memref<128x64xf32, #tpu.memory_space<vmem>>, vector<16xf32>,
      %add3A_679 = arith.addf %add3A_675, %get3A_678 : vector<16xf32>
      %get3A_680 = arith.index_cast %scan3A_614 : i32 to index
      %get3A_681 = arith.constant 32 : index
      %get3A_682 = tpu.vector_load %arg28[%get3A_680, %get3A_681] {strides = array<i32>} : memref<128x64xf32, #tpu.memory_space<vmem>>, vector<16xf32>,
      %add3A_683 = arith.addf %add3A_679, %get3A_682 : vector<16xf32>
      %get3A_684 = arith.index_cast %scan3A_614 : i32 to index
      %get3A_685 = arith.constant 32 : index
      %get3A_686 = tpu.vector_load %arg15[%get3A_684, %get3A_685] {strides = array<i32>} : memref<128x128xf32, #tpu.memory_space<vmem>>, vector<16xf32>,
      %add3A_687 = arith.addf %get3A_686, %add3A_683 : vector<16xf32>
      %swap3A_688 = arith.index_cast %scan3A_614 : i32 to index
      %swap3A_689 = arith.constant 32 : index
      %swap3A_690 = tpu.vector_load %arg15[%swap3A_688, %swap3A_689] {strides = array<i32>} : memref<128x128xf32, #tpu.memory_space<vmem>>, vector<16xf32>,
      tpu.vector_store %arg15[%swap3A_688, %swap3A_689], %add3A_687 {strides = array<i32>} : memref<128x128xf32, #tpu.memory_space<vmem>>, vector<16xf32>,
      %get3A_691 = arith.index_cast %scan3A_614 : i32 to index
      %get3A_692 = arith.constant 48 : index
      %get3A_693 = tpu.vector_load %arg24[%get3A_691, %get3A_692] {strides = array<i32>} : memref<128x64xf32, #tpu.memory_space<vmem>>, vector<16xf32>,
      %get3A_694 = arith.index_cast %scan3A_614 : i32 to index
      %get3A_695 = arith.constant 48 : index
      %get3A_696 = tpu.vector_load %arg25[%get3A_694, %get3A_695] {strides = array<i32>} : memref<128x64xf32, #tpu.memory_space<vmem>>, vector<16xf32>,
      %add3A_697 = arith.addf %get3A_693, %get3A_696 : vector<16xf32>
      %get3A_698 = arith.index_cast %scan3A_614 : i32 to index
      %get3A_699 = arith.constant 48 : index
      %get3A_700 = tpu.vector_load %arg26[%get3A_698, %get3A_699] {strides = array<i32>} : memref<128x64xf32, #tpu.memory_space<vmem>>, vector<16xf32>,
      %add3A_701 = arith.addf %add3A_697, %get3A_700 : vector<16xf32>
      %get3A_702 = arith.index_cast %scan3A_614 : i32 to index
      %get3A_703 = arith.constant 48 : index
      %get3A_704 = tpu.vector_load %arg27[%get3A_702, %get3A_703] {strides = array<i32>} : memref<128x64xf32, #tpu.memory_space<vmem>>, vector<16xf32>,
      %add3A_705 = arith.addf %add3A_701, %get3A_704 : vector<16xf32>
      %get3A_706 = arith.index_cast %scan3A_614 : i32 to index
      %get3A_707 = arith.constant 48 : index
      %get3A_708 = tpu.vector_load %arg28[%get3A_706, %get3A_707] {strides = array<i32>} : memref<128x64xf32, #tpu.memory_space<vmem>>, vector<16xf32>,
      %add3A_709 = arith.addf %add3A_705, %get3A_708 : vector<16xf32>
      %get3A_710 = arith.index_cast %scan3A_614 : i32 to index
      %get3A_711 = arith.constant 48 : index
      %get3A_712 = tpu.vector_load %arg15[%get3A_710, %get3A_711] {strides = array<i32>} : memref<128x128xf32, #tpu.memory_space<vmem>>, vector<16xf32>,
      %add3A_713 = arith.addf %get3A_712, %add3A_709 : vector<16xf32>
      %swap3A_714 = arith.index_cast %scan3A_614 : i32 to index
      %swap3A_715 = arith.constant 48 : index
      %swap3A_716 = tpu.vector_load %arg15[%swap3A_714, %swap3A_715] {strides = array<i32>} : memref<128x128xf32, #tpu.memory_space<vmem>>, vector<16xf32>,
      tpu.vector_store %arg15[%swap3A_714, %swap3A_715], %add3A_713 {strides = array<i32>} : memref<128x128xf32, #tpu.memory_space<vmem>>, vector<16xf32>,
    }
    %scan3A_186 = arith.constant 128 : i32
    %dma_start3A_187 = arith.constant 15 : i32
    %dma_start3A_188 = arith.constant 0 : i32
    %dma_start3A_189 = tpu.memref_slice %arg13[%dma_start3A_187, %dma_start3A_188] : memref<20x128xi32, #tpu.memory_space<vmem>> -> memref<1x128xi32, #tpu.memory_space<vmem>>
    %dma_start3A_190 = tpu.memref_squeeze %dma_start3A_189 : memref<1x128xi32, #tpu.memory_space<vmem>> -> memref<128xi32, #tpu.memory_space<vmem>>
    %dma_start3A_191 = arith.constant 0 : i32
    %dma_start3A_192 = arith.constant 0 : i32
    %dma_start3A_193 = tpu.memref_slice %arg6[%dma_start3A_191, %dma_start3A_192] : memref<10000x64xf32, #tpu.memory_space<hbm>> -> memref<10000x64xf32, #tpu.memory_space<hbm>>
    tpu.enqueue_indirect_dma source(%dma_start3A_193 : memref<10000x64xf32, #tpu.memory_space<hbm>>) target(%arg24 : memref<128x64xf32, #tpu.memory_space<vmem>>) offsets(%dma_start3A_190 : memref<128xi32, #tpu.memory_space<vmem>>) semaphore(%arg18 : memref<!tpu.dma_semaphore, #tpu.memory_space<semaphore_mem>>)
    %dma_start3A_194 = arith.constant 16 : i32
    %dma_start3A_195 = arith.constant 0 : i32
    %dma_start3A_196 = tpu.memref_slice %arg13[%dma_start3A_194, %dma_start3A_195] : memref<20x128xi32, #tpu.memory_space<vmem>> -> memref<1x128xi32, #tpu.memory_space<vmem>>
    %dma_start3A_197 = tpu.memref_squeeze %dma_start3A_196 : memref<1x128xi32, #tpu.memory_space<vmem>> -> memref<128xi32, #tpu.memory_space<vmem>>
    %dma_start3A_198 = arith.constant 0 : i32
    %dma_start3A_199 = arith.constant 0 : i32
    %dma_start3A_200 = tpu.memref_slice %arg6[%dma_start3A_198, %dma_start3A_199] : memref<10000x64xf32, #tpu.memory_space<hbm>> -> memref<10000x64xf32, #tpu.memory_space<hbm>>
    tpu.enqueue_indirect_dma source(%dma_start3A_200 : memref<10000x64xf32, #tpu.memory_space<hbm>>) target(%arg25 : memref<128x64xf32, #tpu.memory_space<vmem>>) offsets(%dma_start3A_197 : memref<128xi32, #tpu.memory_space<vmem>>) semaphore(%arg18 : memref<!tpu.dma_semaphore, #tpu.memory_space<semaphore_mem>>)
    %dma_start3A_201 = arith.constant 17 : i32
    %dma_start3A_202 = arith.constant 0 : i32
    %dma_start3A_203 = tpu.memref_slice %arg13[%dma_start3A_201, %dma_start3A_202] : memref<20x128xi32, #tpu.memory_space<vmem>> -> memref<1x128xi32, #tpu.memory_space<vmem>>
    %dma_start3A_204 = tpu.memref_squeeze %dma_start3A_203 : memref<1x128xi32, #tpu.memory_space<vmem>> -> memref<128xi32, #tpu.memory_space<vmem>>
    %dma_start3A_205 = arith.constant 0 : i32
    %dma_start3A_206 = arith.constant 0 : i32
    %dma_start3A_207 = tpu.memref_slice %arg6[%dma_start3A_205, %dma_start3A_206] : memref<10000x64xf32, #tpu.memory_space<hbm>> -> memref<10000x64xf32, #tpu.memory_space<hbm>>
    tpu.enqueue_indirect_dma source(%dma_start3A_207 : memref<10000x64xf32, #tpu.memory_space<hbm>>) target(%arg26 : memref<128x64xf32, #tpu.memory_space<vmem>>) offsets(%dma_start3A_204 : memref<128xi32, #tpu.memory_space<vmem>>) semaphore(%arg18 : memref<!tpu.dma_semaphore, #tpu.memory_space<semaphore_mem>>)
    %dma_start3A_208 = arith.constant 18 : i32
    %dma_start3A_209 = arith.constant 0 : i32
    %dma_start3A_210 = tpu.memref_slice %arg13[%dma_start3A_208, %dma_start3A_209] : memref<20x128xi32, #tpu.memory_space<vmem>> -> memref<1x128xi32, #tpu.memory_space<vmem>>
    %dma_start3A_211 = tpu.memref_squeeze %dma_start3A_210 : memref<1x128xi32, #tpu.memory_space<vmem>> -> memref<128xi32, #tpu.memory_space<vmem>>
    %dma_start3A_212 = arith.constant 0 : i32
    %dma_start3A_213 = arith.constant 0 : i32
    %dma_start3A_214 = tpu.memref_slice %arg6[%dma_start3A_212, %dma_start3A_213] : memref<10000x64xf32, #tpu.memory_space<hbm>> -> memref<10000x64xf32, #tpu.memory_space<hbm>>
    tpu.enqueue_indirect_dma source(%dma_start3A_214 : memref<10000x64xf32, #tpu.memory_space<hbm>>) target(%arg27 : memref<128x64xf32, #tpu.memory_space<vmem>>) offsets(%dma_start3A_211 : memref<128xi32, #tpu.memory_space<vmem>>) semaphore(%arg18 : memref<!tpu.dma_semaphore, #tpu.memory_space<semaphore_mem>>)
    %dma_start3A_215 = arith.constant 19 : i32
    %dma_start3A_216 = arith.constant 0 : i32
    %dma_start3A_217 = tpu.memref_slice %arg13[%dma_start3A_215, %dma_start3A_216] : memref<20x128xi32, #tpu.memory_space<vmem>> -> memref<1x128xi32, #tpu.memory_space<vmem>>
    %dma_start3A_218 = tpu.memref_squeeze %dma_start3A_217 : memref<1x128xi32, #tpu.memory_space<vmem>> -> memref<128xi32, #tpu.memory_space<vmem>>
    %dma_start3A_219 = arith.constant 0 : i32
    %dma_start3A_220 = arith.constant 0 : i32
    %dma_start3A_221 = tpu.memref_slice %arg6[%dma_start3A_219, %dma_start3A_220] : memref<10000x64xf32, #tpu.memory_space<hbm>> -> memref<10000x64xf32, #tpu.memory_space<hbm>>
    tpu.enqueue_indirect_dma source(%dma_start3A_221 : memref<10000x64xf32, #tpu.memory_space<hbm>>) target(%arg28 : memref<128x64xf32, #tpu.memory_space<vmem>>) offsets(%dma_start3A_218 : memref<128xi32, #tpu.memory_space<vmem>>) semaphore(%arg18 : memref<!tpu.dma_semaphore, #tpu.memory_space<semaphore_mem>>)
    %dma_wait3A_222 = arith.constant 10 : i32
    %dma_wait3A_223 = arith.constant 0 : i32
    %dma_wait3A_224 = tpu.memref_slice %arg13[%dma_wait3A_222, %dma_wait3A_223] : memref<20x128xi32, #tpu.memory_space<vmem>> -> memref<1x128xi32, #tpu.memory_space<vmem>>
    %dma_wait3A_225 = tpu.memref_squeeze %dma_wait3A_224 : memref<1x128xi32, #tpu.memory_space<vmem>> -> memref<128xi32, #tpu.memory_space<vmem>>
    %dma_wait3A_226 = arith.constant 0 : i32
    %dma_wait3A_227 = arith.constant 0 : i32
    %dma_wait3A_228 = tpu.memref_slice %arg6[%dma_wait3A_226, %dma_wait3A_227] : memref<10000x64xf32, #tpu.memory_space<hbm>> -> memref<10000x64xf32, #tpu.memory_space<hbm>>
    tpu.wait_indirect_dma semaphore(%arg17 : memref<!tpu.dma_semaphore, #tpu.memory_space<semaphore_mem>>) src(%dma_wait3A_228 : memref<10000x64xf32, #tpu.memory_space<hbm>>) dst(%arg19 : memref<128x64xf32, #tpu.memory_space<vmem>>)
    %dma_wait3A_229 = arith.constant 11 : i32
    %dma_wait3A_230 = arith.constant 0 : i32
    %dma_wait3A_231 = tpu.memref_slice %arg13[%dma_wait3A_229, %dma_wait3A_230] : memref<20x128xi32, #tpu.memory_space<vmem>> -> memref<1x128xi32, #tpu.memory_space<vmem>>
    %dma_wait3A_232 = tpu.memref_squeeze %dma_wait3A_231 : memref<1x128xi32, #tpu.memory_space<vmem>> -> memref<128xi32, #tpu.memory_space<vmem>>
    %dma_wait3A_233 = arith.constant 0 : i32
    %dma_wait3A_234 = arith.constant 0 : i32
    %dma_wait3A_235 = tpu.memref_slice %arg6[%dma_wait3A_233, %dma_wait3A_234] : memref<10000x64xf32, #tpu.memory_space<hbm>> -> memref<10000x64xf32, #tpu.memory_space<hbm>>
    tpu.wait_indirect_dma semaphore(%arg17 : memref<!tpu.dma_semaphore, #tpu.memory_space<semaphore_mem>>) src(%dma_wait3A_235 : memref<10000x64xf32, #tpu.memory_space<hbm>>) dst(%arg20 : memref<128x64xf32, #tpu.memory_space<vmem>>)
    %dma_wait3A_236 = arith.constant 12 : i32
    %dma_wait3A_237 = arith.constant 0 : i32
    %dma_wait3A_238 = tpu.memref_slice %arg13[%dma_wait3A_236, %dma_wait3A_237] : memref<20x128xi32, #tpu.memory_space<vmem>> -> memref<1x128xi32, #tpu.memory_space<vmem>>
    %dma_wait3A_239 = tpu.memref_squeeze %dma_wait3A_238 : memref<1x128xi32, #tpu.memory_space<vmem>> -> memref<128xi32, #tpu.memory_space<vmem>>
    %dma_wait3A_240 = arith.constant 0 : i32
    %dma_wait3A_241 = arith.constant 0 : i32
    %dma_wait3A_242 = tpu.memref_slice %arg6[%dma_wait3A_240, %dma_wait3A_241] : memref<10000x64xf32, #tpu.memory_space<hbm>> -> memref<10000x64xf32, #tpu.memory_space<hbm>>
    tpu.wait_indirect_dma semaphore(%arg17 : memref<!tpu.dma_semaphore, #tpu.memory_space<semaphore_mem>>) src(%dma_wait3A_242 : memref<10000x64xf32, #tpu.memory_space<hbm>>) dst(%arg21 : memref<128x64xf32, #tpu.memory_space<vmem>>)
    %dma_wait3A_243 = arith.constant 13 : i32
    %dma_wait3A_244 = arith.constant 0 : i32
    %dma_wait3A_245 = tpu.memref_slice %arg13[%dma_wait3A_243, %dma_wait3A_244] : memref<20x128xi32, #tpu.memory_space<vmem>> -> memref<1x128xi32, #tpu.memory_space<vmem>>
    %dma_wait3A_246 = tpu.memref_squeeze %dma_wait3A_245 : memref<1x128xi32, #tpu.memory_space<vmem>> -> memref<128xi32, #tpu.memory_space<vmem>>
    %dma_wait3A_247 = arith.constant 0 : i32
    %dma_wait3A_248 = arith.constant 0 : i32
    %dma_wait3A_249 = tpu.memref_slice %arg6[%dma_wait3A_247, %dma_wait3A_248] : memref<10000x64xf32, #tpu.memory_space<hbm>> -> memref<10000x64xf32, #tpu.memory_space<hbm>>
    tpu.wait_indirect_dma semaphore(%arg17 : memref<!tpu.dma_semaphore, #tpu.memory_space<semaphore_mem>>) src(%dma_wait3A_249 : memref<10000x64xf32, #tpu.memory_space<hbm>>) dst(%arg22 : memref<128x64xf32, #tpu.memory_space<vmem>>)
    %dma_wait3A_250 = arith.constant 14 : i32
    %dma_wait3A_251 = arith.constant 0 : i32
    %dma_wait3A_252 = tpu.memref_slice %arg13[%dma_wait3A_250, %dma_wait3A_251] : memref<20x128xi32, #tpu.memory_space<vmem>> -> memref<1x128xi32, #tpu.memory_space<vmem>>
    %dma_wait3A_253 = tpu.memref_squeeze %dma_wait3A_252 : memref<1x128xi32, #tpu.memory_space<vmem>> -> memref<128xi32, #tpu.memory_space<vmem>>
    %dma_wait3A_254 = arith.constant 0 : i32
    %dma_wait3A_255 = arith.constant 0 : i32
    %dma_wait3A_256 = tpu.memref_slice %arg6[%dma_wait3A_254, %dma_wait3A_255] : memref<10000x64xf32, #tpu.memory_space<hbm>> -> memref<10000x64xf32, #tpu.memory_space<hbm>>
    tpu.wait_indirect_dma semaphore(%arg17 : memref<!tpu.dma_semaphore, #tpu.memory_space<semaphore_mem>>) src(%dma_wait3A_256 : memref<10000x64xf32, #tpu.memory_space<hbm>>) dst(%arg23 : memref<128x64xf32, #tpu.memory_space<vmem>>)
    %scan3A_257 = arith.constant 0 : i32
    %scan3A_258 = arith.constant 0 : i32
    %scan3A_259 = arith.constant 128 : i32
    %scan3A_260 = arith.addi %scan3A_258, %scan3A_259 : i32
    %scan3A_261 = arith.constant 1 : i32
    scf.for %scan3A_614 = %scan3A_258 to %scan3A_260 step %scan3A_261  : i32 {
      %get3A = arith.index_cast %scan3A_614 : i32 to index
      %get3A_615 = arith.constant 0 : index
      %get3A_616 = tpu.vector_load %arg19[%get3A, %get3A_615] {strides = array<i32>} : memref<128x64xf32, #tpu.memory_space<vmem>>, vector<16xf32>,
      %get3A_617 = arith.index_cast %scan3A_614 : i32 to index
      %get3A_618 = arith.constant 0 : index
      %get3A_619 = tpu.vector_load %arg20[%get3A_617, %get3A_618] {strides = array<i32>} : memref<128x64xf32, #tpu.memory_space<vmem>>, vector<16xf32>,
      %add3A_620 = arith.addf %get3A_616, %get3A_619 : vector<16xf32>
      %get3A_621 = arith.index_cast %scan3A_614 : i32 to index
      %get3A_622 = arith.constant 0 : index
      %get3A_623 = tpu.vector_load %arg21[%get3A_621, %get3A_622] {strides = array<i32>} : memref<128x64xf32, #tpu.memory_space<vmem>>, vector<16xf32>,
      %add3A_624 = arith.addf %add3A_620, %get3A_623 : vector<16xf32>
      %get3A_625 = arith.index_cast %scan3A_614 : i32 to index
      %get3A_626 = arith.constant 0 : index
      %get3A_627 = tpu.vector_load %arg22[%get3A_625, %get3A_626] {strides = array<i32>} : memref<128x64xf32, #tpu.memory_space<vmem>>, vector<16xf32>,
      %add3A_628 = arith.addf %add3A_624, %get3A_627 : vector<16xf32>
      %get3A_629 = arith.index_cast %scan3A_614 : i32 to index
      %get3A_630 = arith.constant 0 : index
      %get3A_631 = tpu.vector_load %arg23[%get3A_629, %get3A_630] {strides = array<i32>} : memref<128x64xf32, #tpu.memory_space<vmem>>, vector<16xf32>,
      %add3A_632 = arith.addf %add3A_628, %get3A_631 : vector<16xf32>
      %get3A_633 = arith.index_cast %scan3A_614 : i32 to index
      %get3A_634 = arith.constant 0 : index
      %get3A_635 = tpu.vector_load %arg15[%get3A_633, %get3A_634] {strides = array<i32>} : memref<128x128xf32, #tpu.memory_space<vmem>>, vector<16xf32>,
      %add3A_636 = arith.addf %get3A_635, %add3A_632 : vector<16xf32>
      %swap3A = arith.index_cast %scan3A_614 : i32 to index
      %swap3A_637 = arith.constant 0 : index
      %swap3A_638 = tpu.vector_load %arg15[%swap3A, %swap3A_637] {strides = array<i32>} : memref<128x128xf32, #tpu.memory_space<vmem>>, vector<16xf32>,
      tpu.vector_store %arg15[%swap3A, %swap3A_637], %add3A_636 {strides = array<i32>} : memref<128x128xf32, #tpu.memory_space<vmem>>, vector<16xf32>,
      %get3A_639 = arith.index_cast %scan3A_614 : i32 to index
      %get3A_640 = arith.constant 16 : index
      %get3A_641 = tpu.vector_load %arg19[%get3A_639, %get3A_640] {strides = array<i32>} : memref<128x64xf32, #tpu.memory_space<vmem>>, vector<16xf32>,
      %get3A_642 = arith.index_cast %scan3A_614 : i32 to index
      %get3A_643 = arith.constant 16 : index
      %get3A_644 = tpu.vector_load %arg20[%get3A_642, %get3A_643] {strides = array<i32>} : memref<128x64xf32, #tpu.memory_space<vmem>>, vector<16xf32>,
      %add3A_645 = arith.addf %get3A_641, %get3A_644 : vector<16xf32>
      %get3A_646 = arith.index_cast %scan3A_614 : i32 to index
      %get3A_647 = arith.constant 16 : index
      %get3A_648 = tpu.vector_load %arg21[%get3A_646, %get3A_647] {strides = array<i32>} : memref<128x64xf32, #tpu.memory_space<vmem>>, vector<16xf32>,
      %add3A_649 = arith.addf %add3A_645, %get3A_648 : vector<16xf32>
      %get3A_650 = arith.index_cast %scan3A_614 : i32 to index
      %get3A_651 = arith.constant 16 : index
      %get3A_652 = tpu.vector_load %arg22[%get3A_650, %get3A_651] {strides = array<i32>} : memref<128x64xf32, #tpu.memory_space<vmem>>, vector<16xf32>,
      %add3A_653 = arith.addf %add3A_649, %get3A_652 : vector<16xf32>
      %get3A_654 = arith.index_cast %scan3A_614 : i32 to index
      %get3A_655 = arith.constant 16 : index
      %get3A_656 = tpu.vector_load %arg23[%get3A_654, %get3A_655] {strides = array<i32>} : memref<128x64xf32, #tpu.memory_space<vmem>>, vector<16xf32>,
      %add3A_657 = arith.addf %add3A_653, %get3A_656 : vector<16xf32>
      %get3A_658 = arith.index_cast %scan3A_614 : i32 to index
      %get3A_659 = arith.constant 16 : index
      %get3A_660 = tpu.vector_load %arg15[%get3A_658, %get3A_659] {strides = array<i32>} : memref<128x128xf32, #tpu.memory_space<vmem>>, vector<16xf32>,
      %add3A_661 = arith.addf %get3A_660, %add3A_657 : vector<16xf32>
      %swap3A_662 = arith.index_cast %scan3A_614 : i32 to index
      %swap3A_663 = arith.constant 16 : index
      %swap3A_664 = tpu.vector_load %arg15[%swap3A_662, %swap3A_663] {strides = array<i32>} : memref<128x128xf32, #tpu.memory_space<vmem>>, vector<16xf32>,
      tpu.vector_store %arg15[%swap3A_662, %swap3A_663], %add3A_661 {strides = array<i32>} : memref<128x128xf32, #tpu.memory_space<vmem>>, vector<16xf32>,
      %get3A_665 = arith.index_cast %scan3A_614 : i32 to index
      %get3A_666 = arith.constant 32 : index
      %get3A_667 = tpu.vector_load %arg19[%get3A_665, %get3A_666] {strides = array<i32>} : memref<128x64xf32, #tpu.memory_space<vmem>>, vector<16xf32>,
      %get3A_668 = arith.index_cast %scan3A_614 : i32 to index
      %get3A_669 = arith.constant 32 : index
      %get3A_670 = tpu.vector_load %arg20[%get3A_668, %get3A_669] {strides = array<i32>} : memref<128x64xf32, #tpu.memory_space<vmem>>, vector<16xf32>,
      %add3A_671 = arith.addf %get3A_667, %get3A_670 : vector<16xf32>
      %get3A_672 = arith.index_cast %scan3A_614 : i32 to index
      %get3A_673 = arith.constant 32 : index
      %get3A_674 = tpu.vector_load %arg21[%get3A_672, %get3A_673] {strides = array<i32>} : memref<128x64xf32, #tpu.memory_space<vmem>>, vector<16xf32>,
      %add3A_675 = arith.addf %add3A_671, %get3A_674 : vector<16xf32>
      %get3A_676 = arith.index_cast %scan3A_614 : i32 to index
      %get3A_677 = arith.constant 32 : index
      %get3A_678 = tpu.vector_load %arg22[%get3A_676, %get3A_677] {strides = array<i32>} : memref<128x64xf32, #tpu.memory_space<vmem>>, vector<16xf32>,
      %add3A_679 = arith.addf %add3A_675, %get3A_678 : vector<16xf32>
      %get3A_680 = arith.index_cast %scan3A_614 : i32 to index
      %get3A_681 = arith.constant 32 : index
      %get3A_682 = tpu.vector_load %arg23[%get3A_680, %get3A_681] {strides = array<i32>} : memref<128x64xf32, #tpu.memory_space<vmem>>, vector<16xf32>,
      %add3A_683 = arith.addf %add3A_679, %get3A_682 : vector<16xf32>
      %get3A_684 = arith.index_cast %scan3A_614 : i32 to index
      %get3A_685 = arith.constant 32 : index
      %get3A_686 = tpu.vector_load %arg15[%get3A_684, %get3A_685] {strides = array<i32>} : memref<128x128xf32, #tpu.memory_space<vmem>>, vector<16xf32>,
      %add3A_687 = arith.addf %get3A_686, %add3A_683 : vector<16xf32>
      %swap3A_688 = arith.index_cast %scan3A_614 : i32 to index
      %swap3A_689 = arith.constant 32 : index
      %swap3A_690 = tpu.vector_load %arg15[%swap3A_688, %swap3A_689] {strides = array<i32>} : memref<128x128xf32, #tpu.memory_space<vmem>>, vector<16xf32>,
      tpu.vector_store %arg15[%swap3A_688, %swap3A_689], %add3A_687 {strides = array<i32>} : memref<128x128xf32, #tpu.memory_space<vmem>>, vector<16xf32>,
      %get3A_691 = arith.index_cast %scan3A_614 : i32 to index
      %get3A_692 = arith.constant 48 : index
      %get3A_693 = tpu.vector_load %arg19[%get3A_691, %get3A_692] {strides = array<i32>} : memref<128x64xf32, #tpu.memory_space<vmem>>, vector<16xf32>,
      %get3A_694 = arith.index_cast %scan3A_614 : i32 to index
      %get3A_695 = arith.constant 48 : index
      %get3A_696 = tpu.vector_load %arg20[%get3A_694, %get3A_695] {strides = array<i32>} : memref<128x64xf32, #tpu.memory_space<vmem>>, vector<16xf32>,
      %add3A_697 = arith.addf %get3A_693, %get3A_696 : vector<16xf32>
      %get3A_698 = arith.index_cast %scan3A_614 : i32 to index
      %get3A_699 = arith.constant 48 : index
      %get3A_700 = tpu.vector_load %arg21[%get3A_698, %get3A_699] {strides = array<i32>} : memref<128x64xf32, #tpu.memory_space<vmem>>, vector<16xf32>,
      %add3A_701 = arith.addf %add3A_697, %get3A_700 : vector<16xf32>
      %get3A_702 = arith.index_cast %scan3A_614 : i32 to index
      %get3A_703 = arith.constant 48 : index
      %get3A_704 = tpu.vector_load %arg22[%get3A_702, %get3A_703] {strides = array<i32>} : memref<128x64xf32, #tpu.memory_space<vmem>>, vector<16xf32>,
      %add3A_705 = arith.addf %add3A_701, %get3A_704 : vector<16xf32>
      %get3A_706 = arith.index_cast %scan3A_614 : i32 to index
      %get3A_707 = arith.constant 48 : index
      %get3A_708 = tpu.vector_load %arg23[%get3A_706, %get3A_707] {strides = array<i32>} : memref<128x64xf32, #tpu.memory_space<vmem>>, vector<16xf32>,
      %add3A_709 = arith.addf %add3A_705, %get3A_708 : vector<16xf32>
      %get3A_710 = arith.index_cast %scan3A_614 : i32 to index
      %get3A_711 = arith.constant 48 : index
      %get3A_712 = tpu.vector_load %arg15[%get3A_710, %get3A_711] {strides = array<i32>} : memref<128x128xf32, #tpu.memory_space<vmem>>, vector<16xf32>,
      %add3A_713 = arith.addf %get3A_712, %add3A_709 : vector<16xf32>
      %swap3A_714 = arith.index_cast %scan3A_614 : i32 to index
      %swap3A_715 = arith.constant 48 : index
      %swap3A_716 = tpu.vector_load %arg15[%swap3A_714, %swap3A_715] {strides = array<i32>} : memref<128x128xf32, #tpu.memory_space<vmem>>, vector<16xf32>,
      tpu.vector_store %arg15[%swap3A_714, %swap3A_715], %add3A_713 {strides = array<i32>} : memref<128x128xf32, #tpu.memory_space<vmem>>, vector<16xf32>,
    }
    %scan3A_262 = arith.constant 128 : i32
    %dma_start3A_263 = arith.constant 0 : i32
    %dma_start3A_264 = arith.constant 0 : i32
    %dma_start3A_265 = tpu.memref_slice %arg14[%dma_start3A_263, %dma_start3A_264] : memref<20x128xi32, #tpu.memory_space<vmem>> -> memref<1x128xi32, #tpu.memory_space<vmem>>
    %dma_start3A_266 = tpu.memref_squeeze %dma_start3A_265 : memref<1x128xi32, #tpu.memory_space<vmem>> -> memref<128xi32, #tpu.memory_space<vmem>>
    %dma_start3A_267 = arith.constant 0 : i32
    %dma_start3A_268 = arith.constant 0 : i32
    %dma_start3A_269 = tpu.memref_slice %arg6[%dma_start3A_267, %dma_start3A_268] : memref<10000x64xf32, #tpu.memory_space<hbm>> -> memref<10000x64xf32, #tpu.memory_space<hbm>>
    tpu.enqueue_indirect_dma source(%dma_start3A_269 : memref<10000x64xf32, #tpu.memory_space<hbm>>) target(%arg19 : memref<128x64xf32, #tpu.memory_space<vmem>>) offsets(%dma_start3A_266 : memref<128xi32, #tpu.memory_space<vmem>>) semaphore(%arg17 : memref<!tpu.dma_semaphore, #tpu.memory_space<semaphore_mem>>)
    %dma_start3A_270 = arith.constant 1 : i32
    %dma_start3A_271 = arith.constant 0 : i32
    %dma_start3A_272 = tpu.memref_slice %arg14[%dma_start3A_270, %dma_start3A_271] : memref<20x128xi32, #tpu.memory_space<vmem>> -> memref<1x128xi32, #tpu.memory_space<vmem>>
    %dma_start3A_273 = tpu.memref_squeeze %dma_start3A_272 : memref<1x128xi32, #tpu.memory_space<vmem>> -> memref<128xi32, #tpu.memory_space<vmem>>
    %dma_start3A_274 = arith.constant 0 : i32
    %dma_start3A_275 = arith.constant 0 : i32
    %dma_start3A_276 = tpu.memref_slice %arg6[%dma_start3A_274, %dma_start3A_275] : memref<10000x64xf32, #tpu.memory_space<hbm>> -> memref<10000x64xf32, #tpu.memory_space<hbm>>
    tpu.enqueue_indirect_dma source(%dma_start3A_276 : memref<10000x64xf32, #tpu.memory_space<hbm>>) target(%arg20 : memref<128x64xf32, #tpu.memory_space<vmem>>) offsets(%dma_start3A_273 : memref<128xi32, #tpu.memory_space<vmem>>) semaphore(%arg17 : memref<!tpu.dma_semaphore, #tpu.memory_space<semaphore_mem>>)
    %dma_start3A_277 = arith.constant 2 : i32
    %dma_start3A_278 = arith.constant 0 : i32
    %dma_start3A_279 = tpu.memref_slice %arg14[%dma_start3A_277, %dma_start3A_278] : memref<20x128xi32, #tpu.memory_space<vmem>> -> memref<1x128xi32, #tpu.memory_space<vmem>>
    %dma_start3A_280 = tpu.memref_squeeze %dma_start3A_279 : memref<1x128xi32, #tpu.memory_space<vmem>> -> memref<128xi32, #tpu.memory_space<vmem>>
    %dma_start3A_281 = arith.constant 0 : i32
    %dma_start3A_282 = arith.constant 0 : i32
    %dma_start3A_283 = tpu.memref_slice %arg6[%dma_start3A_281, %dma_start3A_282] : memref<10000x64xf32, #tpu.memory_space<hbm>> -> memref<10000x64xf32, #tpu.memory_space<hbm>>
    tpu.enqueue_indirect_dma source(%dma_start3A_283 : memref<10000x64xf32, #tpu.memory_space<hbm>>) target(%arg21 : memref<128x64xf32, #tpu.memory_space<vmem>>) offsets(%dma_start3A_280 : memref<128xi32, #tpu.memory_space<vmem>>) semaphore(%arg17 : memref<!tpu.dma_semaphore, #tpu.memory_space<semaphore_mem>>)
    %dma_start3A_284 = arith.constant 3 : i32
    %dma_start3A_285 = arith.constant 0 : i32
    %dma_start3A_286 = tpu.memref_slice %arg14[%dma_start3A_284, %dma_start3A_285] : memref<20x128xi32, #tpu.memory_space<vmem>> -> memref<1x128xi32, #tpu.memory_space<vmem>>
    %dma_start3A_287 = tpu.memref_squeeze %dma_start3A_286 : memref<1x128xi32, #tpu.memory_space<vmem>> -> memref<128xi32, #tpu.memory_space<vmem>>
    %dma_start3A_288 = arith.constant 0 : i32
    %dma_start3A_289 = arith.constant 0 : i32
    %dma_start3A_290 = tpu.memref_slice %arg6[%dma_start3A_288, %dma_start3A_289] : memref<10000x64xf32, #tpu.memory_space<hbm>> -> memref<10000x64xf32, #tpu.memory_space<hbm>>
    tpu.enqueue_indirect_dma source(%dma_start3A_290 : memref<10000x64xf32, #tpu.memory_space<hbm>>) target(%arg22 : memref<128x64xf32, #tpu.memory_space<vmem>>) offsets(%dma_start3A_287 : memref<128xi32, #tpu.memory_space<vmem>>) semaphore(%arg17 : memref<!tpu.dma_semaphore, #tpu.memory_space<semaphore_mem>>)
    %dma_start3A_291 = arith.constant 4 : i32
    %dma_start3A_292 = arith.constant 0 : i32
    %dma_start3A_293 = tpu.memref_slice %arg14[%dma_start3A_291, %dma_start3A_292] : memref<20x128xi32, #tpu.memory_space<vmem>> -> memref<1x128xi32, #tpu.memory_space<vmem>>
    %dma_start3A_294 = tpu.memref_squeeze %dma_start3A_293 : memref<1x128xi32, #tpu.memory_space<vmem>> -> memref<128xi32, #tpu.memory_space<vmem>>
    %dma_start3A_295 = arith.constant 0 : i32
    %dma_start3A_296 = arith.constant 0 : i32
    %dma_start3A_297 = tpu.memref_slice %arg6[%dma_start3A_295, %dma_start3A_296] : memref<10000x64xf32, #tpu.memory_space<hbm>> -> memref<10000x64xf32, #tpu.memory_space<hbm>>
    tpu.enqueue_indirect_dma source(%dma_start3A_297 : memref<10000x64xf32, #tpu.memory_space<hbm>>) target(%arg23 : memref<128x64xf32, #tpu.memory_space<vmem>>) offsets(%dma_start3A_294 : memref<128xi32, #tpu.memory_space<vmem>>) semaphore(%arg17 : memref<!tpu.dma_semaphore, #tpu.memory_space<semaphore_mem>>)
    %dma_wait3A_298 = arith.constant 15 : i32
    %dma_wait3A_299 = arith.constant 0 : i32
    %dma_wait3A_300 = tpu.memref_slice %arg13[%dma_wait3A_298, %dma_wait3A_299] : memref<20x128xi32, #tpu.memory_space<vmem>> -> memref<1x128xi32, #tpu.memory_space<vmem>>
    %dma_wait3A_301 = tpu.memref_squeeze %dma_wait3A_300 : memref<1x128xi32, #tpu.memory_space<vmem>> -> memref<128xi32, #tpu.memory_space<vmem>>
    %dma_wait3A_302 = arith.constant 0 : i32
    %dma_wait3A_303 = arith.constant 0 : i32
    %dma_wait3A_304 = tpu.memref_slice %arg6[%dma_wait3A_302, %dma_wait3A_303] : memref<10000x64xf32, #tpu.memory_space<hbm>> -> memref<10000x64xf32, #tpu.memory_space<hbm>>
    tpu.wait_indirect_dma semaphore(%arg18 : memref<!tpu.dma_semaphore, #tpu.memory_space<semaphore_mem>>) src(%dma_wait3A_304 : memref<10000x64xf32, #tpu.memory_space<hbm>>) dst(%arg24 : memref<128x64xf32, #tpu.memory_space<vmem>>)
    %dma_wait3A_305 = arith.constant 16 : i32
    %dma_wait3A_306 = arith.constant 0 : i32
    %dma_wait3A_307 = tpu.memref_slice %arg13[%dma_wait3A_305, %dma_wait3A_306] : memref<20x128xi32, #tpu.memory_space<vmem>> -> memref<1x128xi32, #tpu.memory_space<vmem>>
    %dma_wait3A_308 = tpu.memref_squeeze %dma_wait3A_307 : memref<1x128xi32, #tpu.memory_space<vmem>> -> memref<128xi32, #tpu.memory_space<vmem>>
    %dma_wait3A_309 = arith.constant 0 : i32
    %dma_wait3A_310 = arith.constant 0 : i32
    %dma_wait3A_311 = tpu.memref_slice %arg6[%dma_wait3A_309, %dma_wait3A_310] : memref<10000x64xf32, #tpu.memory_space<hbm>> -> memref<10000x64xf32, #tpu.memory_space<hbm>>
    tpu.wait_indirect_dma semaphore(%arg18 : memref<!tpu.dma_semaphore, #tpu.memory_space<semaphore_mem>>) src(%dma_wait3A_311 : memref<10000x64xf32, #tpu.memory_space<hbm>>) dst(%arg25 : memref<128x64xf32, #tpu.memory_space<vmem>>)
    %dma_wait3A_312 = arith.constant 17 : i32
    %dma_wait3A_313 = arith.constant 0 : i32
    %dma_wait3A_314 = tpu.memref_slice %arg13[%dma_wait3A_312, %dma_wait3A_313] : memref<20x128xi32, #tpu.memory_space<vmem>> -> memref<1x128xi32, #tpu.memory_space<vmem>>
    %dma_wait3A_315 = tpu.memref_squeeze %dma_wait3A_314 : memref<1x128xi32, #tpu.memory_space<vmem>> -> memref<128xi32, #tpu.memory_space<vmem>>
    %dma_wait3A_316 = arith.constant 0 : i32
    %dma_wait3A_317 = arith.constant 0 : i32
    %dma_wait3A_318 = tpu.memref_slice %arg6[%dma_wait3A_316, %dma_wait3A_317] : memref<10000x64xf32, #tpu.memory_space<hbm>> -> memref<10000x64xf32, #tpu.memory_space<hbm>>
    tpu.wait_indirect_dma semaphore(%arg18 : memref<!tpu.dma_semaphore, #tpu.memory_space<semaphore_mem>>) src(%dma_wait3A_318 : memref<10000x64xf32, #tpu.memory_space<hbm>>) dst(%arg26 : memref<128x64xf32, #tpu.memory_space<vmem>>)
    %dma_wait3A_319 = arith.constant 18 : i32
    %dma_wait3A_320 = arith.constant 0 : i32
    %dma_wait3A_321 = tpu.memref_slice %arg13[%dma_wait3A_319, %dma_wait3A_320] : memref<20x128xi32, #tpu.memory_space<vmem>> -> memref<1x128xi32, #tpu.memory_space<vmem>>
    %dma_wait3A_322 = tpu.memref_squeeze %dma_wait3A_321 : memref<1x128xi32, #tpu.memory_space<vmem>> -> memref<128xi32, #tpu.memory_space<vmem>>
    %dma_wait3A_323 = arith.constant 0 : i32
    %dma_wait3A_324 = arith.constant 0 : i32
    %dma_wait3A_325 = tpu.memref_slice %arg6[%dma_wait3A_323, %dma_wait3A_324] : memref<10000x64xf32, #tpu.memory_space<hbm>> -> memref<10000x64xf32, #tpu.memory_space<hbm>>
    tpu.wait_indirect_dma semaphore(%arg18 : memref<!tpu.dma_semaphore, #tpu.memory_space<semaphore_mem>>) src(%dma_wait3A_325 : memref<10000x64xf32, #tpu.memory_space<hbm>>) dst(%arg27 : memref<128x64xf32, #tpu.memory_space<vmem>>)
    %dma_wait3A_326 = arith.constant 19 : i32
    %dma_wait3A_327 = arith.constant 0 : i32
    %dma_wait3A_328 = tpu.memref_slice %arg13[%dma_wait3A_326, %dma_wait3A_327] : memref<20x128xi32, #tpu.memory_space<vmem>> -> memref<1x128xi32, #tpu.memory_space<vmem>>
    %dma_wait3A_329 = tpu.memref_squeeze %dma_wait3A_328 : memref<1x128xi32, #tpu.memory_space<vmem>> -> memref<128xi32, #tpu.memory_space<vmem>>
    %dma_wait3A_330 = arith.constant 0 : i32
    %dma_wait3A_331 = arith.constant 0 : i32
    %dma_wait3A_332 = tpu.memref_slice %arg6[%dma_wait3A_330, %dma_wait3A_331] : memref<10000x64xf32, #tpu.memory_space<hbm>> -> memref<10000x64xf32, #tpu.memory_space<hbm>>
    tpu.wait_indirect_dma semaphore(%arg18 : memref<!tpu.dma_semaphore, #tpu.memory_space<semaphore_mem>>) src(%dma_wait3A_332 : memref<10000x64xf32, #tpu.memory_space<hbm>>) dst(%arg28 : memref<128x64xf32, #tpu.memory_space<vmem>>)
    %scan3A_333 = arith.constant 0 : i32
    %scan3A_334 = arith.constant 0 : i32
    %scan3A_335 = arith.constant 128 : i32
    %scan3A_336 = arith.addi %scan3A_334, %scan3A_335 : i32
    %scan3A_337 = arith.constant 1 : i32
    scf.for %scan3A_614 = %scan3A_334 to %scan3A_336 step %scan3A_337  : i32 {
      %get3A = arith.index_cast %scan3A_614 : i32 to index
      %get3A_615 = arith.constant 0 : index
      %get3A_616 = tpu.vector_load %arg24[%get3A, %get3A_615] {strides = array<i32>} : memref<128x64xf32, #tpu.memory_space<vmem>>, vector<16xf32>,
      %get3A_617 = arith.index_cast %scan3A_614 : i32 to index
      %get3A_618 = arith.constant 0 : index
      %get3A_619 = tpu.vector_load %arg25[%get3A_617, %get3A_618] {strides = array<i32>} : memref<128x64xf32, #tpu.memory_space<vmem>>, vector<16xf32>,
      %add3A_620 = arith.addf %get3A_616, %get3A_619 : vector<16xf32>
      %get3A_621 = arith.index_cast %scan3A_614 : i32 to index
      %get3A_622 = arith.constant 0 : index
      %get3A_623 = tpu.vector_load %arg26[%get3A_621, %get3A_622] {strides = array<i32>} : memref<128x64xf32, #tpu.memory_space<vmem>>, vector<16xf32>,
      %add3A_624 = arith.addf %add3A_620, %get3A_623 : vector<16xf32>
      %get3A_625 = arith.index_cast %scan3A_614 : i32 to index
      %get3A_626 = arith.constant 0 : index
      %get3A_627 = tpu.vector_load %arg27[%get3A_625, %get3A_626] {strides = array<i32>} : memref<128x64xf32, #tpu.memory_space<vmem>>, vector<16xf32>,
      %add3A_628 = arith.addf %add3A_624, %get3A_627 : vector<16xf32>
      %get3A_629 = arith.index_cast %scan3A_614 : i32 to index
      %get3A_630 = arith.constant 0 : index
      %get3A_631 = tpu.vector_load %arg28[%get3A_629, %get3A_630] {strides = array<i32>} : memref<128x64xf32, #tpu.memory_space<vmem>>, vector<16xf32>,
      %add3A_632 = arith.addf %add3A_628, %get3A_631 : vector<16xf32>
      %get3A_633 = arith.index_cast %scan3A_614 : i32 to index
      %get3A_634 = arith.constant 0 : index
      %get3A_635 = tpu.vector_load %arg15[%get3A_633, %get3A_634] {strides = array<i32>} : memref<128x128xf32, #tpu.memory_space<vmem>>, vector<16xf32>,
      %add3A_636 = arith.addf %get3A_635, %add3A_632 : vector<16xf32>
      %swap3A = arith.index_cast %scan3A_614 : i32 to index
      %swap3A_637 = arith.constant 0 : index
      %swap3A_638 = tpu.vector_load %arg15[%swap3A, %swap3A_637] {strides = array<i32>} : memref<128x128xf32, #tpu.memory_space<vmem>>, vector<16xf32>,
      tpu.vector_store %arg15[%swap3A, %swap3A_637], %add3A_636 {strides = array<i32>} : memref<128x128xf32, #tpu.memory_space<vmem>>, vector<16xf32>,
      %get3A_639 = arith.index_cast %scan3A_614 : i32 to index
      %get3A_640 = arith.constant 16 : index
      %get3A_641 = tpu.vector_load %arg24[%get3A_639, %get3A_640] {strides = array<i32>} : memref<128x64xf32, #tpu.memory_space<vmem>>, vector<16xf32>,
      %get3A_642 = arith.index_cast %scan3A_614 : i32 to index
      %get3A_643 = arith.constant 16 : index
      %get3A_644 = tpu.vector_load %arg25[%get3A_642, %get3A_643] {strides = array<i32>} : memref<128x64xf32, #tpu.memory_space<vmem>>, vector<16xf32>,
      %add3A_645 = arith.addf %get3A_641, %get3A_644 : vector<16xf32>
      %get3A_646 = arith.index_cast %scan3A_614 : i32 to index
      %get3A_647 = arith.constant 16 : index
      %get3A_648 = tpu.vector_load %arg26[%get3A_646, %get3A_647] {strides = array<i32>} : memref<128x64xf32, #tpu.memory_space<vmem>>, vector<16xf32>,
      %add3A_649 = arith.addf %add3A_645, %get3A_648 : vector<16xf32>
      %get3A_650 = arith.index_cast %scan3A_614 : i32 to index
      %get3A_651 = arith.constant 16 : index
      %get3A_652 = tpu.vector_load %arg27[%get3A_650, %get3A_651] {strides = array<i32>} : memref<128x64xf32, #tpu.memory_space<vmem>>, vector<16xf32>,
      %add3A_653 = arith.addf %add3A_649, %get3A_652 : vector<16xf32>
      %get3A_654 = arith.index_cast %scan3A_614 : i32 to index
      %get3A_655 = arith.constant 16 : index
      %get3A_656 = tpu.vector_load %arg28[%get3A_654, %get3A_655] {strides = array<i32>} : memref<128x64xf32, #tpu.memory_space<vmem>>, vector<16xf32>,
      %add3A_657 = arith.addf %add3A_653, %get3A_656 : vector<16xf32>
      %get3A_658 = arith.index_cast %scan3A_614 : i32 to index
      %get3A_659 = arith.constant 16 : index
      %get3A_660 = tpu.vector_load %arg15[%get3A_658, %get3A_659] {strides = array<i32>} : memref<128x128xf32, #tpu.memory_space<vmem>>, vector<16xf32>,
      %add3A_661 = arith.addf %get3A_660, %add3A_657 : vector<16xf32>
      %swap3A_662 = arith.index_cast %scan3A_614 : i32 to index
      %swap3A_663 = arith.constant 16 : index
      %swap3A_664 = tpu.vector_load %arg15[%swap3A_662, %swap3A_663] {strides = array<i32>} : memref<128x128xf32, #tpu.memory_space<vmem>>, vector<16xf32>,
      tpu.vector_store %arg15[%swap3A_662, %swap3A_663], %add3A_661 {strides = array<i32>} : memref<128x128xf32, #tpu.memory_space<vmem>>, vector<16xf32>,
      %get3A_665 = arith.index_cast %scan3A_614 : i32 to index
      %get3A_666 = arith.constant 32 : index
      %get3A_667 = tpu.vector_load %arg24[%get3A_665, %get3A_666] {strides = array<i32>} : memref<128x64xf32, #tpu.memory_space<vmem>>, vector<16xf32>,
      %get3A_668 = arith.index_cast %scan3A_614 : i32 to index
      %get3A_669 = arith.constant 32 : index
      %get3A_670 = tpu.vector_load %arg25[%get3A_668, %get3A_669] {strides = array<i32>} : memref<128x64xf32, #tpu.memory_space<vmem>>, vector<16xf32>,
      %add3A_671 = arith.addf %get3A_667, %get3A_670 : vector<16xf32>
      %get3A_672 = arith.index_cast %scan3A_614 : i32 to index
      %get3A_673 = arith.constant 32 : index
      %get3A_674 = tpu.vector_load %arg26[%get3A_672, %get3A_673] {strides = array<i32>} : memref<128x64xf32, #tpu.memory_space<vmem>>, vector<16xf32>,
      %add3A_675 = arith.addf %add3A_671, %get3A_674 : vector<16xf32>
      %get3A_676 = arith.index_cast %scan3A_614 : i32 to index
      %get3A_677 = arith.constant 32 : index
      %get3A_678 = tpu.vector_load %arg27[%get3A_676, %get3A_677] {strides = array<i32>} : memref<128x64xf32, #tpu.memory_space<vmem>>, vector<16xf32>,
      %add3A_679 = arith.addf %add3A_675, %get3A_678 : vector<16xf32>
      %get3A_680 = arith.index_cast %scan3A_614 : i32 to index
      %get3A_681 = arith.constant 32 : index
      %get3A_682 = tpu.vector_load %arg28[%get3A_680, %get3A_681] {strides = array<i32>} : memref<128x64xf32, #tpu.memory_space<vmem>>, vector<16xf32>,
      %add3A_683 = arith.addf %add3A_679, %get3A_682 : vector<16xf32>
      %get3A_684 = arith.index_cast %scan3A_614 : i32 to index
      %get3A_685 = arith.constant 32 : index
      %get3A_686 = tpu.vector_load %arg15[%get3A_684, %get3A_685] {strides = array<i32>} : memref<128x128xf32, #tpu.memory_space<vmem>>, vector<16xf32>,
      %add3A_687 = arith.addf %get3A_686, %add3A_683 : vector<16xf32>
      %swap3A_688 = arith.index_cast %scan3A_614 : i32 to index
      %swap3A_689 = arith.constant 32 : index
      %swap3A_690 = tpu.vector_load %arg15[%swap3A_688, %swap3A_689] {strides = array<i32>} : memref<128x128xf32, #tpu.memory_space<vmem>>, vector<16xf32>,
      tpu.vector_store %arg15[%swap3A_688, %swap3A_689], %add3A_687 {strides = array<i32>} : memref<128x128xf32, #tpu.memory_space<vmem>>, vector<16xf32>,
      %get3A_691 = arith.index_cast %scan3A_614 : i32 to index
      %get3A_692 = arith.constant 48 : index
      %get3A_693 = tpu.vector_load %arg24[%get3A_691, %get3A_692] {strides = array<i32>} : memref<128x64xf32, #tpu.memory_space<vmem>>, vector<16xf32>,
      %get3A_694 = arith.index_cast %scan3A_614 : i32 to index
      %get3A_695 = arith.constant 48 : index
      %get3A_696 = tpu.vector_load %arg25[%get3A_694, %get3A_695] {strides = array<i32>} : memref<128x64xf32, #tpu.memory_space<vmem>>, vector<16xf32>,
      %add3A_697 = arith.addf %get3A_693, %get3A_696 : vector<16xf32>
      %get3A_698 = arith.index_cast %scan3A_614 : i32 to index
      %get3A_699 = arith.constant 48 : index
      %get3A_700 = tpu.vector_load %arg26[%get3A_698, %get3A_699] {strides = array<i32>} : memref<128x64xf32, #tpu.memory_space<vmem>>, vector<16xf32>,
      %add3A_701 = arith.addf %add3A_697, %get3A_700 : vector<16xf32>
      %get3A_702 = arith.index_cast %scan3A_614 : i32 to index
      %get3A_703 = arith.constant 48 : index
      %get3A_704 = tpu.vector_load %arg27[%get3A_702, %get3A_703] {strides = array<i32>} : memref<128x64xf32, #tpu.memory_space<vmem>>, vector<16xf32>,
      %add3A_705 = arith.addf %add3A_701, %get3A_704 : vector<16xf32>
      %get3A_706 = arith.index_cast %scan3A_614 : i32 to index
      %get3A_707 = arith.constant 48 : index
      %get3A_708 = tpu.vector_load %arg28[%get3A_706, %get3A_707] {strides = array<i32>} : memref<128x64xf32, #tpu.memory_space<vmem>>, vector<16xf32>,
      %add3A_709 = arith.addf %add3A_705, %get3A_708 : vector<16xf32>
      %get3A_710 = arith.index_cast %scan3A_614 : i32 to index
      %get3A_711 = arith.constant 48 : index
      %get3A_712 = tpu.vector_load %arg15[%get3A_710, %get3A_711] {strides = array<i32>} : memref<128x128xf32, #tpu.memory_space<vmem>>, vector<16xf32>,
      %add3A_713 = arith.addf %get3A_712, %add3A_709 : vector<16xf32>
      %swap3A_714 = arith.index_cast %scan3A_614 : i32 to index
      %swap3A_715 = arith.constant 48 : index
      %swap3A_716 = tpu.vector_load %arg15[%swap3A_714, %swap3A_715] {strides = array<i32>} : memref<128x128xf32, #tpu.memory_space<vmem>>, vector<16xf32>,
      tpu.vector_store %arg15[%swap3A_714, %swap3A_715], %add3A_713 {strides = array<i32>} : memref<128x128xf32, #tpu.memory_space<vmem>>, vector<16xf32>,
    }
    %scan3A_338 = arith.constant 128 : i32
    %dma_start3A_339 = arith.constant 5 : i32
    %dma_start3A_340 = arith.constant 0 : i32
    %dma_start3A_341 = tpu.memref_slice %arg14[%dma_start3A_339, %dma_start3A_340] : memref<20x128xi32, #tpu.memory_space<vmem>> -> memref<1x128xi32, #tpu.memory_space<vmem>>
    %dma_start3A_342 = tpu.memref_squeeze %dma_start3A_341 : memref<1x128xi32, #tpu.memory_space<vmem>> -> memref<128xi32, #tpu.memory_space<vmem>>
    %dma_start3A_343 = arith.constant 0 : i32
    %dma_start3A_344 = arith.constant 0 : i32
    %dma_start3A_345 = tpu.memref_slice %arg6[%dma_start3A_343, %dma_start3A_344] : memref<10000x64xf32, #tpu.memory_space<hbm>> -> memref<10000x64xf32, #tpu.memory_space<hbm>>
    tpu.enqueue_indirect_dma source(%dma_start3A_345 : memref<10000x64xf32, #tpu.memory_space<hbm>>) target(%arg24 : memref<128x64xf32, #tpu.memory_space<vmem>>) offsets(%dma_start3A_342 : memref<128xi32, #tpu.memory_space<vmem>>) semaphore(%arg18 : memref<!tpu.dma_semaphore, #tpu.memory_space<semaphore_mem>>)
    %dma_start3A_346 = arith.constant 6 : i32
    %dma_start3A_347 = arith.constant 0 : i32
    %dma_start3A_348 = tpu.memref_slice %arg14[%dma_start3A_346, %dma_start3A_347] : memref<20x128xi32, #tpu.memory_space<vmem>> -> memref<1x128xi32, #tpu.memory_space<vmem>>
    %dma_start3A_349 = tpu.memref_squeeze %dma_start3A_348 : memref<1x128xi32, #tpu.memory_space<vmem>> -> memref<128xi32, #tpu.memory_space<vmem>>
    %dma_start3A_350 = arith.constant 0 : i32
    %dma_start3A_351 = arith.constant 0 : i32
    %dma_start3A_352 = tpu.memref_slice %arg6[%dma_start3A_350, %dma_start3A_351] : memref<10000x64xf32, #tpu.memory_space<hbm>> -> memref<10000x64xf32, #tpu.memory_space<hbm>>
    tpu.enqueue_indirect_dma source(%dma_start3A_352 : memref<10000x64xf32, #tpu.memory_space<hbm>>) target(%arg25 : memref<128x64xf32, #tpu.memory_space<vmem>>) offsets(%dma_start3A_349 : memref<128xi32, #tpu.memory_space<vmem>>) semaphore(%arg18 : memref<!tpu.dma_semaphore, #tpu.memory_space<semaphore_mem>>)
    %dma_start3A_353 = arith.constant 7 : i32
    %dma_start3A_354 = arith.constant 0 : i32
    %dma_start3A_355 = tpu.memref_slice %arg14[%dma_start3A_353, %dma_start3A_354] : memref<20x128xi32, #tpu.memory_space<vmem>> -> memref<1x128xi32, #tpu.memory_space<vmem>>
    %dma_start3A_356 = tpu.memref_squeeze %dma_start3A_355 : memref<1x128xi32, #tpu.memory_space<vmem>> -> memref<128xi32, #tpu.memory_space<vmem>>
    %dma_start3A_357 = arith.constant 0 : i32
    %dma_start3A_358 = arith.constant 0 : i32
    %dma_start3A_359 = tpu.memref_slice %arg6[%dma_start3A_357, %dma_start3A_358] : memref<10000x64xf32, #tpu.memory_space<hbm>> -> memref<10000x64xf32, #tpu.memory_space<hbm>>
    tpu.enqueue_indirect_dma source(%dma_start3A_359 : memref<10000x64xf32, #tpu.memory_space<hbm>>) target(%arg26 : memref<128x64xf32, #tpu.memory_space<vmem>>) offsets(%dma_start3A_356 : memref<128xi32, #tpu.memory_space<vmem>>) semaphore(%arg18 : memref<!tpu.dma_semaphore, #tpu.memory_space<semaphore_mem>>)
    %dma_start3A_360 = arith.constant 8 : i32
    %dma_start3A_361 = arith.constant 0 : i32
    %dma_start3A_362 = tpu.memref_slice %arg14[%dma_start3A_360, %dma_start3A_361] : memref<20x128xi32, #tpu.memory_space<vmem>> -> memref<1x128xi32, #tpu.memory_space<vmem>>
    %dma_start3A_363 = tpu.memref_squeeze %dma_start3A_362 : memref<1x128xi32, #tpu.memory_space<vmem>> -> memref<128xi32, #tpu.memory_space<vmem>>
    %dma_start3A_364 = arith.constant 0 : i32
    %dma_start3A_365 = arith.constant 0 : i32
    %dma_start3A_366 = tpu.memref_slice %arg6[%dma_start3A_364, %dma_start3A_365] : memref<10000x64xf32, #tpu.memory_space<hbm>> -> memref<10000x64xf32, #tpu.memory_space<hbm>>
    tpu.enqueue_indirect_dma source(%dma_start3A_366 : memref<10000x64xf32, #tpu.memory_space<hbm>>) target(%arg27 : memref<128x64xf32, #tpu.memory_space<vmem>>) offsets(%dma_start3A_363 : memref<128xi32, #tpu.memory_space<vmem>>) semaphore(%arg18 : memref<!tpu.dma_semaphore, #tpu.memory_space<semaphore_mem>>)
    %dma_start3A_367 = arith.constant 9 : i32
    %dma_start3A_368 = arith.constant 0 : i32
    %dma_start3A_369 = tpu.memref_slice %arg14[%dma_start3A_367, %dma_start3A_368] : memref<20x128xi32, #tpu.memory_space<vmem>> -> memref<1x128xi32, #tpu.memory_space<vmem>>
    %dma_start3A_370 = tpu.memref_squeeze %dma_start3A_369 : memref<1x128xi32, #tpu.memory_space<vmem>> -> memref<128xi32, #tpu.memory_space<vmem>>
    %dma_start3A_371 = arith.constant 0 : i32
    %dma_start3A_372 = arith.constant 0 : i32
    %dma_start3A_373 = tpu.memref_slice %arg6[%dma_start3A_371, %dma_start3A_372] : memref<10000x64xf32, #tpu.memory_space<hbm>> -> memref<10000x64xf32, #tpu.memory_space<hbm>>
    tpu.enqueue_indirect_dma source(%dma_start3A_373 : memref<10000x64xf32, #tpu.memory_space<hbm>>) target(%arg28 : memref<128x64xf32, #tpu.memory_space<vmem>>) offsets(%dma_start3A_370 : memref<128xi32, #tpu.memory_space<vmem>>) semaphore(%arg18 : memref<!tpu.dma_semaphore, #tpu.memory_space<semaphore_mem>>)
    %dma_wait3A_374 = arith.constant 0 : i32
    %dma_wait3A_375 = arith.constant 0 : i32
    %dma_wait3A_376 = tpu.memref_slice %arg14[%dma_wait3A_374, %dma_wait3A_375] : memref<20x128xi32, #tpu.memory_space<vmem>> -> memref<1x128xi32, #tpu.memory_space<vmem>>
    %dma_wait3A_377 = tpu.memref_squeeze %dma_wait3A_376 : memref<1x128xi32, #tpu.memory_space<vmem>> -> memref<128xi32, #tpu.memory_space<vmem>>
    %dma_wait3A_378 = arith.constant 0 : i32
    %dma_wait3A_379 = arith.constant 0 : i32
    %dma_wait3A_380 = tpu.memref_slice %arg6[%dma_wait3A_378, %dma_wait3A_379] : memref<10000x64xf32, #tpu.memory_space<hbm>> -> memref<10000x64xf32, #tpu.memory_space<hbm>>
    tpu.wait_indirect_dma semaphore(%arg17 : memref<!tpu.dma_semaphore, #tpu.memory_space<semaphore_mem>>) src(%dma_wait3A_380 : memref<10000x64xf32, #tpu.memory_space<hbm>>) dst(%arg19 : memref<128x64xf32, #tpu.memory_space<vmem>>)
    %dma_wait3A_381 = arith.constant 1 : i32
    %dma_wait3A_382 = arith.constant 0 : i32
    %dma_wait3A_383 = tpu.memref_slice %arg14[%dma_wait3A_381, %dma_wait3A_382] : memref<20x128xi32, #tpu.memory_space<vmem>> -> memref<1x128xi32, #tpu.memory_space<vmem>>
    %dma_wait3A_384 = tpu.memref_squeeze %dma_wait3A_383 : memref<1x128xi32, #tpu.memory_space<vmem>> -> memref<128xi32, #tpu.memory_space<vmem>>
    %dma_wait3A_385 = arith.constant 0 : i32
    %dma_wait3A_386 = arith.constant 0 : i32
    %dma_wait3A_387 = tpu.memref_slice %arg6[%dma_wait3A_385, %dma_wait3A_386] : memref<10000x64xf32, #tpu.memory_space<hbm>> -> memref<10000x64xf32, #tpu.memory_space<hbm>>
    tpu.wait_indirect_dma semaphore(%arg17 : memref<!tpu.dma_semaphore, #tpu.memory_space<semaphore_mem>>) src(%dma_wait3A_387 : memref<10000x64xf32, #tpu.memory_space<hbm>>) dst(%arg20 : memref<128x64xf32, #tpu.memory_space<vmem>>)
    %dma_wait3A_388 = arith.constant 2 : i32
    %dma_wait3A_389 = arith.constant 0 : i32
    %dma_wait3A_390 = tpu.memref_slice %arg14[%dma_wait3A_388, %dma_wait3A_389] : memref<20x128xi32, #tpu.memory_space<vmem>> -> memref<1x128xi32, #tpu.memory_space<vmem>>
    %dma_wait3A_391 = tpu.memref_squeeze %dma_wait3A_390 : memref<1x128xi32, #tpu.memory_space<vmem>> -> memref<128xi32, #tpu.memory_space<vmem>>
    %dma_wait3A_392 = arith.constant 0 : i32
    %dma_wait3A_393 = arith.constant 0 : i32
    %dma_wait3A_394 = tpu.memref_slice %arg6[%dma_wait3A_392, %dma_wait3A_393] : memref<10000x64xf32, #tpu.memory_space<hbm>> -> memref<10000x64xf32, #tpu.memory_space<hbm>>
    tpu.wait_indirect_dma semaphore(%arg17 : memref<!tpu.dma_semaphore, #tpu.memory_space<semaphore_mem>>) src(%dma_wait3A_394 : memref<10000x64xf32, #tpu.memory_space<hbm>>) dst(%arg21 : memref<128x64xf32, #tpu.memory_space<vmem>>)
    %dma_wait3A_395 = arith.constant 3 : i32
    %dma_wait3A_396 = arith.constant 0 : i32
    %dma_wait3A_397 = tpu.memref_slice %arg14[%dma_wait3A_395, %dma_wait3A_396] : memref<20x128xi32, #tpu.memory_space<vmem>> -> memref<1x128xi32, #tpu.memory_space<vmem>>
    %dma_wait3A_398 = tpu.memref_squeeze %dma_wait3A_397 : memref<1x128xi32, #tpu.memory_space<vmem>> -> memref<128xi32, #tpu.memory_space<vmem>>
    %dma_wait3A_399 = arith.constant 0 : i32
    %dma_wait3A_400 = arith.constant 0 : i32
    %dma_wait3A_401 = tpu.memref_slice %arg6[%dma_wait3A_399, %dma_wait3A_400] : memref<10000x64xf32, #tpu.memory_space<hbm>> -> memref<10000x64xf32, #tpu.memory_space<hbm>>
    tpu.wait_indirect_dma semaphore(%arg17 : memref<!tpu.dma_semaphore, #tpu.memory_space<semaphore_mem>>) src(%dma_wait3A_401 : memref<10000x64xf32, #tpu.memory_space<hbm>>) dst(%arg22 : memref<128x64xf32, #tpu.memory_space<vmem>>)
    %dma_wait3A_402 = arith.constant 4 : i32
    %dma_wait3A_403 = arith.constant 0 : i32
    %dma_wait3A_404 = tpu.memref_slice %arg14[%dma_wait3A_402, %dma_wait3A_403] : memref<20x128xi32, #tpu.memory_space<vmem>> -> memref<1x128xi32, #tpu.memory_space<vmem>>
    %dma_wait3A_405 = tpu.memref_squeeze %dma_wait3A_404 : memref<1x128xi32, #tpu.memory_space<vmem>> -> memref<128xi32, #tpu.memory_space<vmem>>
    %dma_wait3A_406 = arith.constant 0 : i32
    %dma_wait3A_407 = arith.constant 0 : i32
    %dma_wait3A_408 = tpu.memref_slice %arg6[%dma_wait3A_406, %dma_wait3A_407] : memref<10000x64xf32, #tpu.memory_space<hbm>> -> memref<10000x64xf32, #tpu.memory_space<hbm>>
    tpu.wait_indirect_dma semaphore(%arg17 : memref<!tpu.dma_semaphore, #tpu.memory_space<semaphore_mem>>) src(%dma_wait3A_408 : memref<10000x64xf32, #tpu.memory_space<hbm>>) dst(%arg23 : memref<128x64xf32, #tpu.memory_space<vmem>>)
    %scan3A_409 = arith.constant 0 : i32
    %scan3A_410 = arith.constant 0 : i32
    %scan3A_411 = arith.constant 128 : i32
    %scan3A_412 = arith.addi %scan3A_410, %scan3A_411 : i32
    %scan3A_413 = arith.constant 1 : i32
    scf.for %scan3A_614 = %scan3A_410 to %scan3A_412 step %scan3A_413  : i32 {
      %get3A = arith.index_cast %scan3A_614 : i32 to index
      %get3A_615 = arith.constant 0 : index
      %get3A_616 = tpu.vector_load %arg19[%get3A, %get3A_615] {strides = array<i32>} : memref<128x64xf32, #tpu.memory_space<vmem>>, vector<16xf32>,
      %get3A_617 = arith.index_cast %scan3A_614 : i32 to index
      %get3A_618 = arith.constant 0 : index
      %get3A_619 = tpu.vector_load %arg20[%get3A_617, %get3A_618] {strides = array<i32>} : memref<128x64xf32, #tpu.memory_space<vmem>>, vector<16xf32>,
      %add3A_620 = arith.addf %get3A_616, %get3A_619 : vector<16xf32>
      %get3A_621 = arith.index_cast %scan3A_614 : i32 to index
      %get3A_622 = arith.constant 0 : index
      %get3A_623 = tpu.vector_load %arg21[%get3A_621, %get3A_622] {strides = array<i32>} : memref<128x64xf32, #tpu.memory_space<vmem>>, vector<16xf32>,
      %add3A_624 = arith.addf %add3A_620, %get3A_623 : vector<16xf32>
      %get3A_625 = arith.index_cast %scan3A_614 : i32 to index
      %get3A_626 = arith.constant 0 : index
      %get3A_627 = tpu.vector_load %arg22[%get3A_625, %get3A_626] {strides = array<i32>} : memref<128x64xf32, #tpu.memory_space<vmem>>, vector<16xf32>,
      %add3A_628 = arith.addf %add3A_624, %get3A_627 : vector<16xf32>
      %get3A_629 = arith.index_cast %scan3A_614 : i32 to index
      %get3A_630 = arith.constant 0 : index
      %get3A_631 = tpu.vector_load %arg23[%get3A_629, %get3A_630] {strides = array<i32>} : memref<128x64xf32, #tpu.memory_space<vmem>>, vector<16xf32>,
      %add3A_632 = arith.addf %add3A_628, %get3A_631 : vector<16xf32>
      %swap3A = arith.index_cast %scan3A_614 : i32 to index
      %swap3A_633 = arith.constant 64 : index
      %swap3A_634 = tpu.vector_load %arg15[%swap3A, %swap3A_633] {strides = array<i32>} : memref<128x128xf32, #tpu.memory_space<vmem>>, vector<16xf32>,
      tpu.vector_store %arg15[%swap3A, %swap3A_633], %add3A_632 {strides = array<i32>} : memref<128x128xf32, #tpu.memory_space<vmem>>, vector<16xf32>,
      %get3A_635 = arith.index_cast %scan3A_614 : i32 to index
      %get3A_636 = arith.constant 16 : index
      %get3A_637 = tpu.vector_load %arg19[%get3A_635, %get3A_636] {strides = array<i32>} : memref<128x64xf32, #tpu.memory_space<vmem>>, vector<16xf32>,
      %get3A_638 = arith.index_cast %scan3A_614 : i32 to index
      %get3A_639 = arith.constant 16 : index
      %get3A_640 = tpu.vector_load %arg20[%get3A_638, %get3A_639] {strides = array<i32>} : memref<128x64xf32, #tpu.memory_space<vmem>>, vector<16xf32>,
      %add3A_641 = arith.addf %get3A_637, %get3A_640 : vector<16xf32>
      %get3A_642 = arith.index_cast %scan3A_614 : i32 to index
      %get3A_643 = arith.constant 16 : index
      %get3A_644 = tpu.vector_load %arg21[%get3A_642, %get3A_643] {strides = array<i32>} : memref<128x64xf32, #tpu.memory_space<vmem>>, vector<16xf32>,
      %add3A_645 = arith.addf %add3A_641, %get3A_644 : vector<16xf32>
      %get3A_646 = arith.index_cast %scan3A_614 : i32 to index
      %get3A_647 = arith.constant 16 : index
      %get3A_648 = tpu.vector_load %arg22[%get3A_646, %get3A_647] {strides = array<i32>} : memref<128x64xf32, #tpu.memory_space<vmem>>, vector<16xf32>,
      %add3A_649 = arith.addf %add3A_645, %get3A_648 : vector<16xf32>
      %get3A_650 = arith.index_cast %scan3A_614 : i32 to index
      %get3A_651 = arith.constant 16 : index
      %get3A_652 = tpu.vector_load %arg23[%get3A_650, %get3A_651] {strides = array<i32>} : memref<128x64xf32, #tpu.memory_space<vmem>>, vector<16xf32>,
      %add3A_653 = arith.addf %add3A_649, %get3A_652 : vector<16xf32>
      %swap3A_654 = arith.index_cast %scan3A_614 : i32 to index
      %swap3A_655 = arith.constant 80 : index
      %swap3A_656 = tpu.vector_load %arg15[%swap3A_654, %swap3A_655] {strides = array<i32>} : memref<128x128xf32, #tpu.memory_space<vmem>>, vector<16xf32>,
      tpu.vector_store %arg15[%swap3A_654, %swap3A_655], %add3A_653 {strides = array<i32>} : memref<128x128xf32, #tpu.memory_space<vmem>>, vector<16xf32>,
      %get3A_657 = arith.index_cast %scan3A_614 : i32 to index
      %get3A_658 = arith.constant 32 : index
      %get3A_659 = tpu.vector_load %arg19[%get3A_657, %get3A_658] {strides = array<i32>} : memref<128x64xf32, #tpu.memory_space<vmem>>, vector<16xf32>,
      %get3A_660 = arith.index_cast %scan3A_614 : i32 to index
      %get3A_661 = arith.constant 32 : index
      %get3A_662 = tpu.vector_load %arg20[%get3A_660, %get3A_661] {strides = array<i32>} : memref<128x64xf32, #tpu.memory_space<vmem>>, vector<16xf32>,
      %add3A_663 = arith.addf %get3A_659, %get3A_662 : vector<16xf32>
      %get3A_664 = arith.index_cast %scan3A_614 : i32 to index
      %get3A_665 = arith.constant 32 : index
      %get3A_666 = tpu.vector_load %arg21[%get3A_664, %get3A_665] {strides = array<i32>} : memref<128x64xf32, #tpu.memory_space<vmem>>, vector<16xf32>,
      %add3A_667 = arith.addf %add3A_663, %get3A_666 : vector<16xf32>
      %get3A_668 = arith.index_cast %scan3A_614 : i32 to index
      %get3A_669 = arith.constant 32 : index
      %get3A_670 = tpu.vector_load %arg22[%get3A_668, %get3A_669] {strides = array<i32>} : memref<128x64xf32, #tpu.memory_space<vmem>>, vector<16xf32>,
      %add3A_671 = arith.addf %add3A_667, %get3A_670 : vector<16xf32>
      %get3A_672 = arith.index_cast %scan3A_614 : i32 to index
      %get3A_673 = arith.constant 32 : index
      %get3A_674 = tpu.vector_load %arg23[%get3A_672, %get3A_673] {strides = array<i32>} : memref<128x64xf32, #tpu.memory_space<vmem>>, vector<16xf32>,
      %add3A_675 = arith.addf %add3A_671, %get3A_674 : vector<16xf32>
      %swap3A_676 = arith.index_cast %scan3A_614 : i32 to index
      %swap3A_677 = arith.constant 96 : index
      %swap3A_678 = tpu.vector_load %arg15[%swap3A_676, %swap3A_677] {strides = array<i32>} : memref<128x128xf32, #tpu.memory_space<vmem>>, vector<16xf32>,
      tpu.vector_store %arg15[%swap3A_676, %swap3A_677], %add3A_675 {strides = array<i32>} : memref<128x128xf32, #tpu.memory_space<vmem>>, vector<16xf32>,
      %get3A_679 = arith.index_cast %scan3A_614 : i32 to index
      %get3A_680 = arith.constant 48 : index
      %get3A_681 = tpu.vector_load %arg19[%get3A_679, %get3A_680] {strides = array<i32>} : memref<128x64xf32, #tpu.memory_space<vmem>>, vector<16xf32>,
      %get3A_682 = arith.index_cast %scan3A_614 : i32 to index
      %get3A_683 = arith.constant 48 : index
      %get3A_684 = tpu.vector_load %arg20[%get3A_682, %get3A_683] {strides = array<i32>} : memref<128x64xf32, #tpu.memory_space<vmem>>, vector<16xf32>,
      %add3A_685 = arith.addf %get3A_681, %get3A_684 : vector<16xf32>
      %get3A_686 = arith.index_cast %scan3A_614 : i32 to index
      %get3A_687 = arith.constant 48 : index
      %get3A_688 = tpu.vector_load %arg21[%get3A_686, %get3A_687] {strides = array<i32>} : memref<128x64xf32, #tpu.memory_space<vmem>>, vector<16xf32>,
      %add3A_689 = arith.addf %add3A_685, %get3A_688 : vector<16xf32>
      %get3A_690 = arith.index_cast %scan3A_614 : i32 to index
      %get3A_691 = arith.constant 48 : index
      %get3A_692 = tpu.vector_load %arg22[%get3A_690, %get3A_691] {strides = array<i32>} : memref<128x64xf32, #tpu.memory_space<vmem>>, vector<16xf32>,
      %add3A_693 = arith.addf %add3A_689, %get3A_692 : vector<16xf32>
      %get3A_694 = arith.index_cast %scan3A_614 : i32 to index
      %get3A_695 = arith.constant 48 : index
      %get3A_696 = tpu.vector_load %arg23[%get3A_694, %get3A_695] {strides = array<i32>} : memref<128x64xf32, #tpu.memory_space<vmem>>, vector<16xf32>,
      %add3A_697 = arith.addf %add3A_693, %get3A_696 : vector<16xf32>
      %swap3A_698 = arith.index_cast %scan3A_614 : i32 to index
      %swap3A_699 = arith.constant 112 : index
      %swap3A_700 = tpu.vector_load %arg15[%swap3A_698, %swap3A_699] {strides = array<i32>} : memref<128x128xf32, #tpu.memory_space<vmem>>, vector<16xf32>,
      tpu.vector_store %arg15[%swap3A_698, %swap3A_699], %add3A_697 {strides = array<i32>} : memref<128x128xf32, #tpu.memory_space<vmem>>, vector<16xf32>,
    }
    %scan3A_414 = arith.constant 128 : i32
    %dma_start3A_415 = arith.constant 10 : i32
    %dma_start3A_416 = arith.constant 0 : i32
    %dma_start3A_417 = tpu.memref_slice %arg14[%dma_start3A_415, %dma_start3A_416] : memref<20x128xi32, #tpu.memory_space<vmem>> -> memref<1x128xi32, #tpu.memory_space<vmem>>
    %dma_start3A_418 = tpu.memref_squeeze %dma_start3A_417 : memref<1x128xi32, #tpu.memory_space<vmem>> -> memref<128xi32, #tpu.memory_space<vmem>>
    %dma_start3A_419 = arith.constant 0 : i32
    %dma_start3A_420 = arith.constant 0 : i32
    %dma_start3A_421 = tpu.memref_slice %arg6[%dma_start3A_419, %dma_start3A_420] : memref<10000x64xf32, #tpu.memory_space<hbm>> -> memref<10000x64xf32, #tpu.memory_space<hbm>>
    tpu.enqueue_indirect_dma source(%dma_start3A_421 : memref<10000x64xf32, #tpu.memory_space<hbm>>) target(%arg19 : memref<128x64xf32, #tpu.memory_space<vmem>>) offsets(%dma_start3A_418 : memref<128xi32, #tpu.memory_space<vmem>>) semaphore(%arg17 : memref<!tpu.dma_semaphore, #tpu.memory_space<semaphore_mem>>)
    %dma_start3A_422 = arith.constant 11 : i32
    %dma_start3A_423 = arith.constant 0 : i32
    %dma_start3A_424 = tpu.memref_slice %arg14[%dma_start3A_422, %dma_start3A_423] : memref<20x128xi32, #tpu.memory_space<vmem>> -> memref<1x128xi32, #tpu.memory_space<vmem>>
    %dma_start3A_425 = tpu.memref_squeeze %dma_start3A_424 : memref<1x128xi32, #tpu.memory_space<vmem>> -> memref<128xi32, #tpu.memory_space<vmem>>
    %dma_start3A_426 = arith.constant 0 : i32
    %dma_start3A_427 = arith.constant 0 : i32
    %dma_start3A_428 = tpu.memref_slice %arg6[%dma_start3A_426, %dma_start3A_427] : memref<10000x64xf32, #tpu.memory_space<hbm>> -> memref<10000x64xf32, #tpu.memory_space<hbm>>
    tpu.enqueue_indirect_dma source(%dma_start3A_428 : memref<10000x64xf32, #tpu.memory_space<hbm>>) target(%arg20 : memref<128x64xf32, #tpu.memory_space<vmem>>) offsets(%dma_start3A_425 : memref<128xi32, #tpu.memory_space<vmem>>) semaphore(%arg17 : memref<!tpu.dma_semaphore, #tpu.memory_space<semaphore_mem>>)
    %dma_start3A_429 = arith.constant 12 : i32
    %dma_start3A_430 = arith.constant 0 : i32
    %dma_start3A_431 = tpu.memref_slice %arg14[%dma_start3A_429, %dma_start3A_430] : memref<20x128xi32, #tpu.memory_space<vmem>> -> memref<1x128xi32, #tpu.memory_space<vmem>>
    %dma_start3A_432 = tpu.memref_squeeze %dma_start3A_431 : memref<1x128xi32, #tpu.memory_space<vmem>> -> memref<128xi32, #tpu.memory_space<vmem>>
    %dma_start3A_433 = arith.constant 0 : i32
    %dma_start3A_434 = arith.constant 0 : i32
    %dma_start3A_435 = tpu.memref_slice %arg6[%dma_start3A_433, %dma_start3A_434] : memref<10000x64xf32, #tpu.memory_space<hbm>> -> memref<10000x64xf32, #tpu.memory_space<hbm>>
    tpu.enqueue_indirect_dma source(%dma_start3A_435 : memref<10000x64xf32, #tpu.memory_space<hbm>>) target(%arg21 : memref<128x64xf32, #tpu.memory_space<vmem>>) offsets(%dma_start3A_432 : memref<128xi32, #tpu.memory_space<vmem>>) semaphore(%arg17 : memref<!tpu.dma_semaphore, #tpu.memory_space<semaphore_mem>>)
    %dma_start3A_436 = arith.constant 13 : i32
    %dma_start3A_437 = arith.constant 0 : i32
    %dma_start3A_438 = tpu.memref_slice %arg14[%dma_start3A_436, %dma_start3A_437] : memref<20x128xi32, #tpu.memory_space<vmem>> -> memref<1x128xi32, #tpu.memory_space<vmem>>
    %dma_start3A_439 = tpu.memref_squeeze %dma_start3A_438 : memref<1x128xi32, #tpu.memory_space<vmem>> -> memref<128xi32, #tpu.memory_space<vmem>>
    %dma_start3A_440 = arith.constant 0 : i32
    %dma_start3A_441 = arith.constant 0 : i32
    %dma_start3A_442 = tpu.memref_slice %arg6[%dma_start3A_440, %dma_start3A_441] : memref<10000x64xf32, #tpu.memory_space<hbm>> -> memref<10000x64xf32, #tpu.memory_space<hbm>>
    tpu.enqueue_indirect_dma source(%dma_start3A_442 : memref<10000x64xf32, #tpu.memory_space<hbm>>) target(%arg22 : memref<128x64xf32, #tpu.memory_space<vmem>>) offsets(%dma_start3A_439 : memref<128xi32, #tpu.memory_space<vmem>>) semaphore(%arg17 : memref<!tpu.dma_semaphore, #tpu.memory_space<semaphore_mem>>)
    %dma_start3A_443 = arith.constant 14 : i32
    %dma_start3A_444 = arith.constant 0 : i32
    %dma_start3A_445 = tpu.memref_slice %arg14[%dma_start3A_443, %dma_start3A_444] : memref<20x128xi32, #tpu.memory_space<vmem>> -> memref<1x128xi32, #tpu.memory_space<vmem>>
    %dma_start3A_446 = tpu.memref_squeeze %dma_start3A_445 : memref<1x128xi32, #tpu.memory_space<vmem>> -> memref<128xi32, #tpu.memory_space<vmem>>
    %dma_start3A_447 = arith.constant 0 : i32
    %dma_start3A_448 = arith.constant 0 : i32
    %dma_start3A_449 = tpu.memref_slice %arg6[%dma_start3A_447, %dma_start3A_448] : memref<10000x64xf32, #tpu.memory_space<hbm>> -> memref<10000x64xf32, #tpu.memory_space<hbm>>
    tpu.enqueue_indirect_dma source(%dma_start3A_449 : memref<10000x64xf32, #tpu.memory_space<hbm>>) target(%arg23 : memref<128x64xf32, #tpu.memory_space<vmem>>) offsets(%dma_start3A_446 : memref<128xi32, #tpu.memory_space<vmem>>) semaphore(%arg17 : memref<!tpu.dma_semaphore, #tpu.memory_space<semaphore_mem>>)
    %dma_wait3A_450 = arith.constant 5 : i32
    %dma_wait3A_451 = arith.constant 0 : i32
    %dma_wait3A_452 = tpu.memref_slice %arg14[%dma_wait3A_450, %dma_wait3A_451] : memref<20x128xi32, #tpu.memory_space<vmem>> -> memref<1x128xi32, #tpu.memory_space<vmem>>
    %dma_wait3A_453 = tpu.memref_squeeze %dma_wait3A_452 : memref<1x128xi32, #tpu.memory_space<vmem>> -> memref<128xi32, #tpu.memory_space<vmem>>
    %dma_wait3A_454 = arith.constant 0 : i32
    %dma_wait3A_455 = arith.constant 0 : i32
    %dma_wait3A_456 = tpu.memref_slice %arg6[%dma_wait3A_454, %dma_wait3A_455] : memref<10000x64xf32, #tpu.memory_space<hbm>> -> memref<10000x64xf32, #tpu.memory_space<hbm>>
    tpu.wait_indirect_dma semaphore(%arg18 : memref<!tpu.dma_semaphore, #tpu.memory_space<semaphore_mem>>) src(%dma_wait3A_456 : memref<10000x64xf32, #tpu.memory_space<hbm>>) dst(%arg24 : memref<128x64xf32, #tpu.memory_space<vmem>>)
    %dma_wait3A_457 = arith.constant 6 : i32
    %dma_wait3A_458 = arith.constant 0 : i32
    %dma_wait3A_459 = tpu.memref_slice %arg14[%dma_wait3A_457, %dma_wait3A_458] : memref<20x128xi32, #tpu.memory_space<vmem>> -> memref<1x128xi32, #tpu.memory_space<vmem>>
    %dma_wait3A_460 = tpu.memref_squeeze %dma_wait3A_459 : memref<1x128xi32, #tpu.memory_space<vmem>> -> memref<128xi32, #tpu.memory_space<vmem>>
    %dma_wait3A_461 = arith.constant 0 : i32
    %dma_wait3A_462 = arith.constant 0 : i32
    %dma_wait3A_463 = tpu.memref_slice %arg6[%dma_wait3A_461, %dma_wait3A_462] : memref<10000x64xf32, #tpu.memory_space<hbm>> -> memref<10000x64xf32, #tpu.memory_space<hbm>>
    tpu.wait_indirect_dma semaphore(%arg18 : memref<!tpu.dma_semaphore, #tpu.memory_space<semaphore_mem>>) src(%dma_wait3A_463 : memref<10000x64xf32, #tpu.memory_space<hbm>>) dst(%arg25 : memref<128x64xf32, #tpu.memory_space<vmem>>)
    %dma_wait3A_464 = arith.constant 7 : i32
    %dma_wait3A_465 = arith.constant 0 : i32
    %dma_wait3A_466 = tpu.memref_slice %arg14[%dma_wait3A_464, %dma_wait3A_465] : memref<20x128xi32, #tpu.memory_space<vmem>> -> memref<1x128xi32, #tpu.memory_space<vmem>>
    %dma_wait3A_467 = tpu.memref_squeeze %dma_wait3A_466 : memref<1x128xi32, #tpu.memory_space<vmem>> -> memref<128xi32, #tpu.memory_space<vmem>>
    %dma_wait3A_468 = arith.constant 0 : i32
    %dma_wait3A_469 = arith.constant 0 : i32
    %dma_wait3A_470 = tpu.memref_slice %arg6[%dma_wait3A_468, %dma_wait3A_469] : memref<10000x64xf32, #tpu.memory_space<hbm>> -> memref<10000x64xf32, #tpu.memory_space<hbm>>
    tpu.wait_indirect_dma semaphore(%arg18 : memref<!tpu.dma_semaphore, #tpu.memory_space<semaphore_mem>>) src(%dma_wait3A_470 : memref<10000x64xf32, #tpu.memory_space<hbm>>) dst(%arg26 : memref<128x64xf32, #tpu.memory_space<vmem>>)
    %dma_wait3A_471 = arith.constant 8 : i32
    %dma_wait3A_472 = arith.constant 0 : i32
    %dma_wait3A_473 = tpu.memref_slice %arg14[%dma_wait3A_471, %dma_wait3A_472] : memref<20x128xi32, #tpu.memory_space<vmem>> -> memref<1x128xi32, #tpu.memory_space<vmem>>
    %dma_wait3A_474 = tpu.memref_squeeze %dma_wait3A_473 : memref<1x128xi32, #tpu.memory_space<vmem>> -> memref<128xi32, #tpu.memory_space<vmem>>
    %dma_wait3A_475 = arith.constant 0 : i32
    %dma_wait3A_476 = arith.constant 0 : i32
    %dma_wait3A_477 = tpu.memref_slice %arg6[%dma_wait3A_475, %dma_wait3A_476] : memref<10000x64xf32, #tpu.memory_space<hbm>> -> memref<10000x64xf32, #tpu.memory_space<hbm>>
    tpu.wait_indirect_dma semaphore(%arg18 : memref<!tpu.dma_semaphore, #tpu.memory_space<semaphore_mem>>) src(%dma_wait3A_477 : memref<10000x64xf32, #tpu.memory_space<hbm>>) dst(%arg27 : memref<128x64xf32, #tpu.memory_space<vmem>>)
    %dma_wait3A_478 = arith.constant 9 : i32
    %dma_wait3A_479 = arith.constant 0 : i32
    %dma_wait3A_480 = tpu.memref_slice %arg14[%dma_wait3A_478, %dma_wait3A_479] : memref<20x128xi32, #tpu.memory_space<vmem>> -> memref<1x128xi32, #tpu.memory_space<vmem>>
    %dma_wait3A_481 = tpu.memref_squeeze %dma_wait3A_480 : memref<1x128xi32, #tpu.memory_space<vmem>> -> memref<128xi32, #tpu.memory_space<vmem>>
    %dma_wait3A_482 = arith.constant 0 : i32
    %dma_wait3A_483 = arith.constant 0 : i32
    %dma_wait3A_484 = tpu.memref_slice %arg6[%dma_wait3A_482, %dma_wait3A_483] : memref<10000x64xf32, #tpu.memory_space<hbm>> -> memref<10000x64xf32, #tpu.memory_space<hbm>>
    tpu.wait_indirect_dma semaphore(%arg18 : memref<!tpu.dma_semaphore, #tpu.memory_space<semaphore_mem>>) src(%dma_wait3A_484 : memref<10000x64xf32, #tpu.memory_space<hbm>>) dst(%arg28 : memref<128x64xf32, #tpu.memory_space<vmem>>)
    %scan3A_485 = arith.constant 0 : i32
    %scan3A_486 = arith.constant 0 : i32
    %scan3A_487 = arith.constant 128 : i32
    %scan3A_488 = arith.addi %scan3A_486, %scan3A_487 : i32
    %scan3A_489 = arith.constant 1 : i32
    scf.for %scan3A_614 = %scan3A_486 to %scan3A_488 step %scan3A_489  : i32 {
      %get3A = arith.index_cast %scan3A_614 : i32 to index
      %get3A_615 = arith.constant 0 : index
      %get3A_616 = tpu.vector_load %arg24[%get3A, %get3A_615] {strides = array<i32>} : memref<128x64xf32, #tpu.memory_space<vmem>>, vector<16xf32>,
      %get3A_617 = arith.index_cast %scan3A_614 : i32 to index
      %get3A_618 = arith.constant 0 : index
      %get3A_619 = tpu.vector_load %arg25[%get3A_617, %get3A_618] {strides = array<i32>} : memref<128x64xf32, #tpu.memory_space<vmem>>, vector<16xf32>,
      %add3A_620 = arith.addf %get3A_616, %get3A_619 : vector<16xf32>
      %get3A_621 = arith.index_cast %scan3A_614 : i32 to index
      %get3A_622 = arith.constant 0 : index
      %get3A_623 = tpu.vector_load %arg26[%get3A_621, %get3A_622] {strides = array<i32>} : memref<128x64xf32, #tpu.memory_space<vmem>>, vector<16xf32>,
      %add3A_624 = arith.addf %add3A_620, %get3A_623 : vector<16xf32>
      %get3A_625 = arith.index_cast %scan3A_614 : i32 to index
      %get3A_626 = arith.constant 0 : index
      %get3A_627 = tpu.vector_load %arg27[%get3A_625, %get3A_626] {strides = array<i32>} : memref<128x64xf32, #tpu.memory_space<vmem>>, vector<16xf32>,
      %add3A_628 = arith.addf %add3A_624, %get3A_627 : vector<16xf32>
      %get3A_629 = arith.index_cast %scan3A_614 : i32 to index
      %get3A_630 = arith.constant 0 : index
      %get3A_631 = tpu.vector_load %arg28[%get3A_629, %get3A_630] {strides = array<i32>} : memref<128x64xf32, #tpu.memory_space<vmem>>, vector<16xf32>,
      %add3A_632 = arith.addf %add3A_628, %get3A_631 : vector<16xf32>
      %get3A_633 = arith.index_cast %scan3A_614 : i32 to index
      %get3A_634 = arith.constant 64 : index
      %get3A_635 = tpu.vector_load %arg15[%get3A_633, %get3A_634] {strides = array<i32>} : memref<128x128xf32, #tpu.memory_space<vmem>>, vector<16xf32>,
      %add3A_636 = arith.addf %get3A_635, %add3A_632 : vector<16xf32>
      %swap3A = arith.index_cast %scan3A_614 : i32 to index
      %swap3A_637 = arith.constant 64 : index
      %swap3A_638 = tpu.vector_load %arg15[%swap3A, %swap3A_637] {strides = array<i32>} : memref<128x128xf32, #tpu.memory_space<vmem>>, vector<16xf32>,
      tpu.vector_store %arg15[%swap3A, %swap3A_637], %add3A_636 {strides = array<i32>} : memref<128x128xf32, #tpu.memory_space<vmem>>, vector<16xf32>,
      %get3A_639 = arith.index_cast %scan3A_614 : i32 to index
      %get3A_640 = arith.constant 16 : index
      %get3A_641 = tpu.vector_load %arg24[%get3A_639, %get3A_640] {strides = array<i32>} : memref<128x64xf32, #tpu.memory_space<vmem>>, vector<16xf32>,
      %get3A_642 = arith.index_cast %scan3A_614 : i32 to index
      %get3A_643 = arith.constant 16 : index
      %get3A_644 = tpu.vector_load %arg25[%get3A_642, %get3A_643] {strides = array<i32>} : memref<128x64xf32, #tpu.memory_space<vmem>>, vector<16xf32>,
      %add3A_645 = arith.addf %get3A_641, %get3A_644 : vector<16xf32>
      %get3A_646 = arith.index_cast %scan3A_614 : i32 to index
      %get3A_647 = arith.constant 16 : index
      %get3A_648 = tpu.vector_load %arg26[%get3A_646, %get3A_647] {strides = array<i32>} : memref<128x64xf32, #tpu.memory_space<vmem>>, vector<16xf32>,
      %add3A_649 = arith.addf %add3A_645, %get3A_648 : vector<16xf32>
      %get3A_650 = arith.index_cast %scan3A_614 : i32 to index
      %get3A_651 = arith.constant 16 : index
      %get3A_652 = tpu.vector_load %arg27[%get3A_650, %get3A_651] {strides = array<i32>} : memref<128x64xf32, #tpu.memory_space<vmem>>, vector<16xf32>,
      %add3A_653 = arith.addf %add3A_649, %get3A_652 : vector<16xf32>
      %get3A_654 = arith.index_cast %scan3A_614 : i32 to index
      %get3A_655 = arith.constant 16 : index
      %get3A_656 = tpu.vector_load %arg28[%get3A_654, %get3A_655] {strides = array<i32>} : memref<128x64xf32, #tpu.memory_space<vmem>>, vector<16xf32>,
      %add3A_657 = arith.addf %add3A_653, %get3A_656 : vector<16xf32>
      %get3A_658 = arith.index_cast %scan3A_614 : i32 to index
      %get3A_659 = arith.constant 80 : index
      %get3A_660 = tpu.vector_load %arg15[%get3A_658, %get3A_659] {strides = array<i32>} : memref<128x128xf32, #tpu.memory_space<vmem>>, vector<16xf32>,
      %add3A_661 = arith.addf %get3A_660, %add3A_657 : vector<16xf32>
      %swap3A_662 = arith.index_cast %scan3A_614 : i32 to index
      %swap3A_663 = arith.constant 80 : index
      %swap3A_664 = tpu.vector_load %arg15[%swap3A_662, %swap3A_663] {strides = array<i32>} : memref<128x128xf32, #tpu.memory_space<vmem>>, vector<16xf32>,
      tpu.vector_store %arg15[%swap3A_662, %swap3A_663], %add3A_661 {strides = array<i32>} : memref<128x128xf32, #tpu.memory_space<vmem>>, vector<16xf32>,
      %get3A_665 = arith.index_cast %scan3A_614 : i32 to index
      %get3A_666 = arith.constant 32 : index
      %get3A_667 = tpu.vector_load %arg24[%get3A_665, %get3A_666] {strides = array<i32>} : memref<128x64xf32, #tpu.memory_space<vmem>>, vector<16xf32>,
      %get3A_668 = arith.index_cast %scan3A_614 : i32 to index
      %get3A_669 = arith.constant 32 : index
      %get3A_670 = tpu.vector_load %arg25[%get3A_668, %get3A_669] {strides = array<i32>} : memref<128x64xf32, #tpu.memory_space<vmem>>, vector<16xf32>,
      %add3A_671 = arith.addf %get3A_667, %get3A_670 : vector<16xf32>
      %get3A_672 = arith.index_cast %scan3A_614 : i32 to index
      %get3A_673 = arith.constant 32 : index
      %get3A_674 = tpu.vector_load %arg26[%get3A_672, %get3A_673] {strides = array<i32>} : memref<128x64xf32, #tpu.memory_space<vmem>>, vector<16xf32>,
      %add3A_675 = arith.addf %add3A_671, %get3A_674 : vector<16xf32>
      %get3A_676 = arith.index_cast %scan3A_614 : i32 to index
      %get3A_677 = arith.constant 32 : index
      %get3A_678 = tpu.vector_load %arg27[%get3A_676, %get3A_677] {strides = array<i32>} : memref<128x64xf32, #tpu.memory_space<vmem>>, vector<16xf32>,
      %add3A_679 = arith.addf %add3A_675, %get3A_678 : vector<16xf32>
      %get3A_680 = arith.index_cast %scan3A_614 : i32 to index
      %get3A_681 = arith.constant 32 : index
      %get3A_682 = tpu.vector_load %arg28[%get3A_680, %get3A_681] {strides = array<i32>} : memref<128x64xf32, #tpu.memory_space<vmem>>, vector<16xf32>,
      %add3A_683 = arith.addf %add3A_679, %get3A_682 : vector<16xf32>
      %get3A_684 = arith.index_cast %scan3A_614 : i32 to index
      %get3A_685 = arith.constant 96 : index
      %get3A_686 = tpu.vector_load %arg15[%get3A_684, %get3A_685] {strides = array<i32>} : memref<128x128xf32, #tpu.memory_space<vmem>>, vector<16xf32>,
      %add3A_687 = arith.addf %get3A_686, %add3A_683 : vector<16xf32>
      %swap3A_688 = arith.index_cast %scan3A_614 : i32 to index
      %swap3A_689 = arith.constant 96 : index
      %swap3A_690 = tpu.vector_load %arg15[%swap3A_688, %swap3A_689] {strides = array<i32>} : memref<128x128xf32, #tpu.memory_space<vmem>>, vector<16xf32>,
      tpu.vector_store %arg15[%swap3A_688, %swap3A_689], %add3A_687 {strides = array<i32>} : memref<128x128xf32, #tpu.memory_space<vmem>>, vector<16xf32>,
      %get3A_691 = arith.index_cast %scan3A_614 : i32 to index
      %get3A_692 = arith.constant 48 : index
      %get3A_693 = tpu.vector_load %arg24[%get3A_691, %get3A_692] {strides = array<i32>} : memref<128x64xf32, #tpu.memory_space<vmem>>, vector<16xf32>,
      %get3A_694 = arith.index_cast %scan3A_614 : i32 to index
      %get3A_695 = arith.constant 48 : index
      %get3A_696 = tpu.vector_load %arg25[%get3A_694, %get3A_695] {strides = array<i32>} : memref<128x64xf32, #tpu.memory_space<vmem>>, vector<16xf32>,
      %add3A_697 = arith.addf %get3A_693, %get3A_696 : vector<16xf32>
      %get3A_698 = arith.index_cast %scan3A_614 : i32 to index
      %get3A_699 = arith.constant 48 : index
      %get3A_700 = tpu.vector_load %arg26[%get3A_698, %get3A_699] {strides = array<i32>} : memref<128x64xf32, #tpu.memory_space<vmem>>, vector<16xf32>,
      %add3A_701 = arith.addf %add3A_697, %get3A_700 : vector<16xf32>
      %get3A_702 = arith.index_cast %scan3A_614 : i32 to index
      %get3A_703 = arith.constant 48 : index
      %get3A_704 = tpu.vector_load %arg27[%get3A_702, %get3A_703] {strides = array<i32>} : memref<128x64xf32, #tpu.memory_space<vmem>>, vector<16xf32>,
      %add3A_705 = arith.addf %add3A_701, %get3A_704 : vector<16xf32>
      %get3A_706 = arith.index_cast %scan3A_614 : i32 to index
      %get3A_707 = arith.constant 48 : index
      %get3A_708 = tpu.vector_load %arg28[%get3A_706, %get3A_707] {strides = array<i32>} : memref<128x64xf32, #tpu.memory_space<vmem>>, vector<16xf32>,
      %add3A_709 = arith.addf %add3A_705, %get3A_708 : vector<16xf32>
      %get3A_710 = arith.index_cast %scan3A_614 : i32 to index
      %get3A_711 = arith.constant 112 : index
      %get3A_712 = tpu.vector_load %arg15[%get3A_710, %get3A_711] {strides = array<i32>} : memref<128x128xf32, #tpu.memory_space<vmem>>, vector<16xf32>,
      %add3A_713 = arith.addf %get3A_712, %add3A_709 : vector<16xf32>
      %swap3A_714 = arith.index_cast %scan3A_614 : i32 to index
      %swap3A_715 = arith.constant 112 : index
      %swap3A_716 = tpu.vector_load %arg15[%swap3A_714, %swap3A_715] {strides = array<i32>} : memref<128x128xf32, #tpu.memory_space<vmem>>, vector<16xf32>,
      tpu.vector_store %arg15[%swap3A_714, %swap3A_715], %add3A_713 {strides = array<i32>} : memref<128x128xf32, #tpu.memory_space<vmem>>, vector<16xf32>,
    }
    %scan3A_490 = arith.constant 128 : i32
    %dma_start3A_491 = arith.constant 15 : i32
    %dma_start3A_492 = arith.constant 0 : i32
    %dma_start3A_493 = tpu.memref_slice %arg14[%dma_start3A_491, %dma_start3A_492] : memref<20x128xi32, #tpu.memory_space<vmem>> -> memref<1x128xi32, #tpu.memory_space<vmem>>
    %dma_start3A_494 = tpu.memref_squeeze %dma_start3A_493 : memref<1x128xi32, #tpu.memory_space<vmem>> -> memref<128xi32, #tpu.memory_space<vmem>>
    %dma_start3A_495 = arith.constant 0 : i32
    %dma_start3A_496 = arith.constant 0 : i32
    %dma_start3A_497 = tpu.memref_slice %arg6[%dma_start3A_495, %dma_start3A_496] : memref<10000x64xf32, #tpu.memory_space<hbm>> -> memref<10000x64xf32, #tpu.memory_space<hbm>>
    tpu.enqueue_indirect_dma source(%dma_start3A_497 : memref<10000x64xf32, #tpu.memory_space<hbm>>) target(%arg24 : memref<128x64xf32, #tpu.memory_space<vmem>>) offsets(%dma_start3A_494 : memref<128xi32, #tpu.memory_space<vmem>>) semaphore(%arg18 : memref<!tpu.dma_semaphore, #tpu.memory_space<semaphore_mem>>)
    %dma_start3A_498 = arith.constant 16 : i32
    %dma_start3A_499 = arith.constant 0 : i32
    %dma_start3A_500 = tpu.memref_slice %arg14[%dma_start3A_498, %dma_start3A_499] : memref<20x128xi32, #tpu.memory_space<vmem>> -> memref<1x128xi32, #tpu.memory_space<vmem>>
    %dma_start3A_501 = tpu.memref_squeeze %dma_start3A_500 : memref<1x128xi32, #tpu.memory_space<vmem>> -> memref<128xi32, #tpu.memory_space<vmem>>
    %dma_start3A_502 = arith.constant 0 : i32
    %dma_start3A_503 = arith.constant 0 : i32
    %dma_start3A_504 = tpu.memref_slice %arg6[%dma_start3A_502, %dma_start3A_503] : memref<10000x64xf32, #tpu.memory_space<hbm>> -> memref<10000x64xf32, #tpu.memory_space<hbm>>
    tpu.enqueue_indirect_dma source(%dma_start3A_504 : memref<10000x64xf32, #tpu.memory_space<hbm>>) target(%arg25 : memref<128x64xf32, #tpu.memory_space<vmem>>) offsets(%dma_start3A_501 : memref<128xi32, #tpu.memory_space<vmem>>) semaphore(%arg18 : memref<!tpu.dma_semaphore, #tpu.memory_space<semaphore_mem>>)
    %dma_start3A_505 = arith.constant 17 : i32
    %dma_start3A_506 = arith.constant 0 : i32
    %dma_start3A_507 = tpu.memref_slice %arg14[%dma_start3A_505, %dma_start3A_506] : memref<20x128xi32, #tpu.memory_space<vmem>> -> memref<1x128xi32, #tpu.memory_space<vmem>>
    %dma_start3A_508 = tpu.memref_squeeze %dma_start3A_507 : memref<1x128xi32, #tpu.memory_space<vmem>> -> memref<128xi32, #tpu.memory_space<vmem>>
    %dma_start3A_509 = arith.constant 0 : i32
    %dma_start3A_510 = arith.constant 0 : i32
    %dma_start3A_511 = tpu.memref_slice %arg6[%dma_start3A_509, %dma_start3A_510] : memref<10000x64xf32, #tpu.memory_space<hbm>> -> memref<10000x64xf32, #tpu.memory_space<hbm>>
    tpu.enqueue_indirect_dma source(%dma_start3A_511 : memref<10000x64xf32, #tpu.memory_space<hbm>>) target(%arg26 : memref<128x64xf32, #tpu.memory_space<vmem>>) offsets(%dma_start3A_508 : memref<128xi32, #tpu.memory_space<vmem>>) semaphore(%arg18 : memref<!tpu.dma_semaphore, #tpu.memory_space<semaphore_mem>>)
    %dma_start3A_512 = arith.constant 18 : i32
    %dma_start3A_513 = arith.constant 0 : i32
    %dma_start3A_514 = tpu.memref_slice %arg14[%dma_start3A_512, %dma_start3A_513] : memref<20x128xi32, #tpu.memory_space<vmem>> -> memref<1x128xi32, #tpu.memory_space<vmem>>
    %dma_start3A_515 = tpu.memref_squeeze %dma_start3A_514 : memref<1x128xi32, #tpu.memory_space<vmem>> -> memref<128xi32, #tpu.memory_space<vmem>>
    %dma_start3A_516 = arith.constant 0 : i32
    %dma_start3A_517 = arith.constant 0 : i32
    %dma_start3A_518 = tpu.memref_slice %arg6[%dma_start3A_516, %dma_start3A_517] : memref<10000x64xf32, #tpu.memory_space<hbm>> -> memref<10000x64xf32, #tpu.memory_space<hbm>>
    tpu.enqueue_indirect_dma source(%dma_start3A_518 : memref<10000x64xf32, #tpu.memory_space<hbm>>) target(%arg27 : memref<128x64xf32, #tpu.memory_space<vmem>>) offsets(%dma_start3A_515 : memref<128xi32, #tpu.memory_space<vmem>>) semaphore(%arg18 : memref<!tpu.dma_semaphore, #tpu.memory_space<semaphore_mem>>)
    %dma_start3A_519 = arith.constant 19 : i32
    %dma_start3A_520 = arith.constant 0 : i32
    %dma_start3A_521 = tpu.memref_slice %arg14[%dma_start3A_519, %dma_start3A_520] : memref<20x128xi32, #tpu.memory_space<vmem>> -> memref<1x128xi32, #tpu.memory_space<vmem>>
    %dma_start3A_522 = tpu.memref_squeeze %dma_start3A_521 : memref<1x128xi32, #tpu.memory_space<vmem>> -> memref<128xi32, #tpu.memory_space<vmem>>
    %dma_start3A_523 = arith.constant 0 : i32
    %dma_start3A_524 = arith.constant 0 : i32
    %dma_start3A_525 = tpu.memref_slice %arg6[%dma_start3A_523, %dma_start3A_524] : memref<10000x64xf32, #tpu.memory_space<hbm>> -> memref<10000x64xf32, #tpu.memory_space<hbm>>
    tpu.enqueue_indirect_dma source(%dma_start3A_525 : memref<10000x64xf32, #tpu.memory_space<hbm>>) target(%arg28 : memref<128x64xf32, #tpu.memory_space<vmem>>) offsets(%dma_start3A_522 : memref<128xi32, #tpu.memory_space<vmem>>) semaphore(%arg18 : memref<!tpu.dma_semaphore, #tpu.memory_space<semaphore_mem>>)
    %dma_wait3A_526 = arith.constant 10 : i32
    %dma_wait3A_527 = arith.constant 0 : i32
    %dma_wait3A_528 = tpu.memref_slice %arg14[%dma_wait3A_526, %dma_wait3A_527] : memref<20x128xi32, #tpu.memory_space<vmem>> -> memref<1x128xi32, #tpu.memory_space<vmem>>
    %dma_wait3A_529 = tpu.memref_squeeze %dma_wait3A_528 : memref<1x128xi32, #tpu.memory_space<vmem>> -> memref<128xi32, #tpu.memory_space<vmem>>
    %dma_wait3A_530 = arith.constant 0 : i32
    %dma_wait3A_531 = arith.constant 0 : i32
    %dma_wait3A_532 = tpu.memref_slice %arg6[%dma_wait3A_530, %dma_wait3A_531] : memref<10000x64xf32, #tpu.memory_space<hbm>> -> memref<10000x64xf32, #tpu.memory_space<hbm>>
    tpu.wait_indirect_dma semaphore(%arg17 : memref<!tpu.dma_semaphore, #tpu.memory_space<semaphore_mem>>) src(%dma_wait3A_532 : memref<10000x64xf32, #tpu.memory_space<hbm>>) dst(%arg19 : memref<128x64xf32, #tpu.memory_space<vmem>>)
    %dma_wait3A_533 = arith.constant 11 : i32
    %dma_wait3A_534 = arith.constant 0 : i32
    %dma_wait3A_535 = tpu.memref_slice %arg14[%dma_wait3A_533, %dma_wait3A_534] : memref<20x128xi32, #tpu.memory_space<vmem>> -> memref<1x128xi32, #tpu.memory_space<vmem>>
    %dma_wait3A_536 = tpu.memref_squeeze %dma_wait3A_535 : memref<1x128xi32, #tpu.memory_space<vmem>> -> memref<128xi32, #tpu.memory_space<vmem>>
    %dma_wait3A_537 = arith.constant 0 : i32
    %dma_wait3A_538 = arith.constant 0 : i32
    %dma_wait3A_539 = tpu.memref_slice %arg6[%dma_wait3A_537, %dma_wait3A_538] : memref<10000x64xf32, #tpu.memory_space<hbm>> -> memref<10000x64xf32, #tpu.memory_space<hbm>>
    tpu.wait_indirect_dma semaphore(%arg17 : memref<!tpu.dma_semaphore, #tpu.memory_space<semaphore_mem>>) src(%dma_wait3A_539 : memref<10000x64xf32, #tpu.memory_space<hbm>>) dst(%arg20 : memref<128x64xf32, #tpu.memory_space<vmem>>)
    %dma_wait3A_540 = arith.constant 12 : i32
    %dma_wait3A_541 = arith.constant 0 : i32
    %dma_wait3A_542 = tpu.memref_slice %arg14[%dma_wait3A_540, %dma_wait3A_541] : memref<20x128xi32, #tpu.memory_space<vmem>> -> memref<1x128xi32, #tpu.memory_space<vmem>>
    %dma_wait3A_543 = tpu.memref_squeeze %dma_wait3A_542 : memref<1x128xi32, #tpu.memory_space<vmem>> -> memref<128xi32, #tpu.memory_space<vmem>>
    %dma_wait3A_544 = arith.constant 0 : i32
    %dma_wait3A_545 = arith.constant 0 : i32
    %dma_wait3A_546 = tpu.memref_slice %arg6[%dma_wait3A_544, %dma_wait3A_545] : memref<10000x64xf32, #tpu.memory_space<hbm>> -> memref<10000x64xf32, #tpu.memory_space<hbm>>
    tpu.wait_indirect_dma semaphore(%arg17 : memref<!tpu.dma_semaphore, #tpu.memory_space<semaphore_mem>>) src(%dma_wait3A_546 : memref<10000x64xf32, #tpu.memory_space<hbm>>) dst(%arg21 : memref<128x64xf32, #tpu.memory_space<vmem>>)
    %dma_wait3A_547 = arith.constant 13 : i32
    %dma_wait3A_548 = arith.constant 0 : i32
    %dma_wait3A_549 = tpu.memref_slice %arg14[%dma_wait3A_547, %dma_wait3A_548] : memref<20x128xi32, #tpu.memory_space<vmem>> -> memref<1x128xi32, #tpu.memory_space<vmem>>
    %dma_wait3A_550 = tpu.memref_squeeze %dma_wait3A_549 : memref<1x128xi32, #tpu.memory_space<vmem>> -> memref<128xi32, #tpu.memory_space<vmem>>
    %dma_wait3A_551 = arith.constant 0 : i32
    %dma_wait3A_552 = arith.constant 0 : i32
    %dma_wait3A_553 = tpu.memref_slice %arg6[%dma_wait3A_551, %dma_wait3A_552] : memref<10000x64xf32, #tpu.memory_space<hbm>> -> memref<10000x64xf32, #tpu.memory_space<hbm>>
    tpu.wait_indirect_dma semaphore(%arg17 : memref<!tpu.dma_semaphore, #tpu.memory_space<semaphore_mem>>) src(%dma_wait3A_553 : memref<10000x64xf32, #tpu.memory_space<hbm>>) dst(%arg22 : memref<128x64xf32, #tpu.memory_space<vmem>>)
    %dma_wait3A_554 = arith.constant 14 : i32
    %dma_wait3A_555 = arith.constant 0 : i32
    %dma_wait3A_556 = tpu.memref_slice %arg14[%dma_wait3A_554, %dma_wait3A_555] : memref<20x128xi32, #tpu.memory_space<vmem>> -> memref<1x128xi32, #tpu.memory_space<vmem>>
    %dma_wait3A_557 = tpu.memref_squeeze %dma_wait3A_556 : memref<1x128xi32, #tpu.memory_space<vmem>> -> memref<128xi32, #tpu.memory_space<vmem>>
    %dma_wait3A_558 = arith.constant 0 : i32
    %dma_wait3A_559 = arith.constant 0 : i32
    %dma_wait3A_560 = tpu.memref_slice %arg6[%dma_wait3A_558, %dma_wait3A_559] : memref<10000x64xf32, #tpu.memory_space<hbm>> -> memref<10000x64xf32, #tpu.memory_space<hbm>>
    tpu.wait_indirect_dma semaphore(%arg17 : memref<!tpu.dma_semaphore, #tpu.memory_space<semaphore_mem>>) src(%dma_wait3A_560 : memref<10000x64xf32, #tpu.memory_space<hbm>>) dst(%arg23 : memref<128x64xf32, #tpu.memory_space<vmem>>)
    %scan3A_561 = arith.constant 0 : i32
    %scan3A_562 = arith.constant 0 : i32
    %scan3A_563 = arith.constant 128 : i32
    %scan3A_564 = arith.addi %scan3A_562, %scan3A_563 : i32
    %scan3A_565 = arith.constant 1 : i32
    scf.for %scan3A_614 = %scan3A_562 to %scan3A_564 step %scan3A_565  : i32 {
      %get3A = arith.index_cast %scan3A_614 : i32 to index
      %get3A_615 = arith.constant 0 : index
      %get3A_616 = tpu.vector_load %arg19[%get3A, %get3A_615] {strides = array<i32>} : memref<128x64xf32, #tpu.memory_space<vmem>>, vector<16xf32>,
      %get3A_617 = arith.index_cast %scan3A_614 : i32 to index
      %get3A_618 = arith.constant 0 : index
      %get3A_619 = tpu.vector_load %arg20[%get3A_617, %get3A_618] {strides = array<i32>} : memref<128x64xf32, #tpu.memory_space<vmem>>, vector<16xf32>,
      %add3A_620 = arith.addf %get3A_616, %get3A_619 : vector<16xf32>
      %get3A_621 = arith.index_cast %scan3A_614 : i32 to index
      %get3A_622 = arith.constant 0 : index
      %get3A_623 = tpu.vector_load %arg21[%get3A_621, %get3A_622] {strides = array<i32>} : memref<128x64xf32, #tpu.memory_space<vmem>>, vector<16xf32>,
      %add3A_624 = arith.addf %add3A_620, %get3A_623 : vector<16xf32>
      %get3A_625 = arith.index_cast %scan3A_614 : i32 to index
      %get3A_626 = arith.constant 0 : index
      %get3A_627 = tpu.vector_load %arg22[%get3A_625, %get3A_626] {strides = array<i32>} : memref<128x64xf32, #tpu.memory_space<vmem>>, vector<16xf32>,
      %add3A_628 = arith.addf %add3A_624, %get3A_627 : vector<16xf32>
      %get3A_629 = arith.index_cast %scan3A_614 : i32 to index
      %get3A_630 = arith.constant 0 : index
      %get3A_631 = tpu.vector_load %arg23[%get3A_629, %get3A_630] {strides = array<i32>} : memref<128x64xf32, #tpu.memory_space<vmem>>, vector<16xf32>,
      %add3A_632 = arith.addf %add3A_628, %get3A_631 : vector<16xf32>
      %get3A_633 = arith.index_cast %scan3A_614 : i32 to index
      %get3A_634 = arith.constant 64 : index
      %get3A_635 = tpu.vector_load %arg15[%get3A_633, %get3A_634] {strides = array<i32>} : memref<128x128xf32, #tpu.memory_space<vmem>>, vector<16xf32>,
      %add3A_636 = arith.addf %get3A_635, %add3A_632 : vector<16xf32>
      %swap3A = arith.index_cast %scan3A_614 : i32 to index
      %swap3A_637 = arith.constant 64 : index
      %swap3A_638 = tpu.vector_load %arg15[%swap3A, %swap3A_637] {strides = array<i32>} : memref<128x128xf32, #tpu.memory_space<vmem>>, vector<16xf32>,
      tpu.vector_store %arg15[%swap3A, %swap3A_637], %add3A_636 {strides = array<i32>} : memref<128x128xf32, #tpu.memory_space<vmem>>, vector<16xf32>,
      %get3A_639 = arith.index_cast %scan3A_614 : i32 to index
      %get3A_640 = arith.constant 16 : index
      %get3A_641 = tpu.vector_load %arg19[%get3A_639, %get3A_640] {strides = array<i32>} : memref<128x64xf32, #tpu.memory_space<vmem>>, vector<16xf32>,
      %get3A_642 = arith.index_cast %scan3A_614 : i32 to index
      %get3A_643 = arith.constant 16 : index
      %get3A_644 = tpu.vector_load %arg20[%get3A_642, %get3A_643] {strides = array<i32>} : memref<128x64xf32, #tpu.memory_space<vmem>>, vector<16xf32>,
      %add3A_645 = arith.addf %get3A_641, %get3A_644 : vector<16xf32>
      %get3A_646 = arith.index_cast %scan3A_614 : i32 to index
      %get3A_647 = arith.constant 16 : index
      %get3A_648 = tpu.vector_load %arg21[%get3A_646, %get3A_647] {strides = array<i32>} : memref<128x64xf32, #tpu.memory_space<vmem>>, vector<16xf32>,
      %add3A_649 = arith.addf %add3A_645, %get3A_648 : vector<16xf32>
      %get3A_650 = arith.index_cast %scan3A_614 : i32 to index
      %get3A_651 = arith.constant 16 : index
      %get3A_652 = tpu.vector_load %arg22[%get3A_650, %get3A_651] {strides = array<i32>} : memref<128x64xf32, #tpu.memory_space<vmem>>, vector<16xf32>,
      %add3A_653 = arith.addf %add3A_649, %get3A_652 : vector<16xf32>
      %get3A_654 = arith.index_cast %scan3A_614 : i32 to index
      %get3A_655 = arith.constant 16 : index
      %get3A_656 = tpu.vector_load %arg23[%get3A_654, %get3A_655] {strides = array<i32>} : memref<128x64xf32, #tpu.memory_space<vmem>>, vector<16xf32>,
      %add3A_657 = arith.addf %add3A_653, %get3A_656 : vector<16xf32>
      %get3A_658 = arith.index_cast %scan3A_614 : i32 to index
      %get3A_659 = arith.constant 80 : index
      %get3A_660 = tpu.vector_load %arg15[%get3A_658, %get3A_659] {strides = array<i32>} : memref<128x128xf32, #tpu.memory_space<vmem>>, vector<16xf32>,
      %add3A_661 = arith.addf %get3A_660, %add3A_657 : vector<16xf32>
      %swap3A_662 = arith.index_cast %scan3A_614 : i32 to index
      %swap3A_663 = arith.constant 80 : index
      %swap3A_664 = tpu.vector_load %arg15[%swap3A_662, %swap3A_663] {strides = array<i32>} : memref<128x128xf32, #tpu.memory_space<vmem>>, vector<16xf32>,
      tpu.vector_store %arg15[%swap3A_662, %swap3A_663], %add3A_661 {strides = array<i32>} : memref<128x128xf32, #tpu.memory_space<vmem>>, vector<16xf32>,
      %get3A_665 = arith.index_cast %scan3A_614 : i32 to index
      %get3A_666 = arith.constant 32 : index
      %get3A_667 = tpu.vector_load %arg19[%get3A_665, %get3A_666] {strides = array<i32>} : memref<128x64xf32, #tpu.memory_space<vmem>>, vector<16xf32>,
      %get3A_668 = arith.index_cast %scan3A_614 : i32 to index
      %get3A_669 = arith.constant 32 : index
      %get3A_670 = tpu.vector_load %arg20[%get3A_668, %get3A_669] {strides = array<i32>} : memref<128x64xf32, #tpu.memory_space<vmem>>, vector<16xf32>,
      %add3A_671 = arith.addf %get3A_667, %get3A_670 : vector<16xf32>
      %get3A_672 = arith.index_cast %scan3A_614 : i32 to index
      %get3A_673 = arith.constant 32 : index
      %get3A_674 = tpu.vector_load %arg21[%get3A_672, %get3A_673] {strides = array<i32>} : memref<128x64xf32, #tpu.memory_space<vmem>>, vector<16xf32>,
      %add3A_675 = arith.addf %add3A_671, %get3A_674 : vector<16xf32>
      %get3A_676 = arith.index_cast %scan3A_614 : i32 to index
      %get3A_677 = arith.constant 32 : index
      %get3A_678 = tpu.vector_load %arg22[%get3A_676, %get3A_677] {strides = array<i32>} : memref<128x64xf32, #tpu.memory_space<vmem>>, vector<16xf32>,
      %add3A_679 = arith.addf %add3A_675, %get3A_678 : vector<16xf32>
      %get3A_680 = arith.index_cast %scan3A_614 : i32 to index
      %get3A_681 = arith.constant 32 : index
      %get3A_682 = tpu.vector_load %arg23[%get3A_680, %get3A_681] {strides = array<i32>} : memref<128x64xf32, #tpu.memory_space<vmem>>, vector<16xf32>,
      %add3A_683 = arith.addf %add3A_679, %get3A_682 : vector<16xf32>
      %get3A_684 = arith.index_cast %scan3A_614 : i32 to index
      %get3A_685 = arith.constant 96 : index
      %get3A_686 = tpu.vector_load %arg15[%get3A_684, %get3A_685] {strides = array<i32>} : memref<128x128xf32, #tpu.memory_space<vmem>>, vector<16xf32>,
      %add3A_687 = arith.addf %get3A_686, %add3A_683 : vector<16xf32>
      %swap3A_688 = arith.index_cast %scan3A_614 : i32 to index
      %swap3A_689 = arith.constant 96 : index
      %swap3A_690 = tpu.vector_load %arg15[%swap3A_688, %swap3A_689] {strides = array<i32>} : memref<128x128xf32, #tpu.memory_space<vmem>>, vector<16xf32>,
      tpu.vector_store %arg15[%swap3A_688, %swap3A_689], %add3A_687 {strides = array<i32>} : memref<128x128xf32, #tpu.memory_space<vmem>>, vector<16xf32>,
      %get3A_691 = arith.index_cast %scan3A_614 : i32 to index
      %get3A_692 = arith.constant 48 : index
      %get3A_693 = tpu.vector_load %arg19[%get3A_691, %get3A_692] {strides = array<i32>} : memref<128x64xf32, #tpu.memory_space<vmem>>, vector<16xf32>,
      %get3A_694 = arith.index_cast %scan3A_614 : i32 to index
      %get3A_695 = arith.constant 48 : index
      %get3A_696 = tpu.vector_load %arg20[%get3A_694, %get3A_695] {strides = array<i32>} : memref<128x64xf32, #tpu.memory_space<vmem>>, vector<16xf32>,
      %add3A_697 = arith.addf %get3A_693, %get3A_696 : vector<16xf32>
      %get3A_698 = arith.index_cast %scan3A_614 : i32 to index
      %get3A_699 = arith.constant 48 : index
      %get3A_700 = tpu.vector_load %arg21[%get3A_698, %get3A_699] {strides = array<i32>} : memref<128x64xf32, #tpu.memory_space<vmem>>, vector<16xf32>,
      %add3A_701 = arith.addf %add3A_697, %get3A_700 : vector<16xf32>
      %get3A_702 = arith.index_cast %scan3A_614 : i32 to index
      %get3A_703 = arith.constant 48 : index
      %get3A_704 = tpu.vector_load %arg22[%get3A_702, %get3A_703] {strides = array<i32>} : memref<128x64xf32, #tpu.memory_space<vmem>>, vector<16xf32>,
      %add3A_705 = arith.addf %add3A_701, %get3A_704 : vector<16xf32>
      %get3A_706 = arith.index_cast %scan3A_614 : i32 to index
      %get3A_707 = arith.constant 48 : index
      %get3A_708 = tpu.vector_load %arg23[%get3A_706, %get3A_707] {strides = array<i32>} : memref<128x64xf32, #tpu.memory_space<vmem>>, vector<16xf32>,
      %add3A_709 = arith.addf %add3A_705, %get3A_708 : vector<16xf32>
      %get3A_710 = arith.index_cast %scan3A_614 : i32 to index
      %get3A_711 = arith.constant 112 : index
      %get3A_712 = tpu.vector_load %arg15[%get3A_710, %get3A_711] {strides = array<i32>} : memref<128x128xf32, #tpu.memory_space<vmem>>, vector<16xf32>,
      %add3A_713 = arith.addf %get3A_712, %add3A_709 : vector<16xf32>
      %swap3A_714 = arith.index_cast %scan3A_614 : i32 to index
      %swap3A_715 = arith.constant 112 : index
      %swap3A_716 = tpu.vector_load %arg15[%swap3A_714, %swap3A_715] {strides = array<i32>} : memref<128x128xf32, #tpu.memory_space<vmem>>, vector<16xf32>,
      tpu.vector_store %arg15[%swap3A_714, %swap3A_715], %add3A_713 {strides = array<i32>} : memref<128x128xf32, #tpu.memory_space<vmem>>, vector<16xf32>,
    }
    %scan3A_566 = arith.constant 128 : i32
    %dma_wait3A_567 = arith.constant 15 : i32
    %dma_wait3A_568 = arith.constant 0 : i32
    %dma_wait3A_569 = tpu.memref_slice %arg14[%dma_wait3A_567, %dma_wait3A_568] : memref<20x128xi32, #tpu.memory_space<vmem>> -> memref<1x128xi32, #tpu.memory_space<vmem>>
    %dma_wait3A_570 = tpu.memref_squeeze %dma_wait3A_569 : memref<1x128xi32, #tpu.memory_space<vmem>> -> memref<128xi32, #tpu.memory_space<vmem>>
    %dma_wait3A_571 = arith.constant 0 : i32
    %dma_wait3A_572 = arith.constant 0 : i32
    %dma_wait3A_573 = tpu.memref_slice %arg6[%dma_wait3A_571, %dma_wait3A_572] : memref<10000x64xf32, #tpu.memory_space<hbm>> -> memref<10000x64xf32, #tpu.memory_space<hbm>>
    tpu.wait_indirect_dma semaphore(%arg18 : memref<!tpu.dma_semaphore, #tpu.memory_space<semaphore_mem>>) src(%dma_wait3A_573 : memref<10000x64xf32, #tpu.memory_space<hbm>>) dst(%arg24 : memref<128x64xf32, #tpu.memory_space<vmem>>)
    %dma_wait3A_574 = arith.constant 16 : i32
    %dma_wait3A_575 = arith.constant 0 : i32
    %dma_wait3A_576 = tpu.memref_slice %arg14[%dma_wait3A_574, %dma_wait3A_575] : memref<20x128xi32, #tpu.memory_space<vmem>> -> memref<1x128xi32, #tpu.memory_space<vmem>>
    %dma_wait3A_577 = tpu.memref_squeeze %dma_wait3A_576 : memref<1x128xi32, #tpu.memory_space<vmem>> -> memref<128xi32, #tpu.memory_space<vmem>>
    %dma_wait3A_578 = arith.constant 0 : i32
    %dma_wait3A_579 = arith.constant 0 : i32
    %dma_wait3A_580 = tpu.memref_slice %arg6[%dma_wait3A_578, %dma_wait3A_579] : memref<10000x64xf32, #tpu.memory_space<hbm>> -> memref<10000x64xf32, #tpu.memory_space<hbm>>
    tpu.wait_indirect_dma semaphore(%arg18 : memref<!tpu.dma_semaphore, #tpu.memory_space<semaphore_mem>>) src(%dma_wait3A_580 : memref<10000x64xf32, #tpu.memory_space<hbm>>) dst(%arg25 : memref<128x64xf32, #tpu.memory_space<vmem>>)
    %dma_wait3A_581 = arith.constant 17 : i32
    %dma_wait3A_582 = arith.constant 0 : i32
    %dma_wait3A_583 = tpu.memref_slice %arg14[%dma_wait3A_581, %dma_wait3A_582] : memref<20x128xi32, #tpu.memory_space<vmem>> -> memref<1x128xi32, #tpu.memory_space<vmem>>
    %dma_wait3A_584 = tpu.memref_squeeze %dma_wait3A_583 : memref<1x128xi32, #tpu.memory_space<vmem>> -> memref<128xi32, #tpu.memory_space<vmem>>
    %dma_wait3A_585 = arith.constant 0 : i32
    %dma_wait3A_586 = arith.constant 0 : i32
    %dma_wait3A_587 = tpu.memref_slice %arg6[%dma_wait3A_585, %dma_wait3A_586] : memref<10000x64xf32, #tpu.memory_space<hbm>> -> memref<10000x64xf32, #tpu.memory_space<hbm>>
    tpu.wait_indirect_dma semaphore(%arg18 : memref<!tpu.dma_semaphore, #tpu.memory_space<semaphore_mem>>) src(%dma_wait3A_587 : memref<10000x64xf32, #tpu.memory_space<hbm>>) dst(%arg26 : memref<128x64xf32, #tpu.memory_space<vmem>>)
    %dma_wait3A_588 = arith.constant 18 : i32
    %dma_wait3A_589 = arith.constant 0 : i32
    %dma_wait3A_590 = tpu.memref_slice %arg14[%dma_wait3A_588, %dma_wait3A_589] : memref<20x128xi32, #tpu.memory_space<vmem>> -> memref<1x128xi32, #tpu.memory_space<vmem>>
    %dma_wait3A_591 = tpu.memref_squeeze %dma_wait3A_590 : memref<1x128xi32, #tpu.memory_space<vmem>> -> memref<128xi32, #tpu.memory_space<vmem>>
    %dma_wait3A_592 = arith.constant 0 : i32
    %dma_wait3A_593 = arith.constant 0 : i32
    %dma_wait3A_594 = tpu.memref_slice %arg6[%dma_wait3A_592, %dma_wait3A_593] : memref<10000x64xf32, #tpu.memory_space<hbm>> -> memref<10000x64xf32, #tpu.memory_space<hbm>>
    tpu.wait_indirect_dma semaphore(%arg18 : memref<!tpu.dma_semaphore, #tpu.memory_space<semaphore_mem>>) src(%dma_wait3A_594 : memref<10000x64xf32, #tpu.memory_space<hbm>>) dst(%arg27 : memref<128x64xf32, #tpu.memory_space<vmem>>)
    %dma_wait3A_595 = arith.constant 19 : i32
    %dma_wait3A_596 = arith.constant 0 : i32
    %dma_wait3A_597 = tpu.memref_slice %arg14[%dma_wait3A_595, %dma_wait3A_596] : memref<20x128xi32, #tpu.memory_space<vmem>> -> memref<1x128xi32, #tpu.memory_space<vmem>>
    %dma_wait3A_598 = tpu.memref_squeeze %dma_wait3A_597 : memref<1x128xi32, #tpu.memory_space<vmem>> -> memref<128xi32, #tpu.memory_space<vmem>>
    %dma_wait3A_599 = arith.constant 0 : i32
    %dma_wait3A_600 = arith.constant 0 : i32
    %dma_wait3A_601 = tpu.memref_slice %arg6[%dma_wait3A_599, %dma_wait3A_600] : memref<10000x64xf32, #tpu.memory_space<hbm>> -> memref<10000x64xf32, #tpu.memory_space<hbm>>
    tpu.wait_indirect_dma semaphore(%arg18 : memref<!tpu.dma_semaphore, #tpu.memory_space<semaphore_mem>>) src(%dma_wait3A_601 : memref<10000x64xf32, #tpu.memory_space<hbm>>) dst(%arg28 : memref<128x64xf32, #tpu.memory_space<vmem>>)
    %scan3A_602 = arith.constant 0 : i32
    %scan3A_603 = arith.constant 0 : i32
    %scan3A_604 = arith.constant 128 : i32
    %scan3A_605 = arith.addi %scan3A_603, %scan3A_604 : i32
    %scan3A_606 = arith.constant 1 : i32
    scf.for %scan3A_614 = %scan3A_603 to %scan3A_605 step %scan3A_606  : i32 {
      %get3A = arith.index_cast %scan3A_614 : i32 to index
      %get3A_615 = arith.constant 0 : index
      %get3A_616 = tpu.vector_load %arg24[%get3A, %get3A_615] {strides = array<i32>} : memref<128x64xf32, #tpu.memory_space<vmem>>, vector<16xf32>,
      %get3A_617 = arith.index_cast %scan3A_614 : i32 to index
      %get3A_618 = arith.constant 0 : index
      %get3A_619 = tpu.vector_load %arg25[%get3A_617, %get3A_618] {strides = array<i32>} : memref<128x64xf32, #tpu.memory_space<vmem>>, vector<16xf32>,
      %add3A_620 = arith.addf %get3A_616, %get3A_619 : vector<16xf32>
      %get3A_621 = arith.index_cast %scan3A_614 : i32 to index
      %get3A_622 = arith.constant 0 : index
      %get3A_623 = tpu.vector_load %arg26[%get3A_621, %get3A_622] {strides = array<i32>} : memref<128x64xf32, #tpu.memory_space<vmem>>, vector<16xf32>,
      %add3A_624 = arith.addf %add3A_620, %get3A_623 : vector<16xf32>
      %get3A_625 = arith.index_cast %scan3A_614 : i32 to index
      %get3A_626 = arith.constant 0 : index
      %get3A_627 = tpu.vector_load %arg27[%get3A_625, %get3A_626] {strides = array<i32>} : memref<128x64xf32, #tpu.memory_space<vmem>>, vector<16xf32>,
      %add3A_628 = arith.addf %add3A_624, %get3A_627 : vector<16xf32>
      %get3A_629 = arith.index_cast %scan3A_614 : i32 to index
      %get3A_630 = arith.constant 0 : index
      %get3A_631 = tpu.vector_load %arg28[%get3A_629, %get3A_630] {strides = array<i32>} : memref<128x64xf32, #tpu.memory_space<vmem>>, vector<16xf32>,
      %add3A_632 = arith.addf %add3A_628, %get3A_631 : vector<16xf32>
      %get3A_633 = arith.index_cast %scan3A_614 : i32 to index
      %get3A_634 = arith.constant 64 : index
      %get3A_635 = tpu.vector_load %arg15[%get3A_633, %get3A_634] {strides = array<i32>} : memref<128x128xf32, #tpu.memory_space<vmem>>, vector<16xf32>,
      %add3A_636 = arith.addf %get3A_635, %add3A_632 : vector<16xf32>
      %swap3A = arith.index_cast %scan3A_614 : i32 to index
      %swap3A_637 = arith.constant 64 : index
      %swap3A_638 = tpu.vector_load %arg15[%swap3A, %swap3A_637] {strides = array<i32>} : memref<128x128xf32, #tpu.memory_space<vmem>>, vector<16xf32>,
      tpu.vector_store %arg15[%swap3A, %swap3A_637], %add3A_636 {strides = array<i32>} : memref<128x128xf32, #tpu.memory_space<vmem>>, vector<16xf32>,
      %get3A_639 = arith.index_cast %scan3A_614 : i32 to index
      %get3A_640 = arith.constant 16 : index
      %get3A_641 = tpu.vector_load %arg24[%get3A_639, %get3A_640] {strides = array<i32>} : memref<128x64xf32, #tpu.memory_space<vmem>>, vector<16xf32>,
      %get3A_642 = arith.index_cast %scan3A_614 : i32 to index
      %get3A_643 = arith.constant 16 : index
      %get3A_644 = tpu.vector_load %arg25[%get3A_642, %get3A_643] {strides = array<i32>} : memref<128x64xf32, #tpu.memory_space<vmem>>, vector<16xf32>,
      %add3A_645 = arith.addf %get3A_641, %get3A_644 : vector<16xf32>
      %get3A_646 = arith.index_cast %scan3A_614 : i32 to index
      %get3A_647 = arith.constant 16 : index
      %get3A_648 = tpu.vector_load %arg26[%get3A_646, %get3A_647] {strides = array<i32>} : memref<128x64xf32, #tpu.memory_space<vmem>>, vector<16xf32>,
      %add3A_649 = arith.addf %add3A_645, %get3A_648 : vector<16xf32>
      %get3A_650 = arith.index_cast %scan3A_614 : i32 to index
      %get3A_651 = arith.constant 16 : index
      %get3A_652 = tpu.vector_load %arg27[%get3A_650, %get3A_651] {strides = array<i32>} : memref<128x64xf32, #tpu.memory_space<vmem>>, vector<16xf32>,
      %add3A_653 = arith.addf %add3A_649, %get3A_652 : vector<16xf32>
      %get3A_654 = arith.index_cast %scan3A_614 : i32 to index
      %get3A_655 = arith.constant 16 : index
      %get3A_656 = tpu.vector_load %arg28[%get3A_654, %get3A_655] {strides = array<i32>} : memref<128x64xf32, #tpu.memory_space<vmem>>, vector<16xf32>,
      %add3A_657 = arith.addf %add3A_653, %get3A_656 : vector<16xf32>
      %get3A_658 = arith.index_cast %scan3A_614 : i32 to index
      %get3A_659 = arith.constant 80 : index
      %get3A_660 = tpu.vector_load %arg15[%get3A_658, %get3A_659] {strides = array<i32>} : memref<128x128xf32, #tpu.memory_space<vmem>>, vector<16xf32>,
      %add3A_661 = arith.addf %get3A_660, %add3A_657 : vector<16xf32>
      %swap3A_662 = arith.index_cast %scan3A_614 : i32 to index
      %swap3A_663 = arith.constant 80 : index
      %swap3A_664 = tpu.vector_load %arg15[%swap3A_662, %swap3A_663] {strides = array<i32>} : memref<128x128xf32, #tpu.memory_space<vmem>>, vector<16xf32>,
      tpu.vector_store %arg15[%swap3A_662, %swap3A_663], %add3A_661 {strides = array<i32>} : memref<128x128xf32, #tpu.memory_space<vmem>>, vector<16xf32>,
      %get3A_665 = arith.index_cast %scan3A_614 : i32 to index
      %get3A_666 = arith.constant 32 : index
      %get3A_667 = tpu.vector_load %arg24[%get3A_665, %get3A_666] {strides = array<i32>} : memref<128x64xf32, #tpu.memory_space<vmem>>, vector<16xf32>,
      %get3A_668 = arith.index_cast %scan3A_614 : i32 to index
      %get3A_669 = arith.constant 32 : index
      %get3A_670 = tpu.vector_load %arg25[%get3A_668, %get3A_669] {strides = array<i32>} : memref<128x64xf32, #tpu.memory_space<vmem>>, vector<16xf32>,
      %add3A_671 = arith.addf %get3A_667, %get3A_670 : vector<16xf32>
      %get3A_672 = arith.index_cast %scan3A_614 : i32 to index
      %get3A_673 = arith.constant 32 : index
      %get3A_674 = tpu.vector_load %arg26[%get3A_672, %get3A_673] {strides = array<i32>} : memref<128x64xf32, #tpu.memory_space<vmem>>, vector<16xf32>,
      %add3A_675 = arith.addf %add3A_671, %get3A_674 : vector<16xf32>
      %get3A_676 = arith.index_cast %scan3A_614 : i32 to index
      %get3A_677 = arith.constant 32 : index
      %get3A_678 = tpu.vector_load %arg27[%get3A_676, %get3A_677] {strides = array<i32>} : memref<128x64xf32, #tpu.memory_space<vmem>>, vector<16xf32>,
      %add3A_679 = arith.addf %add3A_675, %get3A_678 : vector<16xf32>
      %get3A_680 = arith.index_cast %scan3A_614 : i32 to index
      %get3A_681 = arith.constant 32 : index
      %get3A_682 = tpu.vector_load %arg28[%get3A_680, %get3A_681] {strides = array<i32>} : memref<128x64xf32, #tpu.memory_space<vmem>>, vector<16xf32>,
      %add3A_683 = arith.addf %add3A_679, %get3A_682 : vector<16xf32>
      %get3A_684 = arith.index_cast %scan3A_614 : i32 to index
      %get3A_685 = arith.constant 96 : index
      %get3A_686 = tpu.vector_load %arg15[%get3A_684, %get3A_685] {strides = array<i32>} : memref<128x128xf32, #tpu.memory_space<vmem>>, vector<16xf32>,
      %add3A_687 = arith.addf %get3A_686, %add3A_683 : vector<16xf32>
      %swap3A_688 = arith.index_cast %scan3A_614 : i32 to index
      %swap3A_689 = arith.constant 96 : index
      %swap3A_690 = tpu.vector_load %arg15[%swap3A_688, %swap3A_689] {strides = array<i32>} : memref<128x128xf32, #tpu.memory_space<vmem>>, vector<16xf32>,
      tpu.vector_store %arg15[%swap3A_688, %swap3A_689], %add3A_687 {strides = array<i32>} : memref<128x128xf32, #tpu.memory_space<vmem>>, vector<16xf32>,
      %get3A_691 = arith.index_cast %scan3A_614 : i32 to index
      %get3A_692 = arith.constant 48 : index
      %get3A_693 = tpu.vector_load %arg24[%get3A_691, %get3A_692] {strides = array<i32>} : memref<128x64xf32, #tpu.memory_space<vmem>>, vector<16xf32>,
      %get3A_694 = arith.index_cast %scan3A_614 : i32 to index
      %get3A_695 = arith.constant 48 : index
      %get3A_696 = tpu.vector_load %arg25[%get3A_694, %get3A_695] {strides = array<i32>} : memref<128x64xf32, #tpu.memory_space<vmem>>, vector<16xf32>,
      %add3A_697 = arith.addf %get3A_693, %get3A_696 : vector<16xf32>
      %get3A_698 = arith.index_cast %scan3A_614 : i32 to index
      %get3A_699 = arith.constant 48 : index
      %get3A_700 = tpu.vector_load %arg26[%get3A_698, %get3A_699] {strides = array<i32>} : memref<128x64xf32, #tpu.memory_space<vmem>>, vector<16xf32>,
      %add3A_701 = arith.addf %add3A_697, %get3A_700 : vector<16xf32>
      %get3A_702 = arith.index_cast %scan3A_614 : i32 to index
      %get3A_703 = arith.constant 48 : index
      %get3A_704 = tpu.vector_load %arg27[%get3A_702, %get3A_703] {strides = array<i32>} : memref<128x64xf32, #tpu.memory_space<vmem>>, vector<16xf32>,
      %add3A_705 = arith.addf %add3A_701, %get3A_704 : vector<16xf32>
      %get3A_706 = arith.index_cast %scan3A_614 : i32 to index
      %get3A_707 = arith.constant 48 : index
      %get3A_708 = tpu.vector_load %arg28[%get3A_706, %get3A_707] {strides = array<i32>} : memref<128x64xf32, #tpu.memory_space<vmem>>, vector<16xf32>,
      %add3A_709 = arith.addf %add3A_705, %get3A_708 : vector<16xf32>
      %get3A_710 = arith.index_cast %scan3A_614 : i32 to index
      %get3A_711 = arith.constant 112 : index
      %get3A_712 = tpu.vector_load %arg15[%get3A_710, %get3A_711] {strides = array<i32>} : memref<128x128xf32, #tpu.memory_space<vmem>>, vector<16xf32>,
      %add3A_713 = arith.addf %get3A_712, %add3A_709 : vector<16xf32>
      %swap3A_714 = arith.index_cast %scan3A_614 : i32 to index
      %swap3A_715 = arith.constant 112 : index
      %swap3A_716 = tpu.vector_load %arg15[%swap3A_714, %swap3A_715] {strides = array<i32>} : memref<128x128xf32, #tpu.memory_space<vmem>>, vector<16xf32>,
      tpu.vector_store %arg15[%swap3A_714, %swap3A_715], %add3A_713 {strides = array<i32>} : memref<128x128xf32, #tpu.memory_space<vmem>>, vector<16xf32>,
    }
    %scan3A_607 = arith.constant 128 : i32
    %scan3A_608 = arith.constant 0 : i32
    %scan3A_609 = arith.constant 0 : i32
    %scan3A_610 = arith.constant 8 : i32
    %scan3A_611 = arith.addi %scan3A_609, %scan3A_610 : i32
    %scan3A_612 = arith.constant 1 : i32
    scf.for %scan3A_614 = %scan3A_609 to %scan3A_611 step %scan3A_612  : i32 {
      %mul3A_615 = arith.constant 16 : i32
      %mul3A_616 = arith.muli %scan3A_614, %mul3A_615 : i32
      %get3A = arith.constant 0 : i32
      %get3A_617 = arith.index_cast %get3A : i32 to index
      %get3A_618 = arith.index_cast %mul3A_616 : i32 to index
      %get3A_619 = tpu.vector_load %arg11[%get3A_617, %get3A_618] {strides = array<i32>} : memref<10x128xi32, #tpu.memory_space<vmem>>, vector<16xi32>,
      %gather3A = tpu.vector_load_idx %arg10[%get3A_619] : memref<20000xf32, #tpu.memory_space<vmem>>[vector<16xi32>], vector<16xf32>,
      %mul3A_620 = arith.constant 16 : i32
      %mul3A_621 = arith.muli %scan3A_614, %mul3A_620 : i32
      %get3A_622 = arith.constant 1 : i32
      %get3A_623 = arith.index_cast %get3A_622 : i32 to index
      %get3A_624 = arith.index_cast %mul3A_621 : i32 to index
      %get3A_625 = tpu.vector_load %arg11[%get3A_623, %get3A_624] {strides = array<i32>} : memref<10x128xi32, #tpu.memory_space<vmem>>, vector<16xi32>,
      %gather3A_626 = tpu.vector_load_idx %arg10[%get3A_625] : memref<20000xf32, #tpu.memory_space<vmem>>[vector<16xi32>], vector<16xf32>,
      %ne3A = arith.cmpi ne, %get3A_625, %get3A_619 : vector<16xi32>
      %jit3A = arith.constant 0.000000e+00 : f32
      %broadcast_in_dim3A = vector.broadcast %jit3A : f32 to vector<16xf32>
      %select_n3A = arith.select %ne3A, %gather3A_626, %broadcast_in_dim3A : vector<16xi1>, vector<16xf32>
      %add3A_627 = arith.addf %gather3A, %select_n3A : vector<16xf32>
      %mul3A_628 = arith.constant 16 : i32
      %mul3A_629 = arith.muli %scan3A_614, %mul3A_628 : i32
      %get3A_630 = arith.constant 2 : i32
      %get3A_631 = arith.index_cast %get3A_630 : i32 to index
      %get3A_632 = arith.index_cast %mul3A_629 : i32 to index
      %get3A_633 = tpu.vector_load %arg11[%get3A_631, %get3A_632] {strides = array<i32>} : memref<10x128xi32, #tpu.memory_space<vmem>>, vector<16xi32>,
      %gather3A_634 = tpu.vector_load_idx %arg10[%get3A_633] : memref<20000xf32, #tpu.memory_space<vmem>>[vector<16xi32>], vector<16xf32>,
      %ne3A_635 = arith.cmpi ne, %get3A_633, %get3A_619 : vector<16xi32>
      %ne3A_636 = arith.cmpi ne, %get3A_633, %get3A_625 : vector<16xi32>
      %and3A = arith.andi %ne3A_635, %ne3A_636 : vector<16xi1>
      %jit3A_637 = arith.constant 0.000000e+00 : f32
      %broadcast_in_dim3A_638 = vector.broadcast %jit3A_637 : f32 to vector<16xf32>
      %select_n3A_639 = arith.select %and3A, %gather3A_634, %broadcast_in_dim3A_638 : vector<16xi1>, vector<16xf32>
      %add3A_640 = arith.addf %add3A_627, %select_n3A_639 : vector<16xf32>
      %mul3A_641 = arith.constant 16 : i32
      %mul3A_642 = arith.muli %scan3A_614, %mul3A_641 : i32
      %get3A_643 = arith.constant 3 : i32
      %get3A_644 = arith.index_cast %get3A_643 : i32 to index
      %get3A_645 = arith.index_cast %mul3A_642 : i32 to index
      %get3A_646 = tpu.vector_load %arg11[%get3A_644, %get3A_645] {strides = array<i32>} : memref<10x128xi32, #tpu.memory_space<vmem>>, vector<16xi32>,
      %gather3A_647 = tpu.vector_load_idx %arg10[%get3A_646] : memref<20000xf32, #tpu.memory_space<vmem>>[vector<16xi32>], vector<16xf32>,
      %ne3A_648 = arith.cmpi ne, %get3A_646, %get3A_619 : vector<16xi32>
      %ne3A_649 = arith.cmpi ne, %get3A_646, %get3A_625 : vector<16xi32>
      %and3A_650 = arith.andi %ne3A_648, %ne3A_649 : vector<16xi1>
      %ne3A_651 = arith.cmpi ne, %get3A_646, %get3A_633 : vector<16xi32>
      %and3A_652 = arith.andi %and3A_650, %ne3A_651 : vector<16xi1>
      %jit3A_653 = arith.constant 0.000000e+00 : f32
      %broadcast_in_dim3A_654 = vector.broadcast %jit3A_653 : f32 to vector<16xf32>
      %select_n3A_655 = arith.select %and3A_652, %gather3A_647, %broadcast_in_dim3A_654 : vector<16xi1>, vector<16xf32>
      %add3A_656 = arith.addf %add3A_640, %select_n3A_655 : vector<16xf32>
      %mul3A_657 = arith.constant 16 : i32
      %mul3A_658 = arith.muli %scan3A_614, %mul3A_657 : i32
      %get3A_659 = arith.constant 4 : i32
      %get3A_660 = arith.index_cast %get3A_659 : i32 to index
      %get3A_661 = arith.index_cast %mul3A_658 : i32 to index
      %get3A_662 = tpu.vector_load %arg11[%get3A_660, %get3A_661] {strides = array<i32>} : memref<10x128xi32, #tpu.memory_space<vmem>>, vector<16xi32>,
      %gather3A_663 = tpu.vector_load_idx %arg10[%get3A_662] : memref<20000xf32, #tpu.memory_space<vmem>>[vector<16xi32>], vector<16xf32>,
      %ne3A_664 = arith.cmpi ne, %get3A_662, %get3A_619 : vector<16xi32>
      %ne3A_665 = arith.cmpi ne, %get3A_662, %get3A_625 : vector<16xi32>
      %and3A_666 = arith.andi %ne3A_664, %ne3A_665 : vector<16xi1>
      %ne3A_667 = arith.cmpi ne, %get3A_662, %get3A_633 : vector<16xi32>
      %and3A_668 = arith.andi %and3A_666, %ne3A_667 : vector<16xi1>
      %ne3A_669 = arith.cmpi ne, %get3A_662, %get3A_646 : vector<16xi32>
      %and3A_670 = arith.andi %and3A_668, %ne3A_669 : vector<16xi1>
      %jit3A_671 = arith.constant 0.000000e+00 : f32
      %broadcast_in_dim3A_672 = vector.broadcast %jit3A_671 : f32 to vector<16xf32>
      %select_n3A_673 = arith.select %and3A_670, %gather3A_663, %broadcast_in_dim3A_672 : vector<16xi1>, vector<16xf32>
      %add3A_674 = arith.addf %add3A_656, %select_n3A_673 : vector<16xf32>
      %mul3A_675 = arith.constant 16 : i32
      %mul3A_676 = arith.muli %scan3A_614, %mul3A_675 : i32
      %get3A_677 = arith.constant 5 : i32
      %get3A_678 = arith.index_cast %get3A_677 : i32 to index
      %get3A_679 = arith.index_cast %mul3A_676 : i32 to index
      %get3A_680 = tpu.vector_load %arg11[%get3A_678, %get3A_679] {strides = array<i32>} : memref<10x128xi32, #tpu.memory_space<vmem>>, vector<16xi32>,
      %gather3A_681 = tpu.vector_load_idx %arg10[%get3A_680] : memref<20000xf32, #tpu.memory_space<vmem>>[vector<16xi32>], vector<16xf32>,
      %ne3A_682 = arith.cmpi ne, %get3A_680, %get3A_619 : vector<16xi32>
      %ne3A_683 = arith.cmpi ne, %get3A_680, %get3A_625 : vector<16xi32>
      %and3A_684 = arith.andi %ne3A_682, %ne3A_683 : vector<16xi1>
      %ne3A_685 = arith.cmpi ne, %get3A_680, %get3A_633 : vector<16xi32>
      %and3A_686 = arith.andi %and3A_684, %ne3A_685 : vector<16xi1>
      %ne3A_687 = arith.cmpi ne, %get3A_680, %get3A_646 : vector<16xi32>
      %and3A_688 = arith.andi %and3A_686, %ne3A_687 : vector<16xi1>
      %ne3A_689 = arith.cmpi ne, %get3A_680, %get3A_662 : vector<16xi32>
      %and3A_690 = arith.andi %and3A_688, %ne3A_689 : vector<16xi1>
      %jit3A_691 = arith.constant 0.000000e+00 : f32
      %broadcast_in_dim3A_692 = vector.broadcast %jit3A_691 : f32 to vector<16xf32>
      %select_n3A_693 = arith.select %and3A_690, %gather3A_681, %broadcast_in_dim3A_692 : vector<16xi1>, vector<16xf32>
      %add3A_694 = arith.addf %add3A_674, %select_n3A_693 : vector<16xf32>
      %mul3A_695 = arith.constant 16 : i32
      %mul3A_696 = arith.muli %scan3A_614, %mul3A_695 : i32
      %get3A_697 = arith.constant 6 : i32
      %get3A_698 = arith.index_cast %get3A_697 : i32 to index
      %get3A_699 = arith.index_cast %mul3A_696 : i32 to index
      %get3A_700 = tpu.vector_load %arg11[%get3A_698, %get3A_699] {strides = array<i32>} : memref<10x128xi32, #tpu.memory_space<vmem>>, vector<16xi32>,
      %gather3A_701 = tpu.vector_load_idx %arg10[%get3A_700] : memref<20000xf32, #tpu.memory_space<vmem>>[vector<16xi32>], vector<16xf32>,
      %ne3A_702 = arith.cmpi ne, %get3A_700, %get3A_619 : vector<16xi32>
      %ne3A_703 = arith.cmpi ne, %get3A_700, %get3A_625 : vector<16xi32>
      %and3A_704 = arith.andi %ne3A_702, %ne3A_703 : vector<16xi1>
      %ne3A_705 = arith.cmpi ne, %get3A_700, %get3A_633 : vector<16xi32>
      %and3A_706 = arith.andi %and3A_704, %ne3A_705 : vector<16xi1>
      %ne3A_707 = arith.cmpi ne, %get3A_700, %get3A_646 : vector<16xi32>
      %and3A_708 = arith.andi %and3A_706, %ne3A_707 : vector<16xi1>
      %ne3A_709 = arith.cmpi ne, %get3A_700, %get3A_662 : vector<16xi32>
      %and3A_710 = arith.andi %and3A_708, %ne3A_709 : vector<16xi1>
      %ne3A_711 = arith.cmpi ne, %get3A_700, %get3A_680 : vector<16xi32>
      %and3A_712 = arith.andi %and3A_710, %ne3A_711 : vector<16xi1>
      %jit3A_713 = arith.constant 0.000000e+00 : f32
      %broadcast_in_dim3A_714 = vector.broadcast %jit3A_713 : f32 to vector<16xf32>
      %select_n3A_715 = arith.select %and3A_712, %gather3A_701, %broadcast_in_dim3A_714 : vector<16xi1>, vector<16xf32>
      %add3A_716 = arith.addf %add3A_694, %select_n3A_715 : vector<16xf32>
      %mul3A_717 = arith.constant 16 : i32
      %mul3A_718 = arith.muli %scan3A_614, %mul3A_717 : i32
      %get3A_719 = arith.constant 7 : i32
      %get3A_720 = arith.index_cast %get3A_719 : i32 to index
      %get3A_721 = arith.index_cast %mul3A_718 : i32 to index
      %get3A_722 = tpu.vector_load %arg11[%get3A_720, %get3A_721] {strides = array<i32>} : memref<10x128xi32, #tpu.memory_space<vmem>>, vector<16xi32>,
      %gather3A_723 = tpu.vector_load_idx %arg10[%get3A_722] : memref<20000xf32, #tpu.memory_space<vmem>>[vector<16xi32>], vector<16xf32>,
      %ne3A_724 = arith.cmpi ne, %get3A_722, %get3A_619 : vector<16xi32>
      %ne3A_725 = arith.cmpi ne, %get3A_722, %get3A_625 : vector<16xi32>
      %and3A_726 = arith.andi %ne3A_724, %ne3A_725 : vector<16xi1>
      %ne3A_727 = arith.cmpi ne, %get3A_722, %get3A_633 : vector<16xi32>
      %and3A_728 = arith.andi %and3A_726, %ne3A_727 : vector<16xi1>
      %ne3A_729 = arith.cmpi ne, %get3A_722, %get3A_646 : vector<16xi32>
      %and3A_730 = arith.andi %and3A_728, %ne3A_729 : vector<16xi1>
      %ne3A_731 = arith.cmpi ne, %get3A_722, %get3A_662 : vector<16xi32>
      %and3A_732 = arith.andi %and3A_730, %ne3A_731 : vector<16xi1>
      %ne3A_733 = arith.cmpi ne, %get3A_722, %get3A_680 : vector<16xi32>
      %and3A_734 = arith.andi %and3A_732, %ne3A_733 : vector<16xi1>
      %ne3A_735 = arith.cmpi ne, %get3A_722, %get3A_700 : vector<16xi32>
      %and3A_736 = arith.andi %and3A_734, %ne3A_735 : vector<16xi1>
      %jit3A_737 = arith.constant 0.000000e+00 : f32
      %broadcast_in_dim3A_738 = vector.broadcast %jit3A_737 : f32 to vector<16xf32>
      %select_n3A_739 = arith.select %and3A_736, %gather3A_723, %broadcast_in_dim3A_738 : vector<16xi1>, vector<16xf32>
      %add3A_740 = arith.addf %add3A_716, %select_n3A_739 : vector<16xf32>
      %mul3A_741 = arith.constant 16 : i32
      %mul3A_742 = arith.muli %scan3A_614, %mul3A_741 : i32
      %get3A_743 = arith.constant 8 : i32
      %get3A_744 = arith.index_cast %get3A_743 : i32 to index
      %get3A_745 = arith.index_cast %mul3A_742 : i32 to index
      %get3A_746 = tpu.vector_load %arg11[%get3A_744, %get3A_745] {strides = array<i32>} : memref<10x128xi32, #tpu.memory_space<vmem>>, vector<16xi32>,
      %gather3A_747 = tpu.vector_load_idx %arg10[%get3A_746] : memref<20000xf32, #tpu.memory_space<vmem>>[vector<16xi32>], vector<16xf32>,
      %ne3A_748 = arith.cmpi ne, %get3A_746, %get3A_619 : vector<16xi32>
      %ne3A_749 = arith.cmpi ne, %get3A_746, %get3A_625 : vector<16xi32>
      %and3A_750 = arith.andi %ne3A_748, %ne3A_749 : vector<16xi1>
      %ne3A_751 = arith.cmpi ne, %get3A_746, %get3A_633 : vector<16xi32>
      %and3A_752 = arith.andi %and3A_750, %ne3A_751 : vector<16xi1>
      %ne3A_753 = arith.cmpi ne, %get3A_746, %get3A_646 : vector<16xi32>
      %and3A_754 = arith.andi %and3A_752, %ne3A_753 : vector<16xi1>
      %ne3A_755 = arith.cmpi ne, %get3A_746, %get3A_662 : vector<16xi32>
      %and3A_756 = arith.andi %and3A_754, %ne3A_755 : vector<16xi1>
      %ne3A_757 = arith.cmpi ne, %get3A_746, %get3A_680 : vector<16xi32>
      %and3A_758 = arith.andi %and3A_756, %ne3A_757 : vector<16xi1>
      %ne3A_759 = arith.cmpi ne, %get3A_746, %get3A_700 : vector<16xi32>
      %and3A_760 = arith.andi %and3A_758, %ne3A_759 : vector<16xi1>
      %ne3A_761 = arith.cmpi ne, %get3A_746, %get3A_722 : vector<16xi32>
      %and3A_762 = arith.andi %and3A_760, %ne3A_761 : vector<16xi1>
      %jit3A_763 = arith.constant 0.000000e+00 : f32
      %broadcast_in_dim3A_764 = vector.broadcast %jit3A_763 : f32 to vector<16xf32>
      %select_n3A_765 = arith.select %and3A_762, %gather3A_747, %broadcast_in_dim3A_764 : vector<16xi1>, vector<16xf32>
      %add3A_766 = arith.addf %add3A_740, %select_n3A_765 : vector<16xf32>
      %mul3A_767 = arith.constant 16 : i32
      %mul3A_768 = arith.muli %scan3A_614, %mul3A_767 : i32
      %get3A_769 = arith.constant 9 : i32
      %get3A_770 = arith.index_cast %get3A_769 : i32 to index
      %get3A_771 = arith.index_cast %mul3A_768 : i32 to index
      %get3A_772 = tpu.vector_load %arg11[%get3A_770, %get3A_771] {strides = array<i32>} : memref<10x128xi32, #tpu.memory_space<vmem>>, vector<16xi32>,
      %gather3A_773 = tpu.vector_load_idx %arg10[%get3A_772] : memref<20000xf32, #tpu.memory_space<vmem>>[vector<16xi32>], vector<16xf32>,
      %ne3A_774 = arith.cmpi ne, %get3A_772, %get3A_619 : vector<16xi32>
      %ne3A_775 = arith.cmpi ne, %get3A_772, %get3A_625 : vector<16xi32>
      %and3A_776 = arith.andi %ne3A_774, %ne3A_775 : vector<16xi1>
      %ne3A_777 = arith.cmpi ne, %get3A_772, %get3A_633 : vector<16xi32>
      %and3A_778 = arith.andi %and3A_776, %ne3A_777 : vector<16xi1>
      %ne3A_779 = arith.cmpi ne, %get3A_772, %get3A_646 : vector<16xi32>
      %and3A_780 = arith.andi %and3A_778, %ne3A_779 : vector<16xi1>
      %ne3A_781 = arith.cmpi ne, %get3A_772, %get3A_662 : vector<16xi32>
      %and3A_782 = arith.andi %and3A_780, %ne3A_781 : vector<16xi1>
      %ne3A_783 = arith.cmpi ne, %get3A_772, %get3A_680 : vector<16xi32>
      %and3A_784 = arith.andi %and3A_782, %ne3A_783 : vector<16xi1>
      %ne3A_785 = arith.cmpi ne, %get3A_772, %get3A_700 : vector<16xi32>
      %and3A_786 = arith.andi %and3A_784, %ne3A_785 : vector<16xi1>
      %ne3A_787 = arith.cmpi ne, %get3A_772, %get3A_722 : vector<16xi32>
      %and3A_788 = arith.andi %and3A_786, %ne3A_787 : vector<16xi1>
      %ne3A_789 = arith.cmpi ne, %get3A_772, %get3A_746 : vector<16xi32>
      %and3A_790 = arith.andi %and3A_788, %ne3A_789 : vector<16xi1>
      %jit3A_791 = arith.constant 0.000000e+00 : f32
      %broadcast_in_dim3A_792 = vector.broadcast %jit3A_791 : f32 to vector<16xf32>
      %select_n3A_793 = arith.select %and3A_790, %gather3A_773, %broadcast_in_dim3A_792 : vector<16xi1>, vector<16xf32>
      %add3A_794 = arith.addf %add3A_766, %select_n3A_793 : vector<16xf32>
      %mul3A_795 = arith.constant 16 : i32
      %mul3A_796 = arith.muli %scan3A_614, %mul3A_795 : i32
      %get3A_797 = arith.constant 0 : i32
      %get3A_798 = arith.index_cast %get3A_797 : i32 to index
      %get3A_799 = arith.index_cast %mul3A_796 : i32 to index
      %get3A_800 = tpu.vector_load %arg12[%get3A_798, %get3A_799] {strides = array<i32>} : memref<10x128xi32, #tpu.memory_space<vmem>>, vector<16xi32>,
      %add3A_801 = arith.constant 10000 : i32
      %add3A_802 = vector.broadcast %add3A_801 : i32 to vector<16xi32>
      %add3A_803 = arith.addi %get3A_800, %add3A_802 : vector<16xi32>
      %gather3A_804 = tpu.vector_load_idx %arg10[%add3A_803] : memref<20000xf32, #tpu.memory_space<vmem>>[vector<16xi32>], vector<16xf32>,
      %mul3A_805 = arith.constant 16 : i32
      %mul3A_806 = arith.muli %scan3A_614, %mul3A_805 : i32
      %get3A_807 = arith.constant 1 : i32
      %get3A_808 = arith.index_cast %get3A_807 : i32 to index
      %get3A_809 = arith.index_cast %mul3A_806 : i32 to index
      %get3A_810 = tpu.vector_load %arg12[%get3A_808, %get3A_809] {strides = array<i32>} : memref<10x128xi32, #tpu.memory_space<vmem>>, vector<16xi32>,
      %add3A_811 = arith.constant 10000 : i32
      %add3A_812 = vector.broadcast %add3A_811 : i32 to vector<16xi32>
      %add3A_813 = arith.addi %get3A_810, %add3A_812 : vector<16xi32>
      %gather3A_814 = tpu.vector_load_idx %arg10[%add3A_813] : memref<20000xf32, #tpu.memory_space<vmem>>[vector<16xi32>], vector<16xf32>,
      %ne3A_815 = arith.cmpi ne, %add3A_813, %add3A_803 : vector<16xi32>
      %jit3A_816 = arith.constant 0.000000e+00 : f32
      %broadcast_in_dim3A_817 = vector.broadcast %jit3A_816 : f32 to vector<16xf32>
      %select_n3A_818 = arith.select %ne3A_815, %gather3A_814, %broadcast_in_dim3A_817 : vector<16xi1>, vector<16xf32>
      %add3A_819 = arith.addf %gather3A_804, %select_n3A_818 : vector<16xf32>
      %mul3A_820 = arith.constant 16 : i32
      %mul3A_821 = arith.muli %scan3A_614, %mul3A_820 : i32
      %get3A_822 = arith.constant 2 : i32
      %get3A_823 = arith.index_cast %get3A_822 : i32 to index
      %get3A_824 = arith.index_cast %mul3A_821 : i32 to index
      %get3A_825 = tpu.vector_load %arg12[%get3A_823, %get3A_824] {strides = array<i32>} : memref<10x128xi32, #tpu.memory_space<vmem>>, vector<16xi32>,
      %add3A_826 = arith.constant 10000 : i32
      %add3A_827 = vector.broadcast %add3A_826 : i32 to vector<16xi32>
      %add3A_828 = arith.addi %get3A_825, %add3A_827 : vector<16xi32>
      %gather3A_829 = tpu.vector_load_idx %arg10[%add3A_828] : memref<20000xf32, #tpu.memory_space<vmem>>[vector<16xi32>], vector<16xf32>,
      %ne3A_830 = arith.cmpi ne, %add3A_828, %add3A_803 : vector<16xi32>
      %ne3A_831 = arith.cmpi ne, %add3A_828, %add3A_813 : vector<16xi32>
      %and3A_832 = arith.andi %ne3A_830, %ne3A_831 : vector<16xi1>
      %jit3A_833 = arith.constant 0.000000e+00 : f32
      %broadcast_in_dim3A_834 = vector.broadcast %jit3A_833 : f32 to vector<16xf32>
      %select_n3A_835 = arith.select %and3A_832, %gather3A_829, %broadcast_in_dim3A_834 : vector<16xi1>, vector<16xf32>
      %add3A_836 = arith.addf %add3A_819, %select_n3A_835 : vector<16xf32>
      %mul3A_837 = arith.constant 16 : i32
      %mul3A_838 = arith.muli %scan3A_614, %mul3A_837 : i32
      %get3A_839 = arith.constant 3 : i32
      %get3A_840 = arith.index_cast %get3A_839 : i32 to index
      %get3A_841 = arith.index_cast %mul3A_838 : i32 to index
      %get3A_842 = tpu.vector_load %arg12[%get3A_840, %get3A_841] {strides = array<i32>} : memref<10x128xi32, #tpu.memory_space<vmem>>, vector<16xi32>,
      %add3A_843 = arith.constant 10000 : i32
      %add3A_844 = vector.broadcast %add3A_843 : i32 to vector<16xi32>
      %add3A_845 = arith.addi %get3A_842, %add3A_844 : vector<16xi32>
      %gather3A_846 = tpu.vector_load_idx %arg10[%add3A_845] : memref<20000xf32, #tpu.memory_space<vmem>>[vector<16xi32>], vector<16xf32>,
      %ne3A_847 = arith.cmpi ne, %add3A_845, %add3A_803 : vector<16xi32>
      %ne3A_848 = arith.cmpi ne, %add3A_845, %add3A_813 : vector<16xi32>
      %and3A_849 = arith.andi %ne3A_847, %ne3A_848 : vector<16xi1>
      %ne3A_850 = arith.cmpi ne, %add3A_845, %add3A_828 : vector<16xi32>
      %and3A_851 = arith.andi %and3A_849, %ne3A_850 : vector<16xi1>
      %jit3A_852 = arith.constant 0.000000e+00 : f32
      %broadcast_in_dim3A_853 = vector.broadcast %jit3A_852 : f32 to vector<16xf32>
      %select_n3A_854 = arith.select %and3A_851, %gather3A_846, %broadcast_in_dim3A_853 : vector<16xi1>, vector<16xf32>
      %add3A_855 = arith.addf %add3A_836, %select_n3A_854 : vector<16xf32>
      %mul3A_856 = arith.constant 16 : i32
      %mul3A_857 = arith.muli %scan3A_614, %mul3A_856 : i32
      %get3A_858 = arith.constant 4 : i32
      %get3A_859 = arith.index_cast %get3A_858 : i32 to index
      %get3A_860 = arith.index_cast %mul3A_857 : i32 to index
      %get3A_861 = tpu.vector_load %arg12[%get3A_859, %get3A_860] {strides = array<i32>} : memref<10x128xi32, #tpu.memory_space<vmem>>, vector<16xi32>,
      %add3A_862 = arith.constant 10000 : i32
      %add3A_863 = vector.broadcast %add3A_862 : i32 to vector<16xi32>
      %add3A_864 = arith.addi %get3A_861, %add3A_863 : vector<16xi32>
      %gather3A_865 = tpu.vector_load_idx %arg10[%add3A_864] : memref<20000xf32, #tpu.memory_space<vmem>>[vector<16xi32>], vector<16xf32>,
      %ne3A_866 = arith.cmpi ne, %add3A_864, %add3A_803 : vector<16xi32>
      %ne3A_867 = arith.cmpi ne, %add3A_864, %add3A_813 : vector<16xi32>
      %and3A_868 = arith.andi %ne3A_866, %ne3A_867 : vector<16xi1>
      %ne3A_869 = arith.cmpi ne, %add3A_864, %add3A_828 : vector<16xi32>
      %and3A_870 = arith.andi %and3A_868, %ne3A_869 : vector<16xi1>
      %ne3A_871 = arith.cmpi ne, %add3A_864, %add3A_845 : vector<16xi32>
      %and3A_872 = arith.andi %and3A_870, %ne3A_871 : vector<16xi1>
      %jit3A_873 = arith.constant 0.000000e+00 : f32
      %broadcast_in_dim3A_874 = vector.broadcast %jit3A_873 : f32 to vector<16xf32>
      %select_n3A_875 = arith.select %and3A_872, %gather3A_865, %broadcast_in_dim3A_874 : vector<16xi1>, vector<16xf32>
      %add3A_876 = arith.addf %add3A_855, %select_n3A_875 : vector<16xf32>
      %mul3A_877 = arith.constant 16 : i32
      %mul3A_878 = arith.muli %scan3A_614, %mul3A_877 : i32
      %get3A_879 = arith.constant 5 : i32
      %get3A_880 = arith.index_cast %get3A_879 : i32 to index
      %get3A_881 = arith.index_cast %mul3A_878 : i32 to index
      %get3A_882 = tpu.vector_load %arg12[%get3A_880, %get3A_881] {strides = array<i32>} : memref<10x128xi32, #tpu.memory_space<vmem>>, vector<16xi32>,
      %add3A_883 = arith.constant 10000 : i32
      %add3A_884 = vector.broadcast %add3A_883 : i32 to vector<16xi32>
      %add3A_885 = arith.addi %get3A_882, %add3A_884 : vector<16xi32>
      %gather3A_886 = tpu.vector_load_idx %arg10[%add3A_885] : memref<20000xf32, #tpu.memory_space<vmem>>[vector<16xi32>], vector<16xf32>,
      %ne3A_887 = arith.cmpi ne, %add3A_885, %add3A_803 : vector<16xi32>
      %ne3A_888 = arith.cmpi ne, %add3A_885, %add3A_813 : vector<16xi32>
      %and3A_889 = arith.andi %ne3A_887, %ne3A_888 : vector<16xi1>
      %ne3A_890 = arith.cmpi ne, %add3A_885, %add3A_828 : vector<16xi32>
      %and3A_891 = arith.andi %and3A_889, %ne3A_890 : vector<16xi1>
      %ne3A_892 = arith.cmpi ne, %add3A_885, %add3A_845 : vector<16xi32>
      %and3A_893 = arith.andi %and3A_891, %ne3A_892 : vector<16xi1>
      %ne3A_894 = arith.cmpi ne, %add3A_885, %add3A_864 : vector<16xi32>
      %and3A_895 = arith.andi %and3A_893, %ne3A_894 : vector<16xi1>
      %jit3A_896 = arith.constant 0.000000e+00 : f32
      %broadcast_in_dim3A_897 = vector.broadcast %jit3A_896 : f32 to vector<16xf32>
      %select_n3A_898 = arith.select %and3A_895, %gather3A_886, %broadcast_in_dim3A_897 : vector<16xi1>, vector<16xf32>
      %add3A_899 = arith.addf %add3A_876, %select_n3A_898 : vector<16xf32>
      %mul3A_900 = arith.constant 16 : i32
      %mul3A_901 = arith.muli %scan3A_614, %mul3A_900 : i32
      %get3A_902 = arith.constant 6 : i32
      %get3A_903 = arith.index_cast %get3A_902 : i32 to index
      %get3A_904 = arith.index_cast %mul3A_901 : i32 to index
      %get3A_905 = tpu.vector_load %arg12[%get3A_903, %get3A_904] {strides = array<i32>} : memref<10x128xi32, #tpu.memory_space<vmem>>, vector<16xi32>,
      %add3A_906 = arith.constant 10000 : i32
      %add3A_907 = vector.broadcast %add3A_906 : i32 to vector<16xi32>
      %add3A_908 = arith.addi %get3A_905, %add3A_907 : vector<16xi32>
      %gather3A_909 = tpu.vector_load_idx %arg10[%add3A_908] : memref<20000xf32, #tpu.memory_space<vmem>>[vector<16xi32>], vector<16xf32>,
      %ne3A_910 = arith.cmpi ne, %add3A_908, %add3A_803 : vector<16xi32>
      %ne3A_911 = arith.cmpi ne, %add3A_908, %add3A_813 : vector<16xi32>
      %and3A_912 = arith.andi %ne3A_910, %ne3A_911 : vector<16xi1>
      %ne3A_913 = arith.cmpi ne, %add3A_908, %add3A_828 : vector<16xi32>
      %and3A_914 = arith.andi %and3A_912, %ne3A_913 : vector<16xi1>
      %ne3A_915 = arith.cmpi ne, %add3A_908, %add3A_845 : vector<16xi32>
      %and3A_916 = arith.andi %and3A_914, %ne3A_915 : vector<16xi1>
      %ne3A_917 = arith.cmpi ne, %add3A_908, %add3A_864 : vector<16xi32>
      %and3A_918 = arith.andi %and3A_916, %ne3A_917 : vector<16xi1>
      %ne3A_919 = arith.cmpi ne, %add3A_908, %add3A_885 : vector<16xi32>
      %and3A_920 = arith.andi %and3A_918, %ne3A_919 : vector<16xi1>
      %jit3A_921 = arith.constant 0.000000e+00 : f32
      %broadcast_in_dim3A_922 = vector.broadcast %jit3A_921 : f32 to vector<16xf32>
      %select_n3A_923 = arith.select %and3A_920, %gather3A_909, %broadcast_in_dim3A_922 : vector<16xi1>, vector<16xf32>
      %add3A_924 = arith.addf %add3A_899, %select_n3A_923 : vector<16xf32>
      %mul3A_925 = arith.constant 16 : i32
      %mul3A_926 = arith.muli %scan3A_614, %mul3A_925 : i32
      %get3A_927 = arith.constant 7 : i32
      %get3A_928 = arith.index_cast %get3A_927 : i32 to index
      %get3A_929 = arith.index_cast %mul3A_926 : i32 to index
      %get3A_930 = tpu.vector_load %arg12[%get3A_928, %get3A_929] {strides = array<i32>} : memref<10x128xi32, #tpu.memory_space<vmem>>, vector<16xi32>,
      %add3A_931 = arith.constant 10000 : i32
      %add3A_932 = vector.broadcast %add3A_931 : i32 to vector<16xi32>
      %add3A_933 = arith.addi %get3A_930, %add3A_932 : vector<16xi32>
      %gather3A_934 = tpu.vector_load_idx %arg10[%add3A_933] : memref<20000xf32, #tpu.memory_space<vmem>>[vector<16xi32>], vector<16xf32>,
      %ne3A_935 = arith.cmpi ne, %add3A_933, %add3A_803 : vector<16xi32>
      %ne3A_936 = arith.cmpi ne, %add3A_933, %add3A_813 : vector<16xi32>
      %and3A_937 = arith.andi %ne3A_935, %ne3A_936 : vector<16xi1>
      %ne3A_938 = arith.cmpi ne, %add3A_933, %add3A_828 : vector<16xi32>
      %and3A_939 = arith.andi %and3A_937, %ne3A_938 : vector<16xi1>
      %ne3A_940 = arith.cmpi ne, %add3A_933, %add3A_845 : vector<16xi32>
      %and3A_941 = arith.andi %and3A_939, %ne3A_940 : vector<16xi1>
      %ne3A_942 = arith.cmpi ne, %add3A_933, %add3A_864 : vector<16xi32>
      %and3A_943 = arith.andi %and3A_941, %ne3A_942 : vector<16xi1>
      %ne3A_944 = arith.cmpi ne, %add3A_933, %add3A_885 : vector<16xi32>
      %and3A_945 = arith.andi %and3A_943, %ne3A_944 : vector<16xi1>
      %ne3A_946 = arith.cmpi ne, %add3A_933, %add3A_908 : vector<16xi32>
      %and3A_947 = arith.andi %and3A_945, %ne3A_946 : vector<16xi1>
      %jit3A_948 = arith.constant 0.000000e+00 : f32
      %broadcast_in_dim3A_949 = vector.broadcast %jit3A_948 : f32 to vector<16xf32>
      %select_n3A_950 = arith.select %and3A_947, %gather3A_934, %broadcast_in_dim3A_949 : vector<16xi1>, vector<16xf32>
      %add3A_951 = arith.addf %add3A_924, %select_n3A_950 : vector<16xf32>
      %mul3A_952 = arith.constant 16 : i32
      %mul3A_953 = arith.muli %scan3A_614, %mul3A_952 : i32
      %get3A_954 = arith.constant 8 : i32
      %get3A_955 = arith.index_cast %get3A_954 : i32 to index
      %get3A_956 = arith.index_cast %mul3A_953 : i32 to index
      %get3A_957 = tpu.vector_load %arg12[%get3A_955, %get3A_956] {strides = array<i32>} : memref<10x128xi32, #tpu.memory_space<vmem>>, vector<16xi32>,
      %add3A_958 = arith.constant 10000 : i32
      %add3A_959 = vector.broadcast %add3A_958 : i32 to vector<16xi32>
      %add3A_960 = arith.addi %get3A_957, %add3A_959 : vector<16xi32>
      %gather3A_961 = tpu.vector_load_idx %arg10[%add3A_960] : memref<20000xf32, #tpu.memory_space<vmem>>[vector<16xi32>], vector<16xf32>,
      %ne3A_962 = arith.cmpi ne, %add3A_960, %add3A_803 : vector<16xi32>
      %ne3A_963 = arith.cmpi ne, %add3A_960, %add3A_813 : vector<16xi32>
      %and3A_964 = arith.andi %ne3A_962, %ne3A_963 : vector<16xi1>
      %ne3A_965 = arith.cmpi ne, %add3A_960, %add3A_828 : vector<16xi32>
      %and3A_966 = arith.andi %and3A_964, %ne3A_965 : vector<16xi1>
      %ne3A_967 = arith.cmpi ne, %add3A_960, %add3A_845 : vector<16xi32>
      %and3A_968 = arith.andi %and3A_966, %ne3A_967 : vector<16xi1>
      %ne3A_969 = arith.cmpi ne, %add3A_960, %add3A_864 : vector<16xi32>
      %and3A_970 = arith.andi %and3A_968, %ne3A_969 : vector<16xi1>
      %ne3A_971 = arith.cmpi ne, %add3A_960, %add3A_885 : vector<16xi32>
      %and3A_972 = arith.andi %and3A_970, %ne3A_971 : vector<16xi1>
      %ne3A_973 = arith.cmpi ne, %add3A_960, %add3A_908 : vector<16xi32>
      %and3A_974 = arith.andi %and3A_972, %ne3A_973 : vector<16xi1>
      %ne3A_975 = arith.cmpi ne, %add3A_960, %add3A_933 : vector<16xi32>
      %and3A_976 = arith.andi %and3A_974, %ne3A_975 : vector<16xi1>
      %jit3A_977 = arith.constant 0.000000e+00 : f32
      %broadcast_in_dim3A_978 = vector.broadcast %jit3A_977 : f32 to vector<16xf32>
      %select_n3A_979 = arith.select %and3A_976, %gather3A_961, %broadcast_in_dim3A_978 : vector<16xi1>, vector<16xf32>
      %add3A_980 = arith.addf %add3A_951, %select_n3A_979 : vector<16xf32>
      %mul3A_981 = arith.constant 16 : i32
      %mul3A_982 = arith.muli %scan3A_614, %mul3A_981 : i32
      %get3A_983 = arith.constant 9 : i32
      %get3A_984 = arith.index_cast %get3A_983 : i32 to index
      %get3A_985 = arith.index_cast %mul3A_982 : i32 to index
      %get3A_986 = tpu.vector_load %arg12[%get3A_984, %get3A_985] {strides = array<i32>} : memref<10x128xi32, #tpu.memory_space<vmem>>, vector<16xi32>,
      %add3A_987 = arith.constant 10000 : i32
      %add3A_988 = vector.broadcast %add3A_987 : i32 to vector<16xi32>
      %add3A_989 = arith.addi %get3A_986, %add3A_988 : vector<16xi32>
      %gather3A_990 = tpu.vector_load_idx %arg10[%add3A_989] : memref<20000xf32, #tpu.memory_space<vmem>>[vector<16xi32>], vector<16xf32>,
      %ne3A_991 = arith.cmpi ne, %add3A_989, %add3A_803 : vector<16xi32>
      %ne3A_992 = arith.cmpi ne, %add3A_989, %add3A_813 : vector<16xi32>
      %and3A_993 = arith.andi %ne3A_991, %ne3A_992 : vector<16xi1>
      %ne3A_994 = arith.cmpi ne, %add3A_989, %add3A_828 : vector<16xi32>
      %and3A_995 = arith.andi %and3A_993, %ne3A_994 : vector<16xi1>
      %ne3A_996 = arith.cmpi ne, %add3A_989, %add3A_845 : vector<16xi32>
      %and3A_997 = arith.andi %and3A_995, %ne3A_996 : vector<16xi1>
      %ne3A_998 = arith.cmpi ne, %add3A_989, %add3A_864 : vector<16xi32>
      %and3A_999 = arith.andi %and3A_997, %ne3A_998 : vector<16xi1>
      %ne3A_1000 = arith.cmpi ne, %add3A_989, %add3A_885 : vector<16xi32>
      %and3A_1001 = arith.andi %and3A_999, %ne3A_1000 : vector<16xi1>
      %ne3A_1002 = arith.cmpi ne, %add3A_989, %add3A_908 : vector<16xi32>
      %and3A_1003 = arith.andi %and3A_1001, %ne3A_1002 : vector<16xi1>
      %ne3A_1004 = arith.cmpi ne, %add3A_989, %add3A_933 : vector<16xi32>
      %and3A_1005 = arith.andi %and3A_1003, %ne3A_1004 : vector<16xi1>
      %ne3A_1006 = arith.cmpi ne, %add3A_989, %add3A_960 : vector<16xi32>
      %and3A_1007 = arith.andi %and3A_1005, %ne3A_1006 : vector<16xi1>
      %jit3A_1008 = arith.constant 0.000000e+00 : f32
      %broadcast_in_dim3A_1009 = vector.broadcast %jit3A_1008 : f32 to vector<16xf32>
      %select_n3A_1010 = arith.select %and3A_1007, %gather3A_990, %broadcast_in_dim3A_1009 : vector<16xi1>, vector<16xf32>
      %add3A_1011 = arith.addf %add3A_980, %select_n3A_1010 : vector<16xf32>
      %add3A_1012 = arith.addf %add3A_794, %add3A_1011 : vector<16xf32>
      %mul3A_1013 = arith.constant 16 : i32
      %mul3A_1014 = arith.muli %scan3A_614, %mul3A_1013 : i32
      %swap3A = arith.index_cast %mul3A_1014 : i32 to index
      %swap3A_1015 = tpu.vector_load %arg16[%swap3A] {strides = array<i32>} : memref<128xf32, #tpu.memory_space<vmem>>, vector<16xf32>,
      tpu.vector_store %arg16[%swap3A], %add3A_1012 {strides = array<i32>} : memref<128xf32, #tpu.memory_space<vmem>>, vector<16xf32>,
    }
    %scan3A_613 = arith.constant 8 : i32
    "tpu.region"() ({
      %run_scoped3A = tpu.sem_alloc : memref<!tpu.dma_semaphore, #tpu.memory_space<semaphore_mem>>
      %dma_start3A_614 = arith.constant 0 : i32
      %dma_start3A_615 = tpu.memref_slice %arg8[%mul3A_2, %dma_start3A_614] : memref<4096x128xf32, #tpu.memory_space<hbm>> -> memref<128x128xf32, #tpu.memory_space<hbm>>
      %dma_start3A_616 = arith.constant 0 : i32
      %dma_start3A_617 = tpu.memref_slice %arg8[%mul3A_2, %dma_start3A_616] : memref<4096x128xf32, #tpu.memory_space<hbm>> -> memref<128x128xf32, #tpu.memory_space<hbm>>
      tpu.enqueue_dma source(%arg15 : memref<128x128xf32, #tpu.memory_space<vmem>>) target(%dma_start3A_617 : memref<128x128xf32, #tpu.memory_space<hbm>>) target_semaphore(%run_scoped3A : memref<!tpu.dma_semaphore, #tpu.memory_space<semaphore_mem>>)
      %dma_wait3A_618 = arith.constant 0 : i32
      %dma_wait3A_619 = tpu.memref_slice %arg8[%mul3A_2, %dma_wait3A_618] : memref<4096x128xf32, #tpu.memory_space<hbm>> -> memref<128x128xf32, #tpu.memory_space<hbm>>
      %dma_wait3A_620 = arith.constant 0 : i32
      %dma_wait3A_621 = tpu.memref_slice %arg8[%mul3A_2, %dma_wait3A_620] : memref<4096x128xf32, #tpu.memory_space<hbm>> -> memref<128x128xf32, #tpu.memory_space<hbm>>
      tpu.wait_dma2 semaphore(%run_scoped3A : memref<!tpu.dma_semaphore, #tpu.memory_space<semaphore_mem>>) src(%arg15 : memref<128x128xf32, #tpu.memory_space<vmem>>) dst(%dma_wait3A_621 : memref<128x128xf32, #tpu.memory_space<hbm>>)
      tpu.yield
    }) : () -> ()
    "tpu.region"() ({
      %run_scoped3A = tpu.sem_alloc : memref<!tpu.dma_semaphore, #tpu.memory_space<semaphore_mem>>
      %dma_start3A_614 = tpu.memref_slice %arg9[%mul3A_2] : memref<4096xf32, #tpu.memory_space<hbm>> -> memref<128xf32, #tpu.memory_space<hbm>>
      %dma_start3A_615 = tpu.memref_slice %arg9[%mul3A_2] : memref<4096xf32, #tpu.memory_space<hbm>> -> memref<128xf32, #tpu.memory_space<hbm>>
      tpu.enqueue_dma source(%arg16 : memref<128xf32, #tpu.memory_space<vmem>>) target(%dma_start3A_615 : memref<128xf32, #tpu.memory_space<hbm>>) target_semaphore(%run_scoped3A : memref<!tpu.dma_semaphore, #tpu.memory_space<semaphore_mem>>)
      %dma_wait3A_616 = tpu.memref_slice %arg9[%mul3A_2] : memref<4096xf32, #tpu.memory_space<hbm>> -> memref<128xf32, #tpu.memory_space<hbm>>
      %dma_wait3A_617 = tpu.memref_slice %arg9[%mul3A_2] : memref<4096xf32, #tpu.memory_space<hbm>> -> memref<128xf32, #tpu.memory_space<hbm>>
      tpu.wait_dma2 semaphore(%run_scoped3A : memref<!tpu.dma_semaphore, #tpu.memory_space<semaphore_mem>>) src(%arg16 : memref<128xf32, #tpu.memory_space<vmem>>) dst(%dma_wait3A_617 : memref<128xf32, #tpu.memory_space<hbm>>)
      tpu.yield
    }) : () -> ()
    return
  }
}

module attributes {stable_mosaic.version = 14 : i64} {
  func.func @_mlp_body(%arg0: memref<4096x128xf32, #tpu.memory_space<vmem>>, %arg1: memref<4096x1xf32, #tpu.memory_space<vmem>>, %arg2: memref<128x128xf32, #tpu.memory_space<vmem>>, %arg3: memref<1x128xf32, #tpu.memory_space<vmem>>, %arg4: memref<128x64xf32, #tpu.memory_space<vmem>>, %arg5: memref<1x64xf32, #tpu.memory_space<vmem>>, %arg6: memref<64x1xf32, #tpu.memory_space<vmem>>, %arg7: memref<1x1xf32, #tpu.memory_space<vmem>>, %arg8: memref<4096x1xf32, #tpu.memory_space<vmem>>) attributes {dimension_semantics = [], scalar_prefetch = 0 : i64, scratch_operands = 0 : i64, tpu.core_type = #tpu.core_type<tc>} {
    %get3A = arith.constant 0 : index
    %get3A_0 = arith.constant 0 : index
    %get3A_1 = vector.load %arg0[%get3A, %get3A_0] : memref<4096x128xf32, #tpu.memory_space<vmem>>, vector<4096x128xf32>
    %get3A_2 = arith.constant 0 : index
    %get3A_3 = arith.constant 0 : index
    %get3A_4 = vector.load %arg2[%get3A_2, %get3A_3] : memref<128x128xf32, #tpu.memory_space<vmem>>, vector<128x128xf32>
    %mul3A = arith.constant 5.000000e-02 : f32
    %mul3A_5 = vector.broadcast %mul3A : f32 to vector<128x128xf32>
    %mul3A_6 = arith.mulf %get3A_4, %mul3A_5 : vector<128x128xf32>
    %dot_general3A = arith.constant dense<0.000000e+00> : vector<4096x128xf32>
    %dot_general3A_7 = tpu.matmul %get3A_1, %mul3A_6, %dot_general3A {dimension_numbers = #tpu.dot_dimension_numbers<[1], [0], [0], [1], [0, 0, 1, 1], [], []>, transpose_lhs_hint = false} : vector<4096x128xf32>, vector<128x128xf32>, vector<4096x128xf32> -> vector<4096x128xf32>
    %get3A_8 = arith.constant 0 : index
    %get3A_9 = arith.constant 0 : index
    %get3A_10 = vector.load %arg3[%get3A_8, %get3A_9] : memref<1x128xf32, #tpu.memory_space<vmem>>, vector<1x128xf32>
    %add3A = vector.broadcast %get3A_10 : vector<1x128xf32> to vector<4096x128xf32>
    %add3A_11 = arith.addf %dot_general3A_7, %add3A : vector<4096x128xf32>
    %max3A = arith.constant 0.000000e+00 : f32
    %max3A_12 = vector.broadcast %max3A : f32 to vector<4096x128xf32>
    %max3A_13 = arith.maximumf %add3A_11, %max3A_12 : vector<4096x128xf32>
    %get3A_14 = arith.constant 0 : index
    %get3A_15 = arith.constant 0 : index
    %get3A_16 = vector.load %arg4[%get3A_14, %get3A_15] : memref<128x64xf32, #tpu.memory_space<vmem>>, vector<128x64xf32>
    %dot_general3A_17 = arith.constant dense<0.000000e+00> : vector<4096x64xf32>
    %dot_general3A_18 = tpu.matmul %max3A_13, %get3A_16, %dot_general3A_17 {dimension_numbers = #tpu.dot_dimension_numbers<[1], [0], [0], [1], [0, 0, 1, 1], [], []>, transpose_lhs_hint = false} : vector<4096x128xf32>, vector<128x64xf32>, vector<4096x64xf32> -> vector<4096x64xf32>
    %get3A_19 = arith.constant 0 : index
    %get3A_20 = arith.constant 0 : index
    %get3A_21 = vector.load %arg5[%get3A_19, %get3A_20] : memref<1x64xf32, #tpu.memory_space<vmem>>, vector<1x64xf32>
    %add3A_22 = vector.broadcast %get3A_21 : vector<1x64xf32> to vector<4096x64xf32>
    %add3A_23 = arith.addf %dot_general3A_18, %add3A_22 : vector<4096x64xf32>
    %max3A_24 = arith.constant 0.000000e+00 : f32
    %max3A_25 = vector.broadcast %max3A_24 : f32 to vector<4096x64xf32>
    %max3A_26 = arith.maximumf %add3A_23, %max3A_25 : vector<4096x64xf32>
    %get3A_27 = arith.constant 0 : index
    %get3A_28 = arith.constant 0 : index
    %get3A_29 = vector.load %arg6[%get3A_27, %get3A_28] : memref<64x1xf32, #tpu.memory_space<vmem>>, vector<64x1xf32>
    %dot_general3A_30 = arith.constant dense<0.000000e+00> : vector<4096x1xf32>
    %dot_general3A_31 = tpu.matmul %max3A_26, %get3A_29, %dot_general3A_30 {dimension_numbers = #tpu.dot_dimension_numbers<[1], [0], [0], [1], [0, 0, 1, 1], [], []>, transpose_lhs_hint = false} : vector<4096x64xf32>, vector<64x1xf32>, vector<4096x1xf32> -> vector<4096x1xf32>
    %get3A_32 = arith.constant 0 : index
    %get3A_33 = arith.constant 0 : index
    %get3A_34 = vector.load %arg1[%get3A_32, %get3A_33] : memref<4096x1xf32, #tpu.memory_space<vmem>>, vector<4096x1xf32>
    %add3A_35 = arith.addf %dot_general3A_31, %get3A_34 : vector<4096x1xf32>
    %get3A_36 = arith.constant 0 : index
    %get3A_37 = arith.constant 0 : index
    %get3A_38 = vector.load %arg7[%get3A_36, %get3A_37] : memref<1x1xf32, #tpu.memory_space<vmem>>, vector<1x1xf32>
    %add3A_39 = vector.broadcast %get3A_38 : vector<1x1xf32> to vector<4096x1xf32>
    %add3A_40 = arith.addf %add3A_35, %add3A_39 : vector<4096x1xf32>
    %mul3A_41 = arith.constant 5.000000e-01 : f32
    %mul3A_42 = vector.broadcast %mul3A_41 : f32 to vector<4096x1xf32>
    %mul3A_43 = arith.mulf %mul3A_42, %add3A_40 : vector<4096x1xf32>
    %neg3A = arith.constant 0.000000e+00 : f32
    %neg3A_44 = vector.broadcast %neg3A : f32 to vector<4096x1xf32>
    %neg3A_45 = arith.subf %neg3A_44, %mul3A_43 : vector<4096x1xf32>
    %exp3A = math.exp %neg3A_45 : vector<4096x1xf32>
    %add3A_46 = arith.constant 1.000000e+00 : f32
    %add3A_47 = vector.broadcast %add3A_46 : f32 to vector<4096x1xf32>
    %add3A_48 = arith.addf %add3A_47, %exp3A : vector<4096x1xf32>
    %div3A = arith.constant 1.000000e+00 : f32
    %div3A_49 = vector.broadcast %div3A : f32 to vector<4096x1xf32>
    %div3A_50 = arith.divf %div3A_49, %add3A_48 : vector<4096x1xf32>
    %swap3A = arith.constant 0 : index
    %swap3A_51 = arith.constant 0 : index
    %swap3A_52 = vector.load %arg8[%swap3A, %swap3A_51] : memref<4096x1xf32, #tpu.memory_space<vmem>>, vector<4096x1xf32>
    tpu.vector_store %arg8[%swap3A, %swap3A_51], %div3A_50 {strides = array<i32>} : memref<4096x1xf32, #tpu.memory_space<vmem>>, vector<4096x1xf32>,
    return
  }
}

</mosaic_0001>

<sc_bundles>
// kernel: kernel.4.cloned.1.call-start
scs
__scs_entry_jumppad:
0x0: {  	(pc) =	sbr.rel $0x88, $3  }
0x1: {  	(tag) =	ssettag $0x0;
	lr =	simm.s32 $0x1  }
0x2: {  	[smem:$0x3F94] =	sst lr;
	_ =	strace $0xD0000000  }
0x3: {  	_ = 	snop  }
0x4: {  	_ = 	snop  }
0x5: {  	_ = 	snop  }
0x6: {  	_ = 	snop  }
0x7: {  	_ = 	snop  }
__scs_overlays_trampoline_lowered:
0x8: {  	[smem:$0x3FA3] =	sst s0  }
0x9: {  	[smem:$0x3FA4] =	sst s1  }
0xa: {  	[smem:$0x3FA5] =	sst s2  }
0xb: {  	[smem:$0x3FA6] =	sst s3  }
0xc: {  	[smem:$0x3FA7] =	sst s4  }
0xd: {  	[smem:$0x3FA8] =	sst s5  }
0xe: {  	[smem:$0x3FA9] =	sst s6  }
0xf: {  	[smem:$0x3FAA] =	sst s7  }
0x10: {  	[smem:$0x3FAB] =	sst s8  }
0x11: {  	[smem:$0x3FAC] =	sst s9;
	s0 =	simm.s32 @!p0 $0x0  }
0x12: {  	s1 =	sld [smem:$0x3F92];
	s0 =	simm.s32 @p0 $0x1  }
0x13: {  	[smem:$0x3FAD] =	sst s0;
	s0 =	simm.s32 @!p1 $0x0  }
0x14: {  	s2 =	sld [smem:$0x3F91];
	s0 =	simm.s32 @p1 $0x1  }
0x15: {  	[smem:$0x3FAE] =	sst s0;
	s0 =	simm.s32 @!p2 $0x0  }
0x16: {  	s3 =	sld [smem:$0x3FDB];
	s0 =	simm.s32 @p2 $0x1  }
0x17: {  	s4 =	simm.s32 $0x1BF5;
	[smem:$0x3FB0] =	sst s0  }
0x18: {  	s0 =	sld [smem:$0x3F93];
	_ =	swait.ge [sflag:s4], $0x0  }
0x19: {  	s7 =	sld [smem:$0x3F94]  }
0x1a: {  	s8 =	sadd.s32 $0xFFFFE003, lr  }
0x1b: {  	s9 =	sadd.s32 $0xFFFFFEF7, lr;
	s5 =	simm.s32 $0xFFFFFFFF;
	p2 =	slt.u32 s8, $0xFFFFF086  }
0x1c: {  	p1 =	slt.u32 s9, $0xF7A;
	s5 =	simm.s32 @!p2 $0x0  }
0x1d: {  	s5 =	simm.s32 @p1 $0x1;
	p0 =	seq.s32 s7, s2  }
0x1e: {  	s7 =	smul.u32 @!p0 $0xF7A, s2;
	p2 =	seq.s32 @!p0 s5, $0x0  }
0x1f: {  	s9 =	smul.u32 $0xF7A, s1;
	s8 =	simm.s32 @!p0 $0x1BF5;
	p2 =	por !p2, p0  }
0x20: {  	[sflag:s8] =	ssyncset.s32 @!p0 $0xFFFFF086;
	s6 =	sadd.s32 @!p0 s3, s7;
	s7 =	simm.s32 @!p0 $0x108  }
0x21: {  	s3 =	sadd.s32 s3, s9;
	s6 =	sadd.s32 @!p0 $0x88, s6;
	s7 =	simm.s32 @p2 $0x1082  }
0x22: {  	[simem:s7], [sflag:s8] =	dma.local @!p0 [hbm:s6], $0xF7A  }
0x23: {  	s9 =	sor.u32 $0xD0000000, s2;
	s6 =	simm.s32 $0x108;
	_ =	swait.ge @!p0 [sflag:s8], $0x0  }
0x24: {  	s3 =	sadd.s32 $0x88, s3;
	s6 =	simm.s32 @!p1 $0x1082;
	[sflag:s4] =	ssyncset.s32 $0xFFFFF086  }
0x25: {  	[simem:s6], [sflag:s4] =	dma.local [hbm:s3], $0xF7A  }
0x26: {  	[smem:$0x3F94] =	sst s1;
	(tag) =	ssettag s2;
	_ =	strace s9  }
0x27: {  	s1 =	sld [smem:$0x3FA4]  }
0x28: {  	s2 =	sld [smem:$0x3FA5]  }
0x29: {  	s4 =	sld [smem:$0x3FA7]  }
0x2a: {  	p0 =	seq.s32 s5, $0x0;
	s5 =	sld [smem:$0x3FA8]  }
0x2b: {  	s6 =	sld [smem:$0x3FA9]  }
0x2c: {  	s7 =	sld [smem:$0x3FAA]  }
0x2d: {  	s3 =	simm.s32 $0x108;
	s8 =	sld [smem:$0x3FAB]  }
0x2e: {  	s3 =	simm.s32 @!p0 $0x1082;
	s9 =	sld [smem:$0x3FAC]  }
0x2f: {  	lr =	sadd.s32 s0, s3;
	s0 =	sld [smem:$0x3FA3]  }
0x30: {  	s3 =	sld [smem:$0x3FA6]  }
0x31: {  	[smem:$0x3FAF] =	sst s10  }
0x32: {  	s10 =	sld [smem:$0x3FAD];
	_ =	sdelay $0x3  }
0x33: {  	p0 =	seq.s32 s10, $0x1;
	s10 =	sld [smem:$0x3FAF];
	_ =	sdelay $0x3  }
0x34: {  	[smem:$0x3FAF] =	sst s10  }
0x35: {  	s10 =	sld [smem:$0x3FAE];
	_ =	sdelay $0x3  }
0x36: {  	p1 =	seq.s32 s10, $0x1;
	s10 =	sld [smem:$0x3FAF];
	_ =	sdelay $0x3  }
0x37: {  	[smem:$0x3FAF] =	sst s10  }
0x38: {  	s10 =	sld [smem:$0x3FB0]  }
0x39: {  	_ = 	snop;
	(pc) =	sbr.ind lr, $3  }
0x3a: {  	_ = 	snop  }
0x3b: {  	_ = 	snop  }
0x3c: {  	p2 =	seq.s32 s10, $0x1;
	s10 =	sld [smem:$0x3FAF]  }
0x3d: {  	_ =	shalt  }
0x3e: {  	_ =	shalt  }
0x3f: {  	_ =	shalt  }
0x40: {  	_ =	shalt  }
0x41: {  	_ =	shalt  }
0x42: {  	_ =	shalt  }
0x43: {  	_ =	shalt  }
0x44: {  	_ =	shalt  }
0x45: {  	_ =	shalt  }
0x46: {  	_ =	shalt  }
0x47: {  	_ =	shalt  }
0x48: {  	_ =	shalt  }
0x49: {  	_ =	shalt  }
0x4a: {  	_ =	shalt  }
0x4b: {  	_ =	shalt  }
0x4c: {  	_ =	shalt  }
0x4d: {  	_ =	shalt  }
0x4e: {  	_ =	shalt  }
0x4f: {  	_ =	shalt  }
0x50: {  	_ =	shalt  }
0x51: {  	_ =	shalt  }
0x52: {  	_ =	shalt  }
0x53: {  	_ =	shalt  }
0x54: {  	_ =	shalt  }
0x55: {  	_ =	shalt  }
0x56: {  	_ =	shalt  }
0x57: {  	_ =	shalt  }
0x58: {  	_ =	shalt  }
0x59: {  	_ =	shalt  }
0x5a: {  	_ =	shalt  }
0x5b: {  	_ =	shalt  }
0x5c: {  	_ =	shalt  }
0x5d: {  	_ =	shalt  }
0x5e: {  	_ =	shalt  }
0x5f: {  	_ =	shalt  }
0x60: {  	_ =	shalt  }
0x61: {  	_ =	shalt  }
0x62: {  	_ =	shalt  }
0x63: {  	_ =	shalt  }
0x64: {  	_ =	shalt  }
0x65: {  	_ =	shalt  }
0x66: {  	_ =	shalt  }
0x67: {  	_ =	shalt  }
0x68: {  	_ =	shalt  }
0x69: {  	_ =	shalt  }
0x6a: {  	_ =	shalt  }
0x6b: {  	_ =	shalt  }
0x6c: {  	_ =	shalt  }
0x6d: {  	_ =	shalt  }
0x6e: {  	_ =	shalt  }
0x6f: {  	_ =	shalt  }
0x70: {  	_ =	shalt  }
0x71: {  	_ =	shalt  }
0x72: {  	_ =	shalt  }
0x73: {  	_ =	shalt  }
0x74: {  	_ =	shalt  }
0x75: {  	_ =	shalt  }
0x76: {  	_ =	shalt  }
0x77: {  	_ =	shalt  }
0x78: {  	_ =	shalt  }
0x79: {  	_ =	shalt  }
0x7a: {  	_ =	shalt  }
0x7b: {  	_ =	shalt  }
0x7c: {  	_ =	shalt  }
0x7d: {  	_ =	shalt  }
0x7e: {  	_ =	shalt  }
0x7f: {  	_ =	shalt  }
0x80: {  	_ =	shalt  }
0x81: {  	_ =	shalt  }
0x82: {  	_ =	shalt  }
0x83: {  	_ =	shalt  }
0x84: {  	_ =	shalt  }
0x85: {  	_ =	shalt  }
0x86: {  	_ =	shalt  }
0x87: {  	_ =	shalt  }
.Lfunc_end0:
.L_simem_size_0:
called_computation_lowered:
.L_overlay_start_0:
0x88: {  	s2 =	sld [smem:$0x3FD9]  }
0x89: {  	s3 =	sld [smem:$0x3FFE];
	_ =	sdelay $0x1  }
0x8a: {  	s1 =	srdreg.scid  }
0x8b: {  	s0 =	sand.u32 $0x1, s1  }
0x8c: {  	s17 =	sshll.u32 s0, $0xA;
	s2 =	sadd.s32 s3, s2  }
0x8d: {  	s2 =	sadd.s32 s2, s17  }
0x8e: {  	[smem:$0x3FBB] =	sst s2  }
0x8f: {  	_ = 	snop  }
0x90: {  	s2 =	sld [smem:$0x3FD0];
	(tm) =	ssettm $0x1  }
0x91: {  	s18 =	sld [smem:$0x3FFB];
	_ =	sdelay $0x3  }
0x92: {  	_ =	strace s18  }
0x93: {  	s3 =	sld [smem:$0x3FFC];
	_ =	sdelay $0x3  }
0x94: {  	_ =	strace s3  }
0x95: {  	s3 =	sld [smem:$0x3FFD];
	_ =	sdelay $0x3  }
0x96: {  	_ =	strace s3  }
0x97: {  	_ =	strace $0x8FFFFFFF  }
0x98: {  	s19 =	sld [smem:$0x3FDB];
	_ =	sdelay $0x1  }
0x99: {  	s4 =	simm.s32 $_scs_section_size  }
0x9a: {  	s5 =	simm.s32 $_size__tile_overlayer_lowered;
	s6 =	simm.s32 $_tile_overlayer_lowered  }
0x9b: {  	s22 =	simm.s32 $0x1BFF;
	s21 =	sshll.u32 s6, $0x1;
	s3 =	sadd.s32 s4, s19  }
0x9c: {  	s7 =	simm.s32 $0x0;
	s20 =	sshll.u32 s5, $0x1;
	s5 =	sadd.s32 s21, s3  }
0x9d: {  	[timem:s7], [sflag:s22] =	dma.local [hbm:s5], s20  }
0x9e: {  	_ =	swait.ge [sflag:s22], s20  }
0x9f: {  	s4 =	ssub.s32 $0x0, s20;
	[sflag:s22] =	ssyncset.done $0x0  }
0xa0: {  	[sflag:s22] =	ssyncadd.s32 s4;
	_ =	sdelay $0x1  }
0xa1: {  	s23 =	simm.s32 $0x1B8B  }
0xa2: {  	_ =	swait.ge [sflag:s23], $0x1  }
0xa3: {  	[sflag:s23] =	ssyncset.done $0x0  }
0xa4: {  	s25 =	simm.s32 $0x1B8E;
	s24 =	sld [smem:$0x3FFE];
	[sflag:s23] =	ssyncadd.s32 $0xFFFFFFFF  }
0xa5: {  	s26 =	simm.s32 $execute0_lowered;
	[smem:$0x3FD2] =	sst s25  }
0xa6: {  	s5 =	sshll.u32 s26, $0x1;
	_ =	strace $0x80000046;
	[dreg:$0x1] =	wrdreg $0xFFFFFFFF  }
0xa7: {  	s28 =	simm.s32 $_size_execute0_lowered;
	s3 =	sadd.s32 s3, s5;
	[dreg:$0x0] =	wrdreg $0x0  }
0xa8: {  	s5 =	sshll.u32 s28, $0x1;
	[dreg:$0x2] =	wrdreg s3  }
0xa9: {  	[dreg:$0x3] =	wrdreg s5  }
0xaa: {  	[dreg:$0x4] =	wrdreg $0xC0  }
0xab: {  	_ =	task [dreg:s7], $0x5FFFF  }
0xac: {  	[dreg:$0x1] =	wrdreg $0xFFFFFFFF  }
0xad: {  	[dreg:$0x0] =	wrdreg $0x60  }
0xae: {  	[dreg:$0x2] =	wrdreg s24  }
0xaf: {  	[dreg:$0x3] =	wrdreg s2  }
0xb0: {  	[dreg:$0x4] =	wrdreg $0x9  }
0xb1: {  	_ =	task.clear_ibuf [dreg:s7], $0x5FFFF;
	_ =	strace $0x90000046  }
0xb2: {  	s29 =	simm.s32 $0x9;
	_ =	strace $0x80000048  }
0xb3: {  	_ =	swait.ge [sflag:s29], $0x1  }
0xb4: {  	[sflag:s29] =	ssyncadd.s32 $0xFFFFFFFF  }
0xb5: {  	_ =	strace $0x90000048  }
0xb6: {  	_ =	sfence  }
0xb7: {  	s30 =	sld [smem:$0x0];
	_ =	sdelay $0x2  }
0xb8: {  	s31 =	sshll.u32 s1, $0xD;
	s1 =	sshrl.u32 s1, $0x2  }
0xb9: {  	s3 =	sand.u32 $0x4000, s31;
	s1 =	sadd.s32 s1, s30  }
0xba: {  	s0 =	sor.u32 s3, s0;
	s1 =	sshll.u32 s1, $0x11  }
0xbb: {  	s0 =	sor.u32 s1, s0  }
0xbc: {  	s0 =	sadd.s32 $0x8F2B, s0  }
0xbd: {  	[sflag:s0] =	ssyncadd.remote.s32 $0x1  }
0xbe: {  	_ =	sfence.sel $0xFFFF  }
0xbf: {  	[dreg:$0x0] =	wrdreg $0xFFFFFFFF;
	(pc) =	sbr.abs _section_cstart, $3  }
0xc0: {  	[dreg:$0x1] =	wrdreg $0xFFFFFFFF  }
0xc1: {  	_ =	task.clear_ibuf [dreg:s7], $0x2FFFF;
	_ =	strace $0x9FFFFFFF  }
0xc2: {  	(tm) =	ssettm $0x7FFFFFFF  }
0xc3: {  	_ =	shalt  }
tec
execute0_lowered:
.L_overlay_start_1:
0x0: {  	(tag) =	ssettag $0x1  }
0x1: {  	s0 =	rddreg [dreg:$0x0]  }
0x2: {  	s1 =	rddreg [dreg:$0x1]  }
0x3: {  	s2 =	srdreg.scid;
	s3 =	stileid.u32;
	s12 =	simm.s32 $0x80  }
0x4: {  	s13 =	simm.s32 $0x1000;
	s15 =	simm.s32 $0x3;
	s16 =	simm.s32 $0x6220  }
0x5: {  	s17 =	simm.s32 $0xACA0;
	s19 =	simm.s32 $0xCCA0;
	s21 =	simm.s32 $0xECA0  }
0x6: {  	s23 =	simm.s32 $0x10CA0;
	s25 =	simm.s32 $0x12CA0;
	s28 =	simm.s32 $0x14CA0  }
0x7: {  	s30 =	simm.s32 $0x16CA0;
	s18 =	simm.s32 $0x1ACA0;
	s22 =	simm.s32 $0x1CCA0  }
0x8: {  	s29 =	simm.s32 $0x1;
	s31 =	simm.s32 $0x2;
	s24 =	simm.s32 $0x0  }
0x9: {  	s4 =	sand.u32 $0x1, s2;
	s2 =	simm.s32 $0x0;
	s3 =	sshll.u32 s3, $0x8  }
0xa: {  	s5 =	sshll.u32 s4, $0x7;
	[smem:$0x7FF] =	sst s2;
	s6 =	ssub.s32 $0x2, s4  }
0xb: {  	s4 =	sadd.s32 $0x1CC00, s0;
	s5 =	sor.u32 s5, s3;
	_ =	strace $0x80000047  }
0xc: {  	s3 =	sadd.s32 $0x1A00, s0;
	s7 =	sshrl.u32 s6, $0x1;
	s10 =	sshrl.u32 s5, $0x3  }
0xd: {  	s5 =	sshll.u32 s5, $0x4;
	s11 =	ssub.s32 s6, s7;
	s8 =	sadd.s32 s10, s0  }
0xe: {  	s0 =	sadd.s32 s5, s0;
	s10 =	sadd.s32 s1, s10;
	s11 =	smax.u32 s11, $0x1  }
0xf: {  	s5 =	sadd.s32 $0x17C00, s8;
	s6 =	sadd.s32 $0x15400, s8;
	s7 =	sadd.s32 $0x1B800, s8  }
0x10: {  	s8 =	sadd.s32 $0x1A400, s8;
	s9 =	sadd.s32 $0x1D600, s0;
	s0 =	simm.s32 $0x18CA0  }
.LBB2_1:
0x11: {  	s1 =	simm.s32 $0x5820  }
0x12: {  	[tilespmem:s1], [sflag:$0x3] =	stream.strided.gather [hbm4b:s5+s12], $0xA00, s13, s12, $0x38;
	[tilespmem:$0x1ECA0] =	vst v63  }
0x13: {  	_ =	swait.ge [sflag:s15], $0xA00  }
0x14: {  	[sflag:s15] =	ssyncset.done $0x0  }
0x15: {  	[sflag:s15] =	ssyncadd.s32 $0xFFFFF600  }
0x16: {  	[tilespmem:s16], [sflag:$0x3] =	stream.strided.gather [hbm4b:s6+s12], $0xA00, s13, s12, $0x38;
	[tilespmem:$0x1ECA0] =	vst v63  }
0x17: {  	_ =	swait.ge [sflag:s15], $0xA00  }
0x18: {  	[sflag:s15] =	ssyncset.done $0x0  }
0x19: {  	[sflag:s15] =	ssyncadd.s32 $0xFFFFF600  }
0x1a: {  	[tilespmem:s17], [sflag:$0x1] =	stream.indirect.gather [hbm4b:s3+s12], $0x40, s1, s12, $0xb8;
	[tilespmem:$0x1ECA0] =	vst v63  }
0x1b: {  	s20 =	simm.s32 $0x58A0  }
0x1c: {  	[tilespmem:s19], [sflag:$0x1] =	stream.indirect.gather [hbm4b:s3+s12], $0x40, s20, s12, $0xb8;
	[tilespmem:$0x1ECA0] =	vst v63  }
0x1d: {  	s26 =	simm.s32 $0x5920  }
0x1e: {  	[tilespmem:s21], [sflag:$0x1] =	stream.indirect.gather [hbm4b:s3+s12], $0x40, s26, s12, $0xb8;
	[tilespmem:$0x1ECA0] =	vst v63  }
0x1f: {  	s14 =	simm.s32 $0x59A0  }
0x20: {  	[tilespmem:s23], [sflag:$0x1] =	stream.indirect.gather [hbm4b:s3+s12], $0x40, s14, s12, $0xb8;
	[tilespmem:$0x1ECA0] =	vst v63  }
0x21: {  	s20 =	simm.s32 $0x5A20  }
0x22: {  	[tilespmem:s25], [sflag:$0x1] =	stream.indirect.gather [hbm4b:s3+s12], $0x40, s20, s12, $0xb8;
	[tilespmem:$0x1ECA0] =	vst v63  }
0x23: {  	s26 =	simm.s32 $0x5AA0  }
0x24: {  	[tilespmem:s28], [sflag:$0x2] =	stream.indirect.gather [hbm4b:s3+s12], $0x40, s26, s12, $0xb8;
	[tilespmem:$0x1ECA0] =	vst v63  }
0x25: {  	s14 =	simm.s32 $0x5B20  }
0x26: {  	[tilespmem:s30], [sflag:$0x2] =	stream.indirect.gather [hbm4b:s3+s12], $0x40, s14, s12, $0xb8;
	[tilespmem:$0x1ECA0] =	vst v63  }
0x27: {  	s20 =	simm.s32 $0x5BA0  }
0x28: {  	[tilespmem:s0], [sflag:$0x2] =	stream.indirect.gather [hbm4b:s3+s12], $0x40, s20, s12, $0xb8;
	[tilespmem:$0x1ECA0] =	vst v63  }
0x29: {  	s26 =	simm.s32 $0x5C20  }
0x2a: {  	[tilespmem:s18], [sflag:$0x2] =	stream.indirect.gather [hbm4b:s3+s12], $0x40, s26, s12, $0xb8;
	[tilespmem:$0x1ECA0] =	vst v63  }
0x2b: {  	s14 =	simm.s32 $0x5CA0  }
0x2c: {  	[tilespmem:s22], [sflag:$0x2] =	stream.indirect.gather [hbm4b:s3+s12], $0x40, s14, s12, $0xb8;
	[tilespmem:$0x1ECA0] =	vst v63  }
0x2d: {  	s20 =	simm.s32 $0x4E20  }
0x2e: {  	[tilespmem:s20], [sflag:$0x3] =	stream.strided.gather [hbm4b:s7+s12], $0x500, s13, s12, $0x38;
	[tilespmem:$0x1ECA0] =	vst v63  }
0x2f: {  	_ =	swait.ge [sflag:s15], $0x500  }
0x30: {  	[sflag:s15] =	ssyncset.done $0x0  }
0x31: {  	s26 =	simm.s32 $0x5320;
	[sflag:s15] =	ssyncadd.s32 $0xFFFFFB00  }
0x32: {  	[tilespmem:s26], [sflag:$0x3] =	stream.strided.gather [hbm4b:s8+s12], $0x500, s13, s12, $0x38;
	[tilespmem:$0x1ECA0] =	vst v63  }
0x33: {  	_ =	swait.ge [sflag:s15], $0x500  }
0x34: {  	[sflag:s15] =	ssyncset.done $0x0  }
0x35: {  	[sflag:s15] =	ssyncadd.s32 $0xFFFFFB00  }
0x36: {  	[tilespmem:s2], [sflag:$0x3] =	stream.linear.gather [hbm4b:s4+s2], $0x4E20, $0x38;
	[tilespmem:$0x1ECA0] =	vst v63  }
0x37: {  	_ =	swait.ge [sflag:s15], $0x4E20  }
0x38: {  	[sflag:s15] =	ssyncset.done $0x0  }
0x39: {  	[sflag:s15] =	ssyncadd.s32 $0xFFFFB1E0  }
0x3a: {  	_ =	swait.ge [sflag:s29], $0x2000  }
0x3b: {  	[sflag:s29] =	ssyncset.done $0x0  }
0x3c: {  	[sflag:s29] =	ssyncadd.s32 $0xFFFFE000  }
0x3d: {  	_ =	swait.ge [sflag:s29], $0x2000  }
0x3e: {  	[sflag:s29] =	ssyncset.done $0x0  }
0x3f: {  	[sflag:s29] =	ssyncadd.s32 $0xFFFFE000  }
0x40: {  	_ =	swait.ge [sflag:s29], $0x2000  }
0x41: {  	[sflag:s29] =	ssyncset.done $0x0  }
0x42: {  	[sflag:s29] =	ssyncadd.s32 $0xFFFFE000  }
0x43: {  	_ =	swait.ge [sflag:s29], $0x2000  }
0x44: {  	[sflag:s29] =	ssyncset.done $0x0  }
0x45: {  	[sflag:s29] =	ssyncadd.s32 $0xFFFFE000  }
0x46: {  	_ =	swait.ge [sflag:s29], $0x2000  }
0x47: {  	[sflag:s29] =	ssyncset.done $0x0  }
0x48: {  	s14 =	simm.s32 $0x0;
	[sflag:s29] =	ssyncadd.s32 $0xFFFFE000  }
0x49: {  	v0 =	vld [tilespmem:s14+$0xACA0]  }
0x4a: {  	v1 =	vld [tilespmem:s14+$0xCCA0];
	_ =	sdelay $0x1  }
0x4b: {  	v2 =	vld [tilespmem:s14+$0xECA0];
	_ =	sdelay $0x1  }
0x4c: {  	v3 =	vld [tilespmem:s14+$0x10CA0]  }
0x4d: {  	v0 =	vadd.f32 v1, v0  }
0x4e: {  	v1 =	vld [tilespmem:s14+$0x12CA0]  }
0x4f: {  	v0 =	vadd.f32 v2, v0;
	_ =	sdelay $0x1  }
0x50: {  	v0 =	vadd.f32 v3, v0;
	_ =	sdelay $0x1  }
0x51: {  	v0 =	vadd.f32 v1, v0  }
0x52: {  	s1 =	simm.s32 $0x6C40  }
0x53: {  	[tilespmem:s1+$0xFFFFFFE0] =	vst v0  }
0x54: {  	v0 =	vld [tilespmem:s14+$0xACB0]  }
0x55: {  	v1 =	vld [tilespmem:s14+$0xCCB0];
	_ =	sdelay $0x1  }
0x56: {  	v2 =	vld [tilespmem:s14+$0xECB0];
	_ =	sdelay $0x1  }
0x57: {  	v3 =	vld [tilespmem:s14+$0x10CB0]  }
0x58: {  	v0 =	vadd.f32 v1, v0  }
0x59: {  	v1 =	vld [tilespmem:s14+$0x12CB0]  }
0x5a: {  	v0 =	vadd.f32 v2, v0;
	_ =	sdelay $0x1  }
0x5b: {  	v0 =	vadd.f32 v3, v0;
	_ =	sdelay $0x1  }
0x5c: {  	v0 =	vadd.f32 v1, v0;
	_ =	sdelay $0x1  }
0x5d: {  	[tilespmem:s1+$0xFFFFFFF0] =	vst v0  }
0x5e: {  	v0 =	vld [tilespmem:s14+$0xACC0]  }
0x5f: {  	v1 =	vld [tilespmem:s14+$0xCCC0];
	_ =	sdelay $0x1  }
0x60: {  	v2 =	vld [tilespmem:s14+$0xECC0];
	_ =	sdelay $0x1  }
0x61: {  	v3 =	vld [tilespmem:s14+$0x10CC0]  }
0x62: {  	v0 =	vadd.f32 v1, v0  }
0x63: {  	v1 =	vld [tilespmem:s14+$0x12CC0]  }
0x64: {  	v0 =	vadd.f32 v2, v0;
	_ =	sdelay $0x1  }
0x65: {  	v0 =	vadd.f32 v3, v0;
	_ =	sdelay $0x1  }
0x66: {  	v0 =	vadd.f32 v1, v0;
	_ =	sdelay $0x1  }
0x67: {  	[tilespmem:s1+$0x0] =	vst v0  }
0x68: {  	v0 =	vld [tilespmem:s14+$0xACD0]  }
0x69: {  	v1 =	vld [tilespmem:s14+$0xCCD0];
	_ =	sdelay $0x1  }
0x6a: {  	v2 =	vld [tilespmem:s14+$0xECD0];
	_ =	sdelay $0x2  }
0x6b: {  	v3 =	vadd.f32 v1, v0;
	v0 =	vld [tilespmem:s14+$0x10CD0];
	_ =	sdelay $0x1  }
0x6c: {  	s20 =	simm.s32 $0x100;
	s26 =	simm.s32 $0x6C40;
	v1 =	vld [tilespmem:s14+$0x12CD0];
	v2 =	vadd.f32 v2, v3  }
.LBB2_2:
0x6d: {  	p0 =	sne.s32 s20, $0x7F00  }
0x6e: {  	s1 =	sadd.s32 $0x80, s1;
	s14 =	smov.u32 s20;
	s20 =	sadd.s32 $0x100, s20  }
0x6f: {  	v0 =	vadd.f32 v0, v2;
	_ =	sdelay $0x1  }
0x70: {  	v0 =	vadd.f32 v1, v0  }
0x71: {  	s14 =	sshra.s32 s14, $0x2  }
0x72: {  	[tilespmem:s26+$0x10] =	vst v0;
	s26 =	smov.u32 s1  }
0x73: {  	v0 =	vld [tilespmem:s14+$0xACA0]  }
0x74: {  	v1 =	vld [tilespmem:s14+$0xCCA0];
	_ =	sdelay $0x1  }
0x75: {  	v2 =	vld [tilespmem:s14+$0xECA0];
	_ =	sdelay $0x1  }
0x76: {  	v3 =	vld [tilespmem:s14+$0x10CA0]  }
0x77: {  	v0 =	vadd.f32 v1, v0  }
0x78: {  	v1 =	vld [tilespmem:s14+$0x12CA0]  }
0x79: {  	v0 =	vadd.f32 v2, v0;
	_ =	sdelay $0x1  }
0x7a: {  	v0 =	vadd.f32 v3, v0;
	_ =	sdelay $0x1  }
0x7b: {  	v0 =	vadd.f32 v1, v0;
	_ =	sdelay $0x1  }
0x7c: {  	[tilespmem:s1+$0xFFFFFFE0] =	vst v0  }
0x7d: {  	v0 =	vld [tilespmem:s14+$0xACB0]  }
0x7e: {  	v1 =	vld [tilespmem:s14+$0xCCB0];
	_ =	sdelay $0x1  }
0x7f: {  	v2 =	vld [tilespmem:s14+$0xECB0];
	_ =	sdelay $0x1  }
0x80: {  	v3 =	vld [tilespmem:s14+$0x10CB0]  }
0x81: {  	v0 =	vadd.f32 v1, v0  }
0x82: {  	v1 =	vld [tilespmem:s14+$0x12CB0]  }
0x83: {  	v0 =	vadd.f32 v2, v0;
	_ =	sdelay $0x1  }
0x84: {  	v0 =	vadd.f32 v3, v0;
	_ =	sdelay $0x1  }
0x85: {  	v0 =	vadd.f32 v1, v0;
	_ =	sdelay $0x1  }
0x86: {  	[tilespmem:s1+$0xFFFFFFF0] =	vst v0  }
0x87: {  	v0 =	vld [tilespmem:s14+$0xACC0]  }
0x88: {  	v1 =	vld [tilespmem:s14+$0xCCC0];
	_ =	sdelay $0x1  }
0x89: {  	v2 =	vld [tilespmem:s14+$0xECC0];
	_ =	sdelay $0x1  }
0x8a: {  	v3 =	vld [tilespmem:s14+$0x10CC0]  }
0x8b: {  	v0 =	vadd.f32 v1, v0  }
0x8c: {  	v1 =	vld [tilespmem:s14+$0x12CC0]  }
0x8d: {  	v0 =	vadd.f32 v2, v0;
	_ =	sdelay $0x1  }
0x8e: {  	v0 =	vadd.f32 v3, v0;
	_ =	sdelay $0x1  }
0x8f: {  	v0 =	vadd.f32 v1, v0;
	_ =	sdelay $0x1  }
0x90: {  	[tilespmem:s1+$0x0] =	vst v0  }
0x91: {  	v2 =	vld [tilespmem:s14+$0xACD0]  }
0x92: {  	v3 =	vld [tilespmem:s14+$0xCCD0]  }
0x93: {  	v4 =	vld [tilespmem:s14+$0xECD0]  }
0x94: {  	v0 =	vld [tilespmem:s14+$0x10CD0]  }
.Ltmp0:
0x95: {  	v1 =	vld [tilespmem:s14+$0x12CD0];
	(pc) =	sbr.rel @p0 .LBB2_2-.Ltmp0, $3  }
0x96: {  	_ = 	snop  }
0x97: {  	v2 =	vadd.f32 v3, v2;
	_ =	sdelay $0x1  }
0x98: {  	v2 =	vadd.f32 v4, v2  }
0x99: {  	_ = 	snop  }
0x9a: {  	v0 =	vadd.f32 v0, v2;
	_ =	sdelay $0x1  }
0x9b: {  	v0 =	vadd.f32 v1, v0;
	_ =	sdelay $0x1  }
0x9c: {  	s1 =	simm.s32 $0x5D20;
	[tilespmem:s26+$0x10] =	vst v0  }
0x9d: {  	[tilespmem:s17], [sflag:$0x1] =	stream.indirect.gather [hbm4b:s3+s12], $0x40, s1, s12, $0xb8;
	[tilespmem:$0x1ECA0] =	vst v63  }
0x9e: {  	s26 =	simm.s32 $0x5DA0  }
0x9f: {  	[tilespmem:s19], [sflag:$0x1] =	stream.indirect.gather [hbm4b:s3+s12], $0x40, s26, s12, $0xb8;
	[tilespmem:$0x1ECA0] =	vst v63  }
0xa0: {  	s14 =	simm.s32 $0x5E20  }
0xa1: {  	[tilespmem:s21], [sflag:$0x1] =	stream.indirect.gather [hbm4b:s3+s12], $0x40, s14, s12, $0xb8;
	[tilespmem:$0x1ECA0] =	vst v63  }
0xa2: {  	s20 =	simm.s32 $0x5EA0  }
0xa3: {  	[tilespmem:s23], [sflag:$0x1] =	stream.indirect.gather [hbm4b:s3+s12], $0x40, s20, s12, $0xb8;
	[tilespmem:$0x1ECA0] =	vst v63  }
0xa4: {  	s26 =	simm.s32 $0x5F20  }
0xa5: {  	[tilespmem:s25], [sflag:$0x1] =	stream.indirect.gather [hbm4b:s3+s12], $0x40, s26, s12, $0xb8;
	[tilespmem:$0x1ECA0] =	vst v63  }
0xa6: {  	_ =	swait.ge [sflag:s31], $0x2000  }
0xa7: {  	[sflag:s31] =	ssyncset.done $0x0  }
0xa8: {  	[sflag:s31] =	ssyncadd.s32 $0xFFFFE000  }
0xa9: {  	_ =	swait.ge [sflag:s31], $0x2000  }
0xaa: {  	[sflag:s31] =	ssyncset.done $0x0  }
0xab: {  	[sflag:s31] =	ssyncadd.s32 $0xFFFFE000  }
0xac: {  	_ =	swait.ge [sflag:s31], $0x2000  }
0xad: {  	[sflag:s31] =	ssyncset.done $0x0  }
0xae: {  	[sflag:s31] =	ssyncadd.s32 $0xFFFFE000  }
0xaf: {  	_ =	swait.ge [sflag:s31], $0x2000  }
0xb0: {  	[sflag:s31] =	ssyncset.done $0x0  }
0xb1: {  	[sflag:s31] =	ssyncadd.s32 $0xFFFFE000  }
0xb2: {  	_ =	swait.ge [sflag:s31], $0x2000  }
0xb3: {  	[sflag:s31] =	ssyncset.done $0x0  }
0xb4: {  	s14 =	simm.s32 $0x0;
	[sflag:s31] =	ssyncadd.s32 $0xFFFFE000  }
0xb5: {  	v0 =	vld [tilespmem:s14+$0x14CA0]  }
0xb6: {  	v1 =	vld [tilespmem:s14+$0x16CA0];
	_ =	sdelay $0x1  }
0xb7: {  	v2 =	vld [tilespmem:s14+$0x18CA0];
	_ =	sdelay $0x1  }
0xb8: {  	v3 =	vld [tilespmem:s14+$0x1ACA0]  }
0xb9: {  	v0 =	vadd.f32 v1, v0  }
0xba: {  	v1 =	vld [tilespmem:s14+$0x1CCA0]  }
0xbb: {  	s1 =	simm.s32 $0x6C40;
	v0 =	vadd.f32 v2, v0  }
0xbc: {  	v2 =	vld [tilespmem:s1+$0xFFFFFFE0]  }
0xbd: {  	v0 =	vadd.f32 v3, v0;
	_ =	sdelay $0x1  }
0xbe: {  	v0 =	vadd.f32 v1, v0;
	_ =	sdelay $0x1  }
0xbf: {  	v0 =	vadd.f32 v0, v2;
	_ =	sdelay $0x1  }
0xc0: {  	[tilespmem:s1+$0xFFFFFFE0] =	vst v0  }
0xc1: {  	v0 =	vld [tilespmem:s14+$0x14CB0]  }
0xc2: {  	v1 =	vld [tilespmem:s14+$0x16CB0];
	_ =	sdelay $0x1  }
0xc3: {  	v2 =	vld [tilespmem:s14+$0x18CB0];
	_ =	sdelay $0x1  }
0xc4: {  	v3 =	vld [tilespmem:s14+$0x1ACB0]  }
0xc5: {  	v0 =	vadd.f32 v1, v0  }
0xc6: {  	v1 =	vld [tilespmem:s14+$0x1CCB0]  }
0xc7: {  	v0 =	vadd.f32 v2, v0  }
0xc8: {  	v2 =	vld [tilespmem:s1+$0xFFFFFFF0]  }
0xc9: {  	v0 =	vadd.f32 v3, v0;
	_ =	sdelay $0x1  }
0xca: {  	v0 =	vadd.f32 v1, v0;
	_ =	sdelay $0x1  }
0xcb: {  	v0 =	vadd.f32 v0, v2;
	_ =	sdelay $0x1  }
0xcc: {  	[tilespmem:s1+$0xFFFFFFF0] =	vst v0  }
0xcd: {  	v0 =	vld [tilespmem:s14+$0x14CC0]  }
0xce: {  	v1 =	vld [tilespmem:s14+$0x16CC0];
	_ =	sdelay $0x1  }
0xcf: {  	v2 =	vld [tilespmem:s14+$0x18CC0];
	_ =	sdelay $0x1  }
0xd0: {  	v3 =	vld [tilespmem:s14+$0x1ACC0]  }
0xd1: {  	v0 =	vadd.f32 v1, v0  }
0xd2: {  	v1 =	vld [tilespmem:s14+$0x1CCC0]  }
0xd3: {  	v0 =	vadd.f32 v2, v0  }
0xd4: {  	v2 =	vld [tilespmem:s1+$0x0]  }
0xd5: {  	v0 =	vadd.f32 v3, v0;
	_ =	sdelay $0x1  }
0xd6: {  	v0 =	vadd.f32 v1, v0;
	_ =	sdelay $0x1  }
0xd7: {  	v0 =	vadd.f32 v0, v2;
	_ =	sdelay $0x1  }
0xd8: {  	[tilespmem:s1+$0x0] =	vst v0  }
0xd9: {  	v0 =	vld [tilespmem:s14+$0x14CD0]  }
0xda: {  	v1 =	vld [tilespmem:s14+$0x16CD0];
	_ =	sdelay $0x1  }
0xdb: {  	v2 =	vld [tilespmem:s14+$0x18CD0];
	_ =	sdelay $0x1  }
0xdc: {  	v3 =	vld [tilespmem:s14+$0x1ACD0]  }
0xdd: {  	v0 =	vadd.f32 v1, v0;
	_ =	sdelay $0x1  }
0xde: {  	v2 =	vadd.f32 v2, v0;
	v0 =	vld [tilespmem:s14+$0x1CCD0];
	_ =	sdelay $0x1  }
0xdf: {  	s20 =	simm.s32 $0x100;
	s26 =	simm.s32 $0x6C40;
	v1 =	vld [tilespmem:s1+$0x10];
	v2 =	vadd.f32 v3, v2  }
.LBB2_4:
0xe0: {  	p0 =	sne.s32 s20, $0x7F00  }
0xe1: {  	s1 =	sadd.s32 $0x80, s1;
	s14 =	smov.u32 s20;
	s20 =	sadd.s32 $0x100, s20  }
0xe2: {  	v0 =	vadd.f32 v0, v2;
	_ =	sdelay $0x1  }
0xe3: {  	v0 =	vadd.f32 v0, v1  }
0xe4: {  	s14 =	sshra.s32 s14, $0x2  }
0xe5: {  	[tilespmem:s26+$0x10] =	vst v0;
	s26 =	smov.u32 s1  }
0xe6: {  	v0 =	vld [tilespmem:s14+$0x14CA0]  }
0xe7: {  	v1 =	vld [tilespmem:s14+$0x16CA0];
	_ =	sdelay $0x1  }
0xe8: {  	v2 =	vld [tilespmem:s14+$0x18CA0];
	_ =	sdelay $0x1  }
0xe9: {  	v3 =	vld [tilespmem:s14+$0x1ACA0]  }
0xea: {  	v0 =	vadd.f32 v1, v0  }
0xeb: {  	v1 =	vld [tilespmem:s14+$0x1CCA0]  }
0xec: {  	v0 =	vadd.f32 v2, v0  }
0xed: {  	v2 =	vld [tilespmem:s1+$0xFFFFFFE0]  }
0xee: {  	v0 =	vadd.f32 v3, v0;
	_ =	sdelay $0x1  }
0xef: {  	v0 =	vadd.f32 v1, v0;
	_ =	sdelay $0x1  }
0xf0: {  	v0 =	vadd.f32 v0, v2;
	_ =	sdelay $0x1  }
0xf1: {  	[tilespmem:s1+$0xFFFFFFE0] =	vst v0  }
0xf2: {  	v0 =	vld [tilespmem:s14+$0x14CB0]  }
0xf3: {  	v1 =	vld [tilespmem:s14+$0x16CB0];
	_ =	sdelay $0x1  }
0xf4: {  	v2 =	vld [tilespmem:s14+$0x18CB0];
	_ =	sdelay $0x1  }
0xf5: {  	v3 =	vld [tilespmem:s14+$0x1ACB0]  }
0xf6: {  	v0 =	vadd.f32 v1, v0  }
0xf7: {  	v1 =	vld [tilespmem:s14+$0x1CCB0]  }
0xf8: {  	v0 =	vadd.f32 v2, v0  }
0xf9: {  	v2 =	vld [tilespmem:s1+$0xFFFFFFF0]  }
0xfa: {  	v0 =	vadd.f32 v3, v0;
	_ =	sdelay $0x1  }
0xfb: {  	v0 =	vadd.f32 v1, v0;
	_ =	sdelay $0x1  }
0xfc: {  	v0 =	vadd.f32 v0, v2;
	_ =	sdelay $0x1  }
0xfd: {  	[tilespmem:s1+$0xFFFFFFF0] =	vst v0  }
0xfe: {  	v0 =	vld [tilespmem:s14+$0x14CC0]  }
0xff: {  	v1 =	vld [tilespmem:s14+$0x16CC0];
	_ =	sdelay $0x1  }
0x100: {  	v2 =	vld [tilespmem:s14+$0x18CC0];
	_ =	sdelay $0x1  }
0x101: {  	v3 =	vld [tilespmem:s14+$0x1ACC0]  }
0x102: {  	v0 =	vadd.f32 v1, v0  }
0x103: {  	v1 =	vld [tilespmem:s14+$0x1CCC0]  }
0x104: {  	v0 =	vadd.f32 v2, v0  }
0x105: {  	v2 =	vld [tilespmem:s1+$0x0]  }
0x106: {  	v0 =	vadd.f32 v3, v0;
	_ =	sdelay $0x1  }
0x107: {  	v0 =	vadd.f32 v1, v0;
	_ =	sdelay $0x1  }
0x108: {  	v0 =	vadd.f32 v0, v2;
	_ =	sdelay $0x1  }
0x109: {  	[tilespmem:s1+$0x0] =	vst v0  }
0x10a: {  	v1 =	vld [tilespmem:s14+$0x14CD0]  }
0x10b: {  	v2 =	vld [tilespmem:s14+$0x16CD0]  }
0x10c: {  	v3 =	vld [tilespmem:s14+$0x18CD0]  }
0x10d: {  	v4 =	vld [tilespmem:s14+$0x1ACD0]  }
0x10e: {  	v0 =	vld [tilespmem:s14+$0x1CCD0];
	_ =	sdelay $0x1  }
.Ltmp1:
0x10f: {  	v1 =	vadd.f32 v2, v1;
	(pc) =	sbr.rel @p0 .LBB2_4-.Ltmp1, $3  }
0x110: {  	_ = 	snop  }
0x111: {  	v2 =	vadd.f32 v3, v1;
	v1 =	vld [tilespmem:s1+$0x10];
	_ =	sdelay $0x1  }
0x112: {  	v2 =	vadd.f32 v4, v2  }
0x113: {  	_ = 	snop  }
0x114: {  	v0 =	vadd.f32 v0, v2;
	_ =	sdelay $0x1  }
0x115: {  	v0 =	vadd.f32 v0, v1;
	_ =	sdelay $0x1  }
0x116: {  	s1 =	simm.s32 $0x5FA0;
	[tilespmem:s26+$0x10] =	vst v0  }
0x117: {  	[tilespmem:s28], [sflag:$0x2] =	stream.indirect.gather [hbm4b:s3+s12], $0x40, s1, s12, $0xb8;
	[tilespmem:$0x1ECA0] =	vst v63  }
0x118: {  	s26 =	simm.s32 $0x6020  }
0x119: {  	[tilespmem:s30], [sflag:$0x2] =	stream.indirect.gather [hbm4b:s3+s12], $0x40, s26, s12, $0xb8;
	[tilespmem:$0x1ECA0] =	vst v63  }
0x11a: {  	s14 =	simm.s32 $0x60A0  }
0x11b: {  	[tilespmem:s0], [sflag:$0x2] =	stream.indirect.gather [hbm4b:s3+s12], $0x40, s14, s12, $0xb8;
	[tilespmem:$0x1ECA0] =	vst v63  }
0x11c: {  	s20 =	simm.s32 $0x6120  }
0x11d: {  	[tilespmem:s18], [sflag:$0x2] =	stream.indirect.gather [hbm4b:s3+s12], $0x40, s20, s12, $0xb8;
	[tilespmem:$0x1ECA0] =	vst v63  }
0x11e: {  	s26 =	simm.s32 $0x61A0  }
0x11f: {  	[tilespmem:s22], [sflag:$0x2] =	stream.indirect.gather [hbm4b:s3+s12], $0x40, s26, s12, $0xb8;
	[tilespmem:$0x1ECA0] =	vst v63  }
0x120: {  	_ =	swait.ge [sflag:s29], $0x2000  }
0x121: {  	[sflag:s29] =	ssyncset.done $0x0  }
0x122: {  	[sflag:s29] =	ssyncadd.s32 $0xFFFFE000  }
0x123: {  	_ =	swait.ge [sflag:s29], $0x2000  }
0x124: {  	[sflag:s29] =	ssyncset.done $0x0  }
0x125: {  	[sflag:s29] =	ssyncadd.s32 $0xFFFFE000  }
0x126: {  	_ =	swait.ge [sflag:s29], $0x2000  }
0x127: {  	[sflag:s29] =	ssyncset.done $0x0  }
0x128: {  	[sflag:s29] =	ssyncadd.s32 $0xFFFFE000  }
0x129: {  	_ =	swait.ge [sflag:s29], $0x2000  }
0x12a: {  	[sflag:s29] =	ssyncset.done $0x0  }
0x12b: {  	[sflag:s29] =	ssyncadd.s32 $0xFFFFE000  }
0x12c: {  	_ =	swait.ge [sflag:s29], $0x2000  }
0x12d: {  	[sflag:s29] =	ssyncset.done $0x0  }
0x12e: {  	s14 =	simm.s32 $0x0;
	[sflag:s29] =	ssyncadd.s32 $0xFFFFE000  }
0x12f: {  	v0 =	vld [tilespmem:s14+$0xACA0]  }
0x130: {  	v1 =	vld [tilespmem:s14+$0xCCA0];
	_ =	sdelay $0x1  }
0x131: {  	v2 =	vld [tilespmem:s14+$0xECA0];
	_ =	sdelay $0x1  }
0x132: {  	v3 =	vld [tilespmem:s14+$0x10CA0]  }
0x133: {  	v0 =	vadd.f32 v1, v0  }
0x134: {  	v1 =	vld [tilespmem:s14+$0x12CA0]  }
0x135: {  	s1 =	simm.s32 $0x6C40;
	v0 =	vadd.f32 v2, v0  }
0x136: {  	v2 =	vld [tilespmem:s1+$0xFFFFFFE0]  }
0x137: {  	v0 =	vadd.f32 v3, v0;
	_ =	sdelay $0x1  }
0x138: {  	v0 =	vadd.f32 v1, v0;
	_ =	sdelay $0x1  }
0x139: {  	v0 =	vadd.f32 v0, v2;
	_ =	sdelay $0x1  }
0x13a: {  	[tilespmem:s1+$0xFFFFFFE0] =	vst v0  }
0x13b: {  	v0 =	vld [tilespmem:s14+$0xACB0]  }
0x13c: {  	v1 =	vld [tilespmem:s14+$0xCCB0];
	_ =	sdelay $0x1  }
0x13d: {  	v2 =	vld [tilespmem:s14+$0xECB0];
	_ =	sdelay $0x1  }
0x13e: {  	v3 =	vld [tilespmem:s14+$0x10CB0]  }
0x13f: {  	v0 =	vadd.f32 v1, v0  }
0x140: {  	v1 =	vld [tilespmem:s14+$0x12CB0]  }
0x141: {  	v0 =	vadd.f32 v2, v0  }
0x142: {  	v2 =	vld [tilespmem:s1+$0xFFFFFFF0]  }
0x143: {  	v0 =	vadd.f32 v3, v0;
	_ =	sdelay $0x1  }
0x144: {  	v0 =	vadd.f32 v1, v0;
	_ =	sdelay $0x1  }
0x145: {  	v0 =	vadd.f32 v0, v2;
	_ =	sdelay $0x1  }
0x146: {  	[tilespmem:s1+$0xFFFFFFF0] =	vst v0  }
0x147: {  	v0 =	vld [tilespmem:s14+$0xACC0]  }
0x148: {  	v1 =	vld [tilespmem:s14+$0xCCC0];
	_ =	sdelay $0x1  }
0x149: {  	v2 =	vld [tilespmem:s14+$0xECC0];
	_ =	sdelay $0x1  }
0x14a: {  	v3 =	vld [tilespmem:s14+$0x10CC0]  }
0x14b: {  	v0 =	vadd.f32 v1, v0  }
0x14c: {  	v1 =	vld [tilespmem:s14+$0x12CC0]  }
0x14d: {  	v0 =	vadd.f32 v2, v0  }
0x14e: {  	v2 =	vld [tilespmem:s1+$0x0]  }
0x14f: {  	v0 =	vadd.f32 v3, v0;
	_ =	sdelay $0x1  }
0x150: {  	v0 =	vadd.f32 v1, v0;
	_ =	sdelay $0x1  }
0x151: {  	v0 =	vadd.f32 v0, v2;
	_ =	sdelay $0x1  }
0x152: {  	[tilespmem:s1+$0x0] =	vst v0  }
0x153: {  	v0 =	vld [tilespmem:s14+$0xACD0]  }
0x154: {  	v1 =	vld [tilespmem:s14+$0xCCD0];
	_ =	sdelay $0x1  }
0x155: {  	v2 =	vld [tilespmem:s14+$0xECD0];
	_ =	sdelay $0x1  }
0x156: {  	v3 =	vld [tilespmem:s14+$0x10CD0]  }
0x157: {  	v0 =	vadd.f32 v1, v0;
	_ =	sdelay $0x1  }
0x158: {  	v2 =	vadd.f32 v2, v0;
	v0 =	vld [tilespmem:s14+$0x12CD0];
	_ =	sdelay $0x1  }
0x159: {  	s20 =	simm.s32 $0x100;
	s26 =	simm.s32 $0x6C40;
	v1 =	vld [tilespmem:s1+$0x10];
	v2 =	vadd.f32 v3, v2  }
.LBB2_6:
0x15a: {  	p0 =	sne.s32 s20, $0x7F00  }
0x15b: {  	s1 =	sadd.s32 $0x80, s1;
	s14 =	smov.u32 s20;
	s20 =	sadd.s32 $0x100, s20  }
0x15c: {  	v0 =	vadd.f32 v0, v2;
	_ =	sdelay $0x1  }
0x15d: {  	v0 =	vadd.f32 v0, v1  }
0x15e: {  	s14 =	sshra.s32 s14, $0x2  }
0x15f: {  	[tilespmem:s26+$0x10] =	vst v0;
	s26 =	smov.u32 s1  }
0x160: {  	v0 =	vld [tilespmem:s14+$0xACA0]  }
0x161: {  	v1 =	vld [tilespmem:s14+$0xCCA0];
	_ =	sdelay $0x1  }
0x162: {  	v2 =	vld [tilespmem:s14+$0xECA0];
	_ =	sdelay $0x1  }
0x163: {  	v3 =	vld [tilespmem:s14+$0x10CA0]  }
0x164: {  	v0 =	vadd.f32 v1, v0  }
0x165: {  	v1 =	vld [tilespmem:s14+$0x12CA0]  }
0x166: {  	v0 =	vadd.f32 v2, v0  }
0x167: {  	v2 =	vld [tilespmem:s1+$0xFFFFFFE0]  }
0x168: {  	v0 =	vadd.f32 v3, v0;
	_ =	sdelay $0x1  }
0x169: {  	v0 =	vadd.f32 v1, v0;
	_ =	sdelay $0x1  }
0x16a: {  	v0 =	vadd.f32 v0, v2;
	_ =	sdelay $0x1  }
0x16b: {  	[tilespmem:s1+$0xFFFFFFE0] =	vst v0  }
0x16c: {  	v0 =	vld [tilespmem:s14+$0xACB0]  }
0x16d: {  	v1 =	vld [tilespmem:s14+$0xCCB0];
	_ =	sdelay $0x1  }
0x16e: {  	v2 =	vld [tilespmem:s14+$0xECB0];
	_ =	sdelay $0x1  }
0x16f: {  	v3 =	vld [tilespmem:s14+$0x10CB0]  }
0x170: {  	v0 =	vadd.f32 v1, v0  }
0x171: {  	v1 =	vld [tilespmem:s14+$0x12CB0]  }
0x172: {  	v0 =	vadd.f32 v2, v0  }
0x173: {  	v2 =	vld [tilespmem:s1+$0xFFFFFFF0]  }
0x174: {  	v0 =	vadd.f32 v3, v0;
	_ =	sdelay $0x1  }
0x175: {  	v0 =	vadd.f32 v1, v0;
	_ =	sdelay $0x1  }
0x176: {  	v0 =	vadd.f32 v0, v2;
	_ =	sdelay $0x1  }
0x177: {  	[tilespmem:s1+$0xFFFFFFF0] =	vst v0  }
0x178: {  	v0 =	vld [tilespmem:s14+$0xACC0]  }
0x179: {  	v1 =	vld [tilespmem:s14+$0xCCC0];
	_ =	sdelay $0x1  }
0x17a: {  	v2 =	vld [tilespmem:s14+$0xECC0];
	_ =	sdelay $0x1  }
0x17b: {  	v3 =	vld [tilespmem:s14+$0x10CC0]  }
0x17c: {  	v0 =	vadd.f32 v1, v0  }
0x17d: {  	v1 =	vld [tilespmem:s14+$0x12CC0]  }
0x17e: {  	v0 =	vadd.f32 v2, v0  }
0x17f: {  	v2 =	vld [tilespmem:s1+$0x0]  }
0x180: {  	v0 =	vadd.f32 v3, v0;
	_ =	sdelay $0x1  }
0x181: {  	v0 =	vadd.f32 v1, v0;
	_ =	sdelay $0x1  }
0x182: {  	v0 =	vadd.f32 v0, v2;
	_ =	sdelay $0x1  }
0x183: {  	[tilespmem:s1+$0x0] =	vst v0  }
0x184: {  	v1 =	vld [tilespmem:s14+$0xACD0]  }
0x185: {  	v2 =	vld [tilespmem:s14+$0xCCD0]  }
0x186: {  	v3 =	vld [tilespmem:s14+$0xECD0]  }
0x187: {  	v4 =	vld [tilespmem:s14+$0x10CD0]  }
0x188: {  	v0 =	vld [tilespmem:s14+$0x12CD0];
	_ =	sdelay $0x1  }
.Ltmp2:
0x189: {  	v1 =	vadd.f32 v2, v1;
	(pc) =	sbr.rel @p0 .LBB2_6-.Ltmp2, $3  }
0x18a: {  	_ = 	snop  }
0x18b: {  	v2 =	vadd.f32 v3, v1;
	v1 =	vld [tilespmem:s1+$0x10];
	_ =	sdelay $0x1  }
0x18c: {  	v2 =	vadd.f32 v4, v2  }
0x18d: {  	_ = 	snop  }
0x18e: {  	v0 =	vadd.f32 v0, v2;
	_ =	sdelay $0x1  }
0x18f: {  	v0 =	vadd.f32 v0, v1;
	_ =	sdelay $0x1  }
0x190: {  	[tilespmem:s26+$0x10] =	vst v0  }
0x191: {  	[tilespmem:s17], [sflag:$0x1] =	stream.indirect.gather [hbm4b:s3+s12], $0x40, s16, s12, $0xb8;
	[tilespmem:$0x1ECA0] =	vst v63  }
0x192: {  	s1 =	simm.s32 $0x62A0  }
0x193: {  	[tilespmem:s19], [sflag:$0x1] =	stream.indirect.gather [hbm4b:s3+s12], $0x40, s1, s12, $0xb8;
	[tilespmem:$0x1ECA0] =	vst v63  }
0x194: {  	s14 =	simm.s32 $0x6320  }
0x195: {  	[tilespmem:s21], [sflag:$0x1] =	stream.indirect.gather [hbm4b:s3+s12], $0x40, s14, s12, $0xb8;
	[tilespmem:$0x1ECA0] =	vst v63  }
0x196: {  	s20 =	simm.s32 $0x63A0  }
0x197: {  	[tilespmem:s23], [sflag:$0x1] =	stream.indirect.gather [hbm4b:s3+s12], $0x40, s20, s12, $0xb8;
	[tilespmem:$0x1ECA0] =	vst v63  }
0x198: {  	s26 =	simm.s32 $0x6420  }
0x199: {  	[tilespmem:s25], [sflag:$0x1] =	stream.indirect.gather [hbm4b:s3+s12], $0x40, s26, s12, $0xb8;
	[tilespmem:$0x1ECA0] =	vst v63  }
0x19a: {  	_ =	swait.ge [sflag:s31], $0x2000  }
0x19b: {  	[sflag:s31] =	ssyncset.done $0x0  }
0x19c: {  	[sflag:s31] =	ssyncadd.s32 $0xFFFFE000  }
0x19d: {  	_ =	swait.ge [sflag:s31], $0x2000  }
0x19e: {  	[sflag:s31] =	ssyncset.done $0x0  }
0x19f: {  	[sflag:s31] =	ssyncadd.s32 $0xFFFFE000  }
0x1a0: {  	_ =	swait.ge [sflag:s31], $0x2000  }
0x1a1: {  	[sflag:s31] =	ssyncset.done $0x0  }
0x1a2: {  	[sflag:s31] =	ssyncadd.s32 $0xFFFFE000  }
0x1a3: {  	_ =	swait.ge [sflag:s31], $0x2000  }
0x1a4: {  	[sflag:s31] =	ssyncset.done $0x0  }
0x1a5: {  	[sflag:s31] =	ssyncadd.s32 $0xFFFFE000  }
0x1a6: {  	_ =	swait.ge [sflag:s31], $0x2000  }
0x1a7: {  	[sflag:s31] =	ssyncset.done $0x0  }
0x1a8: {  	s14 =	simm.s32 $0x0;
	[sflag:s31] =	ssyncadd.s32 $0xFFFFE000  }
0x1a9: {  	v0 =	vld [tilespmem:s14+$0x14CA0]  }
0x1aa: {  	v1 =	vld [tilespmem:s14+$0x16CA0];
	_ =	sdelay $0x1  }
0x1ab: {  	v2 =	vld [tilespmem:s14+$0x18CA0];
	_ =	sdelay $0x1  }
0x1ac: {  	v3 =	vld [tilespmem:s14+$0x1ACA0]  }
0x1ad: {  	v0 =	vadd.f32 v1, v0  }
0x1ae: {  	v1 =	vld [tilespmem:s14+$0x1CCA0]  }
0x1af: {  	s1 =	simm.s32 $0x6C40;
	v0 =	vadd.f32 v2, v0  }
0x1b0: {  	v2 =	vld [tilespmem:s1+$0xFFFFFFE0]  }
0x1b1: {  	v0 =	vadd.f32 v3, v0;
	_ =	sdelay $0x1  }
0x1b2: {  	v0 =	vadd.f32 v1, v0;
	_ =	sdelay $0x1  }
0x1b3: {  	v0 =	vadd.f32 v0, v2;
	_ =	sdelay $0x1  }
0x1b4: {  	[tilespmem:s1+$0xFFFFFFE0] =	vst v0  }
0x1b5: {  	v0 =	vld [tilespmem:s14+$0x14CB0]  }
0x1b6: {  	v1 =	vld [tilespmem:s14+$0x16CB0];
	_ =	sdelay $0x1  }
0x1b7: {  	v2 =	vld [tilespmem:s14+$0x18CB0];
	_ =	sdelay $0x1  }
0x1b8: {  	v3 =	vld [tilespmem:s14+$0x1ACB0]  }
0x1b9: {  	v0 =	vadd.f32 v1, v0  }
0x1ba: {  	v1 =	vld [tilespmem:s14+$0x1CCB0]  }
0x1bb: {  	v0 =	vadd.f32 v2, v0  }
0x1bc: {  	v2 =	vld [tilespmem:s1+$0xFFFFFFF0]  }
0x1bd: {  	v0 =	vadd.f32 v3, v0;
	_ =	sdelay $0x1  }
0x1be: {  	v0 =	vadd.f32 v1, v0;
	_ =	sdelay $0x1  }
0x1bf: {  	v0 =	vadd.f32 v0, v2;
	_ =	sdelay $0x1  }
0x1c0: {  	[tilespmem:s1+$0xFFFFFFF0] =	vst v0  }
0x1c1: {  	v0 =	vld [tilespmem:s14+$0x14CC0]  }
0x1c2: {  	v1 =	vld [tilespmem:s14+$0x16CC0];
	_ =	sdelay $0x1  }
0x1c3: {  	v2 =	vld [tilespmem:s14+$0x18CC0];
	_ =	sdelay $0x1  }
0x1c4: {  	v3 =	vld [tilespmem:s14+$0x1ACC0]  }
0x1c5: {  	v0 =	vadd.f32 v1, v0  }
0x1c6: {  	v1 =	vld [tilespmem:s14+$0x1CCC0]  }
0x1c7: {  	v0 =	vadd.f32 v2, v0  }
0x1c8: {  	v2 =	vld [tilespmem:s1+$0x0]  }
0x1c9: {  	v0 =	vadd.f32 v3, v0;
	_ =	sdelay $0x1  }
0x1ca: {  	v0 =	vadd.f32 v1, v0;
	_ =	sdelay $0x1  }
0x1cb: {  	v0 =	vadd.f32 v0, v2;
	_ =	sdelay $0x1  }
0x1cc: {  	[tilespmem:s1+$0x0] =	vst v0  }
0x1cd: {  	v0 =	vld [tilespmem:s14+$0x14CD0]  }
0x1ce: {  	v1 =	vld [tilespmem:s14+$0x16CD0];
	_ =	sdelay $0x1  }
0x1cf: {  	v2 =	vld [tilespmem:s14+$0x18CD0];
	_ =	sdelay $0x1  }
0x1d0: {  	v3 =	vld [tilespmem:s14+$0x1ACD0]  }
0x1d1: {  	v0 =	vadd.f32 v1, v0;
	_ =	sdelay $0x1  }
0x1d2: {  	v2 =	vadd.f32 v2, v0;
	v0 =	vld [tilespmem:s14+$0x1CCD0];
	_ =	sdelay $0x1  }
0x1d3: {  	s20 =	simm.s32 $0x100;
	s26 =	simm.s32 $0x6C40;
	v1 =	vld [tilespmem:s1+$0x10];
	v2 =	vadd.f32 v3, v2  }
.LBB2_8:
0x1d4: {  	p0 =	sne.s32 s20, $0x7F00  }
0x1d5: {  	s1 =	sadd.s32 $0x80, s1;
	s14 =	smov.u32 s20;
	s20 =	sadd.s32 $0x100, s20  }
0x1d6: {  	v0 =	vadd.f32 v0, v2;
	_ =	sdelay $0x1  }
0x1d7: {  	v0 =	vadd.f32 v0, v1  }
0x1d8: {  	s14 =	sshra.s32 s14, $0x2  }
0x1d9: {  	[tilespmem:s26+$0x10] =	vst v0;
	s26 =	smov.u32 s1  }
0x1da: {  	v0 =	vld [tilespmem:s14+$0x14CA0]  }
0x1db: {  	v1 =	vld [tilespmem:s14+$0x16CA0];
	_ =	sdelay $0x1  }
0x1dc: {  	v2 =	vld [tilespmem:s14+$0x18CA0];
	_ =	sdelay $0x1  }
0x1dd: {  	v3 =	vld [tilespmem:s14+$0x1ACA0]  }
0x1de: {  	v0 =	vadd.f32 v1, v0  }
0x1df: {  	v1 =	vld [tilespmem:s14+$0x1CCA0]  }
0x1e0: {  	v0 =	vadd.f32 v2, v0  }
0x1e1: {  	v2 =	vld [tilespmem:s1+$0xFFFFFFE0]  }
0x1e2: {  	v0 =	vadd.f32 v3, v0;
	_ =	sdelay $0x1  }
0x1e3: {  	v0 =	vadd.f32 v1, v0;
	_ =	sdelay $0x1  }
0x1e4: {  	v0 =	vadd.f32 v0, v2;
	_ =	sdelay $0x1  }
0x1e5: {  	[tilespmem:s1+$0xFFFFFFE0] =	vst v0  }
0x1e6: {  	v0 =	vld [tilespmem:s14+$0x14CB0]  }
0x1e7: {  	v1 =	vld [tilespmem:s14+$0x16CB0];
	_ =	sdelay $0x1  }
0x1e8: {  	v2 =	vld [tilespmem:s14+$0x18CB0];
	_ =	sdelay $0x1  }
0x1e9: {  	v3 =	vld [tilespmem:s14+$0x1ACB0]  }
0x1ea: {  	v0 =	vadd.f32 v1, v0  }
0x1eb: {  	v1 =	vld [tilespmem:s14+$0x1CCB0]  }
0x1ec: {  	v0 =	vadd.f32 v2, v0  }
0x1ed: {  	v2 =	vld [tilespmem:s1+$0xFFFFFFF0]  }
0x1ee: {  	v0 =	vadd.f32 v3, v0;
	_ =	sdelay $0x1  }
0x1ef: {  	v0 =	vadd.f32 v1, v0;
	_ =	sdelay $0x1  }
0x1f0: {  	v0 =	vadd.f32 v0, v2;
	_ =	sdelay $0x1  }
0x1f1: {  	[tilespmem:s1+$0xFFFFFFF0] =	vst v0  }
0x1f2: {  	v0 =	vld [tilespmem:s14+$0x14CC0]  }
0x1f3: {  	v1 =	vld [tilespmem:s14+$0x16CC0];
	_ =	sdelay $0x1  }
0x1f4: {  	v2 =	vld [tilespmem:s14+$0x18CC0];
	_ =	sdelay $0x1  }
0x1f5: {  	v3 =	vld [tilespmem:s14+$0x1ACC0]  }
0x1f6: {  	v0 =	vadd.f32 v1, v0  }
0x1f7: {  	v1 =	vld [tilespmem:s14+$0x1CCC0]  }
0x1f8: {  	v0 =	vadd.f32 v2, v0  }
0x1f9: {  	v2 =	vld [tilespmem:s1+$0x0]  }
0x1fa: {  	v0 =	vadd.f32 v3, v0;
	_ =	sdelay $0x1  }
0x1fb: {  	v0 =	vadd.f32 v1, v0;
	_ =	sdelay $0x1  }
0x1fc: {  	v0 =	vadd.f32 v0, v2;
	_ =	sdelay $0x1  }
0x1fd: {  	[tilespmem:s1+$0x0] =	vst v0  }
0x1fe: {  	v1 =	vld [tilespmem:s14+$0x14CD0]  }
0x1ff: {  	v2 =	vld [tilespmem:s14+$0x16CD0]  }
0x200: {  	v3 =	vld [tilespmem:s14+$0x18CD0]  }
0x201: {  	v4 =	vld [tilespmem:s14+$0x1ACD0]  }
0x202: {  	v0 =	vld [tilespmem:s14+$0x1CCD0];
	_ =	sdelay $0x1  }
.Ltmp3:
0x203: {  	v1 =	vadd.f32 v2, v1;
	(pc) =	sbr.rel @p0 .LBB2_8-.Ltmp3, $3  }
0x204: {  	_ = 	snop  }
0x205: {  	v2 =	vadd.f32 v3, v1;
	v1 =	vld [tilespmem:s1+$0x10];
	_ =	sdelay $0x1  }
0x206: {  	v2 =	vadd.f32 v4, v2  }
0x207: {  	_ = 	snop  }
0x208: {  	v0 =	vadd.f32 v0, v2;
	_ =	sdelay $0x1  }
0x209: {  	v0 =	vadd.f32 v0, v1;
	_ =	sdelay $0x1  }
0x20a: {  	s1 =	simm.s32 $0x64A0;
	[tilespmem:s26+$0x10] =	vst v0  }
0x20b: {  	[tilespmem:s28], [sflag:$0x2] =	stream.indirect.gather [hbm4b:s3+s12], $0x40, s1, s12, $0xb8;
	[tilespmem:$0x1ECA0] =	vst v63  }
0x20c: {  	s26 =	simm.s32 $0x6520  }
0x20d: {  	[tilespmem:s30], [sflag:$0x2] =	stream.indirect.gather [hbm4b:s3+s12], $0x40, s26, s12, $0xb8;
	[tilespmem:$0x1ECA0] =	vst v63  }
0x20e: {  	s14 =	simm.s32 $0x65A0  }
0x20f: {  	[tilespmem:s0], [sflag:$0x2] =	stream.indirect.gather [hbm4b:s3+s12], $0x40, s14, s12, $0xb8;
	[tilespmem:$0x1ECA0] =	vst v63  }
0x210: {  	s20 =	simm.s32 $0x6620  }
0x211: {  	[tilespmem:s18], [sflag:$0x2] =	stream.indirect.gather [hbm4b:s3+s12], $0x40, s20, s12, $0xb8;
	[tilespmem:$0x1ECA0] =	vst v63  }
0x212: {  	s26 =	simm.s32 $0x66A0  }
0x213: {  	[tilespmem:s22], [sflag:$0x2] =	stream.indirect.gather [hbm4b:s3+s12], $0x40, s26, s12, $0xb8;
	[tilespmem:$0x1ECA0] =	vst v63  }
0x214: {  	_ =	swait.ge [sflag:s29], $0x2000  }
0x215: {  	[sflag:s29] =	ssyncset.done $0x0  }
0x216: {  	[sflag:s29] =	ssyncadd.s32 $0xFFFFE000  }
0x217: {  	_ =	swait.ge [sflag:s29], $0x2000  }
0x218: {  	[sflag:s29] =	ssyncset.done $0x0  }
0x219: {  	[sflag:s29] =	ssyncadd.s32 $0xFFFFE000  }
0x21a: {  	_ =	swait.ge [sflag:s29], $0x2000  }
0x21b: {  	[sflag:s29] =	ssyncset.done $0x0  }
0x21c: {  	[sflag:s29] =	ssyncadd.s32 $0xFFFFE000  }
0x21d: {  	_ =	swait.ge [sflag:s29], $0x2000  }
0x21e: {  	[sflag:s29] =	ssyncset.done $0x0  }
0x21f: {  	[sflag:s29] =	ssyncadd.s32 $0xFFFFE000  }
0x220: {  	_ =	swait.ge [sflag:s29], $0x2000  }
0x221: {  	[sflag:s29] =	ssyncset.done $0x0  }
0x222: {  	s14 =	simm.s32 $0x0;
	[sflag:s29] =	ssyncadd.s32 $0xFFFFE000  }
0x223: {  	v0 =	vld [tilespmem:s14+$0xACA0]  }
0x224: {  	v1 =	vld [tilespmem:s14+$0xCCA0];
	_ =	sdelay $0x1  }
0x225: {  	v2 =	vld [tilespmem:s14+$0xECA0];
	_ =	sdelay $0x1  }
0x226: {  	v3 =	vld [tilespmem:s14+$0x10CA0]  }
0x227: {  	v0 =	vadd.f32 v1, v0  }
0x228: {  	v1 =	vld [tilespmem:s14+$0x12CA0]  }
0x229: {  	v0 =	vadd.f32 v2, v0;
	_ =	sdelay $0x1  }
0x22a: {  	v0 =	vadd.f32 v3, v0;
	_ =	sdelay $0x1  }
0x22b: {  	v0 =	vadd.f32 v1, v0  }
0x22c: {  	s1 =	simm.s32 $0x6C90  }
0x22d: {  	[tilespmem:s1+$0xFFFFFFD0] =	vst v0  }
0x22e: {  	v0 =	vld [tilespmem:s14+$0xACB0]  }
0x22f: {  	v1 =	vld [tilespmem:s14+$0xCCB0];
	_ =	sdelay $0x1  }
0x230: {  	v2 =	vld [tilespmem:s14+$0xECB0];
	_ =	sdelay $0x1  }
0x231: {  	v3 =	vld [tilespmem:s14+$0x10CB0]  }
0x232: {  	v0 =	vadd.f32 v1, v0  }
0x233: {  	v1 =	vld [tilespmem:s14+$0x12CB0]  }
0x234: {  	v0 =	vadd.f32 v2, v0;
	_ =	sdelay $0x1  }
0x235: {  	v0 =	vadd.f32 v3, v0;
	_ =	sdelay $0x1  }
0x236: {  	v0 =	vadd.f32 v1, v0;
	_ =	sdelay $0x1  }
0x237: {  	[tilespmem:s1+$0xFFFFFFE0] =	vst v0  }
0x238: {  	v0 =	vld [tilespmem:s14+$0xACC0]  }
0x239: {  	v1 =	vld [tilespmem:s14+$0xCCC0];
	_ =	sdelay $0x1  }
0x23a: {  	v2 =	vld [tilespmem:s14+$0xECC0];
	_ =	sdelay $0x1  }
0x23b: {  	v3 =	vld [tilespmem:s14+$0x10CC0]  }
0x23c: {  	v0 =	vadd.f32 v1, v0  }
0x23d: {  	v1 =	vld [tilespmem:s14+$0x12CC0]  }
0x23e: {  	v0 =	vadd.f32 v2, v0;
	_ =	sdelay $0x1  }
0x23f: {  	v0 =	vadd.f32 v3, v0;
	_ =	sdelay $0x1  }
0x240: {  	v0 =	vadd.f32 v1, v0;
	_ =	sdelay $0x1  }
0x241: {  	[tilespmem:s1+$0xFFFFFFF0] =	vst v0  }
0x242: {  	v0 =	vld [tilespmem:s14+$0xACD0]  }
0x243: {  	v1 =	vld [tilespmem:s14+$0xCCD0];
	_ =	sdelay $0x1  }
0x244: {  	v2 =	vld [tilespmem:s14+$0xECD0];
	_ =	sdelay $0x2  }
0x245: {  	v3 =	vadd.f32 v1, v0;
	v0 =	vld [tilespmem:s14+$0x10CD0];
	_ =	sdelay $0x1  }
0x246: {  	s20 =	simm.s32 $0x100;
	s26 =	simm.s32 $0x6C90;
	v1 =	vld [tilespmem:s14+$0x12CD0];
	v2 =	vadd.f32 v2, v3  }
.LBB2_10:
0x247: {  	p0 =	sne.s32 s20, $0x7F00  }
0x248: {  	s1 =	sadd.s32 $0x80, s1;
	s14 =	smov.u32 s20;
	s20 =	sadd.s32 $0x100, s20  }
0x249: {  	v0 =	vadd.f32 v0, v2;
	_ =	sdelay $0x1  }
0x24a: {  	v0 =	vadd.f32 v1, v0  }
0x24b: {  	s14 =	sshra.s32 s14, $0x2  }
0x24c: {  	[tilespmem:s26+$0x0] =	vst v0;
	s26 =	smov.u32 s1  }
0x24d: {  	v0 =	vld [tilespmem:s14+$0xACA0]  }
0x24e: {  	v1 =	vld [tilespmem:s14+$0xCCA0];
	_ =	sdelay $0x1  }
0x24f: {  	v2 =	vld [tilespmem:s14+$0xECA0];
	_ =	sdelay $0x1  }
0x250: {  	v3 =	vld [tilespmem:s14+$0x10CA0]  }
0x251: {  	v0 =	vadd.f32 v1, v0  }
0x252: {  	v1 =	vld [tilespmem:s14+$0x12CA0]  }
0x253: {  	v0 =	vadd.f32 v2, v0;
	_ =	sdelay $0x1  }
0x254: {  	v0 =	vadd.f32 v3, v0;
	_ =	sdelay $0x1  }
0x255: {  	v0 =	vadd.f32 v1, v0;
	_ =	sdelay $0x1  }
0x256: {  	[tilespmem:s1+$0xFFFFFFD0] =	vst v0  }
0x257: {  	v0 =	vld [tilespmem:s14+$0xACB0]  }
0x258: {  	v1 =	vld [tilespmem:s14+$0xCCB0];
	_ =	sdelay $0x1  }
0x259: {  	v2 =	vld [tilespmem:s14+$0xECB0];
	_ =	sdelay $0x1  }
0x25a: {  	v3 =	vld [tilespmem:s14+$0x10CB0]  }
0x25b: {  	v0 =	vadd.f32 v1, v0  }
0x25c: {  	v1 =	vld [tilespmem:s14+$0x12CB0]  }
0x25d: {  	v0 =	vadd.f32 v2, v0;
	_ =	sdelay $0x1  }
0x25e: {  	v0 =	vadd.f32 v3, v0;
	_ =	sdelay $0x1  }
0x25f: {  	v0 =	vadd.f32 v1, v0;
	_ =	sdelay $0x1  }
0x260: {  	[tilespmem:s1+$0xFFFFFFE0] =	vst v0  }
0x261: {  	v0 =	vld [tilespmem:s14+$0xACC0]  }
0x262: {  	v1 =	vld [tilespmem:s14+$0xCCC0];
	_ =	sdelay $0x1  }
0x263: {  	v2 =	vld [tilespmem:s14+$0xECC0];
	_ =	sdelay $0x1  }
0x264: {  	v3 =	vld [tilespmem:s14+$0x10CC0]  }
0x265: {  	v0 =	vadd.f32 v1, v0  }
0x266: {  	v1 =	vld [tilespmem:s14+$0x12CC0]  }
0x267: {  	v0 =	vadd.f32 v2, v0;
	_ =	sdelay $0x1  }
0x268: {  	v0 =	vadd.f32 v3, v0;
	_ =	sdelay $0x1  }
0x269: {  	v0 =	vadd.f32 v1, v0;
	_ =	sdelay $0x1  }
0x26a: {  	[tilespmem:s1+$0xFFFFFFF0] =	vst v0  }
0x26b: {  	v2 =	vld [tilespmem:s14+$0xACD0]  }
0x26c: {  	v3 =	vld [tilespmem:s14+$0xCCD0]  }
0x26d: {  	v4 =	vld [tilespmem:s14+$0xECD0]  }
0x26e: {  	v0 =	vld [tilespmem:s14+$0x10CD0]  }
.Ltmp4:
0x26f: {  	v1 =	vld [tilespmem:s14+$0x12CD0];
	(pc) =	sbr.rel @p0 .LBB2_10-.Ltmp4, $3  }
0x270: {  	_ = 	snop  }
0x271: {  	v2 =	vadd.f32 v3, v2;
	_ =	sdelay $0x1  }
0x272: {  	v2 =	vadd.f32 v4, v2  }
0x273: {  	_ = 	snop  }
0x274: {  	v0 =	vadd.f32 v0, v2;
	_ =	sdelay $0x1  }
0x275: {  	v0 =	vadd.f32 v1, v0;
	_ =	sdelay $0x1  }
0x276: {  	s1 =	simm.s32 $0x6720;
	[tilespmem:s26+$0x0] =	vst v0  }
0x277: {  	[tilespmem:s17], [sflag:$0x1] =	stream.indirect.gather [hbm4b:s3+s12], $0x40, s1, s12, $0xb8;
	[tilespmem:$0x1ECA0] =	vst v63  }
0x278: {  	s26 =	simm.s32 $0x67A0  }
0x279: {  	[tilespmem:s19], [sflag:$0x1] =	stream.indirect.gather [hbm4b:s3+s12], $0x40, s26, s12, $0xb8;
	[tilespmem:$0x1ECA0] =	vst v63  }
0x27a: {  	s14 =	simm.s32 $0x6820  }
0x27b: {  	[tilespmem:s21], [sflag:$0x1] =	stream.indirect.gather [hbm4b:s3+s12], $0x40, s14, s12, $0xb8;
	[tilespmem:$0x1ECA0] =	vst v63  }
0x27c: {  	s20 =	simm.s32 $0x68A0  }
0x27d: {  	[tilespmem:s23], [sflag:$0x1] =	stream.indirect.gather [hbm4b:s3+s12], $0x40, s20, s12, $0xb8;
	[tilespmem:$0x1ECA0] =	vst v63  }
0x27e: {  	s26 =	simm.s32 $0x6920  }
0x27f: {  	[tilespmem:s25], [sflag:$0x1] =	stream.indirect.gather [hbm4b:s3+s12], $0x40, s26, s12, $0xb8;
	[tilespmem:$0x1ECA0] =	vst v63  }
0x280: {  	_ =	swait.ge [sflag:s31], $0x2000  }
0x281: {  	[sflag:s31] =	ssyncset.done $0x0  }
0x282: {  	[sflag:s31] =	ssyncadd.s32 $0xFFFFE000  }
0x283: {  	_ =	swait.ge [sflag:s31], $0x2000  }
0x284: {  	[sflag:s31] =	ssyncset.done $0x0  }
0x285: {  	[sflag:s31] =	ssyncadd.s32 $0xFFFFE000  }
0x286: {  	_ =	swait.ge [sflag:s31], $0x2000  }
0x287: {  	[sflag:s31] =	ssyncset.done $0x0  }
0x288: {  	[sflag:s31] =	ssyncadd.s32 $0xFFFFE000  }
0x289: {  	_ =	swait.ge [sflag:s31], $0x2000  }
0x28a: {  	[sflag:s31] =	ssyncset.done $0x0  }
0x28b: {  	[sflag:s31] =	ssyncadd.s32 $0xFFFFE000  }
0x28c: {  	_ =	swait.ge [sflag:s31], $0x2000  }
0x28d: {  	[sflag:s31] =	ssyncset.done $0x0  }
0x28e: {  	s14 =	simm.s32 $0x0;
	[sflag:s31] =	ssyncadd.s32 $0xFFFFE000  }
0x28f: {  	v0 =	vld [tilespmem:s14+$0x14CA0]  }
0x290: {  	v1 =	vld [tilespmem:s14+$0x16CA0];
	_ =	sdelay $0x1  }
0x291: {  	v2 =	vld [tilespmem:s14+$0x18CA0];
	_ =	sdelay $0x1  }
0x292: {  	v3 =	vld [tilespmem:s14+$0x1ACA0]  }
0x293: {  	v0 =	vadd.f32 v1, v0  }
0x294: {  	v1 =	vld [tilespmem:s14+$0x1CCA0]  }
0x295: {  	s1 =	simm.s32 $0x6C90;
	v0 =	vadd.f32 v2, v0  }
0x296: {  	v2 =	vld [tilespmem:s1+$0xFFFFFFD0]  }
0x297: {  	v0 =	vadd.f32 v3, v0;
	_ =	sdelay $0x1  }
0x298: {  	v0 =	vadd.f32 v1, v0;
	_ =	sdelay $0x1  }
0x299: {  	v0 =	vadd.f32 v0, v2;
	_ =	sdelay $0x1  }
0x29a: {  	[tilespmem:s1+$0xFFFFFFD0] =	vst v0  }
0x29b: {  	v0 =	vld [tilespmem:s14+$0x14CB0]  }
0x29c: {  	v1 =	vld [tilespmem:s14+$0x16CB0];
	_ =	sdelay $0x1  }
0x29d: {  	v2 =	vld [tilespmem:s14+$0x18CB0];
	_ =	sdelay $0x1  }
0x29e: {  	v3 =	vld [tilespmem:s14+$0x1ACB0]  }
0x29f: {  	v0 =	vadd.f32 v1, v0  }
0x2a0: {  	v1 =	vld [tilespmem:s14+$0x1CCB0]  }
0x2a1: {  	v0 =	vadd.f32 v2, v0  }
0x2a2: {  	v2 =	vld [tilespmem:s1+$0xFFFFFFE0]  }
0x2a3: {  	v0 =	vadd.f32 v3, v0;
	_ =	sdelay $0x1  }
0x2a4: {  	v0 =	vadd.f32 v1, v0;
	_ =	sdelay $0x1  }
0x2a5: {  	v0 =	vadd.f32 v0, v2;
	_ =	sdelay $0x1  }
0x2a6: {  	[tilespmem:s1+$0xFFFFFFE0] =	vst v0  }
0x2a7: {  	v0 =	vld [tilespmem:s14+$0x14CC0]  }
0x2a8: {  	v1 =	vld [tilespmem:s14+$0x16CC0];
	_ =	sdelay $0x1  }
0x2a9: {  	v2 =	vld [tilespmem:s14+$0x18CC0];
	_ =	sdelay $0x1  }
0x2aa: {  	v3 =	vld [tilespmem:s14+$0x1ACC0]  }
0x2ab: {  	v0 =	vadd.f32 v1, v0  }
0x2ac: {  	v1 =	vld [tilespmem:s14+$0x1CCC0]  }
0x2ad: {  	v0 =	vadd.f32 v2, v0  }
0x2ae: {  	v2 =	vld [tilespmem:s1+$0xFFFFFFF0]  }
0x2af: {  	v0 =	vadd.f32 v3, v0;
	_ =	sdelay $0x1  }
0x2b0: {  	v0 =	vadd.f32 v1, v0;
	_ =	sdelay $0x1  }
0x2b1: {  	v0 =	vadd.f32 v0, v2;
	_ =	sdelay $0x1  }
0x2b2: {  	[tilespmem:s1+$0xFFFFFFF0] =	vst v0  }
0x2b3: {  	v0 =	vld [tilespmem:s14+$0x14CD0]  }
0x2b4: {  	v1 =	vld [tilespmem:s14+$0x16CD0];
	_ =	sdelay $0x1  }
0x2b5: {  	v2 =	vld [tilespmem:s14+$0x18CD0];
	_ =	sdelay $0x1  }
0x2b6: {  	v3 =	vld [tilespmem:s14+$0x1ACD0]  }
0x2b7: {  	v0 =	vadd.f32 v1, v0;
	_ =	sdelay $0x1  }
0x2b8: {  	v2 =	vadd.f32 v2, v0;
	v0 =	vld [tilespmem:s14+$0x1CCD0];
	_ =	sdelay $0x1  }
0x2b9: {  	s20 =	simm.s32 $0x100;
	s26 =	simm.s32 $0x6C90;
	v1 =	vld [tilespmem:s1+$0x0];
	v2 =	vadd.f32 v3, v2  }
.LBB2_12:
0x2ba: {  	p0 =	sne.s32 s20, $0x7F00  }
0x2bb: {  	s1 =	sadd.s32 $0x80, s1;
	s14 =	smov.u32 s20;
	s20 =	sadd.s32 $0x100, s20  }
0x2bc: {  	v0 =	vadd.f32 v0, v2;
	_ =	sdelay $0x1  }
0x2bd: {  	v0 =	vadd.f32 v0, v1  }
0x2be: {  	s14 =	sshra.s32 s14, $0x2  }
0x2bf: {  	[tilespmem:s26+$0x0] =	vst v0;
	s26 =	smov.u32 s1  }
0x2c0: {  	v0 =	vld [tilespmem:s14+$0x14CA0]  }
0x2c1: {  	v1 =	vld [tilespmem:s14+$0x16CA0];
	_ =	sdelay $0x1  }
0x2c2: {  	v2 =	vld [tilespmem:s14+$0x18CA0];
	_ =	sdelay $0x1  }
0x2c3: {  	v3 =	vld [tilespmem:s14+$0x1ACA0]  }
0x2c4: {  	v0 =	vadd.f32 v1, v0  }
0x2c5: {  	v1 =	vld [tilespmem:s14+$0x1CCA0]  }
0x2c6: {  	v0 =	vadd.f32 v2, v0  }
0x2c7: {  	v2 =	vld [tilespmem:s1+$0xFFFFFFD0]  }
0x2c8: {  	v0 =	vadd.f32 v3, v0;
	_ =	sdelay $0x1  }
0x2c9: {  	v0 =	vadd.f32 v1, v0;
	_ =	sdelay $0x1  }
0x2ca: {  	v0 =	vadd.f32 v0, v2;
	_ =	sdelay $0x1  }
0x2cb: {  	[tilespmem:s1+$0xFFFFFFD0] =	vst v0  }
0x2cc: {  	v0 =	vld [tilespmem:s14+$0x14CB0]  }
0x2cd: {  	v1 =	vld [tilespmem:s14+$0x16CB0];
	_ =	sdelay $0x1  }
0x2ce: {  	v2 =	vld [tilespmem:s14+$0x18CB0];
	_ =	sdelay $0x1  }
0x2cf: {  	v3 =	vld [tilespmem:s14+$0x1ACB0]  }
0x2d0: {  	v0 =	vadd.f32 v1, v0  }
0x2d1: {  	v1 =	vld [tilespmem:s14+$0x1CCB0]  }
0x2d2: {  	v0 =	vadd.f32 v2, v0  }
0x2d3: {  	v2 =	vld [tilespmem:s1+$0xFFFFFFE0]  }
0x2d4: {  	v0 =	vadd.f32 v3, v0;
	_ =	sdelay $0x1  }
0x2d5: {  	v0 =	vadd.f32 v1, v0;
	_ =	sdelay $0x1  }
0x2d6: {  	v0 =	vadd.f32 v0, v2;
	_ =	sdelay $0x1  }
0x2d7: {  	[tilespmem:s1+$0xFFFFFFE0] =	vst v0  }
0x2d8: {  	v0 =	vld [tilespmem:s14+$0x14CC0]  }
0x2d9: {  	v1 =	vld [tilespmem:s14+$0x16CC0];
	_ =	sdelay $0x1  }
0x2da: {  	v2 =	vld [tilespmem:s14+$0x18CC0];
	_ =	sdelay $0x1  }
0x2db: {  	v3 =	vld [tilespmem:s14+$0x1ACC0]  }
0x2dc: {  	v0 =	vadd.f32 v1, v0  }
0x2dd: {  	v1 =	vld [tilespmem:s14+$0x1CCC0]  }
0x2de: {  	v0 =	vadd.f32 v2, v0  }
0x2df: {  	v2 =	vld [tilespmem:s1+$0xFFFFFFF0]  }
0x2e0: {  	v0 =	vadd.f32 v3, v0;
	_ =	sdelay $0x1  }
0x2e1: {  	v0 =	vadd.f32 v1, v0;
	_ =	sdelay $0x1  }
0x2e2: {  	v0 =	vadd.f32 v0, v2;
	_ =	sdelay $0x1  }
0x2e3: {  	[tilespmem:s1+$0xFFFFFFF0] =	vst v0  }
0x2e4: {  	v1 =	vld [tilespmem:s14+$0x14CD0]  }
0x2e5: {  	v2 =	vld [tilespmem:s14+$0x16CD0]  }
0x2e6: {  	v3 =	vld [tilespmem:s14+$0x18CD0]  }
0x2e7: {  	v4 =	vld [tilespmem:s14+$0x1ACD0]  }
0x2e8: {  	v0 =	vld [tilespmem:s14+$0x1CCD0];
	_ =	sdelay $0x1  }
.Ltmp5:
0x2e9: {  	v1 =	vadd.f32 v2, v1;
	(pc) =	sbr.rel @p0 .LBB2_12-.Ltmp5, $3  }
0x2ea: {  	_ = 	snop  }
0x2eb: {  	v2 =	vadd.f32 v3, v1;
	v1 =	vld [tilespmem:s1+$0x0];
	_ =	sdelay $0x1  }
0x2ec: {  	v2 =	vadd.f32 v4, v2  }
0x2ed: {  	_ = 	snop  }
0x2ee: {  	v0 =	vadd.f32 v0, v2;
	_ =	sdelay $0x1  }
0x2ef: {  	v0 =	vadd.f32 v0, v1;
	_ =	sdelay $0x1  }
0x2f0: {  	s1 =	simm.s32 $0x69A0;
	[tilespmem:s26+$0x0] =	vst v0  }
0x2f1: {  	[tilespmem:s28], [sflag:$0x2] =	stream.indirect.gather [hbm4b:s3+s12], $0x40, s1, s12, $0xb8;
	[tilespmem:$0x1ECA0] =	vst v63  }
0x2f2: {  	s26 =	simm.s32 $0x6A20  }
0x2f3: {  	[tilespmem:s30], [sflag:$0x2] =	stream.indirect.gather [hbm4b:s3+s12], $0x40, s26, s12, $0xb8;
	[tilespmem:$0x1ECA0] =	vst v63  }
0x2f4: {  	s14 =	simm.s32 $0x6AA0  }
0x2f5: {  	[tilespmem:s0], [sflag:$0x2] =	stream.indirect.gather [hbm4b:s3+s12], $0x40, s14, s12, $0xb8;
	[tilespmem:$0x1ECA0] =	vst v63  }
0x2f6: {  	s20 =	simm.s32 $0x6B20  }
0x2f7: {  	[tilespmem:s18], [sflag:$0x2] =	stream.indirect.gather [hbm4b:s3+s12], $0x40, s20, s12, $0xb8;
	[tilespmem:$0x1ECA0] =	vst v63  }
0x2f8: {  	s26 =	simm.s32 $0x6BA0  }
0x2f9: {  	[tilespmem:s22], [sflag:$0x2] =	stream.indirect.gather [hbm4b:s3+s12], $0x40, s26, s12, $0xb8;
	[tilespmem:$0x1ECA0] =	vst v63  }
0x2fa: {  	_ =	swait.ge [sflag:s29], $0x2000  }
0x2fb: {  	[sflag:s29] =	ssyncset.done $0x0  }
0x2fc: {  	[sflag:s29] =	ssyncadd.s32 $0xFFFFE000  }
0x2fd: {  	_ =	swait.ge [sflag:s29], $0x2000  }
0x2fe: {  	[sflag:s29] =	ssyncset.done $0x0  }
0x2ff: {  	[sflag:s29] =	ssyncadd.s32 $0xFFFFE000  }
0x300: {  	_ =	swait.ge [sflag:s29], $0x2000  }
0x301: {  	[sflag:s29] =	ssyncset.done $0x0  }
0x302: {  	[sflag:s29] =	ssyncadd.s32 $0xFFFFE000  }
0x303: {  	_ =	swait.ge [sflag:s29], $0x2000  }
0x304: {  	[sflag:s29] =	ssyncset.done $0x0  }
0x305: {  	[sflag:s29] =	ssyncadd.s32 $0xFFFFE000  }
0x306: {  	_ =	swait.ge [sflag:s29], $0x2000  }
0x307: {  	[sflag:s29] =	ssyncset.done $0x0  }
0x308: {  	s14 =	simm.s32 $0x0;
	[sflag:s29] =	ssyncadd.s32 $0xFFFFE000  }
0x309: {  	v0 =	vld [tilespmem:s14+$0xACA0]  }
0x30a: {  	v1 =	vld [tilespmem:s14+$0xCCA0];
	_ =	sdelay $0x1  }
0x30b: {  	v2 =	vld [tilespmem:s14+$0xECA0];
	_ =	sdelay $0x1  }
0x30c: {  	v3 =	vld [tilespmem:s14+$0x10CA0]  }
0x30d: {  	v0 =	vadd.f32 v1, v0  }
0x30e: {  	v1 =	vld [tilespmem:s14+$0x12CA0]  }
0x30f: {  	s1 =	simm.s32 $0x6C90;
	v0 =	vadd.f32 v2, v0  }
0x310: {  	v2 =	vld [tilespmem:s1+$0xFFFFFFD0]  }
0x311: {  	v0 =	vadd.f32 v3, v0;
	_ =	sdelay $0x1  }
0x312: {  	v0 =	vadd.f32 v1, v0;
	_ =	sdelay $0x1  }
0x313: {  	v0 =	vadd.f32 v0, v2;
	_ =	sdelay $0x1  }
0x314: {  	[tilespmem:s1+$0xFFFFFFD0] =	vst v0  }
0x315: {  	v0 =	vld [tilespmem:s14+$0xACB0]  }
0x316: {  	v1 =	vld [tilespmem:s14+$0xCCB0];
	_ =	sdelay $0x1  }
0x317: {  	v2 =	vld [tilespmem:s14+$0xECB0];
	_ =	sdelay $0x1  }
0x318: {  	v3 =	vld [tilespmem:s14+$0x10CB0]  }
0x319: {  	v0 =	vadd.f32 v1, v0  }
0x31a: {  	v1 =	vld [tilespmem:s14+$0x12CB0]  }
0x31b: {  	v0 =	vadd.f32 v2, v0  }
0x31c: {  	v2 =	vld [tilespmem:s1+$0xFFFFFFE0]  }
0x31d: {  	v0 =	vadd.f32 v3, v0;
	_ =	sdelay $0x1  }
0x31e: {  	v0 =	vadd.f32 v1, v0;
	_ =	sdelay $0x1  }
0x31f: {  	v0 =	vadd.f32 v0, v2;
	_ =	sdelay $0x1  }
0x320: {  	[tilespmem:s1+$0xFFFFFFE0] =	vst v0  }
0x321: {  	v0 =	vld [tilespmem:s14+$0xACC0]  }
0x322: {  	v1 =	vld [tilespmem:s14+$0xCCC0];
	_ =	sdelay $0x1  }
0x323: {  	v2 =	vld [tilespmem:s14+$0xECC0];
	_ =	sdelay $0x1  }
0x324: {  	v3 =	vld [tilespmem:s14+$0x10CC0]  }
0x325: {  	v0 =	vadd.f32 v1, v0  }
0x326: {  	v1 =	vld [tilespmem:s14+$0x12CC0]  }
0x327: {  	v0 =	vadd.f32 v2, v0  }
0x328: {  	v2 =	vld [tilespmem:s1+$0xFFFFFFF0]  }
0x329: {  	v0 =	vadd.f32 v3, v0;
	_ =	sdelay $0x1  }
0x32a: {  	v0 =	vadd.f32 v1, v0;
	_ =	sdelay $0x1  }
0x32b: {  	v0 =	vadd.f32 v0, v2;
	_ =	sdelay $0x1  }
0x32c: {  	[tilespmem:s1+$0xFFFFFFF0] =	vst v0  }
0x32d: {  	v0 =	vld [tilespmem:s14+$0xACD0]  }
0x32e: {  	v1 =	vld [tilespmem:s14+$0xCCD0];
	_ =	sdelay $0x1  }
0x32f: {  	v2 =	vld [tilespmem:s14+$0xECD0];
	_ =	sdelay $0x1  }
0x330: {  	v3 =	vld [tilespmem:s14+$0x10CD0]  }
0x331: {  	v0 =	vadd.f32 v1, v0;
	_ =	sdelay $0x1  }
0x332: {  	v2 =	vadd.f32 v2, v0;
	v0 =	vld [tilespmem:s14+$0x12CD0];
	_ =	sdelay $0x1  }
0x333: {  	s20 =	simm.s32 $0x100;
	s26 =	simm.s32 $0x6C90;
	v1 =	vld [tilespmem:s1+$0x0];
	v2 =	vadd.f32 v3, v2  }
.LBB2_14:
0x334: {  	p0 =	sne.s32 s20, $0x7F00  }
0x335: {  	s1 =	sadd.s32 $0x80, s1;
	s14 =	smov.u32 s20;
	s20 =	sadd.s32 $0x100, s20  }
0x336: {  	v0 =	vadd.f32 v0, v2;
	_ =	sdelay $0x1  }
0x337: {  	v0 =	vadd.f32 v0, v1  }
0x338: {  	s14 =	sshra.s32 s14, $0x2  }
0x339: {  	[tilespmem:s26+$0x0] =	vst v0;
	s26 =	smov.u32 s1  }
0x33a: {  	v0 =	vld [tilespmem:s14+$0xACA0]  }
0x33b: {  	v1 =	vld [tilespmem:s14+$0xCCA0];
	_ =	sdelay $0x1  }
0x33c: {  	v2 =	vld [tilespmem:s14+$0xECA0];
	_ =	sdelay $0x1  }
0x33d: {  	v3 =	vld [tilespmem:s14+$0x10CA0]  }
0x33e: {  	v0 =	vadd.f32 v1, v0  }
0x33f: {  	v1 =	vld [tilespmem:s14+$0x12CA0]  }
0x340: {  	v0 =	vadd.f32 v2, v0  }
0x341: {  	v2 =	vld [tilespmem:s1+$0xFFFFFFD0]  }
0x342: {  	v0 =	vadd.f32 v3, v0;
	_ =	sdelay $0x1  }
0x343: {  	v0 =	vadd.f32 v1, v0;
	_ =	sdelay $0x1  }
0x344: {  	v0 =	vadd.f32 v0, v2;
	_ =	sdelay $0x1  }
0x345: {  	[tilespmem:s1+$0xFFFFFFD0] =	vst v0  }
0x346: {  	v0 =	vld [tilespmem:s14+$0xACB0]  }
0x347: {  	v1 =	vld [tilespmem:s14+$0xCCB0];
	_ =	sdelay $0x1  }
0x348: {  	v2 =	vld [tilespmem:s14+$0xECB0];
	_ =	sdelay $0x1  }
0x349: {  	v3 =	vld [tilespmem:s14+$0x10CB0]  }
0x34a: {  	v0 =	vadd.f32 v1, v0  }
0x34b: {  	v1 =	vld [tilespmem:s14+$0x12CB0]  }
0x34c: {  	v0 =	vadd.f32 v2, v0  }
0x34d: {  	v2 =	vld [tilespmem:s1+$0xFFFFFFE0]  }
0x34e: {  	v0 =	vadd.f32 v3, v0;
	_ =	sdelay $0x1  }
0x34f: {  	v0 =	vadd.f32 v1, v0;
	_ =	sdelay $0x1  }
0x350: {  	v0 =	vadd.f32 v0, v2;
	_ =	sdelay $0x1  }
0x351: {  	[tilespmem:s1+$0xFFFFFFE0] =	vst v0  }
0x352: {  	v0 =	vld [tilespmem:s14+$0xACC0]  }
0x353: {  	v1 =	vld [tilespmem:s14+$0xCCC0];
	_ =	sdelay $0x1  }
0x354: {  	v2 =	vld [tilespmem:s14+$0xECC0];
	_ =	sdelay $0x1  }
0x355: {  	v3 =	vld [tilespmem:s14+$0x10CC0]  }
0x356: {  	v0 =	vadd.f32 v1, v0  }
0x357: {  	v1 =	vld [tilespmem:s14+$0x12CC0]  }
0x358: {  	v0 =	vadd.f32 v2, v0  }
0x359: {  	v2 =	vld [tilespmem:s1+$0xFFFFFFF0]  }
0x35a: {  	v0 =	vadd.f32 v3, v0;
	_ =	sdelay $0x1  }
0x35b: {  	v0 =	vadd.f32 v1, v0;
	_ =	sdelay $0x1  }
0x35c: {  	v0 =	vadd.f32 v0, v2;
	_ =	sdelay $0x1  }
0x35d: {  	[tilespmem:s1+$0xFFFFFFF0] =	vst v0  }
0x35e: {  	v1 =	vld [tilespmem:s14+$0xACD0]  }
0x35f: {  	v2 =	vld [tilespmem:s14+$0xCCD0]  }
0x360: {  	v3 =	vld [tilespmem:s14+$0xECD0]  }
0x361: {  	v4 =	vld [tilespmem:s14+$0x10CD0]  }
0x362: {  	v0 =	vld [tilespmem:s14+$0x12CD0];
	_ =	sdelay $0x1  }
.Ltmp6:
0x363: {  	v1 =	vadd.f32 v2, v1;
	(pc) =	sbr.rel @p0 .LBB2_14-.Ltmp6, $3  }
0x364: {  	_ = 	snop  }
0x365: {  	v2 =	vadd.f32 v3, v1;
	v1 =	vld [tilespmem:s1+$0x0];
	_ =	sdelay $0x1  }
0x366: {  	v2 =	vadd.f32 v4, v2  }
0x367: {  	_ = 	snop  }
0x368: {  	v0 =	vadd.f32 v0, v2;
	_ =	sdelay $0x1  }
0x369: {  	v0 =	vadd.f32 v0, v1;
	_ =	sdelay $0x1  }
0x36a: {  	[tilespmem:s26+$0x0] =	vst v0  }
0x36b: {  	_ =	swait.ge [sflag:s31], $0x2000  }
0x36c: {  	[sflag:s31] =	ssyncset.done $0x0  }
0x36d: {  	[sflag:s31] =	ssyncadd.s32 $0xFFFFE000  }
0x36e: {  	_ =	swait.ge [sflag:s31], $0x2000  }
0x36f: {  	[sflag:s31] =	ssyncset.done $0x0  }
0x370: {  	[sflag:s31] =	ssyncadd.s32 $0xFFFFE000  }
0x371: {  	_ =	swait.ge [sflag:s31], $0x2000  }
0x372: {  	[sflag:s31] =	ssyncset.done $0x0  }
0x373: {  	[sflag:s31] =	ssyncadd.s32 $0xFFFFE000  }
0x374: {  	_ =	swait.ge [sflag:s31], $0x2000  }
0x375: {  	[sflag:s31] =	ssyncset.done $0x0  }
0x376: {  	[sflag:s31] =	ssyncadd.s32 $0xFFFFE000  }
0x377: {  	_ =	swait.ge [sflag:s31], $0x2000  }
0x378: {  	[sflag:s31] =	ssyncset.done $0x0  }
0x379: {  	s14 =	simm.s32 $0x0;
	[sflag:s31] =	ssyncadd.s32 $0xFFFFE000  }
0x37a: {  	v0 =	vld [tilespmem:s14+$0x14CA0]  }
0x37b: {  	v1 =	vld [tilespmem:s14+$0x16CA0];
	_ =	sdelay $0x1  }
0x37c: {  	v2 =	vld [tilespmem:s14+$0x18CA0];
	_ =	sdelay $0x1  }
0x37d: {  	v3 =	vld [tilespmem:s14+$0x1ACA0]  }
0x37e: {  	v0 =	vadd.f32 v1, v0  }
0x37f: {  	v1 =	vld [tilespmem:s14+$0x1CCA0]  }
0x380: {  	s1 =	simm.s32 $0x6C90;
	v0 =	vadd.f32 v2, v0  }
0x381: {  	v2 =	vld [tilespmem:s1+$0xFFFFFFD0]  }
0x382: {  	v0 =	vadd.f32 v3, v0;
	_ =	sdelay $0x1  }
0x383: {  	v0 =	vadd.f32 v1, v0;
	_ =	sdelay $0x1  }
0x384: {  	v0 =	vadd.f32 v0, v2;
	_ =	sdelay $0x1  }
0x385: {  	[tilespmem:s1+$0xFFFFFFD0] =	vst v0  }
0x386: {  	v0 =	vld [tilespmem:s14+$0x14CB0]  }
0x387: {  	v1 =	vld [tilespmem:s14+$0x16CB0];
	_ =	sdelay $0x1  }
0x388: {  	v2 =	vld [tilespmem:s14+$0x18CB0];
	_ =	sdelay $0x1  }
0x389: {  	v3 =	vld [tilespmem:s14+$0x1ACB0]  }
0x38a: {  	v0 =	vadd.f32 v1, v0  }
0x38b: {  	v1 =	vld [tilespmem:s14+$0x1CCB0]  }
0x38c: {  	v0 =	vadd.f32 v2, v0  }
0x38d: {  	v2 =	vld [tilespmem:s1+$0xFFFFFFE0]  }
0x38e: {  	v0 =	vadd.f32 v3, v0;
	_ =	sdelay $0x1  }
0x38f: {  	v0 =	vadd.f32 v1, v0;
	_ =	sdelay $0x1  }
0x390: {  	v0 =	vadd.f32 v0, v2;
	_ =	sdelay $0x1  }
0x391: {  	[tilespmem:s1+$0xFFFFFFE0] =	vst v0  }
0x392: {  	v0 =	vld [tilespmem:s14+$0x14CC0]  }
0x393: {  	v1 =	vld [tilespmem:s14+$0x16CC0];
	_ =	sdelay $0x1  }
0x394: {  	v2 =	vld [tilespmem:s14+$0x18CC0];
	_ =	sdelay $0x1  }
0x395: {  	v3 =	vld [tilespmem:s14+$0x1ACC0]  }
0x396: {  	v0 =	vadd.f32 v1, v0  }
0x397: {  	v1 =	vld [tilespmem:s14+$0x1CCC0]  }
0x398: {  	v0 =	vadd.f32 v2, v0  }
0x399: {  	v2 =	vld [tilespmem:s1+$0xFFFFFFF0]  }
0x39a: {  	v0 =	vadd.f32 v3, v0;
	_ =	sdelay $0x1  }
0x39b: {  	v0 =	vadd.f32 v1, v0;
	_ =	sdelay $0x1  }
0x39c: {  	v0 =	vadd.f32 v0, v2;
	_ =	sdelay $0x1  }
0x39d: {  	[tilespmem:s1+$0xFFFFFFF0] =	vst v0  }
0x39e: {  	v0 =	vld [tilespmem:s14+$0x14CD0]  }
0x39f: {  	v1 =	vld [tilespmem:s14+$0x16CD0];
	_ =	sdelay $0x1  }
0x3a0: {  	v2 =	vld [tilespmem:s14+$0x18CD0];
	_ =	sdelay $0x1  }
0x3a1: {  	v3 =	vld [tilespmem:s14+$0x1ACD0]  }
0x3a2: {  	v0 =	vadd.f32 v1, v0;
	_ =	sdelay $0x1  }
0x3a3: {  	v2 =	vadd.f32 v2, v0;
	v0 =	vld [tilespmem:s14+$0x1CCD0];
	_ =	sdelay $0x1  }
0x3a4: {  	s20 =	simm.s32 $0x100;
	s26 =	simm.s32 $0x6C90;
	v1 =	vld [tilespmem:s1+$0x0];
	v2 =	vadd.f32 v3, v2  }
.LBB2_16:
0x3a5: {  	p0 =	sne.s32 s20, $0x7F00  }
0x3a6: {  	s1 =	sadd.s32 $0x80, s1;
	s14 =	smov.u32 s20;
	s20 =	sadd.s32 $0x100, s20  }
0x3a7: {  	v0 =	vadd.f32 v0, v2;
	_ =	sdelay $0x1  }
0x3a8: {  	v0 =	vadd.f32 v0, v1  }
0x3a9: {  	s14 =	sshra.s32 s14, $0x2  }
0x3aa: {  	[tilespmem:s26+$0x0] =	vst v0;
	s26 =	smov.u32 s1  }
0x3ab: {  	v0 =	vld [tilespmem:s14+$0x14CA0]  }
0x3ac: {  	v1 =	vld [tilespmem:s14+$0x16CA0];
	_ =	sdelay $0x1  }
0x3ad: {  	v2 =	vld [tilespmem:s14+$0x18CA0];
	_ =	sdelay $0x1  }
0x3ae: {  	v3 =	vld [tilespmem:s14+$0x1ACA0]  }
0x3af: {  	v0 =	vadd.f32 v1, v0  }
0x3b0: {  	v1 =	vld [tilespmem:s14+$0x1CCA0]  }
0x3b1: {  	v0 =	vadd.f32 v2, v0  }
0x3b2: {  	v2 =	vld [tilespmem:s1+$0xFFFFFFD0]  }
0x3b3: {  	v0 =	vadd.f32 v3, v0;
	_ =	sdelay $0x1  }
0x3b4: {  	v0 =	vadd.f32 v1, v0;
	_ =	sdelay $0x1  }
0x3b5: {  	v0 =	vadd.f32 v0, v2;
	_ =	sdelay $0x1  }
0x3b6: {  	[tilespmem:s1+$0xFFFFFFD0] =	vst v0  }
0x3b7: {  	v0 =	vld [tilespmem:s14+$0x14CB0]  }
0x3b8: {  	v1 =	vld [tilespmem:s14+$0x16CB0];
	_ =	sdelay $0x1  }
0x3b9: {  	v2 =	vld [tilespmem:s14+$0x18CB0];
	_ =	sdelay $0x1  }
0x3ba: {  	v3 =	vld [tilespmem:s14+$0x1ACB0]  }
0x3bb: {  	v0 =	vadd.f32 v1, v0  }
0x3bc: {  	v1 =	vld [tilespmem:s14+$0x1CCB0]  }
0x3bd: {  	v0 =	vadd.f32 v2, v0  }
0x3be: {  	v2 =	vld [tilespmem:s1+$0xFFFFFFE0]  }
0x3bf: {  	v0 =	vadd.f32 v3, v0;
	_ =	sdelay $0x1  }
0x3c0: {  	v0 =	vadd.f32 v1, v0;
	_ =	sdelay $0x1  }
0x3c1: {  	v0 =	vadd.f32 v0, v2;
	_ =	sdelay $0x1  }
0x3c2: {  	[tilespmem:s1+$0xFFFFFFE0] =	vst v0  }
0x3c3: {  	v0 =	vld [tilespmem:s14+$0x14CC0]  }
0x3c4: {  	v1 =	vld [tilespmem:s14+$0x16CC0];
	_ =	sdelay $0x1  }
0x3c5: {  	v2 =	vld [tilespmem:s14+$0x18CC0];
	_ =	sdelay $0x1  }
0x3c6: {  	v3 =	vld [tilespmem:s14+$0x1ACC0]  }
0x3c7: {  	v0 =	vadd.f32 v1, v0  }
0x3c8: {  	v1 =	vld [tilespmem:s14+$0x1CCC0]  }
0x3c9: {  	v0 =	vadd.f32 v2, v0  }
0x3ca: {  	v2 =	vld [tilespmem:s1+$0xFFFFFFF0]  }
0x3cb: {  	v0 =	vadd.f32 v3, v0;
	_ =	sdelay $0x1  }
0x3cc: {  	v0 =	vadd.f32 v1, v0;
	_ =	sdelay $0x1  }
0x3cd: {  	v0 =	vadd.f32 v0, v2;
	_ =	sdelay $0x1  }
0x3ce: {  	[tilespmem:s1+$0xFFFFFFF0] =	vst v0  }
0x3cf: {  	v1 =	vld [tilespmem:s14+$0x14CD0]  }
0x3d0: {  	v2 =	vld [tilespmem:s14+$0x16CD0]  }
0x3d1: {  	v3 =	vld [tilespmem:s14+$0x18CD0]  }
0x3d2: {  	v4 =	vld [tilespmem:s14+$0x1ACD0]  }
0x3d3: {  	v0 =	vld [tilespmem:s14+$0x1CCD0];
	_ =	sdelay $0x1  }
.Ltmp7:
0x3d4: {  	v1 =	vadd.f32 v2, v1;
	(pc) =	sbr.rel @p0 .LBB2_16-.Ltmp7, $3  }
0x3d5: {  	_ = 	snop  }
0x3d6: {  	v2 =	vadd.f32 v3, v1;
	v1 =	vld [tilespmem:s1+$0x0];
	_ =	sdelay $0x1  }
0x3d7: {  	v2 =	vadd.f32 v4, v2  }
0x3d8: {  	_ = 	snop  }
0x3d9: {  	v0 =	vadd.f32 v0, v2;
	_ =	sdelay $0x1  }
0x3da: {  	v0 =	vadd.f32 v0, v1;
	_ =	sdelay $0x1  }
0x3db: {  	[tilespmem:s26+$0x0] =	vst v0;
	s26 =	simm.s32 $0x0  }
0x3dc: {  	v4 =	vld [tilespmem:s26+$0x57A0]  }
0x3dd: {  	v6 =	vld [tilespmem:s26+$0x56A0];
	_ =	sdelay $0x1  }
0x3de: {  	v5 =	vld [tilespmem:s26+$0x5720];
	_ =	sdelay $0x2  }
0x3df: {  	v3 =	vimm.s32 $0x0;
	v10 =	vld [tilespmem:s26+$0x5620];
	vm0 =	vne.s32 v4, v6  }
0x3e0: {  	v3 =	vsel vm0, $0xFFFFFFFF, v3  }
0x3e1: {  	v14 =	vld [tilespmem:s26+$0x55A0];
	vm0 =	vne.s32 v4, v5;
	[tilespmem:$0x1FBC0] =	vst v3;
	v3 =	vimm.s32 $0x0  }
0x3e2: {  	v0 =	vld [tilespmem:s26+$0x52A0];
	v3 =	vsel vm0, $0xFFFFFFFF, v3  }
0x3e3: {  	v16 =	vld [tilespmem:s26+$0x5520];
	vm0 =	vne.s32 v5, v6;
	[tilespmem:$0x1FBD0] =	vst v3;
	v3 =	vimm.s32 $0x0  }
0x3e4: {  	v7 =	vimm.s32 $0x0;
	v21 =	vld [tilespmem:s26+$0x54A0];
	v3 =	vsel vm0, $0xFFFFFFFF, v3;
	vm0 =	vne.s32 v4, v10  }
0x3e5: {  	v9 =	vld [tilespmem:s26+$0x4E20];
	v7 =	vsel vm0, $0xFFFFFFFF, v7  }
0x3e6: {  	v8 =	vld [tilespmem:s26+$0x4EA0];
	vm0 =	vne.s32 v4, v14;
	[tilespmem:$0x1FBF0] =	vst v7;
	v7 =	vimm.s32 $0x0  }
0x3e7: {  	v22 =	vld [tilespmem:s26+$0x5320];
	v7 =	vsel vm0, $0xFFFFFFFF, v7  }
0x3e8: {  	v23 =	vld [tilespmem:s26+$0x53A0];
	vm0 =	vne.s32 v4, v16;
	[tilespmem:$0x1FC00] =	vst v7;
	v7 =	vimm.s32 $0x0  }
0x3e9: {  	v7 =	vsel vm0, $0xFFFFFFFF, v7  }
0x3ea: {  	v2 =	vld [tilespmem:s26+$0x51A0];
	vm0 =	vne.s32 v4, v21;
	[tilespmem:$0x1FC10] =	vst v7;
	v7 =	vimm.s32 $0x0  }
0x3eb: {  	vm1 =	vne.s32 v0, v8;
	v7 =	vsel vm0, $0xFFFFFFFF, v7;
	vm0 =	vne.s32 v0, v9  }
0x3ec: {  	v1 =	vld [tilespmem:s26+$0x5220];
	[tilespmem:$0x1FC20] =	vst v7;
	vm0 =	vmand vm0, vm1;
	v7 =	vimm.s32 $0x0  }
0x3ed: {  	vm2 =	vne.s32 v4, v22;
	vm3 =	vne.s32 v4, v23;
	v7 =	vsel vm0, $0xFFFFFFFF, v7  }
0x3ee: {  	vm1 =	vmand vm2, vm3;
	[tilespmem:$0x1FC30] =	vst v7;
	v7 =	vimm.s32 $0x0  }
0x3ef: {  	vm8 =	vne.s32 v2, v9;
	[tilespmem:$0x1FBE0] =	vst v3;
	vm0 =	vne.s32 v2, v8;
	v7 =	vsel vm1, $0xFFFFFFFF, v7  }
0x3f0: {  	v3 =	vld [tilespmem:s26+$0x5120];
	vm0 =	vmand vm8, vm0;
	[tilespmem:$0x1FC40] =	vst v7;
	v7 =	vimm.s32 $0x0  }
0x3f1: {  	vm4 =	vne.s32 v1, v9;
	vm5 =	vne.s32 v1, v8;
	v7 =	vsel vm0, $0xFFFFFFFF, v7  }
0x3f2: {  	vm2 =	vmand vm4, vm5;
	[tilespmem:$0x1FFF0] =	vst v7;
	v7 =	vimm.s32 $0x0  }
0x3f3: {  	vm6 =	vne.s32 v5, v22;
	vm7 =	vne.s32 v5, v23;
	v7 =	vsel vm2, $0xFFFFFFFF, v7  }
0x3f4: {  	vm3 =	vmand vm6, vm7;
	[tilespmem:$0x1FC50] =	vst v7;
	v7 =	vimm.s32 $0x0  }
0x3f5: {  	vm1 =	vne.s32 v3, v9;
	vm0 =	vne.s32 v3, v8;
	v7 =	vsel vm3, $0xFFFFFFFF, v7  }
0x3f6: {  	vm0 =	vmand vm1, vm0;
	[tilespmem:$0x1FC60] =	vst v7;
	v7 =	vimm.s32 $0x0  }
0x3f7: {  	v24 =	vld [tilespmem:s26+$0x5420];
	vm2 =	vne.s32 v10, v22;
	vm3 =	vne.s32 v10, v23;
	v7 =	vsel vm0, $0xFFFFFFFF, v7  }
0x3f8: {  	vm1 =	vmand vm2, vm3;
	[tilespmem:$0x1FC70] =	vst v7;
	v7 =	vimm.s32 $0x0  }
0x3f9: {  	vm0 =	vne.s32 v6, v22;
	v7 =	vsel vm1, $0xFFFFFFFF, v7;
	vm1 =	vne.s32 v6, v23  }
0x3fa: {  	[tilespmem:$0x1FC80] =	vst v7;
	vm0 =	vmand vm0, vm1;
	v7 =	vimm.s32 $0x0  }
0x3fb: {  	v7 =	vsel vm0, $0xFFFFFFFF, v7  }
0x3fc: {  	v25 =	vimm.s32 $0x0;
	vm0 =	vne.s32 v4, v24;
	[tilespmem:$0x1FC90] =	vst v7;
	v7 =	vimm.s32 $0x0  }
0x3fd: {  	v61 =	vimm.s32 $0x0;
	v7 =	vsel vm0, $0xFFFFFFFF, v7;
	vm0 =	vne.s32 v5, v10  }
0x3fe: {  	v62 =	vimm.s32 $0x0;
	[tilespmem:$0x1FCA0] =	vst v7;
	v25 =	vsel vm0, $0xFFFFFFFF, v25;
	vm0 =	vne.s32 v5, v14  }
0x3ff: {  	v63 =	vimm.s32 $0x0;
	[tilespmem:$0x1FCB0] =	vst v25;
	v25 =	vsel vm0, $0xFFFFFFFF, v61;
	vm0 =	vne.s32 v5, v16  }
0x400: {  	v7 =	vadd.s32 $0x2710, v5;
	[tilespmem:$0x1FCC0] =	vst v25;
	v25 =	vsel vm0, $0xFFFFFFFF, v62;
	vm0 =	vne.s32 v5, v21  }
0x401: {  	[tilespmem:$0x1FCD0] =	vst v25;
	v25 =	vsel vm0, $0xFFFFFFFF, v63;
	vm0 =	vne.s32 v5, v24;
	v5 =	vimm.s32 $0x0  }
0x402: {  	v5 =	vsel vm0, $0xFFFFFFFF, v5  }
0x403: {  	vm0 =	vne.s32 v6, v10;
	[tilespmem:$0x1FCF0] =	vst v5;
	v5 =	vimm.s32 $0x0  }
0x404: {  	v5 =	vsel vm0, $0xFFFFFFFF, v5  }
0x405: {  	vm0 =	vne.s32 v6, v14;
	[tilespmem:$0x1FD00] =	vst v5;
	v5 =	vimm.s32 $0x0  }
0x406: {  	v5 =	vsel vm0, $0xFFFFFFFF, v5  }
0x407: {  	vm0 =	vne.s32 v6, v16;
	[tilespmem:$0x1FD10] =	vst v5;
	v5 =	vimm.s32 $0x0  }
0x408: {  	v5 =	vsel vm0, $0xFFFFFFFF, v5  }
0x409: {  	vm0 =	vne.s32 v6, v21;
	[tilespmem:$0x1FD20] =	vst v5;
	v5 =	vimm.s32 $0x0  }
0x40a: {  	v5 =	vsel vm0, $0xFFFFFFFF, v5  }
0x40b: {  	vm0 =	vne.s32 v6, v24;
	[tilespmem:$0x1FD30] =	vst v5;
	v5 =	vimm.s32 $0x0  }
0x40c: {  	v5 =	vsel vm0, $0xFFFFFFFF, v5  }
0x40d: {  	vm0 =	vne.s32 v10, v14;
	[tilespmem:$0x1FD40] =	vst v5;
	v5 =	vimm.s32 $0x0  }
0x40e: {  	v5 =	vsel vm0, $0xFFFFFFFF, v5  }
0x40f: {  	vm0 =	vne.s32 v10, v16;
	[tilespmem:$0x1FD50] =	vst v5;
	v5 =	vimm.s32 $0x0  }
0x410: {  	v5 =	vsel vm0, $0xFFFFFFFF, v5  }
0x411: {  	vm0 =	vne.s32 v14, v16;
	[tilespmem:$0x1FD60] =	vst v5;
	v5 =	vimm.s32 $0x0  }
0x412: {  	v5 =	vsel vm0, $0xFFFFFFFF, v5  }
0x413: {  	vm0 =	vne.s32 v10, v21;
	[tilespmem:$0x1FD70] =	vst v5;
	v5 =	vimm.s32 $0x0  }
0x414: {  	v5 =	vsel vm0, $0xFFFFFFFF, v5  }
0x415: {  	vm0 =	vne.s32 v14, v21;
	[tilespmem:$0x1FD80] =	vst v5;
	v5 =	vimm.s32 $0x0  }
0x416: {  	v5 =	vsel vm0, $0xFFFFFFFF, v5  }
0x417: {  	vm0 =	vne.s32 v10, v24;
	[tilespmem:$0x1FD90] =	vst v5;
	v5 =	vimm.s32 $0x0  }
0x418: {  	v5 =	vsel vm0, $0xFFFFFFFF, v5  }
0x419: {  	vm0 =	vne.s32 v16, v21;
	[tilespmem:$0x1FDA0] =	vst v5;
	v5 =	vimm.s32 $0x0  }
0x41a: {  	v5 =	vsel vm0, $0xFFFFFFFF, v5  }
0x41b: {  	v11 =	vadd.s32 $0x2710, v6;
	vm0 =	vne.s32 v14, v24;
	[tilespmem:$0x1FDB0] =	vst v5;
	v5 =	vimm.s32 $0x0  }
0x41c: {  	v6 =	vimm.s32 $0x0;
	v5 =	vsel vm0, $0xFFFFFFFF, v5;
	vm0 =	vne.s32 v16, v24  }
0x41d: {  	v6 =	vsel vm0, $0xFFFFFFFF, v6  }
0x41e: {  	v12 =	vadd.s32 $0x2710, v10;
	vm0 =	vne.s32 v14, v23;
	[tilespmem:$0x1FDD0] =	vst v6;
	v6 =	vimm.s32 $0x0  }
0x41f: {  	v10 =	vimm.s32 $0x0;
	v6 =	vsel vm0, $0xFFFFFFFF, v6;
	vm0 =	vne.s32 v21, v24  }
0x420: {  	v15 =	vadd.s32 $0x2710, v16;
	v10 =	vsel vm0, $0xFFFFFFFF, v10  }
0x421: {  	vm5 =	vne.s32 v16, v23;
	vm0 =	vne.s32 v16, v22;
	[tilespmem:$0x1FDF0] =	vst v10;
	v10 =	vimm.s32 $0x0  }
0x422: {  	v16 =	vimm.s32 $0x0;
	v10 =	vsel vm0, $0xFFFFFFFF, v10;
	vm0 =	veq.s32 v23, v22  }
0x423: {  	v16 =	vsel vm0, $0xFFFFFFFF, v16  }
0x424: {  	vm0 =	vne.s32 v0, v1;
	[tilespmem:$0x1FE10] =	vst v16;
	v16 =	vimm.s32 $0x0  }
0x425: {  	v16 =	vsel vm0, $0xFFFFFFFF, v16  }
0x426: {  	vm0 =	vne.s32 v0, v2;
	[tilespmem:$0x1FE20] =	vst v16;
	v16 =	vimm.s32 $0x0  }
0x427: {  	v16 =	vsel vm0, $0xFFFFFFFF, v16  }
0x428: {  	vm0 =	vne.s32 v1, v2;
	[tilespmem:$0x1FE30] =	vst v16;
	v16 =	vimm.s32 $0x0  }
0x429: {  	[tilespmem:$0x1FDC0] =	vst v5;
	v5 =	vld [tilespmem:s26+$0x50A0];
	v16 =	vsel vm0, $0xFFFFFFFF, v16  }
0x42a: {  	vm0 =	vne.s32 v0, v3;
	[tilespmem:$0x1FE40] =	vst v16;
	v16 =	vimm.s32 $0x0  }
0x42b: {  	v16 =	vsel vm0, $0xFFFFFFFF, v16  }
0x42c: {  	vm0 =	vne.s32 v1, v3;
	[tilespmem:$0x1FE50] =	vst v16;
	v16 =	vimm.s32 $0x0  }
0x42d: {  	v16 =	vsel vm0, $0xFFFFFFFF, v16  }
0x42e: {  	vm0 =	vne.s32 v0, v5;
	[tilespmem:$0x1FE60] =	vst v16;
	v16 =	vimm.s32 $0x0  }
0x42f: {  	[tilespmem:$0x1FDE0] =	vst v6;
	v6 =	vld [tilespmem:s26+$0x5020];
	v16 =	vsel vm0, $0xFFFFFFFF, v16  }
0x430: {  	vm0 =	vne.s32 v2, v3;
	[tilespmem:$0x1FE70] =	vst v16;
	v16 =	vimm.s32 $0x0  }
0x431: {  	v16 =	vsel vm0, $0xFFFFFFFF, v16  }
0x432: {  	vm0 =	vne.s32 v1, v5;
	[tilespmem:$0x1FE80] =	vst v16;
	v16 =	vimm.s32 $0x0  }
0x433: {  	v16 =	vsel vm0, $0xFFFFFFFF, v16  }
0x434: {  	vm0 =	vne.s32 v0, v6;
	[tilespmem:$0x1FE90] =	vst v16;
	v16 =	vimm.s32 $0x0  }
0x435: {  	[tilespmem:$0x1FE00] =	vst v10;
	v10 =	vld [tilespmem:s26+$0x4FA0];
	v16 =	vsel vm0, $0xFFFFFFFF, v16  }
0x436: {  	vm0 =	vne.s32 v2, v5;
	[tilespmem:$0x1FEA0] =	vst v16;
	v16 =	vimm.s32 $0x0  }
0x437: {  	v16 =	vsel vm0, $0xFFFFFFFF, v16  }
0x438: {  	vm0 =	vne.s32 v1, v6;
	[tilespmem:$0x1FEB0] =	vst v16;
	v16 =	vimm.s32 $0x0  }
0x439: {  	v16 =	vsel vm0, $0xFFFFFFFF, v16  }
0x43a: {  	vm0 =	vne.s32 v0, v10;
	[tilespmem:$0x1FEC0] =	vst v16;
	v16 =	vimm.s32 $0x0  }
0x43b: {  	v16 =	vsel vm0, $0xFFFFFFFF, v16  }
0x43c: {  	vm0 =	vne.s32 v3, v5;
	[tilespmem:$0x1FED0] =	vst v16;
	v16 =	vimm.s32 $0x0  }
0x43d: {  	v13 =	vadd.s32 $0x2710, v14;
	vm2 =	vne.s32 v14, v22;
	v14 =	vld [tilespmem:s26+$0x4F20];
	v16 =	vsel vm0, $0xFFFFFFFF, v16  }
0x43e: {  	vm0 =	vne.s32 v2, v6;
	[tilespmem:$0x1FEE0] =	vst v16;
	v16 =	vimm.s32 $0x0  }
0x43f: {  	v16 =	vsel vm0, $0xFFFFFFFF, v16  }
0x440: {  	vm0 =	vne.s32 v1, v10;
	[tilespmem:$0x1FEF0] =	vst v16;
	v16 =	vimm.s32 $0x0  }
0x441: {  	v16 =	vsel vm0, $0xFFFFFFFF, v16  }
0x442: {  	vm0 =	vne.s32 v0, v14;
	[tilespmem:$0x1FF00] =	vst v16;
	v16 =	vimm.s32 $0x0  }
0x443: {  	v16 =	vsel vm0, $0xFFFFFFFF, v16  }
0x444: {  	vm0 =	vne.s32 v3, v6;
	[tilespmem:$0x1FF10] =	vst v16;
	v16 =	vimm.s32 $0x0  }
0x445: {  	v16 =	vsel vm0, $0xFFFFFFFF, v16  }
0x446: {  	vm0 =	vne.s32 v2, v10;
	[tilespmem:$0x1FF20] =	vst v16;
	v16 =	vimm.s32 $0x0  }
0x447: {  	v16 =	vsel vm0, $0xFFFFFFFF, v16  }
0x448: {  	vm0 =	vne.s32 v1, v14;
	[tilespmem:$0x1FF30] =	vst v16;
	v16 =	vimm.s32 $0x0  }
0x449: {  	v16 =	vsel vm0, $0xFFFFFFFF, v16  }
0x44a: {  	vm0 =	vne.s32 v5, v6;
	[tilespmem:$0x1FF40] =	vst v16;
	v16 =	vimm.s32 $0x0  }
0x44b: {  	v16 =	vsel vm0, $0xFFFFFFFF, v16  }
0x44c: {  	vm0 =	vne.s32 v3, v10;
	[tilespmem:$0x1FF50] =	vst v16;
	v16 =	vimm.s32 $0x0  }
0x44d: {  	v16 =	vsel vm0, $0xFFFFFFFF, v16  }
0x44e: {  	vm0 =	vne.s32 v2, v14;
	[tilespmem:$0x1FF60] =	vst v16;
	v16 =	vimm.s32 $0x0  }
0x44f: {  	v16 =	vsel vm0, $0xFFFFFFFF, v16  }
0x450: {  	vm0 =	vne.s32 v5, v10;
	[tilespmem:$0x1FF70] =	vst v16;
	v16 =	vimm.s32 $0x0  }
0x451: {  	v16 =	vsel vm0, $0xFFFFFFFF, v16  }
0x452: {  	vm0 =	vne.s32 v3, v14;
	[tilespmem:$0x1FF80] =	vst v16;
	v16 =	vimm.s32 $0x0  }
0x453: {  	v16 =	vsel vm0, $0xFFFFFFFF, v16  }
0x454: {  	vm0 =	vne.s32 v6, v10;
	[tilespmem:$0x1FF90] =	vst v16;
	v16 =	vimm.s32 $0x0  }
0x455: {  	v16 =	vsel vm0, $0xFFFFFFFF, v16  }
0x456: {  	vm0 =	vne.s32 v5, v14;
	[tilespmem:$0x1FFA0] =	vst v16;
	v16 =	vimm.s32 $0x0  }
0x457: {  	v16 =	vsel vm0, $0xFFFFFFFF, v16  }
0x458: {  	vm0 =	vne.s32 v6, v14;
	[tilespmem:$0x1FFB0] =	vst v16;
	v16 =	vimm.s32 $0x0  }
0x459: {  	v16 =	vsel vm0, $0xFFFFFFFF, v16  }
0x45a: {  	vm0 =	vne.s32 v10, v14;
	[tilespmem:$0x1FFC0] =	vst v16;
	v16 =	vimm.s32 $0x0  }
0x45b: {  	v16 =	vsel vm0, $0xFFFFFFFF, v16  }
0x45c: {  	vm3 =	veq.s32 v8, v9;
	[tilespmem:$0x1FFD0] =	vst v16;
	v16 =	vimm.s32 $0x0  }
0x45d: {  	v16 =	vsel vm3, $0xFFFFFFFF, v16  }
0x45e: {  	v19 =	vadd.s32 $0x2710, v22;
	v18 =	vadd.s32 $0x2710, v24;
	v17 =	vadd.s32 $0x2710, v21;
	[tilespmem:$0x1FFE0] =	vst v16;
	v16 =	vld [tilespmem:$0x1FFF0]  }
0x45f: {  	v20 =	vadd.s32 $0x2710, v23;
	vm9 =	vne.s32 v24, v23;
	vm7 =	vne.s32 v21, v22  }
0x460: {  	vm6 =	vne.s32 v24, v22;
	vm8 =	vne.s32 v21, v23;
	v4 =	vadd.s32 $0x2710, v4  }
0x461: {  	vm10 =	vne.s32 v5, v9;
	vm11 =	vne.s32 v5, v8;
	vm1 =	vne.s32 v14, v8  }
0x462: {  	vm12 =	vne.s32 v6, v9;
	vm14 =	vne.s32 v6, v8;
	vm13 =	vne.s32 v10, v9  }
0x463: {  	s1 =	simm.s32 $0x40;
	[tilespmem:$0x1FCE0] =	vst v25;
	vm15 =	vne.s32 v10, v8;
	vm0 =	vne.s32 v14, v9;
	vm3 =	vnez.u8 v16  }
.LBB2_18:
0x464: {  	v16 =	vld [tilespmem:$0x1FDE0];
	_ =	sdelay $0x4  }
0x465: {  	vm10 =	vmand vm10, vm11;
	vm11 =	vnez.u8 v16;
	v16 =	vld [tilespmem:$0x1FE00];
	_ =	sdelay $0x3  }
0x466: {  	vm0 =	vmand vm0, vm1  }
0x467: {  	vm11 =	vmand vm2, vm11;
	vm2 =	vnez.u8 v16;
	v16 =	vimm.s32 $0x0  }
0x468: {  	v16 =	vsel vm0, $0xFFFFFFFF, v16  }
0x469: {  	[tilespmem:$0x1FA90] =	vst v16;
	v16 =	vld [tilespmem:$0x1FF10];
	_ =	sdelay $0x4  }
0x46a: {  	vm0 =	vnez.u8 v16;
	v16 =	vld [tilespmem:$0x1FC30];
	_ =	sdelay $0x4  }
0x46b: {  	vm1 =	vnez.u8 v16  }
0x46c: {  	v16 =	vimm.s32 $0x0;
	vm0 =	vmand vm0, vm1;
	vm1 =	vmand vm6, vm9  }
0x46d: {  	v16 =	vsel vm1, $0xFFFFFFFF, v16  }
0x46e: {  	[tilespmem:$0x1FAA0] =	vst v16;
	v16 =	vld [tilespmem:$0x1FF40];
	_ =	sdelay $0x4  }
0x46f: {  	vm1 =	vnez.u8 v16;
	v16 =	vld [tilespmem:$0x1FC50];
	_ =	sdelay $0x4  }
0x470: {  	vm4 =	vmand vm2, vm5;
	vm2 =	vnez.u8 v16;
	v16 =	vld [tilespmem:$0x1FCF0];
	_ =	sdelay $0x4  }
0x471: {  	vm5 =	vmand vm1, vm2;
	vm1 =	vnez.u8 v16;
	v16 =	vld [tilespmem:$0x1FC60];
	_ =	sdelay $0x4  }
0x472: {  	vm2 =	vnez.u8 v16;
	v16 =	vld [tilespmem:$0x1FCA0];
	_ =	sdelay $0x4  }
0x473: {  	vm6 =	vmand vm1, vm2;
	vm1 =	vnez.u8 v16;
	v16 =	vld [tilespmem:$0x1FC40];
	_ =	sdelay $0x4  }
0x474: {  	vm2 =	vnez.u8 v16;
	v16 =	vld [tilespmem:$0x1FC70];
	_ =	sdelay $0x4  }
0x475: {  	vm7 =	vmand vm7, vm8;
	vm8 =	vmand vm1, vm2;
	vm1 =	vnez.u8 v16;
	v16 =	vld [tilespmem:$0x1FF90];
	_ =	sdelay $0x4  }
0x476: {  	vm2 =	vnez.u8 v16;
	v16 =	vld [tilespmem:$0x1FF70];
	_ =	sdelay $0x4  }
0x477: {  	vm9 =	vmand vm2, vm1;
	vm1 =	vnez.u8 v16;
	v16 =	vld [tilespmem:$0x1FD40];
	_ =	sdelay $0x4  }
0x478: {  	vm12 =	vmand vm12, vm14;
	vm14 =	vmand vm1, vm3;
	vm1 =	vnez.u8 v16;
	v16 =	vld [tilespmem:$0x1FC90]  }
0x479: {  	v23 =	vld [tilespmem:$0x1FFB0];
	_ =	sdelay $0x3  }
0x47a: {  	v24 =	vld [tilespmem:$0x1FFD0];
	vm2 =	vnez.u8 v16  }
0x47b: {  	vm13 =	vmand vm13, vm15;
	vm15 =	vmand vm1, vm2;
	vm1 =	vnez.u8 v23;
	v23 =	vld [tilespmem:$0x1FDC0]  }
0x47c: {  	v32 =	vld [tilespmem:$0x1FFC0]  }
0x47d: {  	v33 =	vld [tilespmem:$0x1FDD0]  }
0x47e: {  	v9 =	vld.idx.msk [tilespmem:v9+s2+$0x0], $0xffff  }
0x47f: {  	v34 =	vld [tilespmem:$0x1FED0]  }
0x480: {  	vm10 =	vmand vm1, vm10;
	vm1 =	vnez.u8 v23;
	v23 =	vld [tilespmem:$0x1FDA0]  }
0x481: {  	v35 =	vld [tilespmem:$0x1FDF0]  }
0x482: {  	v36 =	vld [tilespmem:$0x1FC20]  }
0x483: {  	v37 =	vld [tilespmem:$0x1FF30]  }
0x484: {  	v38 =	vld [tilespmem:$0x1FF00]  }
0x485: {  	vm11 =	vmand vm1, vm11;
	vm1 =	vnez.u8 v23;
	v23 =	vld [tilespmem:$0x1FC80]  }
0x486: {  	v39 =	vld [tilespmem:$0x1FCE0]  }
0x487: {  	v8 =	vld.idx.msk [tilespmem:v8+s2+$0x0], $0xffff  }
0x488: {  	v40 =	vld [tilespmem:$0x1FF60]  }
0x489: {  	v41 =	vld [tilespmem:$0x1FD80]  }
0x48a: {  	v42 =	vld [tilespmem:$0x1FD30];
	vm2 =	vnez.u8 v23  }
0x48b: {  	v43 =	vld [tilespmem:$0x1FFA0];
	vm3 =	vmand vm1, vm2;
	vm2 =	vnez.u8 v34  }
0x48c: {  	v44 =	vld [tilespmem:$0x1FF80];
	vm1 =	vnez.u8 v24;
	vm0 =	vmand vm2, vm0;
	vm2 =	vnez.u8 v35  }
0x48d: {  	v45 =	vld [tilespmem:$0x1FD90];
	vm1 =	vmand vm1, vm13;
	vm13 =	vmand vm2, vm7;
	vm2 =	vnez.u8 v36  }
0x48e: {  	v46 =	vld [tilespmem:$0x1FEA0];
	vm7 =	vmand vm2, vm8;
	vm2 =	vnez.u8 v37  }
0x48f: {  	v47 =	vld [tilespmem:$0x1FDB0];
	vm8 =	vmand vm2, vm14;
	vm2 =	vnez.u8 v38  }
0x490: {  	v31 =	vimm.s32 $0x0;
	v48 =	vld [tilespmem:$0x1FC10];
	vm14 =	vmand vm2, vm5;
	vm2 =	vnez.u8 v39  }
0x491: {  	v49 =	vld [tilespmem:$0x1FEF0];
	v24 =	vsel vm1, $0xFFFFFFFF, v31;
	vm6 =	vmand vm2, vm6;
	vm2 =	vnez.u8 v40  }
0x492: {  	v50 =	vld [tilespmem:$0x1FEC0];
	vm1 =	vnez.u8 v32;
	vm9 =	vmand vm2, vm9;
	vm2 =	vnez.u8 v41  }
0x493: {  	v51 =	vld [tilespmem:$0x1FCD0];
	vm12 =	vmand vm1, vm12;
	vm3 =	vmand vm2, vm3;
	vm2 =	vnez.u8 v42  }
0x494: {  	v52 =	vld [tilespmem:$0x1FF20];
	vm1 =	vnez.u8 v33;
	vm15 =	vmand vm2, vm15;
	vm2 =	vnez.u8 v43  }
0x495: {  	v53 =	vld [tilespmem:$0x1FD60];
	vm1 =	vmand vm1, vm4;
	vm4 =	vmand vm2, vm12;
	vm2 =	vnez.u8 v44  }
0x496: {  	v56 =	vld [tilespmem:$0x1FE70];
	vm10 =	vmand vm2, vm10;
	vm2 =	vnez.u8 v45  }
0x497: {  	v54 =	vld [tilespmem:$0x1FD20];
	vm11 =	vmand vm2, vm11;
	vm2 =	vnez.u8 v46  }
0x498: {  	v55 =	vld [tilespmem:$0x1FF50];
	vm0 =	vmand vm2, vm0;
	vm2 =	vnez.u8 v47  }
0x499: {  	v57 =	vld [tilespmem:$0x1FD70];
	vm5 =	vmand vm2, vm1;
	vm1 =	vnez.u8 v48;
	vm2 =	vnez.u8 v49  }
0x49a: {  	v58 =	vld [tilespmem:$0x1FE90];
	vm1 =	vmand vm1, vm7;
	vm8 =	vmand vm2, vm8;
	vm2 =	vnez.u8 v50  }
0x49b: {  	v60 =	vld [tilespmem:$0x1FC00];
	vm7 =	vnez.u8 v56;
	vm12 =	vmand vm2, vm14;
	vm2 =	vnez.u8 v51  }
0x49c: {  	v61 =	vld [tilespmem:$0x1FFE0];
	vm0 =	vmand vm7, vm0;
	vm14 =	vmand vm2, vm6;
	vm6 =	vnez.u8 v53  }
0x49d: {  	v62 =	vld [tilespmem:$0x1FEB0];
	vm2 =	vnez.u8 v52;
	vm3 =	vmand vm6, vm3;
	vm6 =	vnez.u8 v54  }
0x49e: {  	v63 =	vld [tilespmem:$0x1FE10];
	vm2 =	vmand vm2, vm9;
	vm9 =	vmand vm6, vm15;
	vm6 =	vnez.u8 v55  }
0x49f: {  	v20 =	vld.idx.msk [tilespmem:v20+s2+$0x0], $0xffff;
	vm7 =	vnez.u8 v57;
	vm6 =	vmand vm6, vm10;
	vm10 =	vnez.u8 v58  }
0x4a0: {  	v19 =	vld.idx.msk [tilespmem:v19+s2+$0x0], $0xffff;
	vm7 =	vmand vm7, vm11;
	vm11 =	vmand vm10, vm12;
	vm12 =	vnez.u8 v60  }
0x4a1: {  	vm12 =	vmand vm12, vm1;
	vm1 =	vnez.u8 v61  }
0x4a2: {  	v8 =	vsel vm1, $0x0, v8;
	vm1 =	vnez.u8 v62  }
0x4a3: {  	vm8 =	vmand vm1, vm8;
	vm1 =	vnez.u8 v63  }
0x4a4: {  	v20 =	vsel vm1, $0x0, v20  }
0x4a5: {  	v8 =	vadd.f32 v8, v9;
	v9 =	vadd.f32 v20, v19;
	v19 =	vld [tilespmem:$0x1FD10];
	_ =	sdelay $0x4  }
0x4a6: {  	vm1 =	vnez.u8 v19;
	v19 =	vld [tilespmem:$0x1FA90];
	_ =	sdelay $0x3  }
0x4a7: {  	v14 =	vld.idx.msk [tilespmem:v14+s2+$0x0], $0xffff  }
0x4a8: {  	vm9 =	vmand vm1, vm9;
	vm1 =	vnez.u8 v19;
	v19 =	vld [tilespmem:$0x1FEE0];
	_ =	sdelay $0x3  }
0x4a9: {  	v18 =	vld.idx.msk [tilespmem:v18+s2+$0x0], $0xffff  }
0x4aa: {  	v14 =	vnsel vm1, $0x0, v14;
	vm1 =	vnez.u8 v19;
	v19 =	vld [tilespmem:$0x1FAA0]  }
0x4ab: {  	v8 =	vadd.f32 v14, v8;
	v14 =	vld [tilespmem:$0x1FD50];
	_ =	sdelay $0x3  }
0x4ac: {  	[tilespmem:$0x1FAB0] =	vst v24;
	vm1 =	vmand vm1, vm2;
	vm2 =	vnez.u8 v19  }
0x4ad: {  	v18 =	vnsel vm2, $0x0, v18;
	vm2 =	vnez.u8 v14;
	v14 =	vld [tilespmem:$0x1FAB0];
	_ =	sdelay $0x2  }
0x4ae: {  	v10 =	vld.idx.msk [tilespmem:v10+s2+$0x0], $0xffff  }
0x4af: {  	v17 =	vld.idx.msk [tilespmem:v17+s2+$0x0], $0xffff  }
0x4b0: {  	vm2 =	vmand vm2, vm3;
	vm3 =	vnez.u8 v14;
	v14 =	vld [tilespmem:$0x1FE50];
	_ =	sdelay $0x2  }
0x4b1: {  	v15 =	vld.idx.msk [tilespmem:v15+s2+$0x0], $0xffff;
	v10 =	vnsel vm3, $0x0, v10  }
0x4b2: {  	v9 =	vadd.f32 v18, v9;
	v8 =	vadd.f32 v10, v8;
	v10 =	vld.idx.msk [tilespmem:v2+s2+$0x0], $0xffff  }
0x4b3: {  	v2 =	vld [tilespmem:$0x1FBF0];
	vm3 =	vnez.u8 v14;
	v14 =	vnsel vm13, $0x0, v17  }
0x4b4: {  	v9 =	vadd.f32 v14, v9;
	v14 =	vld [tilespmem:$0x1FE60]  }
0x4b5: {  	v6 =	vld.idx.msk [tilespmem:v6+s2+$0x0], $0xffff  }
0x4b6: {  	v59 =	vld [tilespmem:$0x1FCC0]  }
0x4b7: {  	v5 =	vld.idx.msk [tilespmem:v5+s2+$0x0], $0xffff  }
0x4b8: {  	v13 =	vld.idx.msk [tilespmem:v13+s2+$0x0], $0xffff;
	vm3 =	vmand vm3, vm0;
	vm0 =	vnez.u8 v2  }
0x4b9: {  	v3 =	vld.idx.msk [tilespmem:v3+s2+$0x0], $0xffff;
	vm12 =	vmand vm0, vm12;
	vm0 =	vnez.u8 v14;
	v14 =	vnsel vm5, $0x0, v15  }
0x4ba: {  	v6 =	vnsel vm4, $0x0, v6;
	v9 =	vadd.f32 v14, v9;
	v14 =	vld [tilespmem:$0x1FE80]  }
0x4bb: {  	v12 =	vld.idx.msk [tilespmem:v12+s2+$0x0], $0xffff;
	v6 =	vadd.f32 v6, v8  }
0x4bc: {  	v11 =	vld.idx.msk [tilespmem:v11+s2+$0x0], $0xffff;
	v5 =	vnsel vm6, $0x0, v5  }
0x4bd: {  	v5 =	vadd.f32 v5, v6;
	v6 =	vld.idx.msk [tilespmem:v0+s2+$0x0], $0xffff  }
0x4be: {  	v13 =	vnsel vm7, $0x0, v13;
	v0 =	vld [tilespmem:$0x1FD00]  }
0x4bf: {  	v9 =	vadd.f32 v13, v9;
	vm5 =	vnez.u8 v14;
	v14 =	vld.idx.msk [tilespmem:v7+s2+$0x0], $0xffff  }
0x4c0: {  	v12 =	vnsel vm2, $0x0, v12;
	v7 =	vld [tilespmem:$0x1FE30]  }
0x4c1: {  	s20 =	sshra.s32 s1, $0x2;
	v9 =	vadd.f32 v12, v9;
	v12 =	vld [tilespmem:$0x1FE40]  }
0x4c2: {  	v21 =	vld [tilespmem:s20+$0x52A0];
	v3 =	vnsel vm1, $0x0, v3  }
0x4c3: {  	v8 =	vld.idx.msk [tilespmem:v1+s2+$0x0], $0xffff;
	v5 =	vadd.f32 v3, v5  }
0x4c4: {  	v1 =	vld [tilespmem:$0x1FCB0];
	vm6 =	vnez.u8 v0;
	vm0 =	vmand vm0, vm11;
	vm5 =	vmand vm5, vm8  }
0x4c5: {  	v3 =	vld [tilespmem:$0x1FBC0];
	vm6 =	vmand vm6, vm9;
	v10 =	vnsel vm5, $0x0, v10;
	vm1 =	vnez.u8 v7  }
0x4c6: {  	v10 =	vadd.f32 v10, v5;
	v5 =	vld [tilespmem:$0x1FBE0];
	vm1 =	vmand vm1, vm3;
	vm3 =	vnez.u8 v12  }
0x4c7: {  	v22 =	vld [tilespmem:s20+$0x5220];
	v12 =	vnsel vm6, $0x0, v11;
	vm0 =	vmand vm3, vm0  }
0x4c8: {  	v9 =	vadd.f32 v12, v9;
	v12 =	vld [tilespmem:$0x1FE20];
	v8 =	vnsel vm0, $0x0, v8  }
0x4c9: {  	vm10 =	vnez.u8 v59;
	v8 =	vadd.f32 v8, v10;
	v10 =	vld [tilespmem:$0x1FBD0]  }
0x4ca: {  	v4 =	vld.idx.msk [tilespmem:v4+s2+$0x0], $0xffff;
	vm10 =	vmand vm10, vm14;
	vm4 =	vnez.u8 v1  }
0x4cb: {  	v23 =	vld [tilespmem:s20+$0x51A0];
	vm4 =	vmand vm4, vm10;
	vm2 =	vnez.u8 v3;
	vm3 =	vnez.u8 v5  }
0x4cc: {  	vm2 =	vmand vm2, vm12;
	vm3 =	vmand vm3, vm4  }
0x4cd: {  	v16 =	vld [tilespmem:s20+$0x57A0];
	v13 =	vnsel vm3, $0x0, v14;
	v14 =	vimm.s32 $0x0;
	vm0 =	vnez.u8 v12  }
0x4ce: {  	v1 =	vmovc v22;
	v0 =	vmovc v21;
	v11 =	vld [tilespmem:s20+$0x56A0];
	v9 =	vadd.f32 v13, v9;
	vm0 =	vmand vm0, vm1;
	vm1 =	vnez.u8 v10  }
0x4cf: {  	v10 =	vnsel vm0, $0x0, v6;
	vm0 =	vne.s32 v0, v1;
	vm1 =	vmand vm1, vm2  }
0x4d0: {  	v2 =	vmov v23;
	v7 =	vld [tilespmem:s20+$0x5720];
	v14 =	vsel vm0, $0xFFFFFFFF, v14;
	v4 =	vnsel vm1, $0x0, v4  }
0x4d1: {  	vm0 =	vne.s32 v0, v2;
	v4 =	vadd.f32 v4, v9;
	v9 =	vimm.s32 $0x0  }
0x4d2: {  	v9 =	vsel vm0, $0xFFFFFFFF, v9  }
0x4d3: {  	vm0 =	vne.s32 v16, v11;
	[tilespmem:$0x1FE30] =	vst v9;
	v9 =	vimm.s32 $0x0  }
0x4d4: {  	v3 =	vld [tilespmem:s20+$0x5120];
	v9 =	vsel vm0, $0xFFFFFFFF, v9  }
0x4d5: {  	vm0 =	vne.s32 v16, v7;
	[tilespmem:$0x1FBC0] =	vst v9;
	v9 =	vimm.s32 $0x0  }
0x4d6: {  	v9 =	vsel vm0, $0xFFFFFFFF, v9  }
0x4d7: {  	v8 =	vadd.f32 v10, v8;
	vm0 =	vne.s32 v1, v2;
	[tilespmem:$0x1FBD0] =	vst v9;
	v9 =	vimm.s32 $0x0  }
0x4d8: {  	v9 =	vsel vm0, $0xFFFFFFFF, v9  }
0x4d9: {  	v12 =	vld [tilespmem:s20+$0x5620];
	v4 =	vadd.f32 v4, v8;
	vm0 =	vne.s32 v0, v3;
	[tilespmem:$0x1FE40] =	vst v9;
	v9 =	vimm.s32 $0x0  }
0x4da: {  	v8 =	vimm.s32 $0x0;
	v9 =	vsel vm0, $0xFFFFFFFF, v9;
	vm0 =	vne.s32 v1, v3  }
0x4db: {  	v5 =	vld [tilespmem:s20+$0x50A0];
	v8 =	vsel vm0, $0xFFFFFFFF, v8  }
0x4dc: {  	vm0 =	vne.s32 v7, v11;
	[tilespmem:$0x1FE60] =	vst v8;
	v8 =	vimm.s32 $0x0  }
0x4dd: {  	v8 =	vsel vm0, $0xFFFFFFFF, v8  }
0x4de: {  	vm0 =	vne.s32 v16, v12;
	[tilespmem:$0x1FBE0] =	vst v8;
	v8 =	vimm.s32 $0x0  }
0x4df: {  	v13 =	vld [tilespmem:s20+$0x55A0];
	v8 =	vsel vm0, $0xFFFFFFFF, v8  }
0x4e0: {  	vm0 =	vne.s32 v0, v5;
	[tilespmem:$0x1FBF0] =	vst v8;
	v8 =	vimm.s32 $0x0  }
0x4e1: {  	v17 =	vld [tilespmem:s20+$0x54A0];
	v8 =	vsel vm0, $0xFFFFFFFF, v8  }
0x4e2: {  	v15 =	vld [tilespmem:s20+$0x5520];
	vm0 =	vne.s32 v7, v12;
	[tilespmem:$0x1FE70] =	vst v8;
	v8 =	vimm.s32 $0x0  }
0x4e3: {  	v6 =	vld [tilespmem:s20+$0x5020];
	[tilespmem:$0x1FE20] =	vst v14;
	v8 =	vsel vm0, $0xFFFFFFFF, v8  }
0x4e4: {  	v10 =	vld [tilespmem:s20+$0x4FA0];
	vm0 =	vne.s32 v16, v13;
	[tilespmem:$0x1FCB0] =	vst v8;
	v8 =	vimm.s32 $0x0  }
0x4e5: {  	v14 =	vld [tilespmem:s20+$0x4F20];
	[tilespmem:s26+$0xAC20] =	vst v4;
	v4 =	vimm.s32 $0x0;
	v8 =	vsel vm0, $0xFFFFFFFF, v8;
	vm0 =	vne.s32 v2, v3  }
0x4e6: {  	v4 =	vsel vm0, $0xFFFFFFFF, v4  }
0x4e7: {  	vm0 =	vne.s32 v1, v5;
	[tilespmem:$0x1FE80] =	vst v4;
	v4 =	vimm.s32 $0x0  }
0x4e8: {  	v4 =	vsel vm0, $0xFFFFFFFF, v4  }
0x4e9: {  	vm0 =	vne.s32 v0, v6;
	[tilespmem:$0x1FE90] =	vst v4;
	v4 =	vimm.s32 $0x0  }
0x4ea: {  	v4 =	vsel vm0, $0xFFFFFFFF, v4  }
0x4eb: {  	vm0 =	vne.s32 v11, v12;
	[tilespmem:$0x1FEA0] =	vst v4;
	v4 =	vimm.s32 $0x0  }
0x4ec: {  	v4 =	vsel vm0, $0xFFFFFFFF, v4  }
0x4ed: {  	vm0 =	vne.s32 v7, v13;
	[tilespmem:$0x1FD00] =	vst v4;
	v4 =	vimm.s32 $0x0  }
0x4ee: {  	v4 =	vsel vm0, $0xFFFFFFFF, v4  }
0x4ef: {  	vm0 =	vne.s32 v16, v15;
	[tilespmem:$0x1FCC0] =	vst v4;
	v4 =	vimm.s32 $0x0  }
0x4f0: {  	v4 =	vsel vm0, $0xFFFFFFFF, v4  }
0x4f1: {  	vm0 =	vne.s32 v2, v5;
	[tilespmem:$0x1FC10] =	vst v4;
	v4 =	vimm.s32 $0x0  }
0x4f2: {  	v4 =	vsel vm0, $0xFFFFFFFF, v4  }
0x4f3: {  	vm0 =	vne.s32 v1, v6;
	[tilespmem:$0x1FEB0] =	vst v4;
	v4 =	vimm.s32 $0x0  }
0x4f4: {  	v4 =	vsel vm0, $0xFFFFFFFF, v4  }
0x4f5: {  	vm0 =	vne.s32 v0, v10;
	[tilespmem:$0x1FEC0] =	vst v4;
	v4 =	vimm.s32 $0x0  }
0x4f6: {  	v4 =	vsel vm0, $0xFFFFFFFF, v4  }
0x4f7: {  	vm0 =	vne.s32 v11, v13;
	[tilespmem:$0x1FED0] =	vst v4;
	v4 =	vimm.s32 $0x0  }
0x4f8: {  	v4 =	vsel vm0, $0xFFFFFFFF, v4  }
0x4f9: {  	vm0 =	vne.s32 v7, v15;
	[tilespmem:$0x1FD10] =	vst v4;
	v4 =	vimm.s32 $0x0  }
0x4fa: {  	v4 =	vsel vm0, $0xFFFFFFFF, v4  }
0x4fb: {  	vm0 =	vne.s32 v16, v17;
	[tilespmem:$0x1FCD0] =	vst v4;
	v4 =	vimm.s32 $0x0  }
0x4fc: {  	v4 =	vsel vm0, $0xFFFFFFFF, v4  }
0x4fd: {  	vm0 =	vne.s32 v3, v5;
	[tilespmem:$0x1FC20] =	vst v4;
	v4 =	vimm.s32 $0x0  }
0x4fe: {  	v4 =	vsel vm0, $0xFFFFFFFF, v4  }
0x4ff: {  	vm0 =	vne.s32 v2, v6;
	[tilespmem:$0x1FEE0] =	vst v4;
	v4 =	vimm.s32 $0x0  }
0x500: {  	v4 =	vsel vm0, $0xFFFFFFFF, v4  }
0x501: {  	vm0 =	vne.s32 v1, v10;
	[tilespmem:$0x1FEF0] =	vst v4;
	v4 =	vimm.s32 $0x0  }
0x502: {  	v4 =	vsel vm0, $0xFFFFFFFF, v4  }
0x503: {  	vm0 =	vne.s32 v0, v14;
	[tilespmem:$0x1FF00] =	vst v4;
	v4 =	vimm.s32 $0x0  }
0x504: {  	v4 =	vsel vm0, $0xFFFFFFFF, v4  }
0x505: {  	vm0 =	vne.s32 v12, v13;
	[tilespmem:$0x1FF10] =	vst v4;
	v4 =	vimm.s32 $0x0  }
0x506: {  	v4 =	vsel vm0, $0xFFFFFFFF, v4  }
0x507: {  	s26 =	smov.u32 s20;
	vm0 =	vne.s32 v11, v15;
	[tilespmem:$0x1FD50] =	vst v4;
	v4 =	vimm.s32 $0x0  }
0x508: {  	v18 =	vld [tilespmem:s26+$0x5420];
	v4 =	vsel vm0, $0xFFFFFFFF, v4  }
0x509: {  	vm0 =	vne.s32 v3, v6;
	[tilespmem:$0x1FD20] =	vst v4;
	v4 =	vimm.s32 $0x0  }
0x50a: {  	v4 =	vsel vm0, $0xFFFFFFFF, v4  }
0x50b: {  	vm0 =	vne.s32 v7, v17;
	[tilespmem:$0x1FF20] =	vst v4;
	v4 =	vimm.s32 $0x0  }
0x50c: {  	v4 =	vsel vm0, $0xFFFFFFFF, v4  }
0x50d: {  	vm0 =	vne.s32 v16, v18;
	[tilespmem:$0x1FCE0] =	vst v4;
	v4 =	vimm.s32 $0x0  }
0x50e: {  	[tilespmem:$0x1FC00] =	vst v8;
	v8 =	vld [tilespmem:s26+$0x4EA0];
	v4 =	vsel vm0, $0xFFFFFFFF, v4  }
0x50f: {  	vm0 =	vne.s32 v2, v10;
	[tilespmem:$0x1FCA0] =	vst v4;
	v4 =	vimm.s32 $0x0  }
0x510: {  	v4 =	vsel vm0, $0xFFFFFFFF, v4  }
0x511: {  	vm0 =	vne.s32 v1, v14;
	[tilespmem:$0x1FF30] =	vst v4;
	v4 =	vimm.s32 $0x0  }
0x512: {  	v4 =	vsel vm0, $0xFFFFFFFF, v4  }
0x513: {  	vm0 =	vne.s32 v0, v8;
	[tilespmem:$0x1FF40] =	vst v4;
	v4 =	vimm.s32 $0x0  }
0x514: {  	v4 =	vsel vm0, $0xFFFFFFFF, v4  }
0x515: {  	vm0 =	vne.s32 v12, v15;
	[tilespmem:$0x1FAC0] =	vst v4;
	v4 =	vimm.s32 $0x0  }
0x516: {  	v19 =	vld [tilespmem:s26+$0x5320];
	v4 =	vsel vm0, $0xFFFFFFFF, v4  }
0x517: {  	vm0 =	vne.s32 v11, v17;
	[tilespmem:$0x1FD60] =	vst v4;
	v4 =	vimm.s32 $0x0  }
0x518: {  	v20 =	vld [tilespmem:s26+$0x53A0];
	v4 =	vsel vm0, $0xFFFFFFFF, v4  }
0x519: {  	vm0 =	vne.s32 v7, v18;
	[tilespmem:$0x1FD30] =	vst v4;
	v4 =	vimm.s32 $0x0  }
0x51a: {  	v4 =	vsel vm0, $0xFFFFFFFF, v4  }
0x51b: {  	vm0 =	vne.s32 v16, v19;
	[tilespmem:$0x1FCF0] =	vst v4;
	v4 =	vimm.s32 $0x0  }
0x51c: {  	v4 =	vsel vm0, $0xFFFFFFFF, v4  }
0x51d: {  	vm0 =	vne.s32 v16, v20;
	[tilespmem:$0x1FAD0] =	vst v4;
	v4 =	vimm.s32 $0x0  }
0x51e: {  	v4 =	vsel vm0, $0xFFFFFFFF, v4  }
0x51f: {  	vm0 =	vne.s32 v5, v6;
	[tilespmem:$0x1FAE0] =	vst v4;
	v4 =	vimm.s32 $0x0  }
0x520: {  	[tilespmem:$0x1FE50] =	vst v9;
	v9 =	vld [tilespmem:s26+$0x4E20];
	v4 =	vsel vm0, $0xFFFFFFFF, v4  }
0x521: {  	vm0 =	vne.s32 v3, v10;
	[tilespmem:$0x1FF50] =	vst v4;
	v4 =	vimm.s32 $0x0  }
0x522: {  	v4 =	vsel vm0, $0xFFFFFFFF, v4  }
0x523: {  	vm0 =	vne.s32 v2, v14;
	[tilespmem:$0x1FF60] =	vst v4;
	v4 =	vimm.s32 $0x0  }
0x524: {  	v4 =	vsel vm0, $0xFFFFFFFF, v4  }
0x525: {  	vm0 =	vne.s32 v1, v9;
	[tilespmem:$0x1FF70] =	vst v4;
	v4 =	vimm.s32 $0x0  }
0x526: {  	v4 =	vsel vm0, $0xFFFFFFFF, v4  }
0x527: {  	vm0 =	vne.s32 v1, v8;
	[tilespmem:$0x1FB00] =	vst v4;
	v4 =	vimm.s32 $0x0  }
0x528: {  	v4 =	vsel vm0, $0xFFFFFFFF, v4  }
0x529: {  	vm0 =	vne.s32 v13, v15;
	[tilespmem:$0x1FB10] =	vst v4;
	v4 =	vimm.s32 $0x0  }
0x52a: {  	v4 =	vsel vm0, $0xFFFFFFFF, v4  }
0x52b: {  	vm0 =	vne.s32 v12, v17;
	[tilespmem:$0x1FD70] =	vst v4;
	v4 =	vimm.s32 $0x0  }
0x52c: {  	v4 =	vsel vm0, $0xFFFFFFFF, v4  }
0x52d: {  	vm0 =	vne.s32 v11, v18;
	[tilespmem:$0x1FD80] =	vst v4;
	v4 =	vimm.s32 $0x0  }
0x52e: {  	v4 =	vsel vm0, $0xFFFFFFFF, v4  }
0x52f: {  	vm0 =	vne.s32 v7, v19;
	[tilespmem:$0x1FD40] =	vst v4;
	v4 =	vimm.s32 $0x0  }
0x530: {  	v4 =	vsel vm0, $0xFFFFFFFF, v4  }
0x531: {  	vm0 =	vne.s32 v5, v10;
	[tilespmem:$0x1FB20] =	vst v4;
	v4 =	vimm.s32 $0x0  }
0x532: {  	v4 =	vsel vm0, $0xFFFFFFFF, v4  }
0x533: {  	vm0 =	vne.s32 v3, v14;
	[tilespmem:$0x1FF80] =	vst v4;
	v4 =	vimm.s32 $0x0  }
0x534: {  	v4 =	vsel vm0, $0xFFFFFFFF, v4  }
0x535: {  	vm0 =	vne.s32 v7, v20;
	[tilespmem:$0x1FF90] =	vst v4;
	v4 =	vimm.s32 $0x0  }
0x536: {  	v4 =	vsel vm0, $0xFFFFFFFF, v4  }
0x537: {  	vm0 =	vne.s32 v2, v8;
	[tilespmem:$0x1FB30] =	vst v4;
	v4 =	vimm.s32 $0x0  }
0x538: {  	v4 =	vsel vm0, $0xFFFFFFFF, v4  }
0x539: {  	vm0 =	vne.s32 v13, v17;
	[tilespmem:$0x1FAF0] =	vst v4;
	v4 =	vimm.s32 $0x0  }
0x53a: {  	v4 =	vsel vm0, $0xFFFFFFFF, v4  }
0x53b: {  	vm0 =	vne.s32 v12, v18;
	[tilespmem:$0x1FD90] =	vst v4;
	v4 =	vimm.s32 $0x0  }
0x53c: {  	v4 =	vsel vm0, $0xFFFFFFFF, v4  }
0x53d: {  	vm0 =	vne.s32 v11, v19;
	[tilespmem:$0x1FDA0] =	vst v4;
	v4 =	vimm.s32 $0x0  }
0x53e: {  	v4 =	vsel vm0, $0xFFFFFFFF, v4  }
0x53f: {  	vm0 =	vne.s32 v11, v20;
	[tilespmem:$0x1FB90] =	vst v4;
	v4 =	vimm.s32 $0x0  }
0x540: {  	v4 =	vsel vm0, $0xFFFFFFFF, v4  }
0x541: {  	vm0 =	vne.s32 v6, v10;
	[tilespmem:$0x1FBA0] =	vst v4;
	v4 =	vimm.s32 $0x0  }
0x542: {  	v4 =	vsel vm0, $0xFFFFFFFF, v4  }
0x543: {  	vm0 =	vne.s32 v5, v14;
	[tilespmem:$0x1FFA0] =	vst v4;
	v4 =	vimm.s32 $0x0  }
0x544: {  	v4 =	vsel vm0, $0xFFFFFFFF, v4  }
0x545: {  	vm0 =	vne.s32 v3, v9;
	[tilespmem:$0x1FFB0] =	vst v4;
	v4 =	vadd.s32 $0x2710, v16;
	v16 =	vimm.s32 $0x0  }
0x546: {  	v16 =	vsel vm0, $0xFFFFFFFF, v16  }
0x547: {  	vm0 =	vne.s32 v3, v8;
	[tilespmem:$0x1FB50] =	vst v16;
	v16 =	vimm.s32 $0x0  }
0x548: {  	v16 =	vsel vm0, $0xFFFFFFFF, v16  }
0x549: {  	vm0 =	vne.s32 v15, v17;
	[tilespmem:$0x1FB60] =	vst v16;
	v16 =	vimm.s32 $0x0  }
0x54a: {  	v16 =	vsel vm0, $0xFFFFFFFF, v16  }
0x54b: {  	vm0 =	vne.s32 v13, v18;
	[tilespmem:$0x1FDB0] =	vst v16;
	v16 =	vimm.s32 $0x0  }
0x54c: {  	v16 =	vsel vm0, $0xFFFFFFFF, v16  }
0x54d: {  	vm0 =	vne.s32 v12, v19;
	[tilespmem:$0x1FDC0] =	vst v16;
	v16 =	vimm.s32 $0x0  }
0x54e: {  	v16 =	vsel vm0, $0xFFFFFFFF, v16  }
0x54f: {  	vm0 =	vne.s32 v12, v20;
	[tilespmem:$0x1FB70] =	vst v16;
	v16 =	vimm.s32 $0x0  }
0x550: {  	v16 =	vsel vm0, $0xFFFFFFFF, v16  }
0x551: {  	vm0 =	vne.s32 v6, v14;
	[tilespmem:$0x1FB80] =	vst v16;
	v16 =	vimm.s32 $0x0  }
0x552: {  	v16 =	vsel vm0, $0xFFFFFFFF, v16  }
0x553: {  	vm0 =	vne.s32 v5, v9;
	[tilespmem:$0x1FFC0] =	vst v16;
	v16 =	vimm.s32 $0x0  }
0x554: {  	v16 =	vsel vm0, $0xFFFFFFFF, v16  }
0x555: {  	vm0 =	vne.s32 v15, v18;
	[tilespmem:$0x1FB40] =	vst v16;
	v16 =	vimm.s32 $0x0  }
0x556: {  	v16 =	vsel vm0, $0xFFFFFFFF, v16  }
0x557: {  	vm0 =	vne.s32 v13, v19;
	[tilespmem:$0x1FDD0] =	vst v16;
	v16 =	vimm.s32 $0x0  }
0x558: {  	v16 =	vsel vm0, $0xFFFFFFFF, v16  }
0x559: {  	vm0 =	vne.s32 v13, v20;
	[tilespmem:$0x1FBB0] =	vst v16;
	v16 =	vimm.s32 $0x0  }
0x55a: {  	v16 =	vsel vm0, $0xFFFFFFFF, v16  }
0x55b: {  	vm0 =	vne.s32 v10, v14;
	[tilespmem:$0x1FDE0] =	vst v16;
	v16 =	vimm.s32 $0x0  }
0x55c: {  	v16 =	vsel vm0, $0xFFFFFFFF, v16  }
0x55d: {  	vm0 =	vne.s32 v17, v18;
	[tilespmem:$0x1FFD0] =	vst v16;
	v16 =	vimm.s32 $0x0  }
0x55e: {  	v16 =	vsel vm0, $0xFFFFFFFF, v16  }
0x55f: {  	vm0 =	vne.s32 v15, v19;
	[tilespmem:$0x1FDF0] =	vst v16;
	v16 =	vimm.s32 $0x0  }
0x560: {  	v16 =	vsel vm0, $0xFFFFFFFF, v16  }
0x561: {  	vm3 =	veq.s32 v8, v9;
	[tilespmem:$0x1FE00] =	vst v16;
	v16 =	vimm.s32 $0x0  }
0x562: {  	v16 =	vsel vm3, $0xFFFFFFFF, v16  }
0x563: {  	vm9 =	veq.s32 v20, v19;
	[tilespmem:$0x1FFE0] =	vst v16;
	v16 =	vimm.s32 $0x0  }
0x564: {  	v16 =	vsel vm9, $0xFFFFFFFF, v16  }
0x565: {  	[tilespmem:$0x1FE10] =	vst v16;
	v16 =	vld [tilespmem:$0x1FAC0];
	_ =	sdelay $0x4  }
0x566: {  	vm2 =	vne.s32 v0, v9;
	vm3 =	vnez.u8 v16  }
0x567: {  	v16 =	vimm.s32 $0x0;
	vm2 =	vmand vm2, vm3  }
0x568: {  	v16 =	vsel vm2, $0xFFFFFFFF, v16  }
0x569: {  	[tilespmem:$0x1FC30] =	vst v16;
	v16 =	vld [tilespmem:$0x1FAD0];
	_ =	sdelay $0x4  }
0x56a: {  	vm2 =	vnez.u8 v16;
	v16 =	vld [tilespmem:$0x1FAE0];
	_ =	sdelay $0x4  }
0x56b: {  	vm3 =	vnez.u8 v16  }
0x56c: {  	v16 =	vimm.s32 $0x0;
	vm3 =	vmand vm2, vm3  }
0x56d: {  	v16 =	vsel vm3, $0xFFFFFFFF, v16  }
0x56e: {  	[tilespmem:$0x1FC40] =	vst v16;
	v16 =	vld [tilespmem:$0x1FAF0];
	_ =	sdelay $0x4  }
0x56f: {  	vm2 =	vnez.u8 v16;
	v16 =	vld [tilespmem:$0x1FB00];
	_ =	sdelay $0x3  }
0x570: {  	vm4 =	vne.s32 v2, v9  }
0x571: {  	vm3 =	vmand vm4, vm2;
	vm2 =	vnez.u8 v16;
	v16 =	vld [tilespmem:$0x1FB10];
	_ =	sdelay $0x4  }
0x572: {  	vm4 =	vnez.u8 v16  }
0x573: {  	v16 =	vimm.s32 $0x0;
	vm2 =	vmand vm2, vm4  }
0x574: {  	v16 =	vsel vm2, $0xFFFFFFFF, v16  }
0x575: {  	[tilespmem:$0x1FC50] =	vst v16;
	v16 =	vld [tilespmem:$0x1FB20];
	_ =	sdelay $0x4  }
0x576: {  	vm2 =	vnez.u8 v16;
	v16 =	vld [tilespmem:$0x1FB30];
	_ =	sdelay $0x4  }
0x577: {  	vm9 =	vnez.u8 v16;
	v16 =	vld [tilespmem:$0x1FB40];
	_ =	sdelay $0x3  }
0x578: {  	vm10 =	vne.s32 v18, v20;
	vm2 =	vmand vm2, vm9  }
0x579: {  	vm9 =	vmmov vm10;
	vm10 =	vnez.u8 v16;
	v16 =	vimm.s32 $0x0  }
0x57a: {  	v16 =	vsel vm2, $0xFFFFFFFF, v16  }
0x57b: {  	[tilespmem:$0x1FC60] =	vst v16;
	v16 =	vld [tilespmem:$0x1FB50];
	_ =	sdelay $0x4  }
0x57c: {  	vm2 =	vnez.u8 v16;
	v16 =	vld [tilespmem:$0x1FB60];
	_ =	sdelay $0x4  }
0x57d: {  	vm4 =	vnez.u8 v16  }
0x57e: {  	v16 =	vimm.s32 $0x0;
	vm2 =	vmand vm2, vm4  }
0x57f: {  	v16 =	vsel vm2, $0xFFFFFFFF, v16  }
0x580: {  	[tilespmem:$0x1FC70] =	vst v16;
	v16 =	vld [tilespmem:$0x1FB70];
	_ =	sdelay $0x4  }
0x581: {  	vm2 =	vnez.u8 v16;
	v16 =	vld [tilespmem:$0x1FB80];
	_ =	sdelay $0x4  }
0x582: {  	vm4 =	vnez.u8 v16  }
0x583: {  	v16 =	vimm.s32 $0x0;
	vm2 =	vmand vm2, vm4  }
0x584: {  	v16 =	vsel vm2, $0xFFFFFFFF, v16  }
0x585: {  	[tilespmem:$0x1FC80] =	vst v16;
	v16 =	vld [tilespmem:$0x1FB90];
	_ =	sdelay $0x4  }
0x586: {  	vm2 =	vnez.u8 v16;
	v16 =	vld [tilespmem:$0x1FBA0];
	_ =	sdelay $0x4  }
0x587: {  	vm4 =	vnez.u8 v16  }
0x588: {  	vm5 =	vne.s32 v15, v20;
	v16 =	vimm.s32 $0x0;
	vm2 =	vmand vm2, vm4  }
0x589: {  	vm7 =	vne.s32 v17, v19;
	vm8 =	vne.s32 v17, v20;
	v16 =	vsel vm2, $0xFFFFFFFF, v16  }
0x58a: {  	p0 =	sne.s32 s1, $0x1C0;
	vm6 =	vne.s32 v18, v19;
	vm12 =	vne.s32 v6, v9;
	vm13 =	vne.s32 v10, v9;
	[tilespmem:$0x1FC90] =	vst v16;
	v16 =	vld [tilespmem:$0x1FBB0]  }
.Ltmp8:
0x58b: {  	vm11 =	vne.s32 v5, v8;
	vm14 =	vne.s32 v6, v8;
	vm15 =	vne.s32 v10, v8;
	(pc) =	sbr.rel @p0 .LBB2_18-.Ltmp8, $4  }
0x58c: {  	vm1 =	vne.s32 v14, v8;
	v7 =	vadd.s32 $0x2710, v7;
	v11 =	vadd.s32 $0x2710, v11  }
0x58d: {  	v12 =	vadd.s32 $0x2710, v12;
	v13 =	vadd.s32 $0x2710, v13;
	v20 =	vadd.s32 $0x2710, v20  }
0x58e: {  	v18 =	vadd.s32 $0x2710, v18;
	v17 =	vadd.s32 $0x2710, v17;
	v15 =	vadd.s32 $0x2710, v15  }
0x58f: {  	s1 =	sadd.s32 $0x40, s1;
	v19 =	vadd.s32 $0x2710, v19;
	vm0 =	vne.s32 v14, v9;
	vm2 =	vnez.u8 v16  }
0x590: {  	v16 =	vld [tilespmem:$0x1FDE0]  }
0x591: {  	v60 =	vld [tilespmem:$0x1FE00]  }
0x592: {  	v62 =	vld [tilespmem:$0x1FF10]  }
0x593: {  	v63 =	vld [tilespmem:$0x1FC30]  }
0x594: {  	v22 =	vld [tilespmem:$0x1FF40]  }
0x595: {  	v23 =	vld [tilespmem:$0x1FC50]  }
0x596: {  	v24 =	vld [tilespmem:$0x1FCF0]  }
0x597: {  	v25 =	vld [tilespmem:$0x1FC60]  }
0x598: {  	v26 =	vld [tilespmem:$0x1FCA0]  }
0x599: {  	v27 =	vld [tilespmem:$0x1FC40]  }
0x59a: {  	v28 =	vld [tilespmem:$0x1FC70]  }
0x59b: {  	v29 =	vld [tilespmem:$0x1FF90]  }
0x59c: {  	v30 =	vld [tilespmem:$0x1FF70]  }
0x59d: {  	v31 =	vld [tilespmem:$0x1FD40]  }
0x59e: {  	v32 =	vld [tilespmem:$0x1FC90]  }
0x59f: {  	v33 =	vld [tilespmem:$0x1FFB0]  }
0x5a0: {  	v34 =	vld [tilespmem:$0x1FDC0]  }
0x5a1: {  	v35 =	vld [tilespmem:$0x1FDA0]  }
0x5a2: {  	v36 =	vld [tilespmem:$0x1FC80]  }
0x5a3: {  	v37 =	vld [tilespmem:$0x1FFD0]  }
0x5a4: {  	v38 =	vld [tilespmem:$0x1FFC0]  }
0x5a5: {  	v39 =	vld [tilespmem:$0x1FDD0]  }
0x5a6: {  	v40 =	vld [tilespmem:$0x1FED0]  }
0x5a7: {  	v41 =	vld [tilespmem:$0x1FDF0]  }
0x5a8: {  	v42 =	vld [tilespmem:$0x1FC20]  }
0x5a9: {  	v43 =	vld [tilespmem:$0x1FF30]  }
0x5aa: {  	v44 =	vld [tilespmem:$0x1FF00]  }
0x5ab: {  	v45 =	vld [tilespmem:$0x1FCE0]  }
0x5ac: {  	v9 =	vld.idx.msk [tilespmem:v9+s2+$0x0], $0xffff  }
0x5ad: {  	v46 =	vld [tilespmem:$0x1FF60]  }
0x5ae: {  	v47 =	vld [tilespmem:$0x1FD80]  }
0x5af: {  	vm12 =	vmand vm12, vm14;
	v48 =	vld [tilespmem:$0x1FD30]  }
0x5b0: {  	vm14 =	vmmov vm3;
	vm3 =	vmand vm10, vm11;
	vm11 =	vmand vm13, vm15;
	v14 =	vld.idx.msk [tilespmem:v14+s2+$0x0], $0xffff  }
0x5b1: {  	vm7 =	vmand vm7, vm8;
	vm0 =	vmand vm0, vm1;
	v61 =	vimm.s32 $0x0;
	v49 =	vld [tilespmem:$0x1FFA0]  }
0x5b2: {  	vm13 =	vmand vm6, vm9;
	v21 =	vimm.s32 $0x0;
	v50 =	vld [tilespmem:$0x1FF80];
	vm4 =	vnez.u8 v16  }
0x5b3: {  	v51 =	vld [tilespmem:$0x1FD90];
	v16 =	vsel vm0, $0xFFFFFFFF, v61;
	vm8 =	vnez.u8 v63;
	vm15 =	vnez.u8 v22  }
0x5b4: {  	v8 =	vld.idx.msk [tilespmem:v8+s2+$0x0], $0xffff;
	vm6 =	vnez.u8 v24;
	vm9 =	vnez.u8 v26;
	vm1 =	vnez.u8 v34  }
0x5b5: {  	v52 =	vld [tilespmem:$0x1FEA0];
	vm10 =	vmand vm2, vm4;
	vm4 =	vnez.u8 v60;
	[tilespmem:$0x1FA70] =	vst v16;
	v16 =	vsel vm13, $0xFFFFFFFF, v21  }
0x5b6: {  	v53 =	vld [tilespmem:$0x1FDB0];
	vm13 =	vnez.u8 v27;
	vm4 =	vmand vm4, vm5;
	vm5 =	vnez.u8 v62  }
0x5b7: {  	v54 =	vld [tilespmem:$0x1FC10];
	vm0 =	vmand vm5, vm8;
	vm5 =	vnez.u8 v23;
	vm8 =	vnez.u8 v25  }
0x5b8: {  	v55 =	vld.idx.msk [tilespmem:v20+s2+$0x0], $0xffff;
	vm2 =	vnez.u8 v36;
	vm5 =	vmand vm15, vm5;
	vm6 =	vmand vm6, vm8  }
0x5b9: {  	v56 =	vld [tilespmem:$0x1FEF0];
	vm8 =	vmand vm9, vm13;
	vm15 =	vnez.u8 v28;
	vm9 =	vnez.u8 v29  }
0x5ba: {  	v57 =	vld [tilespmem:$0x1FEC0];
	vm10 =	vmand vm1, vm10;
	vm13 =	vnez.u8 v30;
	vm9 =	vmand vm9, vm15  }
0x5bb: {  	v58 =	vld [tilespmem:$0x1FCD0];
	vm13 =	vmand vm13, vm14;
	vm15 =	vnez.u8 v31;
	vm14 =	vnez.u8 v32  }
0x5bc: {  	v19 =	vld.idx.msk [tilespmem:v19+s2+$0x0], $0xffff;
	vm1 =	vnez.u8 v35;
	vm14 =	vmand vm15, vm14;
	vm15 =	vnez.u8 v33  }
0x5bd: {  	v59 =	vld [tilespmem:$0x1FF20];
	vm15 =	vmand vm15, vm3;
	vm3 =	vmand vm1, vm2;
	vm1 =	vnez.u8 v37  }
0x5be: {  	v18 =	vld.idx.msk [tilespmem:v18+s2+$0x0], $0xffff;
	vm11 =	vmand vm1, vm11;
	vm1 =	vnez.u8 v38  }
0x5bf: {  	v10 =	vld.idx.msk [tilespmem:v10+s2+$0x0], $0xffff;
	vm12 =	vmand vm1, vm12;
	vm1 =	vnez.u8 v39  }
0x5c0: {  	v17 =	vld.idx.msk [tilespmem:v17+s2+$0x0], $0xffff;
	vm1 =	vmand vm1, vm4;
	vm4 =	vnez.u8 v40  }
0x5c1: {  	v6 =	vld.idx.msk [tilespmem:v6+s2+$0x0], $0xffff;
	vm0 =	vmand vm4, vm0;
	vm4 =	vnez.u8 v41  }
0x5c2: {  	v15 =	vld.idx.msk [tilespmem:v15+s2+$0x0], $0xffff;
	vm2 =	vmand vm4, vm7;
	vm4 =	vnez.u8 v42  }
0x5c3: {  	v5 =	vld.idx.msk [tilespmem:v5+s2+$0x0], $0xffff;
	vm7 =	vmand vm4, vm8;
	vm4 =	vnez.u8 v45  }
0x5c4: {  	v13 =	vld.idx.msk [tilespmem:v13+s2+$0x0], $0xffff;
	vm6 =	vmand vm4, vm6;
	vm4 =	vnez.u8 v46  }
0x5c5: {  	v3 =	vld.idx.msk [tilespmem:v3+s2+$0x0], $0xffff;
	vm9 =	vmand vm4, vm9;
	vm4 =	vnez.u8 v47  }
0x5c6: {  	v1 =	vld.idx.msk [tilespmem:v1+s2+$0x0], $0xffff;
	vm3 =	vmand vm4, vm3;
	vm4 =	vnez.u8 v48  }
0x5c7: {  	v61 =	vld [tilespmem:$0x1FD20];
	vm14 =	vmand vm4, vm14;
	vm4 =	vnez.u8 v49  }
0x5c8: {  	v63 =	vld [tilespmem:$0x1FE70];
	vm4 =	vmand vm4, vm12;
	vm12 =	vnez.u8 v50  }
0x5c9: {  	v24 =	vld [tilespmem:$0x1FD70];
	vm8 =	vnez.u8 v43;
	vm12 =	vmand vm12, vm15;
	vm15 =	vnez.u8 v51  }
0x5ca: {  	v26 =	vld [tilespmem:$0x1FCC0];
	vm8 =	vmand vm8, vm13;
	vm10 =	vmand vm15, vm10;
	vm15 =	vnez.u8 v52  }
0x5cb: {  	v60 =	vld [tilespmem:$0x1FD60];
	vm13 =	vnez.u8 v44;
	vm0 =	vmand vm15, vm0;
	vm15 =	vnez.u8 v53  }
0x5cc: {  	v27 =	vld [tilespmem:$0x1FC00];
	vm13 =	vmand vm13, vm5;
	vm5 =	vmand vm15, vm1;
	vm15 =	vnez.u8 v54  }
0x5cd: {  	v43 =	vld [tilespmem:$0x1FCB0];
	vm1 =	vmand vm15, vm7;
	vm15 =	vnez.u8 v56  }
0x5ce: {  	v62 =	vld [tilespmem:$0x1FF50];
	vm8 =	vmand vm15, vm8;
	vm15 =	vnez.u8 v57  }
0x5cf: {  	v41 =	vld [tilespmem:$0x1FE60];
	vm13 =	vmand vm15, vm13;
	vm15 =	vnez.u8 v58  }
0x5d0: {  	v25 =	vld [tilespmem:$0x1FE90];
	v10 =	vnsel vm11, $0x0, v10;
	vm15 =	vmand vm15, vm6;
	vm6 =	vnez.u8 v59  }
0x5d1: {  	v28 =	vld [tilespmem:$0x1FFE0];
	v38 =	vnsel vm2, $0x0, v17;
	vm9 =	vmand vm6, vm9;
	vm6 =	vnez.u8 v60  }
0x5d2: {  	v29 =	vld [tilespmem:$0x1FEB0];
	vm11 =	vnez.u8 v43;
	vm3 =	vmand vm6, vm3;
	vm6 =	vnez.u8 v61  }
0x5d3: {  	v30 =	vld [tilespmem:$0x1FE10];
	v6 =	vnsel vm4, $0x0, v6;
	vm14 =	vmand vm6, vm14;
	vm6 =	vnez.u8 v62  }
0x5d4: {  	v31 =	vld [tilespmem:$0x1FD10];
	vm4 =	vnez.u8 v41;
	vm6 =	vmand vm6, vm12;
	vm12 =	vnez.u8 v63  }
0x5d5: {  	v39 =	vld [tilespmem:$0x1FBF0];
	v42 =	vnsel vm5, $0x0, v15;
	vm0 =	vmand vm12, vm0;
	vm12 =	vnez.u8 v24  }
0x5d6: {  	v33 =	vld [tilespmem:$0x1FA70];
	v5 =	vnsel vm6, $0x0, v5;
	vm7 =	vmand vm12, vm10;
	vm12 =	vnez.u8 v25  }
0x5d7: {  	v50 =	vld [tilespmem:$0x1FE30];
	vm10 =	vmand vm12, vm13;
	vm12 =	vnez.u8 v26;
	vm13 =	vnez.u8 v27  }
0x5d8: {  	v34 =	vld [tilespmem:$0x1FEE0];
	[tilespmem:$0x1FA80] =	vst v16;
	v47 =	vnsel vm7, $0x0, v13;
	vm1 =	vmand vm13, vm1;
	vm13 =	vnez.u8 v28  }
0x5d9: {  	v35 =	vld [tilespmem:$0x1FA80];
	vm12 =	vmand vm12, vm15;
	v8 =	vsel vm13, $0x0, v8;
	vm13 =	vnez.u8 v29  }
0x5da: {  	v48 =	vld [tilespmem:$0x1FD00];
	vm15 =	vnez.u8 v39;
	vm8 =	vmand vm13, vm8;
	vm13 =	vnez.u8 v30  }
0x5db: {  	v52 =	vld [tilespmem:$0x1FBC0];
	vm2 =	vmand vm4, vm10;
	v16 =	vsel vm13, $0x0, v55;
	vm13 =	vnez.u8 v31  }
0x5dc: {  	v54 =	vld [tilespmem:$0x1FE40];
	vm10 =	vnez.u8 v50;
	vm13 =	vmand vm13, vm14;
	vm14 =	vnez.u8 v33  }
0x5dd: {  	v36 =	vld [tilespmem:$0x1FD50];
	v8 =	vadd.f32 v8, v9;
	v14 =	vnsel vm14, $0x0, v14;
	vm14 =	vnez.u8 v34  }
0x5de: {  	v56 =	vld [tilespmem:$0x1FBE0];
	v32 =	vadd.f32 v16, v19;
	vm9 =	vmand vm14, vm9;
	vm14 =	vnez.u8 v35  }
0x5df: {  	v37 =	vld [tilespmem:$0x1FE50];
	vm1 =	vmand vm15, vm1;
	vm4 =	vmand vm11, vm12;
	v16 =	vnsel vm14, $0x0, v18  }
0x5e0: {  	v60 =	vld [tilespmem:$0x1FBD0];
	vm11 =	vnez.u8 v52;
	v8 =	vadd.f32 v14, v8;
	v9 =	vadd.f32 v16, v32  }
0x5e1: {  	v40 =	vld.idx.msk [tilespmem:v12+s2+$0x0], $0xffff;
	vm15 =	vnez.u8 v48;
	vm12 =	vnez.u8 v54;
	vm1 =	vmand vm11, vm1  }
0x5e2: {  	v46 =	vld [tilespmem:$0x1FE80];
	vm2 =	vmand vm12, vm2;
	v8 =	vadd.f32 v10, v8;
	v9 =	vadd.f32 v38, v9  }
0x5e3: {  	v2 =	vld.idx.msk [tilespmem:v2+s2+$0x0], $0xffff;
	v1 =	vnsel vm2, $0x0, v1;
	vm6 =	vmand vm15, vm13;
	vm13 =	vnez.u8 v56  }
0x5e4: {  	v45 =	vld.idx.msk [tilespmem:v11+s2+$0x0], $0xffff;
	vm14 =	vnez.u8 v36;
	v6 =	vadd.f32 v6, v8;
	v44 =	vadd.f32 v42, v9  }
0x5e5: {  	v7 =	vld.idx.msk [tilespmem:v7+s2+$0x0], $0xffff;
	vm15 =	vnez.u8 v60;
	v3 =	vnsel vm9, $0x0, v3;
	vm3 =	vmand vm14, vm3  }
0x5e6: {  	v58 =	vld [tilespmem:$0x1FE20];
	vm14 =	vnez.u8 v37;
	v5 =	vadd.f32 v5, v6;
	v49 =	vadd.f32 v47, v44  }
0x5e7: {  	v0 =	vld.idx.msk [tilespmem:v0+s2+$0x0], $0xffff;
	vm0 =	vmand vm14, vm0;
	vm14 =	vnez.u8 v46;
	v51 =	vnsel vm3, $0x0, v40  }
0x5e8: {  	v4 =	vld.idx.msk [tilespmem:v4+s2+$0x0], $0xffff;
	vm5 =	vmand vm14, vm8;
	v3 =	vadd.f32 v3, v5;
	v53 =	vadd.f32 v51, v49  }
0x5e9: {  	v55 =	vnsel vm6, $0x0, v45;
	vm1 =	vmand vm15, vm1;
	v2 =	vnsel vm5, $0x0, v2  }
0x5ea: {  	vm3 =	vmand vm13, vm4;
	v2 =	vadd.f32 v2, v3;
	v57 =	vadd.f32 v55, v53  }
0x5eb: {  	vm0 =	vmand vm10, vm0;
	vm14 =	vnez.u8 v58;
	v59 =	vnsel vm3, $0x0, v7  }
0x5ec: {  	vm0 =	vmand vm14, vm0;
	v1 =	vadd.f32 v1, v2;
	v61 =	vadd.f32 v59, v57  }
0x5ed: {  	v62 =	vnsel vm1, $0x0, v4;
	v0 =	vnsel vm0, $0x0, v0  }
0x5ee: {  	v0 =	vadd.f32 v0, v1;
	v63 =	vadd.f32 v62, v61;
	_ =	sdelay $0x1  }
0x5ef: {  	v0 =	vadd.f32 v63, v0;
	_ =	sdelay $0x1  }
0x5f0: {  	s1 =	simm.s32 $0x6C20;
	[tilespmem:s26+$0xAC20] =	vst v0  }
0x5f1: {  	[hbm4b:s9+s2] =	stream.linear.scatter [tilespmem:s1], [sflag:$0x3], $0x4000, $0x38;
	[tilespmem:$0x1ECA0] =	vst v63  }
0x5f2: {  	s24 =	sadd.s32 $0x1, s24;
	_ =	swait.ge [sflag:s15], $0x4000  }
0x5f3: {  	p0 =	sne.s32 s24, s11;
	[sflag:s15] =	ssyncset.done $0x0  }
.Ltmp9:
0x5f4: {  	s26 =	simm.s32 $0xAC20;
	[sflag:s15] =	ssyncadd.s32 $0xFFFFC000;
	(pc) =	sbr.rel @p0 .LBB2_1-.Ltmp9, $4  }
0x5f5: {  	[hbm4b:s10+s2] =	stream.linear.scatter [tilespmem:s26], [sflag:$0x3], $0x80, $0x38;
	[tilespmem:$0x1ECA0] =	vst v63  }
0x5f6: {  	_ =	swait.ge [sflag:s15], $0x80  }
0x5f7: {  	[sflag:s15] =	ssyncset.done $0x0  }
0x5f8: {  	[sflag:s15] =	ssyncadd.s32 $0xFFFFFF80  }
0x5f9: {  	_ =	sfence.sel $0x180000  }
0x5fa: {  	[bflag:$0x0] =	sbarrier.arrive $0xFFFF  }
0x5fb: {  	_ =	strace $0x90000047  }
0x5fc: {  	s0 =	stileid.u32;
	[bflag:$0x2] =	sbarrier.arrive $0xFFFF  }
0x5fd: {  	p0 =	sne.s32 s0, $0x0;
	s0 =	rddreg [dreg:$0x2]  }
0x5fe: {  	s0 =	sadd.s32 @!p0 $0x100000, s0  }
0x5ff: {  	[sflag:s0] =	ssyncadd.tile.s32 @!p0 $0x1;
	_ =	shalt  }
.Lfunc_end2:
_tile_overlayer_lowered:
.L_overlay_start_2:
0x600: {  	(tag) =	ssettag $0x2  }
0x601: {  	s0 =	rddreg [dreg:$0x0];
	s2 =	stileid.u32  }
0x602: {  	s1 =	rddreg [dreg:$0x1];
	p0 =	sne.s32 s2, $0x0  }
0x603: {  	s3 =	rddreg [dreg:$0x2];
	[bflag:$0x3] =	sbarrier.arrive $0xFFFF;
	s2 =	simm.s32 @!p0 $0x1C03  }
0x604: {  	[timem:s3], [sflag:s2] =	dma.local @!p0 [hbm:s0], s1  }
0x605: {  	s0 =	simm.s32 @!p0 $0x3  }
0x606: {  	_ =	swait.ge @!p0 [sflag:s0], s1  }
0x607: {  	s1 =	ssub.s32 @!p0 $0x0, s1;
	[sflag:s0] =	ssyncset.done @!p0 $0x0  }
0x608: {  	[sflag:s0] =	ssyncadd.s32 @!p0 s1  }
0x609: {  	[bflag:$0x3] =	sbarrier.arrive $0xFFFF  }
0x60a: {  	_ =	shalt  }

</sc_bundles>
